<compile_context>
chip_gen: v7x
topology: tpu7x:2x2x1
jax: 0.10.2.dev20260603
libtpu: 0.0.44.dev20260713+nightly
codegen_flags: <defaults>
</compile_context>

<pallas_src>
import functools

import jax
import jax.numpy as jnp
from jax import lax
from jax.experimental import pallas as pl
from jax.experimental.pallas import tpu as pltpu
from jax.experimental.pallas import tpu_sc as plsc

NX, NY = 432, 496
NUM_BEV, NUM_SCALE = 64, 16
BATCH, P_PER = 2, 20000
CC = 128
ROWS_PER_BATCH = NX * NY
ROWS = BATCH * ROWS_PER_BATCH

NC, NS, LANES = 2, 16, 16
P_TILE = 1280
MASK_PER_TILE = ROWS_PER_BATCH // NS
CH = 128
NJ = P_TILE // CH


def _sc_scatter_body(ycol, xcol, pcomb, z1d, ones1d,
                     canvas, mask_out,
                     ycol_v, xcol_v, glist, llist, rows_a, rows_b,
                     zmask_v, ones_v, mask_sh,
                     setsem, msem, gsem_a, gsem_b, ssem_a, ssem_b):
    c = lax.axis_index("c")
    s = lax.axis_index("s")

    sb = jnp.minimum(s * P_TILE, P_PER - P_TILE)
    stage0 = c * P_PER + sb
    setup = [
        pltpu.async_copy(z1d, zmask_v, setsem),
        pltpu.async_copy(ones1d, ones_v, setsem),
        pltpu.async_copy(ycol.at[pl.ds(stage0, P_TILE)], ycol_v, setsem),
        pltpu.async_copy(xcol.at[pl.ds(stage0, P_TILE)], xcol_v, setsem),
    ]
    for h in setup:
        h.wait()
    zdone = pltpu.async_copy(
        zmask_v, mask_sh.at[pl.ds(s * MASK_PER_TILE, MASK_PER_TILE)], setsem)

    base_row = c * ROWS_PER_BATCH
    for j in range(NJ):
        rel = jnp.minimum(s * P_TILE + j * CH, P_PER - CH) - sb
        for i in range(CH // LANES):
            y = ycol_v[pl.ds(rel + i * LANES, LANES)]
            x = xcol_v[pl.ds(rel + i * LANES, LANES)]
            gl = y * NX + x
            llist[j, pl.ds(i * LANES, LANES)] = gl
            glist[j, pl.ds(i * LANES, LANES)] = base_row + gl

    zdone.wait()
    plsc.subcore_barrier()

    bufs = (rows_a, rows_b)
    gsems = (gsem_a, gsem_b)
    ssems = (ssem_a, ssem_b)

    def chunk_src(j):
        return c * P_PER + jnp.minimum(s * P_TILE + j * CH, P_PER - CH)

    gat = [None, None]
    scat = [None, None]
    madds = []
    gat[0] = pltpu.async_copy(pcomb.at[pl.ds(chunk_src(0), CH)], bufs[0],
                              gsems[0])
    for j in range(NJ):
        b = j % 2
        if j + 1 < NJ:
            b2 = (j + 1) % 2
            if scat[b2] is not None:
                scat[b2].wait()
            gat[b2] = pltpu.async_copy(
                pcomb.at[pl.ds(chunk_src(j + 1), CH)], bufs[b2], gsems[b2])
        gat[b].wait()
        scat[b] = pltpu.async_copy(bufs[b], canvas.at[glist.at[j]], ssems[b])
        madds.append(pltpu.async_copy(ones_v, mask_sh.at[llist.at[j]], msem,
                                      add=True))
    for h in scat:
        h.wait()
    for h in madds:
        h.wait()

    plsc.subcore_barrier()
    pltpu.sync_copy(mask_sh.at[pl.ds(s * MASK_PER_TILE, MASK_PER_TILE)],
                    zmask_v)
    pltpu.sync_copy(zmask_v,
                    mask_out.at[pl.ds(c * ROWS_PER_BATCH + s * MASK_PER_TILE,
                                      MASK_PER_TILE)])


@functools.cache
def _scatter_call():
    return pl.kernel(
        _sc_scatter_body,
        out_type=(jax.ShapeDtypeStruct((ROWS, CC), jnp.float32),
                  jax.ShapeDtypeStruct((ROWS,), jnp.float32)),
        mesh=plsc.VectorSubcoreMesh(core_axis_name="c", subcore_axis_name="s",
                                    num_cores=NC, num_subcores=NS),
        scratch_types=[
            pltpu.VMEM((P_TILE,), jnp.int32),
            pltpu.VMEM((P_TILE,), jnp.int32),
            pltpu.VMEM((NJ, CH), jnp.int32),
            pltpu.VMEM((NJ, CH), jnp.int32),
            pltpu.VMEM((CH, CC), jnp.float32),
            pltpu.VMEM((CH, CC), jnp.float32),
            pltpu.VMEM((MASK_PER_TILE,), jnp.float32),
            pltpu.VMEM((CH,), jnp.float32),
            pltpu.VMEM_SHARED((ROWS_PER_BATCH,), jnp.float32),
            pltpu.SemaphoreType.DMA,
            pltpu.SemaphoreType.DMA,
            pltpu.SemaphoreType.DMA,
            pltpu.SemaphoreType.DMA,
            pltpu.SemaphoreType.DMA,
            pltpu.SemaphoreType.DMA,
        ],
    )


TY = 16
NSTRIP = NY // TY


def _tc_transpose_body(c_ref, m_ref, o_ref, os_ref):
    for ty in range(TY):
        m = m_ref[ty, :]
        keep = (m > 0.0).reshape(1, NX)
        xt = c_ref[pl.ds(ty * NX, NX), :].T
        zb = jnp.zeros((NUM_BEV, NX), jnp.float32)
        zs = jnp.zeros((NUM_SCALE, NX), jnp.float32)
        o_ref[0, :, ty, :] = jnp.where(keep, xt[:NUM_BEV], zb)
        os_ref[0, :, ty, :] = jnp.where(
            keep, xt[NUM_BEV:NUM_BEV + NUM_SCALE], zs)


_transpose_call = pl.pallas_call(
    _tc_transpose_body,
    grid=(BATCH, NSTRIP),
    in_specs=[
        pl.BlockSpec((TY * NX, CC), lambda b, t: (b * NSTRIP + t, 0)),
        pl.BlockSpec((TY, NX), lambda b, t: (b * NSTRIP + t, 0)),
    ],
    out_specs=[
        pl.BlockSpec((1, NUM_BEV, TY, NX), lambda b, t: (b, 0, t, 0)),
        pl.BlockSpec((1, NUM_SCALE, TY, NX), lambda b, t: (b, 0, t, 0)),
    ],
    out_shape=(jax.ShapeDtypeStruct((BATCH, NUM_BEV, NY, NX), jnp.float32),
               jax.ShapeDtypeStruct((BATCH, NUM_SCALE, NY, NX), jnp.float32)),
)


def kernel(pillar_features, pillar_scale_features, voxel_coords):
    ycol = voxel_coords[:, 2]
    xcol = voxel_coords[:, 3]
    pcomb = jnp.concatenate(
        [pillar_features, pillar_scale_features,
         jnp.zeros((BATCH * P_PER, CC - NUM_BEV - NUM_SCALE), jnp.float32)],
        axis=1)
    z1d = jnp.zeros((MASK_PER_TILE,), jnp.float32)
    ones1d = jnp.ones((CH,), jnp.float32)
    canvas, mask = _scatter_call()(ycol, xcol, pcomb, z1d, ones1d)
    return _transpose_call(canvas, mask.reshape(BATCH * NY, NX))

# --- scband reference (transcript-rebuilt; emitter-appended) ---
"""Pipeline reference for scband-point-pillar-scatter-scale-38302518345830 (READ-ONLY COPY).

The authoritative reference and input builder live on the scoring server;
editing this copy changes nothing except your own understanding.
"""

import jax, jax.numpy as jnp
import numpy as np

NX, NY, NZ = 432, 496, 1
NUM_BEV, NUM_SCALE = 64, 16
BATCH, P_PER = 2, 20000


def setup_inputs(seed: int = 0) -> dict:
    key = jax.random.key(seed)
    k1, k2, k3 = jax.random.split(key, 3)
    pillar_features = jax.random.normal(k1, (BATCH * P_PER, NUM_BEV), dtype=jnp.float32)
    pillar_scale_features = jax.random.normal(k2, (BATCH * P_PER, NUM_SCALE), dtype=jnp.float32)
    coords = []
    for b in range(BATCH):
        kb = jax.random.fold_in(k3, b)
        flat = jax.random.choice(kb, NX * NY, (P_PER,), replace=False)
        y = flat // NX
        x = flat % NX
        c = jnp.stack([jnp.full_like(flat, b), jnp.zeros_like(flat), y, x], axis=1)
        coords.append(c)
    voxel_coords = jnp.concatenate(coords, axis=0).astype(jnp.int32)
    return {
        "pillar_features": pillar_features,
        "pillar_scale_features": pillar_scale_features,
        "voxel_coords": voxel_coords,
    }


def reference(pillar_features, pillar_scale_features, voxel_coords):
    # Faithful PointPillarScatter_Scale: scatter pillar features into dense BEV canvas.
    # Original: per-batch spatial_feature[:, idx] = pillars.T with idx = z + y*nx + x.
    # Vectorized equivalently with a global index (coords are unique per (batch, y, x)).
    batch_size = voxel_coords.shape[0] // P_PER
    gidx = (
        voxel_coords[:, 0] * (NZ * NX * NY)
        + voxel_coords[:, 1]
        + voxel_coords[:, 2] * NX
        + voxel_coords[:, 3]
    )
    canvas = jnp.zeros((batch_size * NZ * NX * NY, NUM_BEV), dtype=pillar_features.dtype)
    canvas = canvas.at[gidx].set(pillar_features)
    canvas_s = jnp.zeros((batch_size * NZ * NX * NY, NUM_SCALE), dtype=pillar_scale_features.dtype)
    canvas_s = canvas_s.at[gidx].set(pillar_scale_features)
    spatial_features = canvas.reshape(batch_size, NY, NX, NUM_BEV).transpose(0, 3, 1, 2)
    spatial_scale_features = canvas_s.reshape(batch_size, NY, NX, NUM_SCALE).transpose(0, 3, 1, 2)
    return (spatial_features, spatial_scale_features)

if __name__ == "__main__":
    import jax
    _d = setup_inputs()
    print(jax.jit(kernel)(*tuple(_d.values())))

</pallas_src>

<mosaic_0001>
#map = affine_map<(d0, d1) -> (0)>
#map1 = affine_map<(d0, d1) -> (0, 0)>
module attributes {stable_mosaic.version = 14 : i64} {
  func.func @_sc_scatter_body(%arg0: i32, %arg1: i32, %arg2: memref<40000xi32, #tpu.memory_space<hbm>>, %arg3: memref<40000xi32, #tpu.memory_space<hbm>>, %arg4: memref<40000x128xf32, #tpu.memory_space<hbm>>, %arg5: memref<13392xf32, #tpu.memory_space<hbm>>, %arg6: memref<128xf32, #tpu.memory_space<hbm>>, %arg7: memref<428544x128xf32, #tpu.memory_space<hbm>>, %arg8: memref<428544xf32, #tpu.memory_space<hbm>>, %arg9: memref<1280xi32, #tpu.memory_space<vmem>>, %arg10: memref<1280xi32, #tpu.memory_space<vmem>>, %arg11: memref<10x128xi32, #tpu.memory_space<vmem>>, %arg12: memref<10x128xi32, #tpu.memory_space<vmem>>, %arg13: memref<128x128xf32, #tpu.memory_space<vmem>>, %arg14: memref<128x128xf32, #tpu.memory_space<vmem>>, %arg15: memref<13392xf32, #tpu.memory_space<vmem>>, %arg16: memref<128xf32, #tpu.memory_space<vmem>>, %arg17: memref<214272xf32, #tpu.memory_space<vmem_shared>>, %arg18: memref<!tpu.dma_semaphore, #tpu.memory_space<semaphore_mem>>, %arg19: memref<!tpu.dma_semaphore, #tpu.memory_space<semaphore_mem>>, %arg20: memref<!tpu.dma_semaphore, #tpu.memory_space<semaphore_mem>>, %arg21: memref<!tpu.dma_semaphore, #tpu.memory_space<semaphore_mem>>, %arg22: memref<!tpu.dma_semaphore, #tpu.memory_space<semaphore_mem>>, %arg23: memref<!tpu.dma_semaphore, #tpu.memory_space<semaphore_mem>>) attributes {dimension_semantics = [#tpu.dimension_semantics<core_parallel>, #tpu.dimension_semantics<subcore_parallel>], iteration_bounds = array<i64: 2, 16>, scalar_prefetch = 0 : i64, scratch_operands = 15 : i64, tpu.core_type = #tpu.core_type<sc_vector_subcore>, window_params = [{transform_indices = #map}, {transform_indices = #map}, {transform_indices = #map1}, {transform_indices = #map}, {transform_indices = #map}, {transform_indices = #map1}, {transform_indices = #map}]} {
    %mul3A = arith.constant 1280 : i32
    %mul3A_0 = arith.muli %arg1, %mul3A : i32
    %min3A = arith.constant 18720 : i32
    %min3A_1 = arith.minsi %mul3A_0, %min3A : i32
    %mul3A_2 = arith.constant 20000 : i32
    %mul3A_3 = arith.muli %arg0, %mul3A_2 : i32
    %add3A = arith.addi %mul3A_3, %min3A_1 : i32
    tpu.enqueue_dma source(%arg5 : memref<13392xf32, #tpu.memory_space<hbm>>) target(%arg15 : memref<13392xf32, #tpu.memory_space<vmem>>) target_semaphore(%arg18 : memref<!tpu.dma_semaphore, #tpu.memory_space<semaphore_mem>>)
    tpu.enqueue_dma source(%arg6 : memref<128xf32, #tpu.memory_space<hbm>>) target(%arg16 : memref<128xf32, #tpu.memory_space<vmem>>) target_semaphore(%arg18 : memref<!tpu.dma_semaphore, #tpu.memory_space<semaphore_mem>>)
    %dma_start3A = tpu.memref_slice %arg2[%add3A] : memref<40000xi32, #tpu.memory_space<hbm>> -> memref<1280xi32, #tpu.memory_space<hbm>>
    %dma_start3A_4 = tpu.memref_slice %arg2[%add3A] : memref<40000xi32, #tpu.memory_space<hbm>> -> memref<1280xi32, #tpu.memory_space<hbm>>
    tpu.enqueue_dma source(%dma_start3A_4 : memref<1280xi32, #tpu.memory_space<hbm>>) target(%arg9 : memref<1280xi32, #tpu.memory_space<vmem>>) target_semaphore(%arg18 : memref<!tpu.dma_semaphore, #tpu.memory_space<semaphore_mem>>)
    %dma_start3A_5 = tpu.memref_slice %arg3[%add3A] : memref<40000xi32, #tpu.memory_space<hbm>> -> memref<1280xi32, #tpu.memory_space<hbm>>
    %dma_start3A_6 = tpu.memref_slice %arg3[%add3A] : memref<40000xi32, #tpu.memory_space<hbm>> -> memref<1280xi32, #tpu.memory_space<hbm>>
    tpu.enqueue_dma source(%dma_start3A_6 : memref<1280xi32, #tpu.memory_space<hbm>>) target(%arg10 : memref<1280xi32, #tpu.memory_space<vmem>>) target_semaphore(%arg18 : memref<!tpu.dma_semaphore, #tpu.memory_space<semaphore_mem>>)
    tpu.wait_dma2 semaphore(%arg18 : memref<!tpu.dma_semaphore, #tpu.memory_space<semaphore_mem>>) src(%arg5 : memref<13392xf32, #tpu.memory_space<hbm>>) dst(%arg15 : memref<13392xf32, #tpu.memory_space<vmem>>)
    tpu.wait_dma2 semaphore(%arg18 : memref<!tpu.dma_semaphore, #tpu.memory_space<semaphore_mem>>) src(%arg6 : memref<128xf32, #tpu.memory_space<hbm>>) dst(%arg16 : memref<128xf32, #tpu.memory_space<vmem>>)
    %dma_wait3A = tpu.memref_slice %arg2[%add3A] : memref<40000xi32, #tpu.memory_space<hbm>> -> memref<1280xi32, #tpu.memory_space<hbm>>
    %dma_wait3A_7 = tpu.memref_slice %arg2[%add3A] : memref<40000xi32, #tpu.memory_space<hbm>> -> memref<1280xi32, #tpu.memory_space<hbm>>
    tpu.wait_dma2 semaphore(%arg18 : memref<!tpu.dma_semaphore, #tpu.memory_space<semaphore_mem>>) src(%dma_wait3A_7 : memref<1280xi32, #tpu.memory_space<hbm>>) dst(%arg9 : memref<1280xi32, #tpu.memory_space<vmem>>)
    %dma_wait3A_8 = tpu.memref_slice %arg3[%add3A] : memref<40000xi32, #tpu.memory_space<hbm>> -> memref<1280xi32, #tpu.memory_space<hbm>>
    %dma_wait3A_9 = tpu.memref_slice %arg3[%add3A] : memref<40000xi32, #tpu.memory_space<hbm>> -> memref<1280xi32, #tpu.memory_space<hbm>>
    tpu.wait_dma2 semaphore(%arg18 : memref<!tpu.dma_semaphore, #tpu.memory_space<semaphore_mem>>) src(%dma_wait3A_9 : memref<1280xi32, #tpu.memory_space<hbm>>) dst(%arg10 : memref<1280xi32, #tpu.memory_space<vmem>>)
    %mul3A_10 = arith.constant 13392 : i32
    %mul3A_11 = arith.muli %arg1, %mul3A_10 : i32
    %dma_start3A_12 = tpu.memref_slice %arg17[%mul3A_11] : memref<214272xf32, #tpu.memory_space<vmem_shared>> -> memref<13392xf32, #tpu.memory_space<vmem_shared>>
    %dma_start3A_13 = tpu.memref_slice %arg17[%mul3A_11] : memref<214272xf32, #tpu.memory_space<vmem_shared>> -> memref<13392xf32, #tpu.memory_space<vmem_shared>>
    tpu.enqueue_dma source(%arg15 : memref<13392xf32, #tpu.memory_space<vmem>>) target(%dma_start3A_13 : memref<13392xf32, #tpu.memory_space<vmem_shared>>) target_semaphore(%arg18 : memref<!tpu.dma_semaphore, #tpu.memory_space<semaphore_mem>>)
    %mul3A_14 = arith.constant 214272 : i32
    %mul3A_15 = arith.muli %arg0, %mul3A_14 : i32
    %mul3A_16 = arith.constant 1280 : i32
    %mul3A_17 = arith.muli %arg1, %mul3A_16 : i32
    %add3A_18 = arith.constant 0 : i32
    %add3A_19 = arith.addi %mul3A_17, %add3A_18 : i32
    %min3A_20 = arith.constant 19872 : i32
    %min3A_21 = arith.minsi %add3A_19, %min3A_20 : i32
    %sub3A = arith.subi %min3A_21, %min3A_1 : i32
    %add3A_22 = arith.constant 0 : i32
    %add3A_23 = arith.addi %sub3A, %add3A_22 : i32
    %get3A = arith.index_cast %add3A_23 : i32 to index
    %get3A_24 = tpu.vector_load %arg9[%get3A] {strides = array<i32>} : memref<1280xi32, #tpu.memory_space<vmem>>, vector<16xi32>,
    %get3A_25 = vector.shape_cast %get3A_24 : vector<16xi32> to vector<16xi32>
    %add3A_26 = arith.constant 0 : i32
    %add3A_27 = arith.addi %sub3A, %add3A_26 : i32
    %get3A_28 = arith.index_cast %add3A_27 : i32 to index
    %get3A_29 = tpu.vector_load %arg10[%get3A_28] {strides = array<i32>} : memref<1280xi32, #tpu.memory_space<vmem>>, vector<16xi32>,
    %get3A_30 = vector.shape_cast %get3A_29 : vector<16xi32> to vector<16xi32>
    %mul3A_31 = arith.constant 432 : i32
    %mul3A_32 = vector.broadcast %mul3A_31 : i32 to vector<16xi32>
    %mul3A_33 = arith.muli %get3A_25, %mul3A_32 : vector<16xi32>
    %add3A_34 = arith.addi %mul3A_33, %get3A_30 : vector<16xi32>
    %swap3A = arith.constant 0 : i32
    %swap3A_35 = arith.index_cast %swap3A : i32 to index
    %swap3A_36 = arith.constant 0 : index
    %swap3A_37 = tpu.vector_load %arg12[%swap3A_35, %swap3A_36] {strides = array<i32>} : memref<10x128xi32, #tpu.memory_space<vmem>>, vector<1x16xi32>,
    %swap3A_38 = vector.shape_cast %swap3A_37 : vector<1x16xi32> to vector<16xi32>
    %swap3A_39 = vector.shape_cast %add3A_34 : vector<16xi32> to vector<1x16xi32>
    tpu.vector_store %arg12[%swap3A_35, %swap3A_36], %swap3A_39 {strides = array<i32>} : memref<10x128xi32, #tpu.memory_space<vmem>>, vector<1x16xi32>,
    %add3A_40 = vector.broadcast %mul3A_15 : i32 to vector<16xi32>
    %add3A_41 = arith.addi %add3A_40, %add3A_34 : vector<16xi32>
    %swap3A_42 = arith.constant 0 : i32
    %swap3A_43 = arith.index_cast %swap3A_42 : i32 to index
    %swap3A_44 = arith.constant 0 : index
    %swap3A_45 = tpu.vector_load %arg11[%swap3A_43, %swap3A_44] {strides = array<i32>} : memref<10x128xi32, #tpu.memory_space<vmem>>, vector<1x16xi32>,
    %swap3A_46 = vector.shape_cast %swap3A_45 : vector<1x16xi32> to vector<16xi32>
    %swap3A_47 = vector.shape_cast %add3A_41 : vector<16xi32> to vector<1x16xi32>
    tpu.vector_store %arg11[%swap3A_43, %swap3A_44], %swap3A_47 {strides = array<i32>} : memref<10x128xi32, #tpu.memory_space<vmem>>, vector<1x16xi32>,
    %add3A_48 = arith.constant 16 : i32
    %add3A_49 = arith.addi %sub3A, %add3A_48 : i32
    %get3A_50 = arith.index_cast %add3A_49 : i32 to index
    %get3A_51 = tpu.vector_load %arg9[%get3A_50] {strides = array<i32>} : memref<1280xi32, #tpu.memory_space<vmem>>, vector<16xi32>,
    %get3A_52 = vector.shape_cast %get3A_51 : vector<16xi32> to vector<16xi32>
    %add3A_53 = arith.constant 16 : i32
    %add3A_54 = arith.addi %sub3A, %add3A_53 : i32
    %get3A_55 = arith.index_cast %add3A_54 : i32 to index
    %get3A_56 = tpu.vector_load %arg10[%get3A_55] {strides = array<i32>} : memref<1280xi32, #tpu.memory_space<vmem>>, vector<16xi32>,
    %get3A_57 = vector.shape_cast %get3A_56 : vector<16xi32> to vector<16xi32>
    %mul3A_58 = arith.constant 432 : i32
    %mul3A_59 = vector.broadcast %mul3A_58 : i32 to vector<16xi32>
    %mul3A_60 = arith.muli %get3A_52, %mul3A_59 : vector<16xi32>
    %add3A_61 = arith.addi %mul3A_60, %get3A_57 : vector<16xi32>
    %swap3A_62 = arith.constant 0 : i32
    %swap3A_63 = arith.index_cast %swap3A_62 : i32 to index
    %swap3A_64 = arith.constant 16 : index
    %swap3A_65 = tpu.vector_load %arg12[%swap3A_63, %swap3A_64] {strides = array<i32>} : memref<10x128xi32, #tpu.memory_space<vmem>>, vector<1x16xi32>,
    %swap3A_66 = vector.shape_cast %swap3A_65 : vector<1x16xi32> to vector<16xi32>
    %swap3A_67 = vector.shape_cast %add3A_61 : vector<16xi32> to vector<1x16xi32>
    tpu.vector_store %arg12[%swap3A_63, %swap3A_64], %swap3A_67 {strides = array<i32>} : memref<10x128xi32, #tpu.memory_space<vmem>>, vector<1x16xi32>,
    %add3A_68 = vector.broadcast %mul3A_15 : i32 to vector<16xi32>
    %add3A_69 = arith.addi %add3A_68, %add3A_61 : vector<16xi32>
    %swap3A_70 = arith.constant 0 : i32
    %swap3A_71 = arith.index_cast %swap3A_70 : i32 to index
    %swap3A_72 = arith.constant 16 : index
    %swap3A_73 = tpu.vector_load %arg11[%swap3A_71, %swap3A_72] {strides = array<i32>} : memref<10x128xi32, #tpu.memory_space<vmem>>, vector<1x16xi32>,
    %swap3A_74 = vector.shape_cast %swap3A_73 : vector<1x16xi32> to vector<16xi32>
    %swap3A_75 = vector.shape_cast %add3A_69 : vector<16xi32> to vector<1x16xi32>
    tpu.vector_store %arg11[%swap3A_71, %swap3A_72], %swap3A_75 {strides = array<i32>} : memref<10x128xi32, #tpu.memory_space<vmem>>, vector<1x16xi32>,
    %add3A_76 = arith.constant 32 : i32
    %add3A_77 = arith.addi %sub3A, %add3A_76 : i32
    %get3A_78 = arith.index_cast %add3A_77 : i32 to index
    %get3A_79 = tpu.vector_load %arg9[%get3A_78] {strides = array<i32>} : memref<1280xi32, #tpu.memory_space<vmem>>, vector<16xi32>,
    %get3A_80 = vector.shape_cast %get3A_79 : vector<16xi32> to vector<16xi32>
    %add3A_81 = arith.constant 32 : i32
    %add3A_82 = arith.addi %sub3A, %add3A_81 : i32
    %get3A_83 = arith.index_cast %add3A_82 : i32 to index
    %get3A_84 = tpu.vector_load %arg10[%get3A_83] {strides = array<i32>} : memref<1280xi32, #tpu.memory_space<vmem>>, vector<16xi32>,
    %get3A_85 = vector.shape_cast %get3A_84 : vector<16xi32> to vector<16xi32>
    %mul3A_86 = arith.constant 432 : i32
    %mul3A_87 = vector.broadcast %mul3A_86 : i32 to vector<16xi32>
    %mul3A_88 = arith.muli %get3A_80, %mul3A_87 : vector<16xi32>
    %add3A_89 = arith.addi %mul3A_88, %get3A_85 : vector<16xi32>
    %swap3A_90 = arith.constant 0 : i32
    %swap3A_91 = arith.index_cast %swap3A_90 : i32 to index
    %swap3A_92 = arith.constant 32 : index
    %swap3A_93 = tpu.vector_load %arg12[%swap3A_91, %swap3A_92] {strides = array<i32>} : memref<10x128xi32, #tpu.memory_space<vmem>>, vector<1x16xi32>,
    %swap3A_94 = vector.shape_cast %swap3A_93 : vector<1x16xi32> to vector<16xi32>
    %swap3A_95 = vector.shape_cast %add3A_89 : vector<16xi32> to vector<1x16xi32>
    tpu.vector_store %arg12[%swap3A_91, %swap3A_92], %swap3A_95 {strides = array<i32>} : memref<10x128xi32, #tpu.memory_space<vmem>>, vector<1x16xi32>,
    %add3A_96 = vector.broadcast %mul3A_15 : i32 to vector<16xi32>
    %add3A_97 = arith.addi %add3A_96, %add3A_89 : vector<16xi32>
    %swap3A_98 = arith.constant 0 : i32
    %swap3A_99 = arith.index_cast %swap3A_98 : i32 to index
    %swap3A_100 = arith.constant 32 : index
    %swap3A_101 = tpu.vector_load %arg11[%swap3A_99, %swap3A_100] {strides = array<i32>} : memref<10x128xi32, #tpu.memory_space<vmem>>, vector<1x16xi32>,
    %swap3A_102 = vector.shape_cast %swap3A_101 : vector<1x16xi32> to vector<16xi32>
    %swap3A_103 = vector.shape_cast %add3A_97 : vector<16xi32> to vector<1x16xi32>
    tpu.vector_store %arg11[%swap3A_99, %swap3A_100], %swap3A_103 {strides = array<i32>} : memref<10x128xi32, #tpu.memory_space<vmem>>, vector<1x16xi32>,
    %add3A_104 = arith.constant 48 : i32
    %add3A_105 = arith.addi %sub3A, %add3A_104 : i32
    %get3A_106 = arith.index_cast %add3A_105 : i32 to index
    %get3A_107 = tpu.vector_load %arg9[%get3A_106] {strides = array<i32>} : memref<1280xi32, #tpu.memory_space<vmem>>, vector<16xi32>,
    %get3A_108 = vector.shape_cast %get3A_107 : vector<16xi32> to vector<16xi32>
    %add3A_109 = arith.constant 48 : i32
    %add3A_110 = arith.addi %sub3A, %add3A_109 : i32
    %get3A_111 = arith.index_cast %add3A_110 : i32 to index
    %get3A_112 = tpu.vector_load %arg10[%get3A_111] {strides = array<i32>} : memref<1280xi32, #tpu.memory_space<vmem>>, vector<16xi32>,
    %get3A_113 = vector.shape_cast %get3A_112 : vector<16xi32> to vector<16xi32>
    %mul3A_114 = arith.constant 432 : i32
    %mul3A_115 = vector.broadcast %mul3A_114 : i32 to vector<16xi32>
    %mul3A_116 = arith.muli %get3A_108, %mul3A_115 : vector<16xi32>
    %add3A_117 = arith.addi %mul3A_116, %get3A_113 : vector<16xi32>
    %swap3A_118 = arith.constant 0 : i32
    %swap3A_119 = arith.index_cast %swap3A_118 : i32 to index
    %swap3A_120 = arith.constant 48 : index
    %swap3A_121 = tpu.vector_load %arg12[%swap3A_119, %swap3A_120] {strides = array<i32>} : memref<10x128xi32, #tpu.memory_space<vmem>>, vector<1x16xi32>,
    %swap3A_122 = vector.shape_cast %swap3A_121 : vector<1x16xi32> to vector<16xi32>
    %swap3A_123 = vector.shape_cast %add3A_117 : vector<16xi32> to vector<1x16xi32>
    tpu.vector_store %arg12[%swap3A_119, %swap3A_120], %swap3A_123 {strides = array<i32>} : memref<10x128xi32, #tpu.memory_space<vmem>>, vector<1x16xi32>,
    %add3A_124 = vector.broadcast %mul3A_15 : i32 to vector<16xi32>
    %add3A_125 = arith.addi %add3A_124, %add3A_117 : vector<16xi32>
    %swap3A_126 = arith.constant 0 : i32
    %swap3A_127 = arith.index_cast %swap3A_126 : i32 to index
    %swap3A_128 = arith.constant 48 : index
    %swap3A_129 = tpu.vector_load %arg11[%swap3A_127, %swap3A_128] {strides = array<i32>} : memref<10x128xi32, #tpu.memory_space<vmem>>, vector<1x16xi32>,
    %swap3A_130 = vector.shape_cast %swap3A_129 : vector<1x16xi32> to vector<16xi32>
    %swap3A_131 = vector.shape_cast %add3A_125 : vector<16xi32> to vector<1x16xi32>
    tpu.vector_store %arg11[%swap3A_127, %swap3A_128], %swap3A_131 {strides = array<i32>} : memref<10x128xi32, #tpu.memory_space<vmem>>, vector<1x16xi32>,
    %add3A_132 = arith.constant 64 : i32
    %add3A_133 = arith.addi %sub3A, %add3A_132 : i32
    %get3A_134 = arith.index_cast %add3A_133 : i32 to index
    %get3A_135 = tpu.vector_load %arg9[%get3A_134] {strides = array<i32>} : memref<1280xi32, #tpu.memory_space<vmem>>, vector<16xi32>,
    %get3A_136 = vector.shape_cast %get3A_135 : vector<16xi32> to vector<16xi32>
    %add3A_137 = arith.constant 64 : i32
    %add3A_138 = arith.addi %sub3A, %add3A_137 : i32
    %get3A_139 = arith.index_cast %add3A_138 : i32 to index
    %get3A_140 = tpu.vector_load %arg10[%get3A_139] {strides = array<i32>} : memref<1280xi32, #tpu.memory_space<vmem>>, vector<16xi32>,
    %get3A_141 = vector.shape_cast %get3A_140 : vector<16xi32> to vector<16xi32>
    %mul3A_142 = arith.constant 432 : i32
    %mul3A_143 = vector.broadcast %mul3A_142 : i32 to vector<16xi32>
    %mul3A_144 = arith.muli %get3A_136, %mul3A_143 : vector<16xi32>
    %add3A_145 = arith.addi %mul3A_144, %get3A_141 : vector<16xi32>
    %swap3A_146 = arith.constant 0 : i32
    %swap3A_147 = arith.index_cast %swap3A_146 : i32 to index
    %swap3A_148 = arith.constant 64 : index
    %swap3A_149 = tpu.vector_load %arg12[%swap3A_147, %swap3A_148] {strides = array<i32>} : memref<10x128xi32, #tpu.memory_space<vmem>>, vector<1x16xi32>,
    %swap3A_150 = vector.shape_cast %swap3A_149 : vector<1x16xi32> to vector<16xi32>
    %swap3A_151 = vector.shape_cast %add3A_145 : vector<16xi32> to vector<1x16xi32>
    tpu.vector_store %arg12[%swap3A_147, %swap3A_148], %swap3A_151 {strides = array<i32>} : memref<10x128xi32, #tpu.memory_space<vmem>>, vector<1x16xi32>,
    %add3A_152 = vector.broadcast %mul3A_15 : i32 to vector<16xi32>
    %add3A_153 = arith.addi %add3A_152, %add3A_145 : vector<16xi32>
    %swap3A_154 = arith.constant 0 : i32
    %swap3A_155 = arith.index_cast %swap3A_154 : i32 to index
    %swap3A_156 = arith.constant 64 : index
    %swap3A_157 = tpu.vector_load %arg11[%swap3A_155, %swap3A_156] {strides = array<i32>} : memref<10x128xi32, #tpu.memory_space<vmem>>, vector<1x16xi32>,
    %swap3A_158 = vector.shape_cast %swap3A_157 : vector<1x16xi32> to vector<16xi32>
    %swap3A_159 = vector.shape_cast %add3A_153 : vector<16xi32> to vector<1x16xi32>
    tpu.vector_store %arg11[%swap3A_155, %swap3A_156], %swap3A_159 {strides = array<i32>} : memref<10x128xi32, #tpu.memory_space<vmem>>, vector<1x16xi32>,
    %add3A_160 = arith.constant 80 : i32
    %add3A_161 = arith.addi %sub3A, %add3A_160 : i32
    %get3A_162 = arith.index_cast %add3A_161 : i32 to index
    %get3A_163 = tpu.vector_load %arg9[%get3A_162] {strides = array<i32>} : memref<1280xi32, #tpu.memory_space<vmem>>, vector<16xi32>,
    %get3A_164 = vector.shape_cast %get3A_163 : vector<16xi32> to vector<16xi32>
    %add3A_165 = arith.constant 80 : i32
    %add3A_166 = arith.addi %sub3A, %add3A_165 : i32
    %get3A_167 = arith.index_cast %add3A_166 : i32 to index
    %get3A_168 = tpu.vector_load %arg10[%get3A_167] {strides = array<i32>} : memref<1280xi32, #tpu.memory_space<vmem>>, vector<16xi32>,
    %get3A_169 = vector.shape_cast %get3A_168 : vector<16xi32> to vector<16xi32>
    %mul3A_170 = arith.constant 432 : i32
    %mul3A_171 = vector.broadcast %mul3A_170 : i32 to vector<16xi32>
    %mul3A_172 = arith.muli %get3A_164, %mul3A_171 : vector<16xi32>
    %add3A_173 = arith.addi %mul3A_172, %get3A_169 : vector<16xi32>
    %swap3A_174 = arith.constant 0 : i32
    %swap3A_175 = arith.index_cast %swap3A_174 : i32 to index
    %swap3A_176 = arith.constant 80 : index
    %swap3A_177 = tpu.vector_load %arg12[%swap3A_175, %swap3A_176] {strides = array<i32>} : memref<10x128xi32, #tpu.memory_space<vmem>>, vector<1x16xi32>,
    %swap3A_178 = vector.shape_cast %swap3A_177 : vector<1x16xi32> to vector<16xi32>
    %swap3A_179 = vector.shape_cast %add3A_173 : vector<16xi32> to vector<1x16xi32>
    tpu.vector_store %arg12[%swap3A_175, %swap3A_176], %swap3A_179 {strides = array<i32>} : memref<10x128xi32, #tpu.memory_space<vmem>>, vector<1x16xi32>,
    %add3A_180 = vector.broadcast %mul3A_15 : i32 to vector<16xi32>
    %add3A_181 = arith.addi %add3A_180, %add3A_173 : vector<16xi32>
    %swap3A_182 = arith.constant 0 : i32
    %swap3A_183 = arith.index_cast %swap3A_182 : i32 to index
    %swap3A_184 = arith.constant 80 : index
    %swap3A_185 = tpu.vector_load %arg11[%swap3A_183, %swap3A_184] {strides = array<i32>} : memref<10x128xi32, #tpu.memory_space<vmem>>, vector<1x16xi32>,
    %swap3A_186 = vector.shape_cast %swap3A_185 : vector<1x16xi32> to vector<16xi32>
    %swap3A_187 = vector.shape_cast %add3A_181 : vector<16xi32> to vector<1x16xi32>
    tpu.vector_store %arg11[%swap3A_183, %swap3A_184], %swap3A_187 {strides = array<i32>} : memref<10x128xi32, #tpu.memory_space<vmem>>, vector<1x16xi32>,
    %add3A_188 = arith.constant 96 : i32
    %add3A_189 = arith.addi %sub3A, %add3A_188 : i32
    %get3A_190 = arith.index_cast %add3A_189 : i32 to index
    %get3A_191 = tpu.vector_load %arg9[%get3A_190] {strides = array<i32>} : memref<1280xi32, #tpu.memory_space<vmem>>, vector<16xi32>,
    %get3A_192 = vector.shape_cast %get3A_191 : vector<16xi32> to vector<16xi32>
    %add3A_193 = arith.constant 96 : i32
    %add3A_194 = arith.addi %sub3A, %add3A_193 : i32
    %get3A_195 = arith.index_cast %add3A_194 : i32 to index
    %get3A_196 = tpu.vector_load %arg10[%get3A_195] {strides = array<i32>} : memref<1280xi32, #tpu.memory_space<vmem>>, vector<16xi32>,
    %get3A_197 = vector.shape_cast %get3A_196 : vector<16xi32> to vector<16xi32>
    %mul3A_198 = arith.constant 432 : i32
    %mul3A_199 = vector.broadcast %mul3A_198 : i32 to vector<16xi32>
    %mul3A_200 = arith.muli %get3A_192, %mul3A_199 : vector<16xi32>
    %add3A_201 = arith.addi %mul3A_200, %get3A_197 : vector<16xi32>
    %swap3A_202 = arith.constant 0 : i32
    %swap3A_203 = arith.index_cast %swap3A_202 : i32 to index
    %swap3A_204 = arith.constant 96 : index
    %swap3A_205 = tpu.vector_load %arg12[%swap3A_203, %swap3A_204] {strides = array<i32>} : memref<10x128xi32, #tpu.memory_space<vmem>>, vector<1x16xi32>,
    %swap3A_206 = vector.shape_cast %swap3A_205 : vector<1x16xi32> to vector<16xi32>
    %swap3A_207 = vector.shape_cast %add3A_201 : vector<16xi32> to vector<1x16xi32>
    tpu.vector_store %arg12[%swap3A_203, %swap3A_204], %swap3A_207 {strides = array<i32>} : memref<10x128xi32, #tpu.memory_space<vmem>>, vector<1x16xi32>,
    %add3A_208 = vector.broadcast %mul3A_15 : i32 to vector<16xi32>
    %add3A_209 = arith.addi %add3A_208, %add3A_201 : vector<16xi32>
    %swap3A_210 = arith.constant 0 : i32
    %swap3A_211 = arith.index_cast %swap3A_210 : i32 to index
    %swap3A_212 = arith.constant 96 : index
    %swap3A_213 = tpu.vector_load %arg11[%swap3A_211, %swap3A_212] {strides = array<i32>} : memref<10x128xi32, #tpu.memory_space<vmem>>, vector<1x16xi32>,
    %swap3A_214 = vector.shape_cast %swap3A_213 : vector<1x16xi32> to vector<16xi32>
    %swap3A_215 = vector.shape_cast %add3A_209 : vector<16xi32> to vector<1x16xi32>
    tpu.vector_store %arg11[%swap3A_211, %swap3A_212], %swap3A_215 {strides = array<i32>} : memref<10x128xi32, #tpu.memory_space<vmem>>, vector<1x16xi32>,
    %add3A_216 = arith.constant 112 : i32
    %add3A_217 = arith.addi %sub3A, %add3A_216 : i32
    %get3A_218 = arith.index_cast %add3A_217 : i32 to index
    %get3A_219 = tpu.vector_load %arg9[%get3A_218] {strides = array<i32>} : memref<1280xi32, #tpu.memory_space<vmem>>, vector<16xi32>,
    %get3A_220 = vector.shape_cast %get3A_219 : vector<16xi32> to vector<16xi32>
    %add3A_221 = arith.constant 112 : i32
    %add3A_222 = arith.addi %sub3A, %add3A_221 : i32
    %get3A_223 = arith.index_cast %add3A_222 : i32 to index
    %get3A_224 = tpu.vector_load %arg10[%get3A_223] {strides = array<i32>} : memref<1280xi32, #tpu.memory_space<vmem>>, vector<16xi32>,
    %get3A_225 = vector.shape_cast %get3A_224 : vector<16xi32> to vector<16xi32>
    %mul3A_226 = arith.constant 432 : i32
    %mul3A_227 = vector.broadcast %mul3A_226 : i32 to vector<16xi32>
    %mul3A_228 = arith.muli %get3A_220, %mul3A_227 : vector<16xi32>
    %add3A_229 = arith.addi %mul3A_228, %get3A_225 : vector<16xi32>
    %swap3A_230 = arith.constant 0 : i32
    %swap3A_231 = arith.index_cast %swap3A_230 : i32 to index
    %swap3A_232 = arith.constant 112 : index
    %swap3A_233 = tpu.vector_load %arg12[%swap3A_231, %swap3A_232] {strides = array<i32>} : memref<10x128xi32, #tpu.memory_space<vmem>>, vector<1x16xi32>,
    %swap3A_234 = vector.shape_cast %swap3A_233 : vector<1x16xi32> to vector<16xi32>
    %swap3A_235 = vector.shape_cast %add3A_229 : vector<16xi32> to vector<1x16xi32>
    tpu.vector_store %arg12[%swap3A_231, %swap3A_232], %swap3A_235 {strides = array<i32>} : memref<10x128xi32, #tpu.memory_space<vmem>>, vector<1x16xi32>,
    %add3A_236 = vector.broadcast %mul3A_15 : i32 to vector<16xi32>
    %add3A_237 = arith.addi %add3A_236, %add3A_229 : vector<16xi32>
    %swap3A_238 = arith.constant 0 : i32
    %swap3A_239 = arith.index_cast %swap3A_238 : i32 to index
    %swap3A_240 = arith.constant 112 : index
    %swap3A_241 = tpu.vector_load %arg11[%swap3A_239, %swap3A_240] {strides = array<i32>} : memref<10x128xi32, #tpu.memory_space<vmem>>, vector<1x16xi32>,
    %swap3A_242 = vector.shape_cast %swap3A_241 : vector<1x16xi32> to vector<16xi32>
    %swap3A_243 = vector.shape_cast %add3A_237 : vector<16xi32> to vector<1x16xi32>
    tpu.vector_store %arg11[%swap3A_239, %swap3A_240], %swap3A_243 {strides = array<i32>} : memref<10x128xi32, #tpu.memory_space<vmem>>, vector<1x16xi32>,
    %mul3A_244 = arith.constant 1280 : i32
    %mul3A_245 = arith.muli %arg1, %mul3A_244 : i32
    %add3A_246 = arith.constant 128 : i32
    %add3A_247 = arith.addi %mul3A_245, %add3A_246 : i32
    %min3A_248 = arith.constant 19872 : i32
    %min3A_249 = arith.minsi %add3A_247, %min3A_248 : i32
    %sub3A_250 = arith.subi %min3A_249, %min3A_1 : i32
    %add3A_251 = arith.constant 0 : i32
    %add3A_252 = arith.addi %sub3A_250, %add3A_251 : i32
    %get3A_253 = arith.index_cast %add3A_252 : i32 to index
    %get3A_254 = tpu.vector_load %arg9[%get3A_253] {strides = array<i32>} : memref<1280xi32, #tpu.memory_space<vmem>>, vector<16xi32>,
    %get3A_255 = vector.shape_cast %get3A_254 : vector<16xi32> to vector<16xi32>
    %add3A_256 = arith.constant 0 : i32
    %add3A_257 = arith.addi %sub3A_250, %add3A_256 : i32
    %get3A_258 = arith.index_cast %add3A_257 : i32 to index
    %get3A_259 = tpu.vector_load %arg10[%get3A_258] {strides = array<i32>} : memref<1280xi32, #tpu.memory_space<vmem>>, vector<16xi32>,
    %get3A_260 = vector.shape_cast %get3A_259 : vector<16xi32> to vector<16xi32>
    %mul3A_261 = arith.constant 432 : i32
    %mul3A_262 = vector.broadcast %mul3A_261 : i32 to vector<16xi32>
    %mul3A_263 = arith.muli %get3A_255, %mul3A_262 : vector<16xi32>
    %add3A_264 = arith.addi %mul3A_263, %get3A_260 : vector<16xi32>
    %swap3A_265 = arith.constant 1 : i32
    %swap3A_266 = arith.index_cast %swap3A_265 : i32 to index
    %swap3A_267 = arith.constant 0 : index
    %swap3A_268 = tpu.vector_load %arg12[%swap3A_266, %swap3A_267] {strides = array<i32>} : memref<10x128xi32, #tpu.memory_space<vmem>>, vector<1x16xi32>,
    %swap3A_269 = vector.shape_cast %swap3A_268 : vector<1x16xi32> to vector<16xi32>
    %swap3A_270 = vector.shape_cast %add3A_264 : vector<16xi32> to vector<1x16xi32>
    tpu.vector_store %arg12[%swap3A_266, %swap3A_267], %swap3A_270 {strides = array<i32>} : memref<10x128xi32, #tpu.memory_space<vmem>>, vector<1x16xi32>,
    %add3A_271 = vector.broadcast %mul3A_15 : i32 to vector<16xi32>
    %add3A_272 = arith.addi %add3A_271, %add3A_264 : vector<16xi32>
    %swap3A_273 = arith.constant 1 : i32
    %swap3A_274 = arith.index_cast %swap3A_273 : i32 to index
    %swap3A_275 = arith.constant 0 : index
    %swap3A_276 = tpu.vector_load %arg11[%swap3A_274, %swap3A_275] {strides = array<i32>} : memref<10x128xi32, #tpu.memory_space<vmem>>, vector<1x16xi32>,
    %swap3A_277 = vector.shape_cast %swap3A_276 : vector<1x16xi32> to vector<16xi32>
    %swap3A_278 = vector.shape_cast %add3A_272 : vector<16xi32> to vector<1x16xi32>
    tpu.vector_store %arg11[%swap3A_274, %swap3A_275], %swap3A_278 {strides = array<i32>} : memref<10x128xi32, #tpu.memory_space<vmem>>, vector<1x16xi32>,
    %add3A_279 = arith.constant 16 : i32
    %add3A_280 = arith.addi %sub3A_250, %add3A_279 : i32
    %get3A_281 = arith.index_cast %add3A_280 : i32 to index
    %get3A_282 = tpu.vector_load %arg9[%get3A_281] {strides = array<i32>} : memref<1280xi32, #tpu.memory_space<vmem>>, vector<16xi32>,
    %get3A_283 = vector.shape_cast %get3A_282 : vector<16xi32> to vector<16xi32>
    %add3A_284 = arith.constant 16 : i32
    %add3A_285 = arith.addi %sub3A_250, %add3A_284 : i32
    %get3A_286 = arith.index_cast %add3A_285 : i32 to index
    %get3A_287 = tpu.vector_load %arg10[%get3A_286] {strides = array<i32>} : memref<1280xi32, #tpu.memory_space<vmem>>, vector<16xi32>,
    %get3A_288 = vector.shape_cast %get3A_287 : vector<16xi32> to vector<16xi32>
    %mul3A_289 = arith.constant 432 : i32
    %mul3A_290 = vector.broadcast %mul3A_289 : i32 to vector<16xi32>
    %mul3A_291 = arith.muli %get3A_283, %mul3A_290 : vector<16xi32>
    %add3A_292 = arith.addi %mul3A_291, %get3A_288 : vector<16xi32>
    %swap3A_293 = arith.constant 1 : i32
    %swap3A_294 = arith.index_cast %swap3A_293 : i32 to index
    %swap3A_295 = arith.constant 16 : index
    %swap3A_296 = tpu.vector_load %arg12[%swap3A_294, %swap3A_295] {strides = array<i32>} : memref<10x128xi32, #tpu.memory_space<vmem>>, vector<1x16xi32>,
    %swap3A_297 = vector.shape_cast %swap3A_296 : vector<1x16xi32> to vector<16xi32>
    %swap3A_298 = vector.shape_cast %add3A_292 : vector<16xi32> to vector<1x16xi32>
    tpu.vector_store %arg12[%swap3A_294, %swap3A_295], %swap3A_298 {strides = array<i32>} : memref<10x128xi32, #tpu.memory_space<vmem>>, vector<1x16xi32>,
    %add3A_299 = vector.broadcast %mul3A_15 : i32 to vector<16xi32>
    %add3A_300 = arith.addi %add3A_299, %add3A_292 : vector<16xi32>
    %swap3A_301 = arith.constant 1 : i32
    %swap3A_302 = arith.index_cast %swap3A_301 : i32 to index
    %swap3A_303 = arith.constant 16 : index
    %swap3A_304 = tpu.vector_load %arg11[%swap3A_302, %swap3A_303] {strides = array<i32>} : memref<10x128xi32, #tpu.memory_space<vmem>>, vector<1x16xi32>,
    %swap3A_305 = vector.shape_cast %swap3A_304 : vector<1x16xi32> to vector<16xi32>
    %swap3A_306 = vector.shape_cast %add3A_300 : vector<16xi32> to vector<1x16xi32>
    tpu.vector_store %arg11[%swap3A_302, %swap3A_303], %swap3A_306 {strides = array<i32>} : memref<10x128xi32, #tpu.memory_space<vmem>>, vector<1x16xi32>,
    %add3A_307 = arith.constant 32 : i32
    %add3A_308 = arith.addi %sub3A_250, %add3A_307 : i32
    %get3A_309 = arith.index_cast %add3A_308 : i32 to index
    %get3A_310 = tpu.vector_load %arg9[%get3A_309] {strides = array<i32>} : memref<1280xi32, #tpu.memory_space<vmem>>, vector<16xi32>,
    %get3A_311 = vector.shape_cast %get3A_310 : vector<16xi32> to vector<16xi32>
    %add3A_312 = arith.constant 32 : i32
    %add3A_313 = arith.addi %sub3A_250, %add3A_312 : i32
    %get3A_314 = arith.index_cast %add3A_313 : i32 to index
    %get3A_315 = tpu.vector_load %arg10[%get3A_314] {strides = array<i32>} : memref<1280xi32, #tpu.memory_space<vmem>>, vector<16xi32>,
    %get3A_316 = vector.shape_cast %get3A_315 : vector<16xi32> to vector<16xi32>
    %mul3A_317 = arith.constant 432 : i32
    %mul3A_318 = vector.broadcast %mul3A_317 : i32 to vector<16xi32>
    %mul3A_319 = arith.muli %get3A_311, %mul3A_318 : vector<16xi32>
    %add3A_320 = arith.addi %mul3A_319, %get3A_316 : vector<16xi32>
    %swap3A_321 = arith.constant 1 : i32
    %swap3A_322 = arith.index_cast %swap3A_321 : i32 to index
    %swap3A_323 = arith.constant 32 : index
    %swap3A_324 = tpu.vector_load %arg12[%swap3A_322, %swap3A_323] {strides = array<i32>} : memref<10x128xi32, #tpu.memory_space<vmem>>, vector<1x16xi32>,
    %swap3A_325 = vector.shape_cast %swap3A_324 : vector<1x16xi32> to vector<16xi32>
    %swap3A_326 = vector.shape_cast %add3A_320 : vector<16xi32> to vector<1x16xi32>
    tpu.vector_store %arg12[%swap3A_322, %swap3A_323], %swap3A_326 {strides = array<i32>} : memref<10x128xi32, #tpu.memory_space<vmem>>, vector<1x16xi32>,
    %add3A_327 = vector.broadcast %mul3A_15 : i32 to vector<16xi32>
    %add3A_328 = arith.addi %add3A_327, %add3A_320 : vector<16xi32>
    %swap3A_329 = arith.constant 1 : i32
    %swap3A_330 = arith.index_cast %swap3A_329 : i32 to index
    %swap3A_331 = arith.constant 32 : index
    %swap3A_332 = tpu.vector_load %arg11[%swap3A_330, %swap3A_331] {strides = array<i32>} : memref<10x128xi32, #tpu.memory_space<vmem>>, vector<1x16xi32>,
    %swap3A_333 = vector.shape_cast %swap3A_332 : vector<1x16xi32> to vector<16xi32>
    %swap3A_334 = vector.shape_cast %add3A_328 : vector<16xi32> to vector<1x16xi32>
    tpu.vector_store %arg11[%swap3A_330, %swap3A_331], %swap3A_334 {strides = array<i32>} : memref<10x128xi32, #tpu.memory_space<vmem>>, vector<1x16xi32>,
    %add3A_335 = arith.constant 48 : i32
    %add3A_336 = arith.addi %sub3A_250, %add3A_335 : i32
    %get3A_337 = arith.index_cast %add3A_336 : i32 to index
    %get3A_338 = tpu.vector_load %arg9[%get3A_337] {strides = array<i32>} : memref<1280xi32, #tpu.memory_space<vmem>>, vector<16xi32>,
    %get3A_339 = vector.shape_cast %get3A_338 : vector<16xi32> to vector<16xi32>
    %add3A_340 = arith.constant 48 : i32
    %add3A_341 = arith.addi %sub3A_250, %add3A_340 : i32
    %get3A_342 = arith.index_cast %add3A_341 : i32 to index
    %get3A_343 = tpu.vector_load %arg10[%get3A_342] {strides = array<i32>} : memref<1280xi32, #tpu.memory_space<vmem>>, vector<16xi32>,
    %get3A_344 = vector.shape_cast %get3A_343 : vector<16xi32> to vector<16xi32>
    %mul3A_345 = arith.constant 432 : i32
    %mul3A_346 = vector.broadcast %mul3A_345 : i32 to vector<16xi32>
    %mul3A_347 = arith.muli %get3A_339, %mul3A_346 : vector<16xi32>
    %add3A_348 = arith.addi %mul3A_347, %get3A_344 : vector<16xi32>
    %swap3A_349 = arith.constant 1 : i32
    %swap3A_350 = arith.index_cast %swap3A_349 : i32 to index
    %swap3A_351 = arith.constant 48 : index
    %swap3A_352 = tpu.vector_load %arg12[%swap3A_350, %swap3A_351] {strides = array<i32>} : memref<10x128xi32, #tpu.memory_space<vmem>>, vector<1x16xi32>,
    %swap3A_353 = vector.shape_cast %swap3A_352 : vector<1x16xi32> to vector<16xi32>
    %swap3A_354 = vector.shape_cast %add3A_348 : vector<16xi32> to vector<1x16xi32>
    tpu.vector_store %arg12[%swap3A_350, %swap3A_351], %swap3A_354 {strides = array<i32>} : memref<10x128xi32, #tpu.memory_space<vmem>>, vector<1x16xi32>,
    %add3A_355 = vector.broadcast %mul3A_15 : i32 to vector<16xi32>
    %add3A_356 = arith.addi %add3A_355, %add3A_348 : vector<16xi32>
    %swap3A_357 = arith.constant 1 : i32
    %swap3A_358 = arith.index_cast %swap3A_357 : i32 to index
    %swap3A_359 = arith.constant 48 : index
    %swap3A_360 = tpu.vector_load %arg11[%swap3A_358, %swap3A_359] {strides = array<i32>} : memref<10x128xi32, #tpu.memory_space<vmem>>, vector<1x16xi32>,
    %swap3A_361 = vector.shape_cast %swap3A_360 : vector<1x16xi32> to vector<16xi32>
    %swap3A_362 = vector.shape_cast %add3A_356 : vector<16xi32> to vector<1x16xi32>
    tpu.vector_store %arg11[%swap3A_358, %swap3A_359], %swap3A_362 {strides = array<i32>} : memref<10x128xi32, #tpu.memory_space<vmem>>, vector<1x16xi32>,
    %add3A_363 = arith.constant 64 : i32
    %add3A_364 = arith.addi %sub3A_250, %add3A_363 : i32
    %get3A_365 = arith.index_cast %add3A_364 : i32 to index
    %get3A_366 = tpu.vector_load %arg9[%get3A_365] {strides = array<i32>} : memref<1280xi32, #tpu.memory_space<vmem>>, vector<16xi32>,
    %get3A_367 = vector.shape_cast %get3A_366 : vector<16xi32> to vector<16xi32>
    %add3A_368 = arith.constant 64 : i32
    %add3A_369 = arith.addi %sub3A_250, %add3A_368 : i32
    %get3A_370 = arith.index_cast %add3A_369 : i32 to index
    %get3A_371 = tpu.vector_load %arg10[%get3A_370] {strides = array<i32>} : memref<1280xi32, #tpu.memory_space<vmem>>, vector<16xi32>,
    %get3A_372 = vector.shape_cast %get3A_371 : vector<16xi32> to vector<16xi32>
    %mul3A_373 = arith.constant 432 : i32
    %mul3A_374 = vector.broadcast %mul3A_373 : i32 to vector<16xi32>
    %mul3A_375 = arith.muli %get3A_367, %mul3A_374 : vector<16xi32>
    %add3A_376 = arith.addi %mul3A_375, %get3A_372 : vector<16xi32>
    %swap3A_377 = arith.constant 1 : i32
    %swap3A_378 = arith.index_cast %swap3A_377 : i32 to index
    %swap3A_379 = arith.constant 64 : index
    %swap3A_380 = tpu.vector_load %arg12[%swap3A_378, %swap3A_379] {strides = array<i32>} : memref<10x128xi32, #tpu.memory_space<vmem>>, vector<1x16xi32>,
    %swap3A_381 = vector.shape_cast %swap3A_380 : vector<1x16xi32> to vector<16xi32>
    %swap3A_382 = vector.shape_cast %add3A_376 : vector<16xi32> to vector<1x16xi32>
    tpu.vector_store %arg12[%swap3A_378, %swap3A_379], %swap3A_382 {strides = array<i32>} : memref<10x128xi32, #tpu.memory_space<vmem>>, vector<1x16xi32>,
    %add3A_383 = vector.broadcast %mul3A_15 : i32 to vector<16xi32>
    %add3A_384 = arith.addi %add3A_383, %add3A_376 : vector<16xi32>
    %swap3A_385 = arith.constant 1 : i32
    %swap3A_386 = arith.index_cast %swap3A_385 : i32 to index
    %swap3A_387 = arith.constant 64 : index
    %swap3A_388 = tpu.vector_load %arg11[%swap3A_386, %swap3A_387] {strides = array<i32>} : memref<10x128xi32, #tpu.memory_space<vmem>>, vector<1x16xi32>,
    %swap3A_389 = vector.shape_cast %swap3A_388 : vector<1x16xi32> to vector<16xi32>
    %swap3A_390 = vector.shape_cast %add3A_384 : vector<16xi32> to vector<1x16xi32>
    tpu.vector_store %arg11[%swap3A_386, %swap3A_387], %swap3A_390 {strides = array<i32>} : memref<10x128xi32, #tpu.memory_space<vmem>>, vector<1x16xi32>,
    %add3A_391 = arith.constant 80 : i32
    %add3A_392 = arith.addi %sub3A_250, %add3A_391 : i32
    %get3A_393 = arith.index_cast %add3A_392 : i32 to index
    %get3A_394 = tpu.vector_load %arg9[%get3A_393] {strides = array<i32>} : memref<1280xi32, #tpu.memory_space<vmem>>, vector<16xi32>,
    %get3A_395 = vector.shape_cast %get3A_394 : vector<16xi32> to vector<16xi32>
    %add3A_396 = arith.constant 80 : i32
    %add3A_397 = arith.addi %sub3A_250, %add3A_396 : i32
    %get3A_398 = arith.index_cast %add3A_397 : i32 to index
    %get3A_399 = tpu.vector_load %arg10[%get3A_398] {strides = array<i32>} : memref<1280xi32, #tpu.memory_space<vmem>>, vector<16xi32>,
    %get3A_400 = vector.shape_cast %get3A_399 : vector<16xi32> to vector<16xi32>
    %mul3A_401 = arith.constant 432 : i32
    %mul3A_402 = vector.broadcast %mul3A_401 : i32 to vector<16xi32>
    %mul3A_403 = arith.muli %get3A_395, %mul3A_402 : vector<16xi32>
    %add3A_404 = arith.addi %mul3A_403, %get3A_400 : vector<16xi32>
    %swap3A_405 = arith.constant 1 : i32
    %swap3A_406 = arith.index_cast %swap3A_405 : i32 to index
    %swap3A_407 = arith.constant 80 : index
    %swap3A_408 = tpu.vector_load %arg12[%swap3A_406, %swap3A_407] {strides = array<i32>} : memref<10x128xi32, #tpu.memory_space<vmem>>, vector<1x16xi32>,
    %swap3A_409 = vector.shape_cast %swap3A_408 : vector<1x16xi32> to vector<16xi32>
    %swap3A_410 = vector.shape_cast %add3A_404 : vector<16xi32> to vector<1x16xi32>
    tpu.vector_store %arg12[%swap3A_406, %swap3A_407], %swap3A_410 {strides = array<i32>} : memref<10x128xi32, #tpu.memory_space<vmem>>, vector<1x16xi32>,
    %add3A_411 = vector.broadcast %mul3A_15 : i32 to vector<16xi32>
    %add3A_412 = arith.addi %add3A_411, %add3A_404 : vector<16xi32>
    %swap3A_413 = arith.constant 1 : i32
    %swap3A_414 = arith.index_cast %swap3A_413 : i32 to index
    %swap3A_415 = arith.constant 80 : index
    %swap3A_416 = tpu.vector_load %arg11[%swap3A_414, %swap3A_415] {strides = array<i32>} : memref<10x128xi32, #tpu.memory_space<vmem>>, vector<1x16xi32>,
    %swap3A_417 = vector.shape_cast %swap3A_416 : vector<1x16xi32> to vector<16xi32>
    %swap3A_418 = vector.shape_cast %add3A_412 : vector<16xi32> to vector<1x16xi32>
    tpu.vector_store %arg11[%swap3A_414, %swap3A_415], %swap3A_418 {strides = array<i32>} : memref<10x128xi32, #tpu.memory_space<vmem>>, vector<1x16xi32>,
    %add3A_419 = arith.constant 96 : i32
    %add3A_420 = arith.addi %sub3A_250, %add3A_419 : i32
    %get3A_421 = arith.index_cast %add3A_420 : i32 to index
    %get3A_422 = tpu.vector_load %arg9[%get3A_421] {strides = array<i32>} : memref<1280xi32, #tpu.memory_space<vmem>>, vector<16xi32>,
    %get3A_423 = vector.shape_cast %get3A_422 : vector<16xi32> to vector<16xi32>
    %add3A_424 = arith.constant 96 : i32
    %add3A_425 = arith.addi %sub3A_250, %add3A_424 : i32
    %get3A_426 = arith.index_cast %add3A_425 : i32 to index
    %get3A_427 = tpu.vector_load %arg10[%get3A_426] {strides = array<i32>} : memref<1280xi32, #tpu.memory_space<vmem>>, vector<16xi32>,
    %get3A_428 = vector.shape_cast %get3A_427 : vector<16xi32> to vector<16xi32>
    %mul3A_429 = arith.constant 432 : i32
    %mul3A_430 = vector.broadcast %mul3A_429 : i32 to vector<16xi32>
    %mul3A_431 = arith.muli %get3A_423, %mul3A_430 : vector<16xi32>
    %add3A_432 = arith.addi %mul3A_431, %get3A_428 : vector<16xi32>
    %swap3A_433 = arith.constant 1 : i32
    %swap3A_434 = arith.index_cast %swap3A_433 : i32 to index
    %swap3A_435 = arith.constant 96 : index
    %swap3A_436 = tpu.vector_load %arg12[%swap3A_434, %swap3A_435] {strides = array<i32>} : memref<10x128xi32, #tpu.memory_space<vmem>>, vector<1x16xi32>,
    %swap3A_437 = vector.shape_cast %swap3A_436 : vector<1x16xi32> to vector<16xi32>
    %swap3A_438 = vector.shape_cast %add3A_432 : vector<16xi32> to vector<1x16xi32>
    tpu.vector_store %arg12[%swap3A_434, %swap3A_435], %swap3A_438 {strides = array<i32>} : memref<10x128xi32, #tpu.memory_space<vmem>>, vector<1x16xi32>,
    %add3A_439 = vector.broadcast %mul3A_15 : i32 to vector<16xi32>
    %add3A_440 = arith.addi %add3A_439, %add3A_432 : vector<16xi32>
    %swap3A_441 = arith.constant 1 : i32
    %swap3A_442 = arith.index_cast %swap3A_441 : i32 to index
    %swap3A_443 = arith.constant 96 : index
    %swap3A_444 = tpu.vector_load %arg11[%swap3A_442, %swap3A_443] {strides = array<i32>} : memref<10x128xi32, #tpu.memory_space<vmem>>, vector<1x16xi32>,
    %swap3A_445 = vector.shape_cast %swap3A_444 : vector<1x16xi32> to vector<16xi32>
    %swap3A_446 = vector.shape_cast %add3A_440 : vector<16xi32> to vector<1x16xi32>
    tpu.vector_store %arg11[%swap3A_442, %swap3A_443], %swap3A_446 {strides = array<i32>} : memref<10x128xi32, #tpu.memory_space<vmem>>, vector<1x16xi32>,
    %add3A_447 = arith.constant 112 : i32
    %add3A_448 = arith.addi %sub3A_250, %add3A_447 : i32
    %get3A_449 = arith.index_cast %add3A_448 : i32 to index
    %get3A_450 = tpu.vector_load %arg9[%get3A_449] {strides = array<i32>} : memref<1280xi32, #tpu.memory_space<vmem>>, vector<16xi32>,
    %get3A_451 = vector.shape_cast %get3A_450 : vector<16xi32> to vector<16xi32>
    %add3A_452 = arith.constant 112 : i32
    %add3A_453 = arith.addi %sub3A_250, %add3A_452 : i32
    %get3A_454 = arith.index_cast %add3A_453 : i32 to index
    %get3A_455 = tpu.vector_load %arg10[%get3A_454] {strides = array<i32>} : memref<1280xi32, #tpu.memory_space<vmem>>, vector<16xi32>,
    %get3A_456 = vector.shape_cast %get3A_455 : vector<16xi32> to vector<16xi32>
    %mul3A_457 = arith.constant 432 : i32
    %mul3A_458 = vector.broadcast %mul3A_457 : i32 to vector<16xi32>
    %mul3A_459 = arith.muli %get3A_451, %mul3A_458 : vector<16xi32>
    %add3A_460 = arith.addi %mul3A_459, %get3A_456 : vector<16xi32>
    %swap3A_461 = arith.constant 1 : i32
    %swap3A_462 = arith.index_cast %swap3A_461 : i32 to index
    %swap3A_463 = arith.constant 112 : index
    %swap3A_464 = tpu.vector_load %arg12[%swap3A_462, %swap3A_463] {strides = array<i32>} : memref<10x128xi32, #tpu.memory_space<vmem>>, vector<1x16xi32>,
    %swap3A_465 = vector.shape_cast %swap3A_464 : vector<1x16xi32> to vector<16xi32>
    %swap3A_466 = vector.shape_cast %add3A_460 : vector<16xi32> to vector<1x16xi32>
    tpu.vector_store %arg12[%swap3A_462, %swap3A_463], %swap3A_466 {strides = array<i32>} : memref<10x128xi32, #tpu.memory_space<vmem>>, vector<1x16xi32>,
    %add3A_467 = vector.broadcast %mul3A_15 : i32 to vector<16xi32>
    %add3A_468 = arith.addi %add3A_467, %add3A_460 : vector<16xi32>
    %swap3A_469 = arith.constant 1 : i32
    %swap3A_470 = arith.index_cast %swap3A_469 : i32 to index
    %swap3A_471 = arith.constant 112 : index
    %swap3A_472 = tpu.vector_load %arg11[%swap3A_470, %swap3A_471] {strides = array<i32>} : memref<10x128xi32, #tpu.memory_space<vmem>>, vector<1x16xi32>,
    %swap3A_473 = vector.shape_cast %swap3A_472 : vector<1x16xi32> to vector<16xi32>
    %swap3A_474 = vector.shape_cast %add3A_468 : vector<16xi32> to vector<1x16xi32>
    tpu.vector_store %arg11[%swap3A_470, %swap3A_471], %swap3A_474 {strides = array<i32>} : memref<10x128xi32, #tpu.memory_space<vmem>>, vector<1x16xi32>,
    %mul3A_475 = arith.constant 1280 : i32
    %mul3A_476 = arith.muli %arg1, %mul3A_475 : i32
    %add3A_477 = arith.constant 256 : i32
    %add3A_478 = arith.addi %mul3A_476, %add3A_477 : i32
    %min3A_479 = arith.constant 19872 : i32
    %min3A_480 = arith.minsi %add3A_478, %min3A_479 : i32
    %sub3A_481 = arith.subi %min3A_480, %min3A_1 : i32
    %add3A_482 = arith.constant 0 : i32
    %add3A_483 = arith.addi %sub3A_481, %add3A_482 : i32
    %get3A_484 = arith.index_cast %add3A_483 : i32 to index
    %get3A_485 = tpu.vector_load %arg9[%get3A_484] {strides = array<i32>} : memref<1280xi32, #tpu.memory_space<vmem>>, vector<16xi32>,
    %get3A_486 = vector.shape_cast %get3A_485 : vector<16xi32> to vector<16xi32>
    %add3A_487 = arith.constant 0 : i32
    %add3A_488 = arith.addi %sub3A_481, %add3A_487 : i32
    %get3A_489 = arith.index_cast %add3A_488 : i32 to index
    %get3A_490 = tpu.vector_load %arg10[%get3A_489] {strides = array<i32>} : memref<1280xi32, #tpu.memory_space<vmem>>, vector<16xi32>,
    %get3A_491 = vector.shape_cast %get3A_490 : vector<16xi32> to vector<16xi32>
    %mul3A_492 = arith.constant 432 : i32
    %mul3A_493 = vector.broadcast %mul3A_492 : i32 to vector<16xi32>
    %mul3A_494 = arith.muli %get3A_486, %mul3A_493 : vector<16xi32>
    %add3A_495 = arith.addi %mul3A_494, %get3A_491 : vector<16xi32>
    %swap3A_496 = arith.constant 2 : i32
    %swap3A_497 = arith.index_cast %swap3A_496 : i32 to index
    %swap3A_498 = arith.constant 0 : index
    %swap3A_499 = tpu.vector_load %arg12[%swap3A_497, %swap3A_498] {strides = array<i32>} : memref<10x128xi32, #tpu.memory_space<vmem>>, vector<1x16xi32>,
    %swap3A_500 = vector.shape_cast %swap3A_499 : vector<1x16xi32> to vector<16xi32>
    %swap3A_501 = vector.shape_cast %add3A_495 : vector<16xi32> to vector<1x16xi32>
    tpu.vector_store %arg12[%swap3A_497, %swap3A_498], %swap3A_501 {strides = array<i32>} : memref<10x128xi32, #tpu.memory_space<vmem>>, vector<1x16xi32>,
    %add3A_502 = vector.broadcast %mul3A_15 : i32 to vector<16xi32>
    %add3A_503 = arith.addi %add3A_502, %add3A_495 : vector<16xi32>
    %swap3A_504 = arith.constant 2 : i32
    %swap3A_505 = arith.index_cast %swap3A_504 : i32 to index
    %swap3A_506 = arith.constant 0 : index
    %swap3A_507 = tpu.vector_load %arg11[%swap3A_505, %swap3A_506] {strides = array<i32>} : memref<10x128xi32, #tpu.memory_space<vmem>>, vector<1x16xi32>,
    %swap3A_508 = vector.shape_cast %swap3A_507 : vector<1x16xi32> to vector<16xi32>
    %swap3A_509 = vector.shape_cast %add3A_503 : vector<16xi32> to vector<1x16xi32>
    tpu.vector_store %arg11[%swap3A_505, %swap3A_506], %swap3A_509 {strides = array<i32>} : memref<10x128xi32, #tpu.memory_space<vmem>>, vector<1x16xi32>,
    %add3A_510 = arith.constant 16 : i32
    %add3A_511 = arith.addi %sub3A_481, %add3A_510 : i32
    %get3A_512 = arith.index_cast %add3A_511 : i32 to index
    %get3A_513 = tpu.vector_load %arg9[%get3A_512] {strides = array<i32>} : memref<1280xi32, #tpu.memory_space<vmem>>, vector<16xi32>,
    %get3A_514 = vector.shape_cast %get3A_513 : vector<16xi32> to vector<16xi32>
    %add3A_515 = arith.constant 16 : i32
    %add3A_516 = arith.addi %sub3A_481, %add3A_515 : i32
    %get3A_517 = arith.index_cast %add3A_516 : i32 to index
    %get3A_518 = tpu.vector_load %arg10[%get3A_517] {strides = array<i32>} : memref<1280xi32, #tpu.memory_space<vmem>>, vector<16xi32>,
    %get3A_519 = vector.shape_cast %get3A_518 : vector<16xi32> to vector<16xi32>
    %mul3A_520 = arith.constant 432 : i32
    %mul3A_521 = vector.broadcast %mul3A_520 : i32 to vector<16xi32>
    %mul3A_522 = arith.muli %get3A_514, %mul3A_521 : vector<16xi32>
    %add3A_523 = arith.addi %mul3A_522, %get3A_519 : vector<16xi32>
    %swap3A_524 = arith.constant 2 : i32
    %swap3A_525 = arith.index_cast %swap3A_524 : i32 to index
    %swap3A_526 = arith.constant 16 : index
    %swap3A_527 = tpu.vector_load %arg12[%swap3A_525, %swap3A_526] {strides = array<i32>} : memref<10x128xi32, #tpu.memory_space<vmem>>, vector<1x16xi32>,
    %swap3A_528 = vector.shape_cast %swap3A_527 : vector<1x16xi32> to vector<16xi32>
    %swap3A_529 = vector.shape_cast %add3A_523 : vector<16xi32> to vector<1x16xi32>
    tpu.vector_store %arg12[%swap3A_525, %swap3A_526], %swap3A_529 {strides = array<i32>} : memref<10x128xi32, #tpu.memory_space<vmem>>, vector<1x16xi32>,
    %add3A_530 = vector.broadcast %mul3A_15 : i32 to vector<16xi32>
    %add3A_531 = arith.addi %add3A_530, %add3A_523 : vector<16xi32>
    %swap3A_532 = arith.constant 2 : i32
    %swap3A_533 = arith.index_cast %swap3A_532 : i32 to index
    %swap3A_534 = arith.constant 16 : index
    %swap3A_535 = tpu.vector_load %arg11[%swap3A_533, %swap3A_534] {strides = array<i32>} : memref<10x128xi32, #tpu.memory_space<vmem>>, vector<1x16xi32>,
    %swap3A_536 = vector.shape_cast %swap3A_535 : vector<1x16xi32> to vector<16xi32>
    %swap3A_537 = vector.shape_cast %add3A_531 : vector<16xi32> to vector<1x16xi32>
    tpu.vector_store %arg11[%swap3A_533, %swap3A_534], %swap3A_537 {strides = array<i32>} : memref<10x128xi32, #tpu.memory_space<vmem>>, vector<1x16xi32>,
    %add3A_538 = arith.constant 32 : i32
    %add3A_539 = arith.addi %sub3A_481, %add3A_538 : i32
    %get3A_540 = arith.index_cast %add3A_539 : i32 to index
    %get3A_541 = tpu.vector_load %arg9[%get3A_540] {strides = array<i32>} : memref<1280xi32, #tpu.memory_space<vmem>>, vector<16xi32>,
    %get3A_542 = vector.shape_cast %get3A_541 : vector<16xi32> to vector<16xi32>
    %add3A_543 = arith.constant 32 : i32
    %add3A_544 = arith.addi %sub3A_481, %add3A_543 : i32
    %get3A_545 = arith.index_cast %add3A_544 : i32 to index
    %get3A_546 = tpu.vector_load %arg10[%get3A_545] {strides = array<i32>} : memref<1280xi32, #tpu.memory_space<vmem>>, vector<16xi32>,
    %get3A_547 = vector.shape_cast %get3A_546 : vector<16xi32> to vector<16xi32>
    %mul3A_548 = arith.constant 432 : i32
    %mul3A_549 = vector.broadcast %mul3A_548 : i32 to vector<16xi32>
    %mul3A_550 = arith.muli %get3A_542, %mul3A_549 : vector<16xi32>
    %add3A_551 = arith.addi %mul3A_550, %get3A_547 : vector<16xi32>
    %swap3A_552 = arith.constant 2 : i32
    %swap3A_553 = arith.index_cast %swap3A_552 : i32 to index
    %swap3A_554 = arith.constant 32 : index
    %swap3A_555 = tpu.vector_load %arg12[%swap3A_553, %swap3A_554] {strides = array<i32>} : memref<10x128xi32, #tpu.memory_space<vmem>>, vector<1x16xi32>,
    %swap3A_556 = vector.shape_cast %swap3A_555 : vector<1x16xi32> to vector<16xi32>
    %swap3A_557 = vector.shape_cast %add3A_551 : vector<16xi32> to vector<1x16xi32>
    tpu.vector_store %arg12[%swap3A_553, %swap3A_554], %swap3A_557 {strides = array<i32>} : memref<10x128xi32, #tpu.memory_space<vmem>>, vector<1x16xi32>,
    %add3A_558 = vector.broadcast %mul3A_15 : i32 to vector<16xi32>
    %add3A_559 = arith.addi %add3A_558, %add3A_551 : vector<16xi32>
    %swap3A_560 = arith.constant 2 : i32
    %swap3A_561 = arith.index_cast %swap3A_560 : i32 to index
    %swap3A_562 = arith.constant 32 : index
    %swap3A_563 = tpu.vector_load %arg11[%swap3A_561, %swap3A_562] {strides = array<i32>} : memref<10x128xi32, #tpu.memory_space<vmem>>, vector<1x16xi32>,
    %swap3A_564 = vector.shape_cast %swap3A_563 : vector<1x16xi32> to vector<16xi32>
    %swap3A_565 = vector.shape_cast %add3A_559 : vector<16xi32> to vector<1x16xi32>
    tpu.vector_store %arg11[%swap3A_561, %swap3A_562], %swap3A_565 {strides = array<i32>} : memref<10x128xi32, #tpu.memory_space<vmem>>, vector<1x16xi32>,
    %add3A_566 = arith.constant 48 : i32
    %add3A_567 = arith.addi %sub3A_481, %add3A_566 : i32
    %get3A_568 = arith.index_cast %add3A_567 : i32 to index
    %get3A_569 = tpu.vector_load %arg9[%get3A_568] {strides = array<i32>} : memref<1280xi32, #tpu.memory_space<vmem>>, vector<16xi32>,
    %get3A_570 = vector.shape_cast %get3A_569 : vector<16xi32> to vector<16xi32>
    %add3A_571 = arith.constant 48 : i32
    %add3A_572 = arith.addi %sub3A_481, %add3A_571 : i32
    %get3A_573 = arith.index_cast %add3A_572 : i32 to index
    %get3A_574 = tpu.vector_load %arg10[%get3A_573] {strides = array<i32>} : memref<1280xi32, #tpu.memory_space<vmem>>, vector<16xi32>,
    %get3A_575 = vector.shape_cast %get3A_574 : vector<16xi32> to vector<16xi32>
    %mul3A_576 = arith.constant 432 : i32
    %mul3A_577 = vector.broadcast %mul3A_576 : i32 to vector<16xi32>
    %mul3A_578 = arith.muli %get3A_570, %mul3A_577 : vector<16xi32>
    %add3A_579 = arith.addi %mul3A_578, %get3A_575 : vector<16xi32>
    %swap3A_580 = arith.constant 2 : i32
    %swap3A_581 = arith.index_cast %swap3A_580 : i32 to index
    %swap3A_582 = arith.constant 48 : index
    %swap3A_583 = tpu.vector_load %arg12[%swap3A_581, %swap3A_582] {strides = array<i32>} : memref<10x128xi32, #tpu.memory_space<vmem>>, vector<1x16xi32>,
    %swap3A_584 = vector.shape_cast %swap3A_583 : vector<1x16xi32> to vector<16xi32>
    %swap3A_585 = vector.shape_cast %add3A_579 : vector<16xi32> to vector<1x16xi32>
    tpu.vector_store %arg12[%swap3A_581, %swap3A_582], %swap3A_585 {strides = array<i32>} : memref<10x128xi32, #tpu.memory_space<vmem>>, vector<1x16xi32>,
    %add3A_586 = vector.broadcast %mul3A_15 : i32 to vector<16xi32>
    %add3A_587 = arith.addi %add3A_586, %add3A_579 : vector<16xi32>
    %swap3A_588 = arith.constant 2 : i32
    %swap3A_589 = arith.index_cast %swap3A_588 : i32 to index
    %swap3A_590 = arith.constant 48 : index
    %swap3A_591 = tpu.vector_load %arg11[%swap3A_589, %swap3A_590] {strides = array<i32>} : memref<10x128xi32, #tpu.memory_space<vmem>>, vector<1x16xi32>,
    %swap3A_592 = vector.shape_cast %swap3A_591 : vector<1x16xi32> to vector<16xi32>
    %swap3A_593 = vector.shape_cast %add3A_587 : vector<16xi32> to vector<1x16xi32>
    tpu.vector_store %arg11[%swap3A_589, %swap3A_590], %swap3A_593 {strides = array<i32>} : memref<10x128xi32, #tpu.memory_space<vmem>>, vector<1x16xi32>,
    %add3A_594 = arith.constant 64 : i32
    %add3A_595 = arith.addi %sub3A_481, %add3A_594 : i32
    %get3A_596 = arith.index_cast %add3A_595 : i32 to index
    %get3A_597 = tpu.vector_load %arg9[%get3A_596] {strides = array<i32>} : memref<1280xi32, #tpu.memory_space<vmem>>, vector<16xi32>,
    %get3A_598 = vector.shape_cast %get3A_597 : vector<16xi32> to vector<16xi32>
    %add3A_599 = arith.constant 64 : i32
    %add3A_600 = arith.addi %sub3A_481, %add3A_599 : i32
    %get3A_601 = arith.index_cast %add3A_600 : i32 to index
    %get3A_602 = tpu.vector_load %arg10[%get3A_601] {strides = array<i32>} : memref<1280xi32, #tpu.memory_space<vmem>>, vector<16xi32>,
    %get3A_603 = vector.shape_cast %get3A_602 : vector<16xi32> to vector<16xi32>
    %mul3A_604 = arith.constant 432 : i32
    %mul3A_605 = vector.broadcast %mul3A_604 : i32 to vector<16xi32>
    %mul3A_606 = arith.muli %get3A_598, %mul3A_605 : vector<16xi32>
    %add3A_607 = arith.addi %mul3A_606, %get3A_603 : vector<16xi32>
    %swap3A_608 = arith.constant 2 : i32
    %swap3A_609 = arith.index_cast %swap3A_608 : i32 to index
    %swap3A_610 = arith.constant 64 : index
    %swap3A_611 = tpu.vector_load %arg12[%swap3A_609, %swap3A_610] {strides = array<i32>} : memref<10x128xi32, #tpu.memory_space<vmem>>, vector<1x16xi32>,
    %swap3A_612 = vector.shape_cast %swap3A_611 : vector<1x16xi32> to vector<16xi32>
    %swap3A_613 = vector.shape_cast %add3A_607 : vector<16xi32> to vector<1x16xi32>
    tpu.vector_store %arg12[%swap3A_609, %swap3A_610], %swap3A_613 {strides = array<i32>} : memref<10x128xi32, #tpu.memory_space<vmem>>, vector<1x16xi32>,
    %add3A_614 = vector.broadcast %mul3A_15 : i32 to vector<16xi32>
    %add3A_615 = arith.addi %add3A_614, %add3A_607 : vector<16xi32>
    %swap3A_616 = arith.constant 2 : i32
    %swap3A_617 = arith.index_cast %swap3A_616 : i32 to index
    %swap3A_618 = arith.constant 64 : index
    %swap3A_619 = tpu.vector_load %arg11[%swap3A_617, %swap3A_618] {strides = array<i32>} : memref<10x128xi32, #tpu.memory_space<vmem>>, vector<1x16xi32>,
    %swap3A_620 = vector.shape_cast %swap3A_619 : vector<1x16xi32> to vector<16xi32>
    %swap3A_621 = vector.shape_cast %add3A_615 : vector<16xi32> to vector<1x16xi32>
    tpu.vector_store %arg11[%swap3A_617, %swap3A_618], %swap3A_621 {strides = array<i32>} : memref<10x128xi32, #tpu.memory_space<vmem>>, vector<1x16xi32>,
    %add3A_622 = arith.constant 80 : i32
    %add3A_623 = arith.addi %sub3A_481, %add3A_622 : i32
    %get3A_624 = arith.index_cast %add3A_623 : i32 to index
    %get3A_625 = tpu.vector_load %arg9[%get3A_624] {strides = array<i32>} : memref<1280xi32, #tpu.memory_space<vmem>>, vector<16xi32>,
    %get3A_626 = vector.shape_cast %get3A_625 : vector<16xi32> to vector<16xi32>
    %add3A_627 = arith.constant 80 : i32
    %add3A_628 = arith.addi %sub3A_481, %add3A_627 : i32
    %get3A_629 = arith.index_cast %add3A_628 : i32 to index
    %get3A_630 = tpu.vector_load %arg10[%get3A_629] {strides = array<i32>} : memref<1280xi32, #tpu.memory_space<vmem>>, vector<16xi32>,
    %get3A_631 = vector.shape_cast %get3A_630 : vector<16xi32> to vector<16xi32>
    %mul3A_632 = arith.constant 432 : i32
    %mul3A_633 = vector.broadcast %mul3A_632 : i32 to vector<16xi32>
    %mul3A_634 = arith.muli %get3A_626, %mul3A_633 : vector<16xi32>
    %add3A_635 = arith.addi %mul3A_634, %get3A_631 : vector<16xi32>
    %swap3A_636 = arith.constant 2 : i32
    %swap3A_637 = arith.index_cast %swap3A_636 : i32 to index
    %swap3A_638 = arith.constant 80 : index
    %swap3A_639 = tpu.vector_load %arg12[%swap3A_637, %swap3A_638] {strides = array<i32>} : memref<10x128xi32, #tpu.memory_space<vmem>>, vector<1x16xi32>,
    %swap3A_640 = vector.shape_cast %swap3A_639 : vector<1x16xi32> to vector<16xi32>
    %swap3A_641 = vector.shape_cast %add3A_635 : vector<16xi32> to vector<1x16xi32>
    tpu.vector_store %arg12[%swap3A_637, %swap3A_638], %swap3A_641 {strides = array<i32>} : memref<10x128xi32, #tpu.memory_space<vmem>>, vector<1x16xi32>,
    %add3A_642 = vector.broadcast %mul3A_15 : i32 to vector<16xi32>
    %add3A_643 = arith.addi %add3A_642, %add3A_635 : vector<16xi32>
    %swap3A_644 = arith.constant 2 : i32
    %swap3A_645 = arith.index_cast %swap3A_644 : i32 to index
    %swap3A_646 = arith.constant 80 : index
    %swap3A_647 = tpu.vector_load %arg11[%swap3A_645, %swap3A_646] {strides = array<i32>} : memref<10x128xi32, #tpu.memory_space<vmem>>, vector<1x16xi32>,
    %swap3A_648 = vector.shape_cast %swap3A_647 : vector<1x16xi32> to vector<16xi32>
    %swap3A_649 = vector.shape_cast %add3A_643 : vector<16xi32> to vector<1x16xi32>
    tpu.vector_store %arg11[%swap3A_645, %swap3A_646], %swap3A_649 {strides = array<i32>} : memref<10x128xi32, #tpu.memory_space<vmem>>, vector<1x16xi32>,
    %add3A_650 = arith.constant 96 : i32
    %add3A_651 = arith.addi %sub3A_481, %add3A_650 : i32
    %get3A_652 = arith.index_cast %add3A_651 : i32 to index
    %get3A_653 = tpu.vector_load %arg9[%get3A_652] {strides = array<i32>} : memref<1280xi32, #tpu.memory_space<vmem>>, vector<16xi32>,
    %get3A_654 = vector.shape_cast %get3A_653 : vector<16xi32> to vector<16xi32>
    %add3A_655 = arith.constant 96 : i32
    %add3A_656 = arith.addi %sub3A_481, %add3A_655 : i32
    %get3A_657 = arith.index_cast %add3A_656 : i32 to index
    %get3A_658 = tpu.vector_load %arg10[%get3A_657] {strides = array<i32>} : memref<1280xi32, #tpu.memory_space<vmem>>, vector<16xi32>,
    %get3A_659 = vector.shape_cast %get3A_658 : vector<16xi32> to vector<16xi32>
    %mul3A_660 = arith.constant 432 : i32
    %mul3A_661 = vector.broadcast %mul3A_660 : i32 to vector<16xi32>
    %mul3A_662 = arith.muli %get3A_654, %mul3A_661 : vector<16xi32>
    %add3A_663 = arith.addi %mul3A_662, %get3A_659 : vector<16xi32>
    %swap3A_664 = arith.constant 2 : i32
    %swap3A_665 = arith.index_cast %swap3A_664 : i32 to index
    %swap3A_666 = arith.constant 96 : index
    %swap3A_667 = tpu.vector_load %arg12[%swap3A_665, %swap3A_666] {strides = array<i32>} : memref<10x128xi32, #tpu.memory_space<vmem>>, vector<1x16xi32>,
    %swap3A_668 = vector.shape_cast %swap3A_667 : vector<1x16xi32> to vector<16xi32>
    %swap3A_669 = vector.shape_cast %add3A_663 : vector<16xi32> to vector<1x16xi32>
    tpu.vector_store %arg12[%swap3A_665, %swap3A_666], %swap3A_669 {strides = array<i32>} : memref<10x128xi32, #tpu.memory_space<vmem>>, vector<1x16xi32>,
    %add3A_670 = vector.broadcast %mul3A_15 : i32 to vector<16xi32>
    %add3A_671 = arith.addi %add3A_670, %add3A_663 : vector<16xi32>
    %swap3A_672 = arith.constant 2 : i32
    %swap3A_673 = arith.index_cast %swap3A_672 : i32 to index
    %swap3A_674 = arith.constant 96 : index
    %swap3A_675 = tpu.vector_load %arg11[%swap3A_673, %swap3A_674] {strides = array<i32>} : memref<10x128xi32, #tpu.memory_space<vmem>>, vector<1x16xi32>,
    %swap3A_676 = vector.shape_cast %swap3A_675 : vector<1x16xi32> to vector<16xi32>
    %swap3A_677 = vector.shape_cast %add3A_671 : vector<16xi32> to vector<1x16xi32>
    tpu.vector_store %arg11[%swap3A_673, %swap3A_674], %swap3A_677 {strides = array<i32>} : memref<10x128xi32, #tpu.memory_space<vmem>>, vector<1x16xi32>,
    %add3A_678 = arith.constant 112 : i32
    %add3A_679 = arith.addi %sub3A_481, %add3A_678 : i32
    %get3A_680 = arith.index_cast %add3A_679 : i32 to index
    %get3A_681 = tpu.vector_load %arg9[%get3A_680] {strides = array<i32>} : memref<1280xi32, #tpu.memory_space<vmem>>, vector<16xi32>,
    %get3A_682 = vector.shape_cast %get3A_681 : vector<16xi32> to vector<16xi32>
    %add3A_683 = arith.constant 112 : i32
    %add3A_684 = arith.addi %sub3A_481, %add3A_683 : i32
    %get3A_685 = arith.index_cast %add3A_684 : i32 to index
    %get3A_686 = tpu.vector_load %arg10[%get3A_685] {strides = array<i32>} : memref<1280xi32, #tpu.memory_space<vmem>>, vector<16xi32>,
    %get3A_687 = vector.shape_cast %get3A_686 : vector<16xi32> to vector<16xi32>
    %mul3A_688 = arith.constant 432 : i32
    %mul3A_689 = vector.broadcast %mul3A_688 : i32 to vector<16xi32>
    %mul3A_690 = arith.muli %get3A_682, %mul3A_689 : vector<16xi32>
    %add3A_691 = arith.addi %mul3A_690, %get3A_687 : vector<16xi32>
    %swap3A_692 = arith.constant 2 : i32
    %swap3A_693 = arith.index_cast %swap3A_692 : i32 to index
    %swap3A_694 = arith.constant 112 : index
    %swap3A_695 = tpu.vector_load %arg12[%swap3A_693, %swap3A_694] {strides = array<i32>} : memref<10x128xi32, #tpu.memory_space<vmem>>, vector<1x16xi32>,
    %swap3A_696 = vector.shape_cast %swap3A_695 : vector<1x16xi32> to vector<16xi32>
    %swap3A_697 = vector.shape_cast %add3A_691 : vector<16xi32> to vector<1x16xi32>
    tpu.vector_store %arg12[%swap3A_693, %swap3A_694], %swap3A_697 {strides = array<i32>} : memref<10x128xi32, #tpu.memory_space<vmem>>, vector<1x16xi32>,
    %add3A_698 = vector.broadcast %mul3A_15 : i32 to vector<16xi32>
    %add3A_699 = arith.addi %add3A_698, %add3A_691 : vector<16xi32>
    %swap3A_700 = arith.constant 2 : i32
    %swap3A_701 = arith.index_cast %swap3A_700 : i32 to index
    %swap3A_702 = arith.constant 112 : index
    %swap3A_703 = tpu.vector_load %arg11[%swap3A_701, %swap3A_702] {strides = array<i32>} : memref<10x128xi32, #tpu.memory_space<vmem>>, vector<1x16xi32>,
    %swap3A_704 = vector.shape_cast %swap3A_703 : vector<1x16xi32> to vector<16xi32>
    %swap3A_705 = vector.shape_cast %add3A_699 : vector<16xi32> to vector<1x16xi32>
    tpu.vector_store %arg11[%swap3A_701, %swap3A_702], %swap3A_705 {strides = array<i32>} : memref<10x128xi32, #tpu.memory_space<vmem>>, vector<1x16xi32>,
    %mul3A_706 = arith.constant 1280 : i32
    %mul3A_707 = arith.muli %arg1, %mul3A_706 : i32
    %add3A_708 = arith.constant 384 : i32
    %add3A_709 = arith.addi %mul3A_707, %add3A_708 : i32
    %min3A_710 = arith.constant 19872 : i32
    %min3A_711 = arith.minsi %add3A_709, %min3A_710 : i32
    %sub3A_712 = arith.subi %min3A_711, %min3A_1 : i32
    %add3A_713 = arith.constant 0 : i32
    %add3A_714 = arith.addi %sub3A_712, %add3A_713 : i32
    %get3A_715 = arith.index_cast %add3A_714 : i32 to index
    %get3A_716 = tpu.vector_load %arg9[%get3A_715] {strides = array<i32>} : memref<1280xi32, #tpu.memory_space<vmem>>, vector<16xi32>,
    %get3A_717 = vector.shape_cast %get3A_716 : vector<16xi32> to vector<16xi32>
    %add3A_718 = arith.constant 0 : i32
    %add3A_719 = arith.addi %sub3A_712, %add3A_718 : i32
    %get3A_720 = arith.index_cast %add3A_719 : i32 to index
    %get3A_721 = tpu.vector_load %arg10[%get3A_720] {strides = array<i32>} : memref<1280xi32, #tpu.memory_space<vmem>>, vector<16xi32>,
    %get3A_722 = vector.shape_cast %get3A_721 : vector<16xi32> to vector<16xi32>
    %mul3A_723 = arith.constant 432 : i32
    %mul3A_724 = vector.broadcast %mul3A_723 : i32 to vector<16xi32>
    %mul3A_725 = arith.muli %get3A_717, %mul3A_724 : vector<16xi32>
    %add3A_726 = arith.addi %mul3A_725, %get3A_722 : vector<16xi32>
    %swap3A_727 = arith.constant 3 : i32
    %swap3A_728 = arith.index_cast %swap3A_727 : i32 to index
    %swap3A_729 = arith.constant 0 : index
    %swap3A_730 = tpu.vector_load %arg12[%swap3A_728, %swap3A_729] {strides = array<i32>} : memref<10x128xi32, #tpu.memory_space<vmem>>, vector<1x16xi32>,
    %swap3A_731 = vector.shape_cast %swap3A_730 : vector<1x16xi32> to vector<16xi32>
    %swap3A_732 = vector.shape_cast %add3A_726 : vector<16xi32> to vector<1x16xi32>
    tpu.vector_store %arg12[%swap3A_728, %swap3A_729], %swap3A_732 {strides = array<i32>} : memref<10x128xi32, #tpu.memory_space<vmem>>, vector<1x16xi32>,
    %add3A_733 = vector.broadcast %mul3A_15 : i32 to vector<16xi32>
    %add3A_734 = arith.addi %add3A_733, %add3A_726 : vector<16xi32>
    %swap3A_735 = arith.constant 3 : i32
    %swap3A_736 = arith.index_cast %swap3A_735 : i32 to index
    %swap3A_737 = arith.constant 0 : index
    %swap3A_738 = tpu.vector_load %arg11[%swap3A_736, %swap3A_737] {strides = array<i32>} : memref<10x128xi32, #tpu.memory_space<vmem>>, vector<1x16xi32>,
    %swap3A_739 = vector.shape_cast %swap3A_738 : vector<1x16xi32> to vector<16xi32>
    %swap3A_740 = vector.shape_cast %add3A_734 : vector<16xi32> to vector<1x16xi32>
    tpu.vector_store %arg11[%swap3A_736, %swap3A_737], %swap3A_740 {strides = array<i32>} : memref<10x128xi32, #tpu.memory_space<vmem>>, vector<1x16xi32>,
    %add3A_741 = arith.constant 16 : i32
    %add3A_742 = arith.addi %sub3A_712, %add3A_741 : i32
    %get3A_743 = arith.index_cast %add3A_742 : i32 to index
    %get3A_744 = tpu.vector_load %arg9[%get3A_743] {strides = array<i32>} : memref<1280xi32, #tpu.memory_space<vmem>>, vector<16xi32>,
    %get3A_745 = vector.shape_cast %get3A_744 : vector<16xi32> to vector<16xi32>
    %add3A_746 = arith.constant 16 : i32
    %add3A_747 = arith.addi %sub3A_712, %add3A_746 : i32
    %get3A_748 = arith.index_cast %add3A_747 : i32 to index
    %get3A_749 = tpu.vector_load %arg10[%get3A_748] {strides = array<i32>} : memref<1280xi32, #tpu.memory_space<vmem>>, vector<16xi32>,
    %get3A_750 = vector.shape_cast %get3A_749 : vector<16xi32> to vector<16xi32>
    %mul3A_751 = arith.constant 432 : i32
    %mul3A_752 = vector.broadcast %mul3A_751 : i32 to vector<16xi32>
    %mul3A_753 = arith.muli %get3A_745, %mul3A_752 : vector<16xi32>
    %add3A_754 = arith.addi %mul3A_753, %get3A_750 : vector<16xi32>
    %swap3A_755 = arith.constant 3 : i32
    %swap3A_756 = arith.index_cast %swap3A_755 : i32 to index
    %swap3A_757 = arith.constant 16 : index
    %swap3A_758 = tpu.vector_load %arg12[%swap3A_756, %swap3A_757] {strides = array<i32>} : memref<10x128xi32, #tpu.memory_space<vmem>>, vector<1x16xi32>,
    %swap3A_759 = vector.shape_cast %swap3A_758 : vector<1x16xi32> to vector<16xi32>
    %swap3A_760 = vector.shape_cast %add3A_754 : vector<16xi32> to vector<1x16xi32>
    tpu.vector_store %arg12[%swap3A_756, %swap3A_757], %swap3A_760 {strides = array<i32>} : memref<10x128xi32, #tpu.memory_space<vmem>>, vector<1x16xi32>,
    %add3A_761 = vector.broadcast %mul3A_15 : i32 to vector<16xi32>
    %add3A_762 = arith.addi %add3A_761, %add3A_754 : vector<16xi32>
    %swap3A_763 = arith.constant 3 : i32
    %swap3A_764 = arith.index_cast %swap3A_763 : i32 to index
    %swap3A_765 = arith.constant 16 : index
    %swap3A_766 = tpu.vector_load %arg11[%swap3A_764, %swap3A_765] {strides = array<i32>} : memref<10x128xi32, #tpu.memory_space<vmem>>, vector<1x16xi32>,
    %swap3A_767 = vector.shape_cast %swap3A_766 : vector<1x16xi32> to vector<16xi32>
    %swap3A_768 = vector.shape_cast %add3A_762 : vector<16xi32> to vector<1x16xi32>
    tpu.vector_store %arg11[%swap3A_764, %swap3A_765], %swap3A_768 {strides = array<i32>} : memref<10x128xi32, #tpu.memory_space<vmem>>, vector<1x16xi32>,
    %add3A_769 = arith.constant 32 : i32
    %add3A_770 = arith.addi %sub3A_712, %add3A_769 : i32
    %get3A_771 = arith.index_cast %add3A_770 : i32 to index
    %get3A_772 = tpu.vector_load %arg9[%get3A_771] {strides = array<i32>} : memref<1280xi32, #tpu.memory_space<vmem>>, vector<16xi32>,
    %get3A_773 = vector.shape_cast %get3A_772 : vector<16xi32> to vector<16xi32>
    %add3A_774 = arith.constant 32 : i32
    %add3A_775 = arith.addi %sub3A_712, %add3A_774 : i32
    %get3A_776 = arith.index_cast %add3A_775 : i32 to index
    %get3A_777 = tpu.vector_load %arg10[%get3A_776] {strides = array<i32>} : memref<1280xi32, #tpu.memory_space<vmem>>, vector<16xi32>,
    %get3A_778 = vector.shape_cast %get3A_777 : vector<16xi32> to vector<16xi32>
    %mul3A_779 = arith.constant 432 : i32
    %mul3A_780 = vector.broadcast %mul3A_779 : i32 to vector<16xi32>
    %mul3A_781 = arith.muli %get3A_773, %mul3A_780 : vector<16xi32>
    %add3A_782 = arith.addi %mul3A_781, %get3A_778 : vector<16xi32>
    %swap3A_783 = arith.constant 3 : i32
    %swap3A_784 = arith.index_cast %swap3A_783 : i32 to index
    %swap3A_785 = arith.constant 32 : index
    %swap3A_786 = tpu.vector_load %arg12[%swap3A_784, %swap3A_785] {strides = array<i32>} : memref<10x128xi32, #tpu.memory_space<vmem>>, vector<1x16xi32>,
    %swap3A_787 = vector.shape_cast %swap3A_786 : vector<1x16xi32> to vector<16xi32>
    %swap3A_788 = vector.shape_cast %add3A_782 : vector<16xi32> to vector<1x16xi32>
    tpu.vector_store %arg12[%swap3A_784, %swap3A_785], %swap3A_788 {strides = array<i32>} : memref<10x128xi32, #tpu.memory_space<vmem>>, vector<1x16xi32>,
    %add3A_789 = vector.broadcast %mul3A_15 : i32 to vector<16xi32>
    %add3A_790 = arith.addi %add3A_789, %add3A_782 : vector<16xi32>
    %swap3A_791 = arith.constant 3 : i32
    %swap3A_792 = arith.index_cast %swap3A_791 : i32 to index
    %swap3A_793 = arith.constant 32 : index
    %swap3A_794 = tpu.vector_load %arg11[%swap3A_792, %swap3A_793] {strides = array<i32>} : memref<10x128xi32, #tpu.memory_space<vmem>>, vector<1x16xi32>,
    %swap3A_795 = vector.shape_cast %swap3A_794 : vector<1x16xi32> to vector<16xi32>
    %swap3A_796 = vector.shape_cast %add3A_790 : vector<16xi32> to vector<1x16xi32>
    tpu.vector_store %arg11[%swap3A_792, %swap3A_793], %swap3A_796 {strides = array<i32>} : memref<10x128xi32, #tpu.memory_space<vmem>>, vector<1x16xi32>,
    %add3A_797 = arith.constant 48 : i32
    %add3A_798 = arith.addi %sub3A_712, %add3A_797 : i32
    %get3A_799 = arith.index_cast %add3A_798 : i32 to index
    %get3A_800 = tpu.vector_load %arg9[%get3A_799] {strides = array<i32>} : memref<1280xi32, #tpu.memory_space<vmem>>, vector<16xi32>,
    %get3A_801 = vector.shape_cast %get3A_800 : vector<16xi32> to vector<16xi32>
    %add3A_802 = arith.constant 48 : i32
    %add3A_803 = arith.addi %sub3A_712, %add3A_802 : i32
    %get3A_804 = arith.index_cast %add3A_803 : i32 to index
    %get3A_805 = tpu.vector_load %arg10[%get3A_804] {strides = array<i32>} : memref<1280xi32, #tpu.memory_space<vmem>>, vector<16xi32>,
    %get3A_806 = vector.shape_cast %get3A_805 : vector<16xi32> to vector<16xi32>
    %mul3A_807 = arith.constant 432 : i32
    %mul3A_808 = vector.broadcast %mul3A_807 : i32 to vector<16xi32>
    %mul3A_809 = arith.muli %get3A_801, %mul3A_808 : vector<16xi32>
    %add3A_810 = arith.addi %mul3A_809, %get3A_806 : vector<16xi32>
    %swap3A_811 = arith.constant 3 : i32
    %swap3A_812 = arith.index_cast %swap3A_811 : i32 to index
    %swap3A_813 = arith.constant 48 : index
    %swap3A_814 = tpu.vector_load %arg12[%swap3A_812, %swap3A_813] {strides = array<i32>} : memref<10x128xi32, #tpu.memory_space<vmem>>, vector<1x16xi32>,
    %swap3A_815 = vector.shape_cast %swap3A_814 : vector<1x16xi32> to vector<16xi32>
    %swap3A_816 = vector.shape_cast %add3A_810 : vector<16xi32> to vector<1x16xi32>
    tpu.vector_store %arg12[%swap3A_812, %swap3A_813], %swap3A_816 {strides = array<i32>} : memref<10x128xi32, #tpu.memory_space<vmem>>, vector<1x16xi32>,
    %add3A_817 = vector.broadcast %mul3A_15 : i32 to vector<16xi32>
    %add3A_818 = arith.addi %add3A_817, %add3A_810 : vector<16xi32>
    %swap3A_819 = arith.constant 3 : i32
    %swap3A_820 = arith.index_cast %swap3A_819 : i32 to index
    %swap3A_821 = arith.constant 48 : index
    %swap3A_822 = tpu.vector_load %arg11[%swap3A_820, %swap3A_821] {strides = array<i32>} : memref<10x128xi32, #tpu.memory_space<vmem>>, vector<1x16xi32>,
    %swap3A_823 = vector.shape_cast %swap3A_822 : vector<1x16xi32> to vector<16xi32>
    %swap3A_824 = vector.shape_cast %add3A_818 : vector<16xi32> to vector<1x16xi32>
    tpu.vector_store %arg11[%swap3A_820, %swap3A_821], %swap3A_824 {strides = array<i32>} : memref<10x128xi32, #tpu.memory_space<vmem>>, vector<1x16xi32>,
    %add3A_825 = arith.constant 64 : i32
    %add3A_826 = arith.addi %sub3A_712, %add3A_825 : i32
    %get3A_827 = arith.index_cast %add3A_826 : i32 to index
    %get3A_828 = tpu.vector_load %arg9[%get3A_827] {strides = array<i32>} : memref<1280xi32, #tpu.memory_space<vmem>>, vector<16xi32>,
    %get3A_829 = vector.shape_cast %get3A_828 : vector<16xi32> to vector<16xi32>
    %add3A_830 = arith.constant 64 : i32
    %add3A_831 = arith.addi %sub3A_712, %add3A_830 : i32
    %get3A_832 = arith.index_cast %add3A_831 : i32 to index
    %get3A_833 = tpu.vector_load %arg10[%get3A_832] {strides = array<i32>} : memref<1280xi32, #tpu.memory_space<vmem>>, vector<16xi32>,
    %get3A_834 = vector.shape_cast %get3A_833 : vector<16xi32> to vector<16xi32>
    %mul3A_835 = arith.constant 432 : i32
    %mul3A_836 = vector.broadcast %mul3A_835 : i32 to vector<16xi32>
    %mul3A_837 = arith.muli %get3A_829, %mul3A_836 : vector<16xi32>
    %add3A_838 = arith.addi %mul3A_837, %get3A_834 : vector<16xi32>
    %swap3A_839 = arith.constant 3 : i32
    %swap3A_840 = arith.index_cast %swap3A_839 : i32 to index
    %swap3A_841 = arith.constant 64 : index
    %swap3A_842 = tpu.vector_load %arg12[%swap3A_840, %swap3A_841] {strides = array<i32>} : memref<10x128xi32, #tpu.memory_space<vmem>>, vector<1x16xi32>,
    %swap3A_843 = vector.shape_cast %swap3A_842 : vector<1x16xi32> to vector<16xi32>
    %swap3A_844 = vector.shape_cast %add3A_838 : vector<16xi32> to vector<1x16xi32>
    tpu.vector_store %arg12[%swap3A_840, %swap3A_841], %swap3A_844 {strides = array<i32>} : memref<10x128xi32, #tpu.memory_space<vmem>>, vector<1x16xi32>,
    %add3A_845 = vector.broadcast %mul3A_15 : i32 to vector<16xi32>
    %add3A_846 = arith.addi %add3A_845, %add3A_838 : vector<16xi32>
    %swap3A_847 = arith.constant 3 : i32
    %swap3A_848 = arith.index_cast %swap3A_847 : i32 to index
    %swap3A_849 = arith.constant 64 : index
    %swap3A_850 = tpu.vector_load %arg11[%swap3A_848, %swap3A_849] {strides = array<i32>} : memref<10x128xi32, #tpu.memory_space<vmem>>, vector<1x16xi32>,
    %swap3A_851 = vector.shape_cast %swap3A_850 : vector<1x16xi32> to vector<16xi32>
    %swap3A_852 = vector.shape_cast %add3A_846 : vector<16xi32> to vector<1x16xi32>
    tpu.vector_store %arg11[%swap3A_848, %swap3A_849], %swap3A_852 {strides = array<i32>} : memref<10x128xi32, #tpu.memory_space<vmem>>, vector<1x16xi32>,
    %add3A_853 = arith.constant 80 : i32
    %add3A_854 = arith.addi %sub3A_712, %add3A_853 : i32
    %get3A_855 = arith.index_cast %add3A_854 : i32 to index
    %get3A_856 = tpu.vector_load %arg9[%get3A_855] {strides = array<i32>} : memref<1280xi32, #tpu.memory_space<vmem>>, vector<16xi32>,
    %get3A_857 = vector.shape_cast %get3A_856 : vector<16xi32> to vector<16xi32>
    %add3A_858 = arith.constant 80 : i32
    %add3A_859 = arith.addi %sub3A_712, %add3A_858 : i32
    %get3A_860 = arith.index_cast %add3A_859 : i32 to index
    %get3A_861 = tpu.vector_load %arg10[%get3A_860] {strides = array<i32>} : memref<1280xi32, #tpu.memory_space<vmem>>, vector<16xi32>,
    %get3A_862 = vector.shape_cast %get3A_861 : vector<16xi32> to vector<16xi32>
    %mul3A_863 = arith.constant 432 : i32
    %mul3A_864 = vector.broadcast %mul3A_863 : i32 to vector<16xi32>
    %mul3A_865 = arith.muli %get3A_857, %mul3A_864 : vector<16xi32>
    %add3A_866 = arith.addi %mul3A_865, %get3A_862 : vector<16xi32>
    %swap3A_867 = arith.constant 3 : i32
    %swap3A_868 = arith.index_cast %swap3A_867 : i32 to index
    %swap3A_869 = arith.constant 80 : index
    %swap3A_870 = tpu.vector_load %arg12[%swap3A_868, %swap3A_869] {strides = array<i32>} : memref<10x128xi32, #tpu.memory_space<vmem>>, vector<1x16xi32>,
    %swap3A_871 = vector.shape_cast %swap3A_870 : vector<1x16xi32> to vector<16xi32>
    %swap3A_872 = vector.shape_cast %add3A_866 : vector<16xi32> to vector<1x16xi32>
    tpu.vector_store %arg12[%swap3A_868, %swap3A_869], %swap3A_872 {strides = array<i32>} : memref<10x128xi32, #tpu.memory_space<vmem>>, vector<1x16xi32>,
    %add3A_873 = vector.broadcast %mul3A_15 : i32 to vector<16xi32>
    %add3A_874 = arith.addi %add3A_873, %add3A_866 : vector<16xi32>
    %swap3A_875 = arith.constant 3 : i32
    %swap3A_876 = arith.index_cast %swap3A_875 : i32 to index
    %swap3A_877 = arith.constant 80 : index
    %swap3A_878 = tpu.vector_load %arg11[%swap3A_876, %swap3A_877] {strides = array<i32>} : memref<10x128xi32, #tpu.memory_space<vmem>>, vector<1x16xi32>,
    %swap3A_879 = vector.shape_cast %swap3A_878 : vector<1x16xi32> to vector<16xi32>
    %swap3A_880 = vector.shape_cast %add3A_874 : vector<16xi32> to vector<1x16xi32>
    tpu.vector_store %arg11[%swap3A_876, %swap3A_877], %swap3A_880 {strides = array<i32>} : memref<10x128xi32, #tpu.memory_space<vmem>>, vector<1x16xi32>,
    %add3A_881 = arith.constant 96 : i32
    %add3A_882 = arith.addi %sub3A_712, %add3A_881 : i32
    %get3A_883 = arith.index_cast %add3A_882 : i32 to index
    %get3A_884 = tpu.vector_load %arg9[%get3A_883] {strides = array<i32>} : memref<1280xi32, #tpu.memory_space<vmem>>, vector<16xi32>,
    %get3A_885 = vector.shape_cast %get3A_884 : vector<16xi32> to vector<16xi32>
    %add3A_886 = arith.constant 96 : i32
    %add3A_887 = arith.addi %sub3A_712, %add3A_886 : i32
    %get3A_888 = arith.index_cast %add3A_887 : i32 to index
    %get3A_889 = tpu.vector_load %arg10[%get3A_888] {strides = array<i32>} : memref<1280xi32, #tpu.memory_space<vmem>>, vector<16xi32>,
    %get3A_890 = vector.shape_cast %get3A_889 : vector<16xi32> to vector<16xi32>
    %mul3A_891 = arith.constant 432 : i32
    %mul3A_892 = vector.broadcast %mul3A_891 : i32 to vector<16xi32>
    %mul3A_893 = arith.muli %get3A_885, %mul3A_892 : vector<16xi32>
    %add3A_894 = arith.addi %mul3A_893, %get3A_890 : vector<16xi32>
    %swap3A_895 = arith.constant 3 : i32
    %swap3A_896 = arith.index_cast %swap3A_895 : i32 to index
    %swap3A_897 = arith.constant 96 : index
    %swap3A_898 = tpu.vector_load %arg12[%swap3A_896, %swap3A_897] {strides = array<i32>} : memref<10x128xi32, #tpu.memory_space<vmem>>, vector<1x16xi32>,
    %swap3A_899 = vector.shape_cast %swap3A_898 : vector<1x16xi32> to vector<16xi32>
    %swap3A_900 = vector.shape_cast %add3A_894 : vector<16xi32> to vector<1x16xi32>
    tpu.vector_store %arg12[%swap3A_896, %swap3A_897], %swap3A_900 {strides = array<i32>} : memref<10x128xi32, #tpu.memory_space<vmem>>, vector<1x16xi32>,
    %add3A_901 = vector.broadcast %mul3A_15 : i32 to vector<16xi32>
    %add3A_902 = arith.addi %add3A_901, %add3A_894 : vector<16xi32>
    %swap3A_903 = arith.constant 3 : i32
    %swap3A_904 = arith.index_cast %swap3A_903 : i32 to index
    %swap3A_905 = arith.constant 96 : index
    %swap3A_906 = tpu.vector_load %arg11[%swap3A_904, %swap3A_905] {strides = array<i32>} : memref<10x128xi32, #tpu.memory_space<vmem>>, vector<1x16xi32>,
    %swap3A_907 = vector.shape_cast %swap3A_906 : vector<1x16xi32> to vector<16xi32>
    %swap3A_908 = vector.shape_cast %add3A_902 : vector<16xi32> to vector<1x16xi32>
    tpu.vector_store %arg11[%swap3A_904, %swap3A_905], %swap3A_908 {strides = array<i32>} : memref<10x128xi32, #tpu.memory_space<vmem>>, vector<1x16xi32>,
    %add3A_909 = arith.constant 112 : i32
    %add3A_910 = arith.addi %sub3A_712, %add3A_909 : i32
    %get3A_911 = arith.index_cast %add3A_910 : i32 to index
    %get3A_912 = tpu.vector_load %arg9[%get3A_911] {strides = array<i32>} : memref<1280xi32, #tpu.memory_space<vmem>>, vector<16xi32>,
    %get3A_913 = vector.shape_cast %get3A_912 : vector<16xi32> to vector<16xi32>
    %add3A_914 = arith.constant 112 : i32
    %add3A_915 = arith.addi %sub3A_712, %add3A_914 : i32
    %get3A_916 = arith.index_cast %add3A_915 : i32 to index
    %get3A_917 = tpu.vector_load %arg10[%get3A_916] {strides = array<i32>} : memref<1280xi32, #tpu.memory_space<vmem>>, vector<16xi32>,
    %get3A_918 = vector.shape_cast %get3A_917 : vector<16xi32> to vector<16xi32>
    %mul3A_919 = arith.constant 432 : i32
    %mul3A_920 = vector.broadcast %mul3A_919 : i32 to vector<16xi32>
    %mul3A_921 = arith.muli %get3A_913, %mul3A_920 : vector<16xi32>
    %add3A_922 = arith.addi %mul3A_921, %get3A_918 : vector<16xi32>
    %swap3A_923 = arith.constant 3 : i32
    %swap3A_924 = arith.index_cast %swap3A_923 : i32 to index
    %swap3A_925 = arith.constant 112 : index
    %swap3A_926 = tpu.vector_load %arg12[%swap3A_924, %swap3A_925] {strides = array<i32>} : memref<10x128xi32, #tpu.memory_space<vmem>>, vector<1x16xi32>,
    %swap3A_927 = vector.shape_cast %swap3A_926 : vector<1x16xi32> to vector<16xi32>
    %swap3A_928 = vector.shape_cast %add3A_922 : vector<16xi32> to vector<1x16xi32>
    tpu.vector_store %arg12[%swap3A_924, %swap3A_925], %swap3A_928 {strides = array<i32>} : memref<10x128xi32, #tpu.memory_space<vmem>>, vector<1x16xi32>,
    %add3A_929 = vector.broadcast %mul3A_15 : i32 to vector<16xi32>
    %add3A_930 = arith.addi %add3A_929, %add3A_922 : vector<16xi32>
    %swap3A_931 = arith.constant 3 : i32
    %swap3A_932 = arith.index_cast %swap3A_931 : i32 to index
    %swap3A_933 = arith.constant 112 : index
    %swap3A_934 = tpu.vector_load %arg11[%swap3A_932, %swap3A_933] {strides = array<i32>} : memref<10x128xi32, #tpu.memory_space<vmem>>, vector<1x16xi32>,
    %swap3A_935 = vector.shape_cast %swap3A_934 : vector<1x16xi32> to vector<16xi32>
    %swap3A_936 = vector.shape_cast %add3A_930 : vector<16xi32> to vector<1x16xi32>
    tpu.vector_store %arg11[%swap3A_932, %swap3A_933], %swap3A_936 {strides = array<i32>} : memref<10x128xi32, #tpu.memory_space<vmem>>, vector<1x16xi32>,
    %mul3A_937 = arith.constant 1280 : i32
    %mul3A_938 = arith.muli %arg1, %mul3A_937 : i32
    %add3A_939 = arith.constant 512 : i32
    %add3A_940 = arith.addi %mul3A_938, %add3A_939 : i32
    %min3A_941 = arith.constant 19872 : i32
    %min3A_942 = arith.minsi %add3A_940, %min3A_941 : i32
    %sub3A_943 = arith.subi %min3A_942, %min3A_1 : i32
    %add3A_944 = arith.constant 0 : i32
    %add3A_945 = arith.addi %sub3A_943, %add3A_944 : i32
    %get3A_946 = arith.index_cast %add3A_945 : i32 to index
    %get3A_947 = tpu.vector_load %arg9[%get3A_946] {strides = array<i32>} : memref<1280xi32, #tpu.memory_space<vmem>>, vector<16xi32>,
    %get3A_948 = vector.shape_cast %get3A_947 : vector<16xi32> to vector<16xi32>
    %add3A_949 = arith.constant 0 : i32
    %add3A_950 = arith.addi %sub3A_943, %add3A_949 : i32
    %get3A_951 = arith.index_cast %add3A_950 : i32 to index
    %get3A_952 = tpu.vector_load %arg10[%get3A_951] {strides = array<i32>} : memref<1280xi32, #tpu.memory_space<vmem>>, vector<16xi32>,
    %get3A_953 = vector.shape_cast %get3A_952 : vector<16xi32> to vector<16xi32>
    %mul3A_954 = arith.constant 432 : i32
    %mul3A_955 = vector.broadcast %mul3A_954 : i32 to vector<16xi32>
    %mul3A_956 = arith.muli %get3A_948, %mul3A_955 : vector<16xi32>
    %add3A_957 = arith.addi %mul3A_956, %get3A_953 : vector<16xi32>
    %swap3A_958 = arith.constant 4 : i32
    %swap3A_959 = arith.index_cast %swap3A_958 : i32 to index
    %swap3A_960 = arith.constant 0 : index
    %swap3A_961 = tpu.vector_load %arg12[%swap3A_959, %swap3A_960] {strides = array<i32>} : memref<10x128xi32, #tpu.memory_space<vmem>>, vector<1x16xi32>,
    %swap3A_962 = vector.shape_cast %swap3A_961 : vector<1x16xi32> to vector<16xi32>
    %swap3A_963 = vector.shape_cast %add3A_957 : vector<16xi32> to vector<1x16xi32>
    tpu.vector_store %arg12[%swap3A_959, %swap3A_960], %swap3A_963 {strides = array<i32>} : memref<10x128xi32, #tpu.memory_space<vmem>>, vector<1x16xi32>,
    %add3A_964 = vector.broadcast %mul3A_15 : i32 to vector<16xi32>
    %add3A_965 = arith.addi %add3A_964, %add3A_957 : vector<16xi32>
    %swap3A_966 = arith.constant 4 : i32
    %swap3A_967 = arith.index_cast %swap3A_966 : i32 to index
    %swap3A_968 = arith.constant 0 : index
    %swap3A_969 = tpu.vector_load %arg11[%swap3A_967, %swap3A_968] {strides = array<i32>} : memref<10x128xi32, #tpu.memory_space<vmem>>, vector<1x16xi32>,
    %swap3A_970 = vector.shape_cast %swap3A_969 : vector<1x16xi32> to vector<16xi32>
    %swap3A_971 = vector.shape_cast %add3A_965 : vector<16xi32> to vector<1x16xi32>
    tpu.vector_store %arg11[%swap3A_967, %swap3A_968], %swap3A_971 {strides = array<i32>} : memref<10x128xi32, #tpu.memory_space<vmem>>, vector<1x16xi32>,
    %add3A_972 = arith.constant 16 : i32
    %add3A_973 = arith.addi %sub3A_943, %add3A_972 : i32
    %get3A_974 = arith.index_cast %add3A_973 : i32 to index
    %get3A_975 = tpu.vector_load %arg9[%get3A_974] {strides = array<i32>} : memref<1280xi32, #tpu.memory_space<vmem>>, vector<16xi32>,
    %get3A_976 = vector.shape_cast %get3A_975 : vector<16xi32> to vector<16xi32>
    %add3A_977 = arith.constant 16 : i32
    %add3A_978 = arith.addi %sub3A_943, %add3A_977 : i32
    %get3A_979 = arith.index_cast %add3A_978 : i32 to index
    %get3A_980 = tpu.vector_load %arg10[%get3A_979] {strides = array<i32>} : memref<1280xi32, #tpu.memory_space<vmem>>, vector<16xi32>,
    %get3A_981 = vector.shape_cast %get3A_980 : vector<16xi32> to vector<16xi32>
    %mul3A_982 = arith.constant 432 : i32
    %mul3A_983 = vector.broadcast %mul3A_982 : i32 to vector<16xi32>
    %mul3A_984 = arith.muli %get3A_976, %mul3A_983 : vector<16xi32>
    %add3A_985 = arith.addi %mul3A_984, %get3A_981 : vector<16xi32>
    %swap3A_986 = arith.constant 4 : i32
    %swap3A_987 = arith.index_cast %swap3A_986 : i32 to index
    %swap3A_988 = arith.constant 16 : index
    %swap3A_989 = tpu.vector_load %arg12[%swap3A_987, %swap3A_988] {strides = array<i32>} : memref<10x128xi32, #tpu.memory_space<vmem>>, vector<1x16xi32>,
    %swap3A_990 = vector.shape_cast %swap3A_989 : vector<1x16xi32> to vector<16xi32>
    %swap3A_991 = vector.shape_cast %add3A_985 : vector<16xi32> to vector<1x16xi32>
    tpu.vector_store %arg12[%swap3A_987, %swap3A_988], %swap3A_991 {strides = array<i32>} : memref<10x128xi32, #tpu.memory_space<vmem>>, vector<1x16xi32>,
    %add3A_992 = vector.broadcast %mul3A_15 : i32 to vector<16xi32>
    %add3A_993 = arith.addi %add3A_992, %add3A_985 : vector<16xi32>
    %swap3A_994 = arith.constant 4 : i32
    %swap3A_995 = arith.index_cast %swap3A_994 : i32 to index
    %swap3A_996 = arith.constant 16 : index
    %swap3A_997 = tpu.vector_load %arg11[%swap3A_995, %swap3A_996] {strides = array<i32>} : memref<10x128xi32, #tpu.memory_space<vmem>>, vector<1x16xi32>,
    %swap3A_998 = vector.shape_cast %swap3A_997 : vector<1x16xi32> to vector<16xi32>
    %swap3A_999 = vector.shape_cast %add3A_993 : vector<16xi32> to vector<1x16xi32>
    tpu.vector_store %arg11[%swap3A_995, %swap3A_996], %swap3A_999 {strides = array<i32>} : memref<10x128xi32, #tpu.memory_space<vmem>>, vector<1x16xi32>,
    %add3A_1000 = arith.constant 32 : i32
    %add3A_1001 = arith.addi %sub3A_943, %add3A_1000 : i32
    %get3A_1002 = arith.index_cast %add3A_1001 : i32 to index
    %get3A_1003 = tpu.vector_load %arg9[%get3A_1002] {strides = array<i32>} : memref<1280xi32, #tpu.memory_space<vmem>>, vector<16xi32>,
    %get3A_1004 = vector.shape_cast %get3A_1003 : vector<16xi32> to vector<16xi32>
    %add3A_1005 = arith.constant 32 : i32
    %add3A_1006 = arith.addi %sub3A_943, %add3A_1005 : i32
    %get3A_1007 = arith.index_cast %add3A_1006 : i32 to index
    %get3A_1008 = tpu.vector_load %arg10[%get3A_1007] {strides = array<i32>} : memref<1280xi32, #tpu.memory_space<vmem>>, vector<16xi32>,
    %get3A_1009 = vector.shape_cast %get3A_1008 : vector<16xi32> to vector<16xi32>
    %mul3A_1010 = arith.constant 432 : i32
    %mul3A_1011 = vector.broadcast %mul3A_1010 : i32 to vector<16xi32>
    %mul3A_1012 = arith.muli %get3A_1004, %mul3A_1011 : vector<16xi32>
    %add3A_1013 = arith.addi %mul3A_1012, %get3A_1009 : vector<16xi32>
    %swap3A_1014 = arith.constant 4 : i32
    %swap3A_1015 = arith.index_cast %swap3A_1014 : i32 to index
    %swap3A_1016 = arith.constant 32 : index
    %swap3A_1017 = tpu.vector_load %arg12[%swap3A_1015, %swap3A_1016] {strides = array<i32>} : memref<10x128xi32, #tpu.memory_space<vmem>>, vector<1x16xi32>,
    %swap3A_1018 = vector.shape_cast %swap3A_1017 : vector<1x16xi32> to vector<16xi32>
    %swap3A_1019 = vector.shape_cast %add3A_1013 : vector<16xi32> to vector<1x16xi32>
    tpu.vector_store %arg12[%swap3A_1015, %swap3A_1016], %swap3A_1019 {strides = array<i32>} : memref<10x128xi32, #tpu.memory_space<vmem>>, vector<1x16xi32>,
    %add3A_1020 = vector.broadcast %mul3A_15 : i32 to vector<16xi32>
    %add3A_1021 = arith.addi %add3A_1020, %add3A_1013 : vector<16xi32>
    %swap3A_1022 = arith.constant 4 : i32
    %swap3A_1023 = arith.index_cast %swap3A_1022 : i32 to index
    %swap3A_1024 = arith.constant 32 : index
    %swap3A_1025 = tpu.vector_load %arg11[%swap3A_1023, %swap3A_1024] {strides = array<i32>} : memref<10x128xi32, #tpu.memory_space<vmem>>, vector<1x16xi32>,
    %swap3A_1026 = vector.shape_cast %swap3A_1025 : vector<1x16xi32> to vector<16xi32>
    %swap3A_1027 = vector.shape_cast %add3A_1021 : vector<16xi32> to vector<1x16xi32>
    tpu.vector_store %arg11[%swap3A_1023, %swap3A_1024], %swap3A_1027 {strides = array<i32>} : memref<10x128xi32, #tpu.memory_space<vmem>>, vector<1x16xi32>,
    %add3A_1028 = arith.constant 48 : i32
    %add3A_1029 = arith.addi %sub3A_943, %add3A_1028 : i32
    %get3A_1030 = arith.index_cast %add3A_1029 : i32 to index
    %get3A_1031 = tpu.vector_load %arg9[%get3A_1030] {strides = array<i32>} : memref<1280xi32, #tpu.memory_space<vmem>>, vector<16xi32>,
    %get3A_1032 = vector.shape_cast %get3A_1031 : vector<16xi32> to vector<16xi32>
    %add3A_1033 = arith.constant 48 : i32
    %add3A_1034 = arith.addi %sub3A_943, %add3A_1033 : i32
    %get3A_1035 = arith.index_cast %add3A_1034 : i32 to index
    %get3A_1036 = tpu.vector_load %arg10[%get3A_1035] {strides = array<i32>} : memref<1280xi32, #tpu.memory_space<vmem>>, vector<16xi32>,
    %get3A_1037 = vector.shape_cast %get3A_1036 : vector<16xi32> to vector<16xi32>
    %mul3A_1038 = arith.constant 432 : i32
    %mul3A_1039 = vector.broadcast %mul3A_1038 : i32 to vector<16xi32>
    %mul3A_1040 = arith.muli %get3A_1032, %mul3A_1039 : vector<16xi32>
    %add3A_1041 = arith.addi %mul3A_1040, %get3A_1037 : vector<16xi32>
    %swap3A_1042 = arith.constant 4 : i32
    %swap3A_1043 = arith.index_cast %swap3A_1042 : i32 to index
    %swap3A_1044 = arith.constant 48 : index
    %swap3A_1045 = tpu.vector_load %arg12[%swap3A_1043, %swap3A_1044] {strides = array<i32>} : memref<10x128xi32, #tpu.memory_space<vmem>>, vector<1x16xi32>,
    %swap3A_1046 = vector.shape_cast %swap3A_1045 : vector<1x16xi32> to vector<16xi32>
    %swap3A_1047 = vector.shape_cast %add3A_1041 : vector<16xi32> to vector<1x16xi32>
    tpu.vector_store %arg12[%swap3A_1043, %swap3A_1044], %swap3A_1047 {strides = array<i32>} : memref<10x128xi32, #tpu.memory_space<vmem>>, vector<1x16xi32>,
    %add3A_1048 = vector.broadcast %mul3A_15 : i32 to vector<16xi32>
    %add3A_1049 = arith.addi %add3A_1048, %add3A_1041 : vector<16xi32>
    %swap3A_1050 = arith.constant 4 : i32
    %swap3A_1051 = arith.index_cast %swap3A_1050 : i32 to index
    %swap3A_1052 = arith.constant 48 : index
    %swap3A_1053 = tpu.vector_load %arg11[%swap3A_1051, %swap3A_1052] {strides = array<i32>} : memref<10x128xi32, #tpu.memory_space<vmem>>, vector<1x16xi32>,
    %swap3A_1054 = vector.shape_cast %swap3A_1053 : vector<1x16xi32> to vector<16xi32>
    %swap3A_1055 = vector.shape_cast %add3A_1049 : vector<16xi32> to vector<1x16xi32>
    tpu.vector_store %arg11[%swap3A_1051, %swap3A_1052], %swap3A_1055 {strides = array<i32>} : memref<10x128xi32, #tpu.memory_space<vmem>>, vector<1x16xi32>,
    %add3A_1056 = arith.constant 64 : i32
    %add3A_1057 = arith.addi %sub3A_943, %add3A_1056 : i32
    %get3A_1058 = arith.index_cast %add3A_1057 : i32 to index
    %get3A_1059 = tpu.vector_load %arg9[%get3A_1058] {strides = array<i32>} : memref<1280xi32, #tpu.memory_space<vmem>>, vector<16xi32>,
    %get3A_1060 = vector.shape_cast %get3A_1059 : vector<16xi32> to vector<16xi32>
    %add3A_1061 = arith.constant 64 : i32
    %add3A_1062 = arith.addi %sub3A_943, %add3A_1061 : i32
    %get3A_1063 = arith.index_cast %add3A_1062 : i32 to index
    %get3A_1064 = tpu.vector_load %arg10[%get3A_1063] {strides = array<i32>} : memref<1280xi32, #tpu.memory_space<vmem>>, vector<16xi32>,
    %get3A_1065 = vector.shape_cast %get3A_1064 : vector<16xi32> to vector<16xi32>
    %mul3A_1066 = arith.constant 432 : i32
    %mul3A_1067 = vector.broadcast %mul3A_1066 : i32 to vector<16xi32>
    %mul3A_1068 = arith.muli %get3A_1060, %mul3A_1067 : vector<16xi32>
    %add3A_1069 = arith.addi %mul3A_1068, %get3A_1065 : vector<16xi32>
    %swap3A_1070 = arith.constant 4 : i32
    %swap3A_1071 = arith.index_cast %swap3A_1070 : i32 to index
    %swap3A_1072 = arith.constant 64 : index
    %swap3A_1073 = tpu.vector_load %arg12[%swap3A_1071, %swap3A_1072] {strides = array<i32>} : memref<10x128xi32, #tpu.memory_space<vmem>>, vector<1x16xi32>,
    %swap3A_1074 = vector.shape_cast %swap3A_1073 : vector<1x16xi32> to vector<16xi32>
    %swap3A_1075 = vector.shape_cast %add3A_1069 : vector<16xi32> to vector<1x16xi32>
    tpu.vector_store %arg12[%swap3A_1071, %swap3A_1072], %swap3A_1075 {strides = array<i32>} : memref<10x128xi32, #tpu.memory_space<vmem>>, vector<1x16xi32>,
    %add3A_1076 = vector.broadcast %mul3A_15 : i32 to vector<16xi32>
    %add3A_1077 = arith.addi %add3A_1076, %add3A_1069 : vector<16xi32>
    %swap3A_1078 = arith.constant 4 : i32
    %swap3A_1079 = arith.index_cast %swap3A_1078 : i32 to index
    %swap3A_1080 = arith.constant 64 : index
    %swap3A_1081 = tpu.vector_load %arg11[%swap3A_1079, %swap3A_1080] {strides = array<i32>} : memref<10x128xi32, #tpu.memory_space<vmem>>, vector<1x16xi32>,
    %swap3A_1082 = vector.shape_cast %swap3A_1081 : vector<1x16xi32> to vector<16xi32>
    %swap3A_1083 = vector.shape_cast %add3A_1077 : vector<16xi32> to vector<1x16xi32>
    tpu.vector_store %arg11[%swap3A_1079, %swap3A_1080], %swap3A_1083 {strides = array<i32>} : memref<10x128xi32, #tpu.memory_space<vmem>>, vector<1x16xi32>,
    %add3A_1084 = arith.constant 80 : i32
    %add3A_1085 = arith.addi %sub3A_943, %add3A_1084 : i32
    %get3A_1086 = arith.index_cast %add3A_1085 : i32 to index
    %get3A_1087 = tpu.vector_load %arg9[%get3A_1086] {strides = array<i32>} : memref<1280xi32, #tpu.memory_space<vmem>>, vector<16xi32>,
    %get3A_1088 = vector.shape_cast %get3A_1087 : vector<16xi32> to vector<16xi32>
    %add3A_1089 = arith.constant 80 : i32
    %add3A_1090 = arith.addi %sub3A_943, %add3A_1089 : i32
    %get3A_1091 = arith.index_cast %add3A_1090 : i32 to index
    %get3A_1092 = tpu.vector_load %arg10[%get3A_1091] {strides = array<i32>} : memref<1280xi32, #tpu.memory_space<vmem>>, vector<16xi32>,
    %get3A_1093 = vector.shape_cast %get3A_1092 : vector<16xi32> to vector<16xi32>
    %mul3A_1094 = arith.constant 432 : i32
    %mul3A_1095 = vector.broadcast %mul3A_1094 : i32 to vector<16xi32>
    %mul3A_1096 = arith.muli %get3A_1088, %mul3A_1095 : vector<16xi32>
    %add3A_1097 = arith.addi %mul3A_1096, %get3A_1093 : vector<16xi32>
    %swap3A_1098 = arith.constant 4 : i32
    %swap3A_1099 = arith.index_cast %swap3A_1098 : i32 to index
    %swap3A_1100 = arith.constant 80 : index
    %swap3A_1101 = tpu.vector_load %arg12[%swap3A_1099, %swap3A_1100] {strides = array<i32>} : memref<10x128xi32, #tpu.memory_space<vmem>>, vector<1x16xi32>,
    %swap3A_1102 = vector.shape_cast %swap3A_1101 : vector<1x16xi32> to vector<16xi32>
    %swap3A_1103 = vector.shape_cast %add3A_1097 : vector<16xi32> to vector<1x16xi32>
    tpu.vector_store %arg12[%swap3A_1099, %swap3A_1100], %swap3A_1103 {strides = array<i32>} : memref<10x128xi32, #tpu.memory_space<vmem>>, vector<1x16xi32>,
    %add3A_1104 = vector.broadcast %mul3A_15 : i32 to vector<16xi32>
    %add3A_1105 = arith.addi %add3A_1104, %add3A_1097 : vector<16xi32>
    %swap3A_1106 = arith.constant 4 : i32
    %swap3A_1107 = arith.index_cast %swap3A_1106 : i32 to index
    %swap3A_1108 = arith.constant 80 : index
    %swap3A_1109 = tpu.vector_load %arg11[%swap3A_1107, %swap3A_1108] {strides = array<i32>} : memref<10x128xi32, #tpu.memory_space<vmem>>, vector<1x16xi32>,
    %swap3A_1110 = vector.shape_cast %swap3A_1109 : vector<1x16xi32> to vector<16xi32>
    %swap3A_1111 = vector.shape_cast %add3A_1105 : vector<16xi32> to vector<1x16xi32>
    tpu.vector_store %arg11[%swap3A_1107, %swap3A_1108], %swap3A_1111 {strides = array<i32>} : memref<10x128xi32, #tpu.memory_space<vmem>>, vector<1x16xi32>,
    %add3A_1112 = arith.constant 96 : i32
    %add3A_1113 = arith.addi %sub3A_943, %add3A_1112 : i32
    %get3A_1114 = arith.index_cast %add3A_1113 : i32 to index
    %get3A_1115 = tpu.vector_load %arg9[%get3A_1114] {strides = array<i32>} : memref<1280xi32, #tpu.memory_space<vmem>>, vector<16xi32>,
    %get3A_1116 = vector.shape_cast %get3A_1115 : vector<16xi32> to vector<16xi32>
    %add3A_1117 = arith.constant 96 : i32
    %add3A_1118 = arith.addi %sub3A_943, %add3A_1117 : i32
    %get3A_1119 = arith.index_cast %add3A_1118 : i32 to index
    %get3A_1120 = tpu.vector_load %arg10[%get3A_1119] {strides = array<i32>} : memref<1280xi32, #tpu.memory_space<vmem>>, vector<16xi32>,
    %get3A_1121 = vector.shape_cast %get3A_1120 : vector<16xi32> to vector<16xi32>
    %mul3A_1122 = arith.constant 432 : i32
    %mul3A_1123 = vector.broadcast %mul3A_1122 : i32 to vector<16xi32>
    %mul3A_1124 = arith.muli %get3A_1116, %mul3A_1123 : vector<16xi32>
    %add3A_1125 = arith.addi %mul3A_1124, %get3A_1121 : vector<16xi32>
    %swap3A_1126 = arith.constant 4 : i32
    %swap3A_1127 = arith.index_cast %swap3A_1126 : i32 to index
    %swap3A_1128 = arith.constant 96 : index
    %swap3A_1129 = tpu.vector_load %arg12[%swap3A_1127, %swap3A_1128] {strides = array<i32>} : memref<10x128xi32, #tpu.memory_space<vmem>>, vector<1x16xi32>,
    %swap3A_1130 = vector.shape_cast %swap3A_1129 : vector<1x16xi32> to vector<16xi32>
    %swap3A_1131 = vector.shape_cast %add3A_1125 : vector<16xi32> to vector<1x16xi32>
    tpu.vector_store %arg12[%swap3A_1127, %swap3A_1128], %swap3A_1131 {strides = array<i32>} : memref<10x128xi32, #tpu.memory_space<vmem>>, vector<1x16xi32>,
    %add3A_1132 = vector.broadcast %mul3A_15 : i32 to vector<16xi32>
    %add3A_1133 = arith.addi %add3A_1132, %add3A_1125 : vector<16xi32>
    %swap3A_1134 = arith.constant 4 : i32
    %swap3A_1135 = arith.index_cast %swap3A_1134 : i32 to index
    %swap3A_1136 = arith.constant 96 : index
    %swap3A_1137 = tpu.vector_load %arg11[%swap3A_1135, %swap3A_1136] {strides = array<i32>} : memref<10x128xi32, #tpu.memory_space<vmem>>, vector<1x16xi32>,
    %swap3A_1138 = vector.shape_cast %swap3A_1137 : vector<1x16xi32> to vector<16xi32>
    %swap3A_1139 = vector.shape_cast %add3A_1133 : vector<16xi32> to vector<1x16xi32>
    tpu.vector_store %arg11[%swap3A_1135, %swap3A_1136], %swap3A_1139 {strides = array<i32>} : memref<10x128xi32, #tpu.memory_space<vmem>>, vector<1x16xi32>,
    %add3A_1140 = arith.constant 112 : i32
    %add3A_1141 = arith.addi %sub3A_943, %add3A_1140 : i32
    %get3A_1142 = arith.index_cast %add3A_1141 : i32 to index
    %get3A_1143 = tpu.vector_load %arg9[%get3A_1142] {strides = array<i32>} : memref<1280xi32, #tpu.memory_space<vmem>>, vector<16xi32>,
    %get3A_1144 = vector.shape_cast %get3A_1143 : vector<16xi32> to vector<16xi32>
    %add3A_1145 = arith.constant 112 : i32
    %add3A_1146 = arith.addi %sub3A_943, %add3A_1145 : i32
    %get3A_1147 = arith.index_cast %add3A_1146 : i32 to index
    %get3A_1148 = tpu.vector_load %arg10[%get3A_1147] {strides = array<i32>} : memref<1280xi32, #tpu.memory_space<vmem>>, vector<16xi32>,
    %get3A_1149 = vector.shape_cast %get3A_1148 : vector<16xi32> to vector<16xi32>
    %mul3A_1150 = arith.constant 432 : i32
    %mul3A_1151 = vector.broadcast %mul3A_1150 : i32 to vector<16xi32>
    %mul3A_1152 = arith.muli %get3A_1144, %mul3A_1151 : vector<16xi32>
    %add3A_1153 = arith.addi %mul3A_1152, %get3A_1149 : vector<16xi32>
    %swap3A_1154 = arith.constant 4 : i32
    %swap3A_1155 = arith.index_cast %swap3A_1154 : i32 to index
    %swap3A_1156 = arith.constant 112 : index
    %swap3A_1157 = tpu.vector_load %arg12[%swap3A_1155, %swap3A_1156] {strides = array<i32>} : memref<10x128xi32, #tpu.memory_space<vmem>>, vector<1x16xi32>,
    %swap3A_1158 = vector.shape_cast %swap3A_1157 : vector<1x16xi32> to vector<16xi32>
    %swap3A_1159 = vector.shape_cast %add3A_1153 : vector<16xi32> to vector<1x16xi32>
    tpu.vector_store %arg12[%swap3A_1155, %swap3A_1156], %swap3A_1159 {strides = array<i32>} : memref<10x128xi32, #tpu.memory_space<vmem>>, vector<1x16xi32>,
    %add3A_1160 = vector.broadcast %mul3A_15 : i32 to vector<16xi32>
    %add3A_1161 = arith.addi %add3A_1160, %add3A_1153 : vector<16xi32>
    %swap3A_1162 = arith.constant 4 : i32
    %swap3A_1163 = arith.index_cast %swap3A_1162 : i32 to index
    %swap3A_1164 = arith.constant 112 : index
    %swap3A_1165 = tpu.vector_load %arg11[%swap3A_1163, %swap3A_1164] {strides = array<i32>} : memref<10x128xi32, #tpu.memory_space<vmem>>, vector<1x16xi32>,
    %swap3A_1166 = vector.shape_cast %swap3A_1165 : vector<1x16xi32> to vector<16xi32>
    %swap3A_1167 = vector.shape_cast %add3A_1161 : vector<16xi32> to vector<1x16xi32>
    tpu.vector_store %arg11[%swap3A_1163, %swap3A_1164], %swap3A_1167 {strides = array<i32>} : memref<10x128xi32, #tpu.memory_space<vmem>>, vector<1x16xi32>,
    %mul3A_1168 = arith.constant 1280 : i32
    %mul3A_1169 = arith.muli %arg1, %mul3A_1168 : i32
    %add3A_1170 = arith.constant 640 : i32
    %add3A_1171 = arith.addi %mul3A_1169, %add3A_1170 : i32
    %min3A_1172 = arith.constant 19872 : i32
    %min3A_1173 = arith.minsi %add3A_1171, %min3A_1172 : i32
    %sub3A_1174 = arith.subi %min3A_1173, %min3A_1 : i32
    %add3A_1175 = arith.constant 0 : i32
    %add3A_1176 = arith.addi %sub3A_1174, %add3A_1175 : i32
    %get3A_1177 = arith.index_cast %add3A_1176 : i32 to index
    %get3A_1178 = tpu.vector_load %arg9[%get3A_1177] {strides = array<i32>} : memref<1280xi32, #tpu.memory_space<vmem>>, vector<16xi32>,
    %get3A_1179 = vector.shape_cast %get3A_1178 : vector<16xi32> to vector<16xi32>
    %add3A_1180 = arith.constant 0 : i32
    %add3A_1181 = arith.addi %sub3A_1174, %add3A_1180 : i32
    %get3A_1182 = arith.index_cast %add3A_1181 : i32 to index
    %get3A_1183 = tpu.vector_load %arg10[%get3A_1182] {strides = array<i32>} : memref<1280xi32, #tpu.memory_space<vmem>>, vector<16xi32>,
    %get3A_1184 = vector.shape_cast %get3A_1183 : vector<16xi32> to vector<16xi32>
    %mul3A_1185 = arith.constant 432 : i32
    %mul3A_1186 = vector.broadcast %mul3A_1185 : i32 to vector<16xi32>
    %mul3A_1187 = arith.muli %get3A_1179, %mul3A_1186 : vector<16xi32>
    %add3A_1188 = arith.addi %mul3A_1187, %get3A_1184 : vector<16xi32>
    %swap3A_1189 = arith.constant 5 : i32
    %swap3A_1190 = arith.index_cast %swap3A_1189 : i32 to index
    %swap3A_1191 = arith.constant 0 : index
    %swap3A_1192 = tpu.vector_load %arg12[%swap3A_1190, %swap3A_1191] {strides = array<i32>} : memref<10x128xi32, #tpu.memory_space<vmem>>, vector<1x16xi32>,
    %swap3A_1193 = vector.shape_cast %swap3A_1192 : vector<1x16xi32> to vector<16xi32>
    %swap3A_1194 = vector.shape_cast %add3A_1188 : vector<16xi32> to vector<1x16xi32>
    tpu.vector_store %arg12[%swap3A_1190, %swap3A_1191], %swap3A_1194 {strides = array<i32>} : memref<10x128xi32, #tpu.memory_space<vmem>>, vector<1x16xi32>,
    %add3A_1195 = vector.broadcast %mul3A_15 : i32 to vector<16xi32>
    %add3A_1196 = arith.addi %add3A_1195, %add3A_1188 : vector<16xi32>
    %swap3A_1197 = arith.constant 5 : i32
    %swap3A_1198 = arith.index_cast %swap3A_1197 : i32 to index
    %swap3A_1199 = arith.constant 0 : index
    %swap3A_1200 = tpu.vector_load %arg11[%swap3A_1198, %swap3A_1199] {strides = array<i32>} : memref<10x128xi32, #tpu.memory_space<vmem>>, vector<1x16xi32>,
    %swap3A_1201 = vector.shape_cast %swap3A_1200 : vector<1x16xi32> to vector<16xi32>
    %swap3A_1202 = vector.shape_cast %add3A_1196 : vector<16xi32> to vector<1x16xi32>
    tpu.vector_store %arg11[%swap3A_1198, %swap3A_1199], %swap3A_1202 {strides = array<i32>} : memref<10x128xi32, #tpu.memory_space<vmem>>, vector<1x16xi32>,
    %add3A_1203 = arith.constant 16 : i32
    %add3A_1204 = arith.addi %sub3A_1174, %add3A_1203 : i32
    %get3A_1205 = arith.index_cast %add3A_1204 : i32 to index
    %get3A_1206 = tpu.vector_load %arg9[%get3A_1205] {strides = array<i32>} : memref<1280xi32, #tpu.memory_space<vmem>>, vector<16xi32>,
    %get3A_1207 = vector.shape_cast %get3A_1206 : vector<16xi32> to vector<16xi32>
    %add3A_1208 = arith.constant 16 : i32
    %add3A_1209 = arith.addi %sub3A_1174, %add3A_1208 : i32
    %get3A_1210 = arith.index_cast %add3A_1209 : i32 to index
    %get3A_1211 = tpu.vector_load %arg10[%get3A_1210] {strides = array<i32>} : memref<1280xi32, #tpu.memory_space<vmem>>, vector<16xi32>,
    %get3A_1212 = vector.shape_cast %get3A_1211 : vector<16xi32> to vector<16xi32>
    %mul3A_1213 = arith.constant 432 : i32
    %mul3A_1214 = vector.broadcast %mul3A_1213 : i32 to vector<16xi32>
    %mul3A_1215 = arith.muli %get3A_1207, %mul3A_1214 : vector<16xi32>
    %add3A_1216 = arith.addi %mul3A_1215, %get3A_1212 : vector<16xi32>
    %swap3A_1217 = arith.constant 5 : i32
    %swap3A_1218 = arith.index_cast %swap3A_1217 : i32 to index
    %swap3A_1219 = arith.constant 16 : index
    %swap3A_1220 = tpu.vector_load %arg12[%swap3A_1218, %swap3A_1219] {strides = array<i32>} : memref<10x128xi32, #tpu.memory_space<vmem>>, vector<1x16xi32>,
    %swap3A_1221 = vector.shape_cast %swap3A_1220 : vector<1x16xi32> to vector<16xi32>
    %swap3A_1222 = vector.shape_cast %add3A_1216 : vector<16xi32> to vector<1x16xi32>
    tpu.vector_store %arg12[%swap3A_1218, %swap3A_1219], %swap3A_1222 {strides = array<i32>} : memref<10x128xi32, #tpu.memory_space<vmem>>, vector<1x16xi32>,
    %add3A_1223 = vector.broadcast %mul3A_15 : i32 to vector<16xi32>
    %add3A_1224 = arith.addi %add3A_1223, %add3A_1216 : vector<16xi32>
    %swap3A_1225 = arith.constant 5 : i32
    %swap3A_1226 = arith.index_cast %swap3A_1225 : i32 to index
    %swap3A_1227 = arith.constant 16 : index
    %swap3A_1228 = tpu.vector_load %arg11[%swap3A_1226, %swap3A_1227] {strides = array<i32>} : memref<10x128xi32, #tpu.memory_space<vmem>>, vector<1x16xi32>,
    %swap3A_1229 = vector.shape_cast %swap3A_1228 : vector<1x16xi32> to vector<16xi32>
    %swap3A_1230 = vector.shape_cast %add3A_1224 : vector<16xi32> to vector<1x16xi32>
    tpu.vector_store %arg11[%swap3A_1226, %swap3A_1227], %swap3A_1230 {strides = array<i32>} : memref<10x128xi32, #tpu.memory_space<vmem>>, vector<1x16xi32>,
    %add3A_1231 = arith.constant 32 : i32
    %add3A_1232 = arith.addi %sub3A_1174, %add3A_1231 : i32
    %get3A_1233 = arith.index_cast %add3A_1232 : i32 to index
    %get3A_1234 = tpu.vector_load %arg9[%get3A_1233] {strides = array<i32>} : memref<1280xi32, #tpu.memory_space<vmem>>, vector<16xi32>,
    %get3A_1235 = vector.shape_cast %get3A_1234 : vector<16xi32> to vector<16xi32>
    %add3A_1236 = arith.constant 32 : i32
    %add3A_1237 = arith.addi %sub3A_1174, %add3A_1236 : i32
    %get3A_1238 = arith.index_cast %add3A_1237 : i32 to index
    %get3A_1239 = tpu.vector_load %arg10[%get3A_1238] {strides = array<i32>} : memref<1280xi32, #tpu.memory_space<vmem>>, vector<16xi32>,
    %get3A_1240 = vector.shape_cast %get3A_1239 : vector<16xi32> to vector<16xi32>
    %mul3A_1241 = arith.constant 432 : i32
    %mul3A_1242 = vector.broadcast %mul3A_1241 : i32 to vector<16xi32>
    %mul3A_1243 = arith.muli %get3A_1235, %mul3A_1242 : vector<16xi32>
    %add3A_1244 = arith.addi %mul3A_1243, %get3A_1240 : vector<16xi32>
    %swap3A_1245 = arith.constant 5 : i32
    %swap3A_1246 = arith.index_cast %swap3A_1245 : i32 to index
    %swap3A_1247 = arith.constant 32 : index
    %swap3A_1248 = tpu.vector_load %arg12[%swap3A_1246, %swap3A_1247] {strides = array<i32>} : memref<10x128xi32, #tpu.memory_space<vmem>>, vector<1x16xi32>,
    %swap3A_1249 = vector.shape_cast %swap3A_1248 : vector<1x16xi32> to vector<16xi32>
    %swap3A_1250 = vector.shape_cast %add3A_1244 : vector<16xi32> to vector<1x16xi32>
    tpu.vector_store %arg12[%swap3A_1246, %swap3A_1247], %swap3A_1250 {strides = array<i32>} : memref<10x128xi32, #tpu.memory_space<vmem>>, vector<1x16xi32>,
    %add3A_1251 = vector.broadcast %mul3A_15 : i32 to vector<16xi32>
    %add3A_1252 = arith.addi %add3A_1251, %add3A_1244 : vector<16xi32>
    %swap3A_1253 = arith.constant 5 : i32
    %swap3A_1254 = arith.index_cast %swap3A_1253 : i32 to index
    %swap3A_1255 = arith.constant 32 : index
    %swap3A_1256 = tpu.vector_load %arg11[%swap3A_1254, %swap3A_1255] {strides = array<i32>} : memref<10x128xi32, #tpu.memory_space<vmem>>, vector<1x16xi32>,
    %swap3A_1257 = vector.shape_cast %swap3A_1256 : vector<1x16xi32> to vector<16xi32>
    %swap3A_1258 = vector.shape_cast %add3A_1252 : vector<16xi32> to vector<1x16xi32>
    tpu.vector_store %arg11[%swap3A_1254, %swap3A_1255], %swap3A_1258 {strides = array<i32>} : memref<10x128xi32, #tpu.memory_space<vmem>>, vector<1x16xi32>,
    %add3A_1259 = arith.constant 48 : i32
    %add3A_1260 = arith.addi %sub3A_1174, %add3A_1259 : i32
    %get3A_1261 = arith.index_cast %add3A_1260 : i32 to index
    %get3A_1262 = tpu.vector_load %arg9[%get3A_1261] {strides = array<i32>} : memref<1280xi32, #tpu.memory_space<vmem>>, vector<16xi32>,
    %get3A_1263 = vector.shape_cast %get3A_1262 : vector<16xi32> to vector<16xi32>
    %add3A_1264 = arith.constant 48 : i32
    %add3A_1265 = arith.addi %sub3A_1174, %add3A_1264 : i32
    %get3A_1266 = arith.index_cast %add3A_1265 : i32 to index
    %get3A_1267 = tpu.vector_load %arg10[%get3A_1266] {strides = array<i32>} : memref<1280xi32, #tpu.memory_space<vmem>>, vector<16xi32>,
    %get3A_1268 = vector.shape_cast %get3A_1267 : vector<16xi32> to vector<16xi32>
    %mul3A_1269 = arith.constant 432 : i32
    %mul3A_1270 = vector.broadcast %mul3A_1269 : i32 to vector<16xi32>
    %mul3A_1271 = arith.muli %get3A_1263, %mul3A_1270 : vector<16xi32>
    %add3A_1272 = arith.addi %mul3A_1271, %get3A_1268 : vector<16xi32>
    %swap3A_1273 = arith.constant 5 : i32
    %swap3A_1274 = arith.index_cast %swap3A_1273 : i32 to index
    %swap3A_1275 = arith.constant 48 : index
    %swap3A_1276 = tpu.vector_load %arg12[%swap3A_1274, %swap3A_1275] {strides = array<i32>} : memref<10x128xi32, #tpu.memory_space<vmem>>, vector<1x16xi32>,
    %swap3A_1277 = vector.shape_cast %swap3A_1276 : vector<1x16xi32> to vector<16xi32>
    %swap3A_1278 = vector.shape_cast %add3A_1272 : vector<16xi32> to vector<1x16xi32>
    tpu.vector_store %arg12[%swap3A_1274, %swap3A_1275], %swap3A_1278 {strides = array<i32>} : memref<10x128xi32, #tpu.memory_space<vmem>>, vector<1x16xi32>,
    %add3A_1279 = vector.broadcast %mul3A_15 : i32 to vector<16xi32>
    %add3A_1280 = arith.addi %add3A_1279, %add3A_1272 : vector<16xi32>
    %swap3A_1281 = arith.constant 5 : i32
    %swap3A_1282 = arith.index_cast %swap3A_1281 : i32 to index
    %swap3A_1283 = arith.constant 48 : index
    %swap3A_1284 = tpu.vector_load %arg11[%swap3A_1282, %swap3A_1283] {strides = array<i32>} : memref<10x128xi32, #tpu.memory_space<vmem>>, vector<1x16xi32>,
    %swap3A_1285 = vector.shape_cast %swap3A_1284 : vector<1x16xi32> to vector<16xi32>
    %swap3A_1286 = vector.shape_cast %add3A_1280 : vector<16xi32> to vector<1x16xi32>
    tpu.vector_store %arg11[%swap3A_1282, %swap3A_1283], %swap3A_1286 {strides = array<i32>} : memref<10x128xi32, #tpu.memory_space<vmem>>, vector<1x16xi32>,
    %add3A_1287 = arith.constant 64 : i32
    %add3A_1288 = arith.addi %sub3A_1174, %add3A_1287 : i32
    %get3A_1289 = arith.index_cast %add3A_1288 : i32 to index
    %get3A_1290 = tpu.vector_load %arg9[%get3A_1289] {strides = array<i32>} : memref<1280xi32, #tpu.memory_space<vmem>>, vector<16xi32>,
    %get3A_1291 = vector.shape_cast %get3A_1290 : vector<16xi32> to vector<16xi32>
    %add3A_1292 = arith.constant 64 : i32
    %add3A_1293 = arith.addi %sub3A_1174, %add3A_1292 : i32
    %get3A_1294 = arith.index_cast %add3A_1293 : i32 to index
    %get3A_1295 = tpu.vector_load %arg10[%get3A_1294] {strides = array<i32>} : memref<1280xi32, #tpu.memory_space<vmem>>, vector<16xi32>,
    %get3A_1296 = vector.shape_cast %get3A_1295 : vector<16xi32> to vector<16xi32>
    %mul3A_1297 = arith.constant 432 : i32
    %mul3A_1298 = vector.broadcast %mul3A_1297 : i32 to vector<16xi32>
    %mul3A_1299 = arith.muli %get3A_1291, %mul3A_1298 : vector<16xi32>
    %add3A_1300 = arith.addi %mul3A_1299, %get3A_1296 : vector<16xi32>
    %swap3A_1301 = arith.constant 5 : i32
    %swap3A_1302 = arith.index_cast %swap3A_1301 : i32 to index
    %swap3A_1303 = arith.constant 64 : index
    %swap3A_1304 = tpu.vector_load %arg12[%swap3A_1302, %swap3A_1303] {strides = array<i32>} : memref<10x128xi32, #tpu.memory_space<vmem>>, vector<1x16xi32>,
    %swap3A_1305 = vector.shape_cast %swap3A_1304 : vector<1x16xi32> to vector<16xi32>
    %swap3A_1306 = vector.shape_cast %add3A_1300 : vector<16xi32> to vector<1x16xi32>
    tpu.vector_store %arg12[%swap3A_1302, %swap3A_1303], %swap3A_1306 {strides = array<i32>} : memref<10x128xi32, #tpu.memory_space<vmem>>, vector<1x16xi32>,
    %add3A_1307 = vector.broadcast %mul3A_15 : i32 to vector<16xi32>
    %add3A_1308 = arith.addi %add3A_1307, %add3A_1300 : vector<16xi32>
    %swap3A_1309 = arith.constant 5 : i32
    %swap3A_1310 = arith.index_cast %swap3A_1309 : i32 to index
    %swap3A_1311 = arith.constant 64 : index
    %swap3A_1312 = tpu.vector_load %arg11[%swap3A_1310, %swap3A_1311] {strides = array<i32>} : memref<10x128xi32, #tpu.memory_space<vmem>>, vector<1x16xi32>,
    %swap3A_1313 = vector.shape_cast %swap3A_1312 : vector<1x16xi32> to vector<16xi32>
    %swap3A_1314 = vector.shape_cast %add3A_1308 : vector<16xi32> to vector<1x16xi32>
    tpu.vector_store %arg11[%swap3A_1310, %swap3A_1311], %swap3A_1314 {strides = array<i32>} : memref<10x128xi32, #tpu.memory_space<vmem>>, vector<1x16xi32>,
    %add3A_1315 = arith.constant 80 : i32
    %add3A_1316 = arith.addi %sub3A_1174, %add3A_1315 : i32
    %get3A_1317 = arith.index_cast %add3A_1316 : i32 to index
    %get3A_1318 = tpu.vector_load %arg9[%get3A_1317] {strides = array<i32>} : memref<1280xi32, #tpu.memory_space<vmem>>, vector<16xi32>,
    %get3A_1319 = vector.shape_cast %get3A_1318 : vector<16xi32> to vector<16xi32>
    %add3A_1320 = arith.constant 80 : i32
    %add3A_1321 = arith.addi %sub3A_1174, %add3A_1320 : i32
    %get3A_1322 = arith.index_cast %add3A_1321 : i32 to index
    %get3A_1323 = tpu.vector_load %arg10[%get3A_1322] {strides = array<i32>} : memref<1280xi32, #tpu.memory_space<vmem>>, vector<16xi32>,
    %get3A_1324 = vector.shape_cast %get3A_1323 : vector<16xi32> to vector<16xi32>
    %mul3A_1325 = arith.constant 432 : i32
    %mul3A_1326 = vector.broadcast %mul3A_1325 : i32 to vector<16xi32>
    %mul3A_1327 = arith.muli %get3A_1319, %mul3A_1326 : vector<16xi32>
    %add3A_1328 = arith.addi %mul3A_1327, %get3A_1324 : vector<16xi32>
    %swap3A_1329 = arith.constant 5 : i32
    %swap3A_1330 = arith.index_cast %swap3A_1329 : i32 to index
    %swap3A_1331 = arith.constant 80 : index
    %swap3A_1332 = tpu.vector_load %arg12[%swap3A_1330, %swap3A_1331] {strides = array<i32>} : memref<10x128xi32, #tpu.memory_space<vmem>>, vector<1x16xi32>,
    %swap3A_1333 = vector.shape_cast %swap3A_1332 : vector<1x16xi32> to vector<16xi32>
    %swap3A_1334 = vector.shape_cast %add3A_1328 : vector<16xi32> to vector<1x16xi32>
    tpu.vector_store %arg12[%swap3A_1330, %swap3A_1331], %swap3A_1334 {strides = array<i32>} : memref<10x128xi32, #tpu.memory_space<vmem>>, vector<1x16xi32>,
    %add3A_1335 = vector.broadcast %mul3A_15 : i32 to vector<16xi32>
    %add3A_1336 = arith.addi %add3A_1335, %add3A_1328 : vector<16xi32>
    %swap3A_1337 = arith.constant 5 : i32
    %swap3A_1338 = arith.index_cast %swap3A_1337 : i32 to index
    %swap3A_1339 = arith.constant 80 : index
    %swap3A_1340 = tpu.vector_load %arg11[%swap3A_1338, %swap3A_1339] {strides = array<i32>} : memref<10x128xi32, #tpu.memory_space<vmem>>, vector<1x16xi32>,
    %swap3A_1341 = vector.shape_cast %swap3A_1340 : vector<1x16xi32> to vector<16xi32>
    %swap3A_1342 = vector.shape_cast %add3A_1336 : vector<16xi32> to vector<1x16xi32>
    tpu.vector_store %arg11[%swap3A_1338, %swap3A_1339], %swap3A_1342 {strides = array<i32>} : memref<10x128xi32, #tpu.memory_space<vmem>>, vector<1x16xi32>,
    %add3A_1343 = arith.constant 96 : i32
    %add3A_1344 = arith.addi %sub3A_1174, %add3A_1343 : i32
    %get3A_1345 = arith.index_cast %add3A_1344 : i32 to index
    %get3A_1346 = tpu.vector_load %arg9[%get3A_1345] {strides = array<i32>} : memref<1280xi32, #tpu.memory_space<vmem>>, vector<16xi32>,
    %get3A_1347 = vector.shape_cast %get3A_1346 : vector<16xi32> to vector<16xi32>
    %add3A_1348 = arith.constant 96 : i32
    %add3A_1349 = arith.addi %sub3A_1174, %add3A_1348 : i32
    %get3A_1350 = arith.index_cast %add3A_1349 : i32 to index
    %get3A_1351 = tpu.vector_load %arg10[%get3A_1350] {strides = array<i32>} : memref<1280xi32, #tpu.memory_space<vmem>>, vector<16xi32>,
    %get3A_1352 = vector.shape_cast %get3A_1351 : vector<16xi32> to vector<16xi32>
    %mul3A_1353 = arith.constant 432 : i32
    %mul3A_1354 = vector.broadcast %mul3A_1353 : i32 to vector<16xi32>
    %mul3A_1355 = arith.muli %get3A_1347, %mul3A_1354 : vector<16xi32>
    %add3A_1356 = arith.addi %mul3A_1355, %get3A_1352 : vector<16xi32>
    %swap3A_1357 = arith.constant 5 : i32
    %swap3A_1358 = arith.index_cast %swap3A_1357 : i32 to index
    %swap3A_1359 = arith.constant 96 : index
    %swap3A_1360 = tpu.vector_load %arg12[%swap3A_1358, %swap3A_1359] {strides = array<i32>} : memref<10x128xi32, #tpu.memory_space<vmem>>, vector<1x16xi32>,
    %swap3A_1361 = vector.shape_cast %swap3A_1360 : vector<1x16xi32> to vector<16xi32>
    %swap3A_1362 = vector.shape_cast %add3A_1356 : vector<16xi32> to vector<1x16xi32>
    tpu.vector_store %arg12[%swap3A_1358, %swap3A_1359], %swap3A_1362 {strides = array<i32>} : memref<10x128xi32, #tpu.memory_space<vmem>>, vector<1x16xi32>,
    %add3A_1363 = vector.broadcast %mul3A_15 : i32 to vector<16xi32>
    %add3A_1364 = arith.addi %add3A_1363, %add3A_1356 : vector<16xi32>
    %swap3A_1365 = arith.constant 5 : i32
    %swap3A_1366 = arith.index_cast %swap3A_1365 : i32 to index
    %swap3A_1367 = arith.constant 96 : index
    %swap3A_1368 = tpu.vector_load %arg11[%swap3A_1366, %swap3A_1367] {strides = array<i32>} : memref<10x128xi32, #tpu.memory_space<vmem>>, vector<1x16xi32>,
    %swap3A_1369 = vector.shape_cast %swap3A_1368 : vector<1x16xi32> to vector<16xi32>
    %swap3A_1370 = vector.shape_cast %add3A_1364 : vector<16xi32> to vector<1x16xi32>
    tpu.vector_store %arg11[%swap3A_1366, %swap3A_1367], %swap3A_1370 {strides = array<i32>} : memref<10x128xi32, #tpu.memory_space<vmem>>, vector<1x16xi32>,
    %add3A_1371 = arith.constant 112 : i32
    %add3A_1372 = arith.addi %sub3A_1174, %add3A_1371 : i32
    %get3A_1373 = arith.index_cast %add3A_1372 : i32 to index
    %get3A_1374 = tpu.vector_load %arg9[%get3A_1373] {strides = array<i32>} : memref<1280xi32, #tpu.memory_space<vmem>>, vector<16xi32>,
    %get3A_1375 = vector.shape_cast %get3A_1374 : vector<16xi32> to vector<16xi32>
    %add3A_1376 = arith.constant 112 : i32
    %add3A_1377 = arith.addi %sub3A_1174, %add3A_1376 : i32
    %get3A_1378 = arith.index_cast %add3A_1377 : i32 to index
    %get3A_1379 = tpu.vector_load %arg10[%get3A_1378] {strides = array<i32>} : memref<1280xi32, #tpu.memory_space<vmem>>, vector<16xi32>,
    %get3A_1380 = vector.shape_cast %get3A_1379 : vector<16xi32> to vector<16xi32>
    %mul3A_1381 = arith.constant 432 : i32
    %mul3A_1382 = vector.broadcast %mul3A_1381 : i32 to vector<16xi32>
    %mul3A_1383 = arith.muli %get3A_1375, %mul3A_1382 : vector<16xi32>
    %add3A_1384 = arith.addi %mul3A_1383, %get3A_1380 : vector<16xi32>
    %swap3A_1385 = arith.constant 5 : i32
    %swap3A_1386 = arith.index_cast %swap3A_1385 : i32 to index
    %swap3A_1387 = arith.constant 112 : index
    %swap3A_1388 = tpu.vector_load %arg12[%swap3A_1386, %swap3A_1387] {strides = array<i32>} : memref<10x128xi32, #tpu.memory_space<vmem>>, vector<1x16xi32>,
    %swap3A_1389 = vector.shape_cast %swap3A_1388 : vector<1x16xi32> to vector<16xi32>
    %swap3A_1390 = vector.shape_cast %add3A_1384 : vector<16xi32> to vector<1x16xi32>
    tpu.vector_store %arg12[%swap3A_1386, %swap3A_1387], %swap3A_1390 {strides = array<i32>} : memref<10x128xi32, #tpu.memory_space<vmem>>, vector<1x16xi32>,
    %add3A_1391 = vector.broadcast %mul3A_15 : i32 to vector<16xi32>
    %add3A_1392 = arith.addi %add3A_1391, %add3A_1384 : vector<16xi32>
    %swap3A_1393 = arith.constant 5 : i32
    %swap3A_1394 = arith.index_cast %swap3A_1393 : i32 to index
    %swap3A_1395 = arith.constant 112 : index
    %swap3A_1396 = tpu.vector_load %arg11[%swap3A_1394, %swap3A_1395] {strides = array<i32>} : memref<10x128xi32, #tpu.memory_space<vmem>>, vector<1x16xi32>,
    %swap3A_1397 = vector.shape_cast %swap3A_1396 : vector<1x16xi32> to vector<16xi32>
    %swap3A_1398 = vector.shape_cast %add3A_1392 : vector<16xi32> to vector<1x16xi32>
    tpu.vector_store %arg11[%swap3A_1394, %swap3A_1395], %swap3A_1398 {strides = array<i32>} : memref<10x128xi32, #tpu.memory_space<vmem>>, vector<1x16xi32>,
    %mul3A_1399 = arith.constant 1280 : i32
    %mul3A_1400 = arith.muli %arg1, %mul3A_1399 : i32
    %add3A_1401 = arith.constant 768 : i32
    %add3A_1402 = arith.addi %mul3A_1400, %add3A_1401 : i32
    %min3A_1403 = arith.constant 19872 : i32
    %min3A_1404 = arith.minsi %add3A_1402, %min3A_1403 : i32
    %sub3A_1405 = arith.subi %min3A_1404, %min3A_1 : i32
    %add3A_1406 = arith.constant 0 : i32
    %add3A_1407 = arith.addi %sub3A_1405, %add3A_1406 : i32
    %get3A_1408 = arith.index_cast %add3A_1407 : i32 to index
    %get3A_1409 = tpu.vector_load %arg9[%get3A_1408] {strides = array<i32>} : memref<1280xi32, #tpu.memory_space<vmem>>, vector<16xi32>,
    %get3A_1410 = vector.shape_cast %get3A_1409 : vector<16xi32> to vector<16xi32>
    %add3A_1411 = arith.constant 0 : i32
    %add3A_1412 = arith.addi %sub3A_1405, %add3A_1411 : i32
    %get3A_1413 = arith.index_cast %add3A_1412 : i32 to index
    %get3A_1414 = tpu.vector_load %arg10[%get3A_1413] {strides = array<i32>} : memref<1280xi32, #tpu.memory_space<vmem>>, vector<16xi32>,
    %get3A_1415 = vector.shape_cast %get3A_1414 : vector<16xi32> to vector<16xi32>
    %mul3A_1416 = arith.constant 432 : i32
    %mul3A_1417 = vector.broadcast %mul3A_1416 : i32 to vector<16xi32>
    %mul3A_1418 = arith.muli %get3A_1410, %mul3A_1417 : vector<16xi32>
    %add3A_1419 = arith.addi %mul3A_1418, %get3A_1415 : vector<16xi32>
    %swap3A_1420 = arith.constant 6 : i32
    %swap3A_1421 = arith.index_cast %swap3A_1420 : i32 to index
    %swap3A_1422 = arith.constant 0 : index
    %swap3A_1423 = tpu.vector_load %arg12[%swap3A_1421, %swap3A_1422] {strides = array<i32>} : memref<10x128xi32, #tpu.memory_space<vmem>>, vector<1x16xi32>,
    %swap3A_1424 = vector.shape_cast %swap3A_1423 : vector<1x16xi32> to vector<16xi32>
    %swap3A_1425 = vector.shape_cast %add3A_1419 : vector<16xi32> to vector<1x16xi32>
    tpu.vector_store %arg12[%swap3A_1421, %swap3A_1422], %swap3A_1425 {strides = array<i32>} : memref<10x128xi32, #tpu.memory_space<vmem>>, vector<1x16xi32>,
    %add3A_1426 = vector.broadcast %mul3A_15 : i32 to vector<16xi32>
    %add3A_1427 = arith.addi %add3A_1426, %add3A_1419 : vector<16xi32>
    %swap3A_1428 = arith.constant 6 : i32
    %swap3A_1429 = arith.index_cast %swap3A_1428 : i32 to index
    %swap3A_1430 = arith.constant 0 : index
    %swap3A_1431 = tpu.vector_load %arg11[%swap3A_1429, %swap3A_1430] {strides = array<i32>} : memref<10x128xi32, #tpu.memory_space<vmem>>, vector<1x16xi32>,
    %swap3A_1432 = vector.shape_cast %swap3A_1431 : vector<1x16xi32> to vector<16xi32>
    %swap3A_1433 = vector.shape_cast %add3A_1427 : vector<16xi32> to vector<1x16xi32>
    tpu.vector_store %arg11[%swap3A_1429, %swap3A_1430], %swap3A_1433 {strides = array<i32>} : memref<10x128xi32, #tpu.memory_space<vmem>>, vector<1x16xi32>,
    %add3A_1434 = arith.constant 16 : i32
    %add3A_1435 = arith.addi %sub3A_1405, %add3A_1434 : i32
    %get3A_1436 = arith.index_cast %add3A_1435 : i32 to index
    %get3A_1437 = tpu.vector_load %arg9[%get3A_1436] {strides = array<i32>} : memref<1280xi32, #tpu.memory_space<vmem>>, vector<16xi32>,
    %get3A_1438 = vector.shape_cast %get3A_1437 : vector<16xi32> to vector<16xi32>
    %add3A_1439 = arith.constant 16 : i32
    %add3A_1440 = arith.addi %sub3A_1405, %add3A_1439 : i32
    %get3A_1441 = arith.index_cast %add3A_1440 : i32 to index
    %get3A_1442 = tpu.vector_load %arg10[%get3A_1441] {strides = array<i32>} : memref<1280xi32, #tpu.memory_space<vmem>>, vector<16xi32>,
    %get3A_1443 = vector.shape_cast %get3A_1442 : vector<16xi32> to vector<16xi32>
    %mul3A_1444 = arith.constant 432 : i32
    %mul3A_1445 = vector.broadcast %mul3A_1444 : i32 to vector<16xi32>
    %mul3A_1446 = arith.muli %get3A_1438, %mul3A_1445 : vector<16xi32>
    %add3A_1447 = arith.addi %mul3A_1446, %get3A_1443 : vector<16xi32>
    %swap3A_1448 = arith.constant 6 : i32
    %swap3A_1449 = arith.index_cast %swap3A_1448 : i32 to index
    %swap3A_1450 = arith.constant 16 : index
    %swap3A_1451 = tpu.vector_load %arg12[%swap3A_1449, %swap3A_1450] {strides = array<i32>} : memref<10x128xi32, #tpu.memory_space<vmem>>, vector<1x16xi32>,
    %swap3A_1452 = vector.shape_cast %swap3A_1451 : vector<1x16xi32> to vector<16xi32>
    %swap3A_1453 = vector.shape_cast %add3A_1447 : vector<16xi32> to vector<1x16xi32>
    tpu.vector_store %arg12[%swap3A_1449, %swap3A_1450], %swap3A_1453 {strides = array<i32>} : memref<10x128xi32, #tpu.memory_space<vmem>>, vector<1x16xi32>,
    %add3A_1454 = vector.broadcast %mul3A_15 : i32 to vector<16xi32>
    %add3A_1455 = arith.addi %add3A_1454, %add3A_1447 : vector<16xi32>
    %swap3A_1456 = arith.constant 6 : i32
    %swap3A_1457 = arith.index_cast %swap3A_1456 : i32 to index
    %swap3A_1458 = arith.constant 16 : index
    %swap3A_1459 = tpu.vector_load %arg11[%swap3A_1457, %swap3A_1458] {strides = array<i32>} : memref<10x128xi32, #tpu.memory_space<vmem>>, vector<1x16xi32>,
    %swap3A_1460 = vector.shape_cast %swap3A_1459 : vector<1x16xi32> to vector<16xi32>
    %swap3A_1461 = vector.shape_cast %add3A_1455 : vector<16xi32> to vector<1x16xi32>
    tpu.vector_store %arg11[%swap3A_1457, %swap3A_1458], %swap3A_1461 {strides = array<i32>} : memref<10x128xi32, #tpu.memory_space<vmem>>, vector<1x16xi32>,
    %add3A_1462 = arith.constant 32 : i32
    %add3A_1463 = arith.addi %sub3A_1405, %add3A_1462 : i32
    %get3A_1464 = arith.index_cast %add3A_1463 : i32 to index
    %get3A_1465 = tpu.vector_load %arg9[%get3A_1464] {strides = array<i32>} : memref<1280xi32, #tpu.memory_space<vmem>>, vector<16xi32>,
    %get3A_1466 = vector.shape_cast %get3A_1465 : vector<16xi32> to vector<16xi32>
    %add3A_1467 = arith.constant 32 : i32
    %add3A_1468 = arith.addi %sub3A_1405, %add3A_1467 : i32
    %get3A_1469 = arith.index_cast %add3A_1468 : i32 to index
    %get3A_1470 = tpu.vector_load %arg10[%get3A_1469] {strides = array<i32>} : memref<1280xi32, #tpu.memory_space<vmem>>, vector<16xi32>,
    %get3A_1471 = vector.shape_cast %get3A_1470 : vector<16xi32> to vector<16xi32>
    %mul3A_1472 = arith.constant 432 : i32
    %mul3A_1473 = vector.broadcast %mul3A_1472 : i32 to vector<16xi32>
    %mul3A_1474 = arith.muli %get3A_1466, %mul3A_1473 : vector<16xi32>
    %add3A_1475 = arith.addi %mul3A_1474, %get3A_1471 : vector<16xi32>
    %swap3A_1476 = arith.constant 6 : i32
    %swap3A_1477 = arith.index_cast %swap3A_1476 : i32 to index
    %swap3A_1478 = arith.constant 32 : index
    %swap3A_1479 = tpu.vector_load %arg12[%swap3A_1477, %swap3A_1478] {strides = array<i32>} : memref<10x128xi32, #tpu.memory_space<vmem>>, vector<1x16xi32>,
    %swap3A_1480 = vector.shape_cast %swap3A_1479 : vector<1x16xi32> to vector<16xi32>
    %swap3A_1481 = vector.shape_cast %add3A_1475 : vector<16xi32> to vector<1x16xi32>
    tpu.vector_store %arg12[%swap3A_1477, %swap3A_1478], %swap3A_1481 {strides = array<i32>} : memref<10x128xi32, #tpu.memory_space<vmem>>, vector<1x16xi32>,
    %add3A_1482 = vector.broadcast %mul3A_15 : i32 to vector<16xi32>
    %add3A_1483 = arith.addi %add3A_1482, %add3A_1475 : vector<16xi32>
    %swap3A_1484 = arith.constant 6 : i32
    %swap3A_1485 = arith.index_cast %swap3A_1484 : i32 to index
    %swap3A_1486 = arith.constant 32 : index
    %swap3A_1487 = tpu.vector_load %arg11[%swap3A_1485, %swap3A_1486] {strides = array<i32>} : memref<10x128xi32, #tpu.memory_space<vmem>>, vector<1x16xi32>,
    %swap3A_1488 = vector.shape_cast %swap3A_1487 : vector<1x16xi32> to vector<16xi32>
    %swap3A_1489 = vector.shape_cast %add3A_1483 : vector<16xi32> to vector<1x16xi32>
    tpu.vector_store %arg11[%swap3A_1485, %swap3A_1486], %swap3A_1489 {strides = array<i32>} : memref<10x128xi32, #tpu.memory_space<vmem>>, vector<1x16xi32>,
    %add3A_1490 = arith.constant 48 : i32
    %add3A_1491 = arith.addi %sub3A_1405, %add3A_1490 : i32
    %get3A_1492 = arith.index_cast %add3A_1491 : i32 to index
    %get3A_1493 = tpu.vector_load %arg9[%get3A_1492] {strides = array<i32>} : memref<1280xi32, #tpu.memory_space<vmem>>, vector<16xi32>,
    %get3A_1494 = vector.shape_cast %get3A_1493 : vector<16xi32> to vector<16xi32>
    %add3A_1495 = arith.constant 48 : i32
    %add3A_1496 = arith.addi %sub3A_1405, %add3A_1495 : i32
    %get3A_1497 = arith.index_cast %add3A_1496 : i32 to index
    %get3A_1498 = tpu.vector_load %arg10[%get3A_1497] {strides = array<i32>} : memref<1280xi32, #tpu.memory_space<vmem>>, vector<16xi32>,
    %get3A_1499 = vector.shape_cast %get3A_1498 : vector<16xi32> to vector<16xi32>
    %mul3A_1500 = arith.constant 432 : i32
    %mul3A_1501 = vector.broadcast %mul3A_1500 : i32 to vector<16xi32>
    %mul3A_1502 = arith.muli %get3A_1494, %mul3A_1501 : vector<16xi32>
    %add3A_1503 = arith.addi %mul3A_1502, %get3A_1499 : vector<16xi32>
    %swap3A_1504 = arith.constant 6 : i32
    %swap3A_1505 = arith.index_cast %swap3A_1504 : i32 to index
    %swap3A_1506 = arith.constant 48 : index
    %swap3A_1507 = tpu.vector_load %arg12[%swap3A_1505, %swap3A_1506] {strides = array<i32>} : memref<10x128xi32, #tpu.memory_space<vmem>>, vector<1x16xi32>,
    %swap3A_1508 = vector.shape_cast %swap3A_1507 : vector<1x16xi32> to vector<16xi32>
    %swap3A_1509 = vector.shape_cast %add3A_1503 : vector<16xi32> to vector<1x16xi32>
    tpu.vector_store %arg12[%swap3A_1505, %swap3A_1506], %swap3A_1509 {strides = array<i32>} : memref<10x128xi32, #tpu.memory_space<vmem>>, vector<1x16xi32>,
    %add3A_1510 = vector.broadcast %mul3A_15 : i32 to vector<16xi32>
    %add3A_1511 = arith.addi %add3A_1510, %add3A_1503 : vector<16xi32>
    %swap3A_1512 = arith.constant 6 : i32
    %swap3A_1513 = arith.index_cast %swap3A_1512 : i32 to index
    %swap3A_1514 = arith.constant 48 : index
    %swap3A_1515 = tpu.vector_load %arg11[%swap3A_1513, %swap3A_1514] {strides = array<i32>} : memref<10x128xi32, #tpu.memory_space<vmem>>, vector<1x16xi32>,
    %swap3A_1516 = vector.shape_cast %swap3A_1515 : vector<1x16xi32> to vector<16xi32>
    %swap3A_1517 = vector.shape_cast %add3A_1511 : vector<16xi32> to vector<1x16xi32>
    tpu.vector_store %arg11[%swap3A_1513, %swap3A_1514], %swap3A_1517 {strides = array<i32>} : memref<10x128xi32, #tpu.memory_space<vmem>>, vector<1x16xi32>,
    %add3A_1518 = arith.constant 64 : i32
    %add3A_1519 = arith.addi %sub3A_1405, %add3A_1518 : i32
    %get3A_1520 = arith.index_cast %add3A_1519 : i32 to index
    %get3A_1521 = tpu.vector_load %arg9[%get3A_1520] {strides = array<i32>} : memref<1280xi32, #tpu.memory_space<vmem>>, vector<16xi32>,
    %get3A_1522 = vector.shape_cast %get3A_1521 : vector<16xi32> to vector<16xi32>
    %add3A_1523 = arith.constant 64 : i32
    %add3A_1524 = arith.addi %sub3A_1405, %add3A_1523 : i32
    %get3A_1525 = arith.index_cast %add3A_1524 : i32 to index
    %get3A_1526 = tpu.vector_load %arg10[%get3A_1525] {strides = array<i32>} : memref<1280xi32, #tpu.memory_space<vmem>>, vector<16xi32>,
    %get3A_1527 = vector.shape_cast %get3A_1526 : vector<16xi32> to vector<16xi32>
    %mul3A_1528 = arith.constant 432 : i32
    %mul3A_1529 = vector.broadcast %mul3A_1528 : i32 to vector<16xi32>
    %mul3A_1530 = arith.muli %get3A_1522, %mul3A_1529 : vector<16xi32>
    %add3A_1531 = arith.addi %mul3A_1530, %get3A_1527 : vector<16xi32>
    %swap3A_1532 = arith.constant 6 : i32
    %swap3A_1533 = arith.index_cast %swap3A_1532 : i32 to index
    %swap3A_1534 = arith.constant 64 : index
    %swap3A_1535 = tpu.vector_load %arg12[%swap3A_1533, %swap3A_1534] {strides = array<i32>} : memref<10x128xi32, #tpu.memory_space<vmem>>, vector<1x16xi32>,
    %swap3A_1536 = vector.shape_cast %swap3A_1535 : vector<1x16xi32> to vector<16xi32>
    %swap3A_1537 = vector.shape_cast %add3A_1531 : vector<16xi32> to vector<1x16xi32>
    tpu.vector_store %arg12[%swap3A_1533, %swap3A_1534], %swap3A_1537 {strides = array<i32>} : memref<10x128xi32, #tpu.memory_space<vmem>>, vector<1x16xi32>,
    %add3A_1538 = vector.broadcast %mul3A_15 : i32 to vector<16xi32>
    %add3A_1539 = arith.addi %add3A_1538, %add3A_1531 : vector<16xi32>
    %swap3A_1540 = arith.constant 6 : i32
    %swap3A_1541 = arith.index_cast %swap3A_1540 : i32 to index
    %swap3A_1542 = arith.constant 64 : index
    %swap3A_1543 = tpu.vector_load %arg11[%swap3A_1541, %swap3A_1542] {strides = array<i32>} : memref<10x128xi32, #tpu.memory_space<vmem>>, vector<1x16xi32>,
    %swap3A_1544 = vector.shape_cast %swap3A_1543 : vector<1x16xi32> to vector<16xi32>
    %swap3A_1545 = vector.shape_cast %add3A_1539 : vector<16xi32> to vector<1x16xi32>
    tpu.vector_store %arg11[%swap3A_1541, %swap3A_1542], %swap3A_1545 {strides = array<i32>} : memref<10x128xi32, #tpu.memory_space<vmem>>, vector<1x16xi32>,
    %add3A_1546 = arith.constant 80 : i32
    %add3A_1547 = arith.addi %sub3A_1405, %add3A_1546 : i32
    %get3A_1548 = arith.index_cast %add3A_1547 : i32 to index
    %get3A_1549 = tpu.vector_load %arg9[%get3A_1548] {strides = array<i32>} : memref<1280xi32, #tpu.memory_space<vmem>>, vector<16xi32>,
    %get3A_1550 = vector.shape_cast %get3A_1549 : vector<16xi32> to vector<16xi32>
    %add3A_1551 = arith.constant 80 : i32
    %add3A_1552 = arith.addi %sub3A_1405, %add3A_1551 : i32
    %get3A_1553 = arith.index_cast %add3A_1552 : i32 to index
    %get3A_1554 = tpu.vector_load %arg10[%get3A_1553] {strides = array<i32>} : memref<1280xi32, #tpu.memory_space<vmem>>, vector<16xi32>,
    %get3A_1555 = vector.shape_cast %get3A_1554 : vector<16xi32> to vector<16xi32>
    %mul3A_1556 = arith.constant 432 : i32
    %mul3A_1557 = vector.broadcast %mul3A_1556 : i32 to vector<16xi32>
    %mul3A_1558 = arith.muli %get3A_1550, %mul3A_1557 : vector<16xi32>
    %add3A_1559 = arith.addi %mul3A_1558, %get3A_1555 : vector<16xi32>
    %swap3A_1560 = arith.constant 6 : i32
    %swap3A_1561 = arith.index_cast %swap3A_1560 : i32 to index
    %swap3A_1562 = arith.constant 80 : index
    %swap3A_1563 = tpu.vector_load %arg12[%swap3A_1561, %swap3A_1562] {strides = array<i32>} : memref<10x128xi32, #tpu.memory_space<vmem>>, vector<1x16xi32>,
    %swap3A_1564 = vector.shape_cast %swap3A_1563 : vector<1x16xi32> to vector<16xi32>
    %swap3A_1565 = vector.shape_cast %add3A_1559 : vector<16xi32> to vector<1x16xi32>
    tpu.vector_store %arg12[%swap3A_1561, %swap3A_1562], %swap3A_1565 {strides = array<i32>} : memref<10x128xi32, #tpu.memory_space<vmem>>, vector<1x16xi32>,
    %add3A_1566 = vector.broadcast %mul3A_15 : i32 to vector<16xi32>
    %add3A_1567 = arith.addi %add3A_1566, %add3A_1559 : vector<16xi32>
    %swap3A_1568 = arith.constant 6 : i32
    %swap3A_1569 = arith.index_cast %swap3A_1568 : i32 to index
    %swap3A_1570 = arith.constant 80 : index
    %swap3A_1571 = tpu.vector_load %arg11[%swap3A_1569, %swap3A_1570] {strides = array<i32>} : memref<10x128xi32, #tpu.memory_space<vmem>>, vector<1x16xi32>,
    %swap3A_1572 = vector.shape_cast %swap3A_1571 : vector<1x16xi32> to vector<16xi32>
    %swap3A_1573 = vector.shape_cast %add3A_1567 : vector<16xi32> to vector<1x16xi32>
    tpu.vector_store %arg11[%swap3A_1569, %swap3A_1570], %swap3A_1573 {strides = array<i32>} : memref<10x128xi32, #tpu.memory_space<vmem>>, vector<1x16xi32>,
    %add3A_1574 = arith.constant 96 : i32
    %add3A_1575 = arith.addi %sub3A_1405, %add3A_1574 : i32
    %get3A_1576 = arith.index_cast %add3A_1575 : i32 to index
    %get3A_1577 = tpu.vector_load %arg9[%get3A_1576] {strides = array<i32>} : memref<1280xi32, #tpu.memory_space<vmem>>, vector<16xi32>,
    %get3A_1578 = vector.shape_cast %get3A_1577 : vector<16xi32> to vector<16xi32>
    %add3A_1579 = arith.constant 96 : i32
    %add3A_1580 = arith.addi %sub3A_1405, %add3A_1579 : i32
    %get3A_1581 = arith.index_cast %add3A_1580 : i32 to index
    %get3A_1582 = tpu.vector_load %arg10[%get3A_1581] {strides = array<i32>} : memref<1280xi32, #tpu.memory_space<vmem>>, vector<16xi32>,
    %get3A_1583 = vector.shape_cast %get3A_1582 : vector<16xi32> to vector<16xi32>
    %mul3A_1584 = arith.constant 432 : i32
    %mul3A_1585 = vector.broadcast %mul3A_1584 : i32 to vector<16xi32>
    %mul3A_1586 = arith.muli %get3A_1578, %mul3A_1585 : vector<16xi32>
    %add3A_1587 = arith.addi %mul3A_1586, %get3A_1583 : vector<16xi32>
    %swap3A_1588 = arith.constant 6 : i32
    %swap3A_1589 = arith.index_cast %swap3A_1588 : i32 to index
    %swap3A_1590 = arith.constant 96 : index
    %swap3A_1591 = tpu.vector_load %arg12[%swap3A_1589, %swap3A_1590] {strides = array<i32>} : memref<10x128xi32, #tpu.memory_space<vmem>>, vector<1x16xi32>,
    %swap3A_1592 = vector.shape_cast %swap3A_1591 : vector<1x16xi32> to vector<16xi32>
    %swap3A_1593 = vector.shape_cast %add3A_1587 : vector<16xi32> to vector<1x16xi32>
    tpu.vector_store %arg12[%swap3A_1589, %swap3A_1590], %swap3A_1593 {strides = array<i32>} : memref<10x128xi32, #tpu.memory_space<vmem>>, vector<1x16xi32>,
    %add3A_1594 = vector.broadcast %mul3A_15 : i32 to vector<16xi32>
    %add3A_1595 = arith.addi %add3A_1594, %add3A_1587 : vector<16xi32>
    %swap3A_1596 = arith.constant 6 : i32
    %swap3A_1597 = arith.index_cast %swap3A_1596 : i32 to index
    %swap3A_1598 = arith.constant 96 : index
    %swap3A_1599 = tpu.vector_load %arg11[%swap3A_1597, %swap3A_1598] {strides = array<i32>} : memref<10x128xi32, #tpu.memory_space<vmem>>, vector<1x16xi32>,
    %swap3A_1600 = vector.shape_cast %swap3A_1599 : vector<1x16xi32> to vector<16xi32>
    %swap3A_1601 = vector.shape_cast %add3A_1595 : vector<16xi32> to vector<1x16xi32>
    tpu.vector_store %arg11[%swap3A_1597, %swap3A_1598], %swap3A_1601 {strides = array<i32>} : memref<10x128xi32, #tpu.memory_space<vmem>>, vector<1x16xi32>,
    %add3A_1602 = arith.constant 112 : i32
    %add3A_1603 = arith.addi %sub3A_1405, %add3A_1602 : i32
    %get3A_1604 = arith.index_cast %add3A_1603 : i32 to index
    %get3A_1605 = tpu.vector_load %arg9[%get3A_1604] {strides = array<i32>} : memref<1280xi32, #tpu.memory_space<vmem>>, vector<16xi32>,
    %get3A_1606 = vector.shape_cast %get3A_1605 : vector<16xi32> to vector<16xi32>
    %add3A_1607 = arith.constant 112 : i32
    %add3A_1608 = arith.addi %sub3A_1405, %add3A_1607 : i32
    %get3A_1609 = arith.index_cast %add3A_1608 : i32 to index
    %get3A_1610 = tpu.vector_load %arg10[%get3A_1609] {strides = array<i32>} : memref<1280xi32, #tpu.memory_space<vmem>>, vector<16xi32>,
    %get3A_1611 = vector.shape_cast %get3A_1610 : vector<16xi32> to vector<16xi32>
    %mul3A_1612 = arith.constant 432 : i32
    %mul3A_1613 = vector.broadcast %mul3A_1612 : i32 to vector<16xi32>
    %mul3A_1614 = arith.muli %get3A_1606, %mul3A_1613 : vector<16xi32>
    %add3A_1615 = arith.addi %mul3A_1614, %get3A_1611 : vector<16xi32>
    %swap3A_1616 = arith.constant 6 : i32
    %swap3A_1617 = arith.index_cast %swap3A_1616 : i32 to index
    %swap3A_1618 = arith.constant 112 : index
    %swap3A_1619 = tpu.vector_load %arg12[%swap3A_1617, %swap3A_1618] {strides = array<i32>} : memref<10x128xi32, #tpu.memory_space<vmem>>, vector<1x16xi32>,
    %swap3A_1620 = vector.shape_cast %swap3A_1619 : vector<1x16xi32> to vector<16xi32>
    %swap3A_1621 = vector.shape_cast %add3A_1615 : vector<16xi32> to vector<1x16xi32>
    tpu.vector_store %arg12[%swap3A_1617, %swap3A_1618], %swap3A_1621 {strides = array<i32>} : memref<10x128xi32, #tpu.memory_space<vmem>>, vector<1x16xi32>,
    %add3A_1622 = vector.broadcast %mul3A_15 : i32 to vector<16xi32>
    %add3A_1623 = arith.addi %add3A_1622, %add3A_1615 : vector<16xi32>
    %swap3A_1624 = arith.constant 6 : i32
    %swap3A_1625 = arith.index_cast %swap3A_1624 : i32 to index
    %swap3A_1626 = arith.constant 112 : index
    %swap3A_1627 = tpu.vector_load %arg11[%swap3A_1625, %swap3A_1626] {strides = array<i32>} : memref<10x128xi32, #tpu.memory_space<vmem>>, vector<1x16xi32>,
    %swap3A_1628 = vector.shape_cast %swap3A_1627 : vector<1x16xi32> to vector<16xi32>
    %swap3A_1629 = vector.shape_cast %add3A_1623 : vector<16xi32> to vector<1x16xi32>
    tpu.vector_store %arg11[%swap3A_1625, %swap3A_1626], %swap3A_1629 {strides = array<i32>} : memref<10x128xi32, #tpu.memory_space<vmem>>, vector<1x16xi32>,
    %mul3A_1630 = arith.constant 1280 : i32
    %mul3A_1631 = arith.muli %arg1, %mul3A_1630 : i32
    %add3A_1632 = arith.constant 896 : i32
    %add3A_1633 = arith.addi %mul3A_1631, %add3A_1632 : i32
    %min3A_1634 = arith.constant 19872 : i32
    %min3A_1635 = arith.minsi %add3A_1633, %min3A_1634 : i32
    %sub3A_1636 = arith.subi %min3A_1635, %min3A_1 : i32
    %add3A_1637 = arith.constant 0 : i32
    %add3A_1638 = arith.addi %sub3A_1636, %add3A_1637 : i32
    %get3A_1639 = arith.index_cast %add3A_1638 : i32 to index
    %get3A_1640 = tpu.vector_load %arg9[%get3A_1639] {strides = array<i32>} : memref<1280xi32, #tpu.memory_space<vmem>>, vector<16xi32>,
    %get3A_1641 = vector.shape_cast %get3A_1640 : vector<16xi32> to vector<16xi32>
    %add3A_1642 = arith.constant 0 : i32
    %add3A_1643 = arith.addi %sub3A_1636, %add3A_1642 : i32
    %get3A_1644 = arith.index_cast %add3A_1643 : i32 to index
    %get3A_1645 = tpu.vector_load %arg10[%get3A_1644] {strides = array<i32>} : memref<1280xi32, #tpu.memory_space<vmem>>, vector<16xi32>,
    %get3A_1646 = vector.shape_cast %get3A_1645 : vector<16xi32> to vector<16xi32>
    %mul3A_1647 = arith.constant 432 : i32
    %mul3A_1648 = vector.broadcast %mul3A_1647 : i32 to vector<16xi32>
    %mul3A_1649 = arith.muli %get3A_1641, %mul3A_1648 : vector<16xi32>
    %add3A_1650 = arith.addi %mul3A_1649, %get3A_1646 : vector<16xi32>
    %swap3A_1651 = arith.constant 7 : i32
    %swap3A_1652 = arith.index_cast %swap3A_1651 : i32 to index
    %swap3A_1653 = arith.constant 0 : index
    %swap3A_1654 = tpu.vector_load %arg12[%swap3A_1652, %swap3A_1653] {strides = array<i32>} : memref<10x128xi32, #tpu.memory_space<vmem>>, vector<1x16xi32>,
    %swap3A_1655 = vector.shape_cast %swap3A_1654 : vector<1x16xi32> to vector<16xi32>
    %swap3A_1656 = vector.shape_cast %add3A_1650 : vector<16xi32> to vector<1x16xi32>
    tpu.vector_store %arg12[%swap3A_1652, %swap3A_1653], %swap3A_1656 {strides = array<i32>} : memref<10x128xi32, #tpu.memory_space<vmem>>, vector<1x16xi32>,
    %add3A_1657 = vector.broadcast %mul3A_15 : i32 to vector<16xi32>
    %add3A_1658 = arith.addi %add3A_1657, %add3A_1650 : vector<16xi32>
    %swap3A_1659 = arith.constant 7 : i32
    %swap3A_1660 = arith.index_cast %swap3A_1659 : i32 to index
    %swap3A_1661 = arith.constant 0 : index
    %swap3A_1662 = tpu.vector_load %arg11[%swap3A_1660, %swap3A_1661] {strides = array<i32>} : memref<10x128xi32, #tpu.memory_space<vmem>>, vector<1x16xi32>,
    %swap3A_1663 = vector.shape_cast %swap3A_1662 : vector<1x16xi32> to vector<16xi32>
    %swap3A_1664 = vector.shape_cast %add3A_1658 : vector<16xi32> to vector<1x16xi32>
    tpu.vector_store %arg11[%swap3A_1660, %swap3A_1661], %swap3A_1664 {strides = array<i32>} : memref<10x128xi32, #tpu.memory_space<vmem>>, vector<1x16xi32>,
    %add3A_1665 = arith.constant 16 : i32
    %add3A_1666 = arith.addi %sub3A_1636, %add3A_1665 : i32
    %get3A_1667 = arith.index_cast %add3A_1666 : i32 to index
    %get3A_1668 = tpu.vector_load %arg9[%get3A_1667] {strides = array<i32>} : memref<1280xi32, #tpu.memory_space<vmem>>, vector<16xi32>,
    %get3A_1669 = vector.shape_cast %get3A_1668 : vector<16xi32> to vector<16xi32>
    %add3A_1670 = arith.constant 16 : i32
    %add3A_1671 = arith.addi %sub3A_1636, %add3A_1670 : i32
    %get3A_1672 = arith.index_cast %add3A_1671 : i32 to index
    %get3A_1673 = tpu.vector_load %arg10[%get3A_1672] {strides = array<i32>} : memref<1280xi32, #tpu.memory_space<vmem>>, vector<16xi32>,
    %get3A_1674 = vector.shape_cast %get3A_1673 : vector<16xi32> to vector<16xi32>
    %mul3A_1675 = arith.constant 432 : i32
    %mul3A_1676 = vector.broadcast %mul3A_1675 : i32 to vector<16xi32>
    %mul3A_1677 = arith.muli %get3A_1669, %mul3A_1676 : vector<16xi32>
    %add3A_1678 = arith.addi %mul3A_1677, %get3A_1674 : vector<16xi32>
    %swap3A_1679 = arith.constant 7 : i32
    %swap3A_1680 = arith.index_cast %swap3A_1679 : i32 to index
    %swap3A_1681 = arith.constant 16 : index
    %swap3A_1682 = tpu.vector_load %arg12[%swap3A_1680, %swap3A_1681] {strides = array<i32>} : memref<10x128xi32, #tpu.memory_space<vmem>>, vector<1x16xi32>,
    %swap3A_1683 = vector.shape_cast %swap3A_1682 : vector<1x16xi32> to vector<16xi32>
    %swap3A_1684 = vector.shape_cast %add3A_1678 : vector<16xi32> to vector<1x16xi32>
    tpu.vector_store %arg12[%swap3A_1680, %swap3A_1681], %swap3A_1684 {strides = array<i32>} : memref<10x128xi32, #tpu.memory_space<vmem>>, vector<1x16xi32>,
    %add3A_1685 = vector.broadcast %mul3A_15 : i32 to vector<16xi32>
    %add3A_1686 = arith.addi %add3A_1685, %add3A_1678 : vector<16xi32>
    %swap3A_1687 = arith.constant 7 : i32
    %swap3A_1688 = arith.index_cast %swap3A_1687 : i32 to index
    %swap3A_1689 = arith.constant 16 : index
    %swap3A_1690 = tpu.vector_load %arg11[%swap3A_1688, %swap3A_1689] {strides = array<i32>} : memref<10x128xi32, #tpu.memory_space<vmem>>, vector<1x16xi32>,
    %swap3A_1691 = vector.shape_cast %swap3A_1690 : vector<1x16xi32> to vector<16xi32>
    %swap3A_1692 = vector.shape_cast %add3A_1686 : vector<16xi32> to vector<1x16xi32>
    tpu.vector_store %arg11[%swap3A_1688, %swap3A_1689], %swap3A_1692 {strides = array<i32>} : memref<10x128xi32, #tpu.memory_space<vmem>>, vector<1x16xi32>,
    %add3A_1693 = arith.constant 32 : i32
    %add3A_1694 = arith.addi %sub3A_1636, %add3A_1693 : i32
    %get3A_1695 = arith.index_cast %add3A_1694 : i32 to index
    %get3A_1696 = tpu.vector_load %arg9[%get3A_1695] {strides = array<i32>} : memref<1280xi32, #tpu.memory_space<vmem>>, vector<16xi32>,
    %get3A_1697 = vector.shape_cast %get3A_1696 : vector<16xi32> to vector<16xi32>
    %add3A_1698 = arith.constant 32 : i32
    %add3A_1699 = arith.addi %sub3A_1636, %add3A_1698 : i32
    %get3A_1700 = arith.index_cast %add3A_1699 : i32 to index
    %get3A_1701 = tpu.vector_load %arg10[%get3A_1700] {strides = array<i32>} : memref<1280xi32, #tpu.memory_space<vmem>>, vector<16xi32>,
    %get3A_1702 = vector.shape_cast %get3A_1701 : vector<16xi32> to vector<16xi32>
    %mul3A_1703 = arith.constant 432 : i32
    %mul3A_1704 = vector.broadcast %mul3A_1703 : i32 to vector<16xi32>
    %mul3A_1705 = arith.muli %get3A_1697, %mul3A_1704 : vector<16xi32>
    %add3A_1706 = arith.addi %mul3A_1705, %get3A_1702 : vector<16xi32>
    %swap3A_1707 = arith.constant 7 : i32
    %swap3A_1708 = arith.index_cast %swap3A_1707 : i32 to index
    %swap3A_1709 = arith.constant 32 : index
    %swap3A_1710 = tpu.vector_load %arg12[%swap3A_1708, %swap3A_1709] {strides = array<i32>} : memref<10x128xi32, #tpu.memory_space<vmem>>, vector<1x16xi32>,
    %swap3A_1711 = vector.shape_cast %swap3A_1710 : vector<1x16xi32> to vector<16xi32>
    %swap3A_1712 = vector.shape_cast %add3A_1706 : vector<16xi32> to vector<1x16xi32>
    tpu.vector_store %arg12[%swap3A_1708, %swap3A_1709], %swap3A_1712 {strides = array<i32>} : memref<10x128xi32, #tpu.memory_space<vmem>>, vector<1x16xi32>,
    %add3A_1713 = vector.broadcast %mul3A_15 : i32 to vector<16xi32>
    %add3A_1714 = arith.addi %add3A_1713, %add3A_1706 : vector<16xi32>
    %swap3A_1715 = arith.constant 7 : i32
    %swap3A_1716 = arith.index_cast %swap3A_1715 : i32 to index
    %swap3A_1717 = arith.constant 32 : index
    %swap3A_1718 = tpu.vector_load %arg11[%swap3A_1716, %swap3A_1717] {strides = array<i32>} : memref<10x128xi32, #tpu.memory_space<vmem>>, vector<1x16xi32>,
    %swap3A_1719 = vector.shape_cast %swap3A_1718 : vector<1x16xi32> to vector<16xi32>
    %swap3A_1720 = vector.shape_cast %add3A_1714 : vector<16xi32> to vector<1x16xi32>
    tpu.vector_store %arg11[%swap3A_1716, %swap3A_1717], %swap3A_1720 {strides = array<i32>} : memref<10x128xi32, #tpu.memory_space<vmem>>, vector<1x16xi32>,
    %add3A_1721 = arith.constant 48 : i32
    %add3A_1722 = arith.addi %sub3A_1636, %add3A_1721 : i32
    %get3A_1723 = arith.index_cast %add3A_1722 : i32 to index
    %get3A_1724 = tpu.vector_load %arg9[%get3A_1723] {strides = array<i32>} : memref<1280xi32, #tpu.memory_space<vmem>>, vector<16xi32>,
    %get3A_1725 = vector.shape_cast %get3A_1724 : vector<16xi32> to vector<16xi32>
    %add3A_1726 = arith.constant 48 : i32
    %add3A_1727 = arith.addi %sub3A_1636, %add3A_1726 : i32
    %get3A_1728 = arith.index_cast %add3A_1727 : i32 to index
    %get3A_1729 = tpu.vector_load %arg10[%get3A_1728] {strides = array<i32>} : memref<1280xi32, #tpu.memory_space<vmem>>, vector<16xi32>,
    %get3A_1730 = vector.shape_cast %get3A_1729 : vector<16xi32> to vector<16xi32>
    %mul3A_1731 = arith.constant 432 : i32
    %mul3A_1732 = vector.broadcast %mul3A_1731 : i32 to vector<16xi32>
    %mul3A_1733 = arith.muli %get3A_1725, %mul3A_1732 : vector<16xi32>
    %add3A_1734 = arith.addi %mul3A_1733, %get3A_1730 : vector<16xi32>
    %swap3A_1735 = arith.constant 7 : i32
    %swap3A_1736 = arith.index_cast %swap3A_1735 : i32 to index
    %swap3A_1737 = arith.constant 48 : index
    %swap3A_1738 = tpu.vector_load %arg12[%swap3A_1736, %swap3A_1737] {strides = array<i32>} : memref<10x128xi32, #tpu.memory_space<vmem>>, vector<1x16xi32>,
    %swap3A_1739 = vector.shape_cast %swap3A_1738 : vector<1x16xi32> to vector<16xi32>
    %swap3A_1740 = vector.shape_cast %add3A_1734 : vector<16xi32> to vector<1x16xi32>
    tpu.vector_store %arg12[%swap3A_1736, %swap3A_1737], %swap3A_1740 {strides = array<i32>} : memref<10x128xi32, #tpu.memory_space<vmem>>, vector<1x16xi32>,
    %add3A_1741 = vector.broadcast %mul3A_15 : i32 to vector<16xi32>
    %add3A_1742 = arith.addi %add3A_1741, %add3A_1734 : vector<16xi32>
    %swap3A_1743 = arith.constant 7 : i32
    %swap3A_1744 = arith.index_cast %swap3A_1743 : i32 to index
    %swap3A_1745 = arith.constant 48 : index
    %swap3A_1746 = tpu.vector_load %arg11[%swap3A_1744, %swap3A_1745] {strides = array<i32>} : memref<10x128xi32, #tpu.memory_space<vmem>>, vector<1x16xi32>,
    %swap3A_1747 = vector.shape_cast %swap3A_1746 : vector<1x16xi32> to vector<16xi32>
    %swap3A_1748 = vector.shape_cast %add3A_1742 : vector<16xi32> to vector<1x16xi32>
    tpu.vector_store %arg11[%swap3A_1744, %swap3A_1745], %swap3A_1748 {strides = array<i32>} : memref<10x128xi32, #tpu.memory_space<vmem>>, vector<1x16xi32>,
    %add3A_1749 = arith.constant 64 : i32
    %add3A_1750 = arith.addi %sub3A_1636, %add3A_1749 : i32
    %get3A_1751 = arith.index_cast %add3A_1750 : i32 to index
    %get3A_1752 = tpu.vector_load %arg9[%get3A_1751] {strides = array<i32>} : memref<1280xi32, #tpu.memory_space<vmem>>, vector<16xi32>,
    %get3A_1753 = vector.shape_cast %get3A_1752 : vector<16xi32> to vector<16xi32>
    %add3A_1754 = arith.constant 64 : i32
    %add3A_1755 = arith.addi %sub3A_1636, %add3A_1754 : i32
    %get3A_1756 = arith.index_cast %add3A_1755 : i32 to index
    %get3A_1757 = tpu.vector_load %arg10[%get3A_1756] {strides = array<i32>} : memref<1280xi32, #tpu.memory_space<vmem>>, vector<16xi32>,
    %get3A_1758 = vector.shape_cast %get3A_1757 : vector<16xi32> to vector<16xi32>
    %mul3A_1759 = arith.constant 432 : i32
    %mul3A_1760 = vector.broadcast %mul3A_1759 : i32 to vector<16xi32>
    %mul3A_1761 = arith.muli %get3A_1753, %mul3A_1760 : vector<16xi32>
    %add3A_1762 = arith.addi %mul3A_1761, %get3A_1758 : vector<16xi32>
    %swap3A_1763 = arith.constant 7 : i32
    %swap3A_1764 = arith.index_cast %swap3A_1763 : i32 to index
    %swap3A_1765 = arith.constant 64 : index
    %swap3A_1766 = tpu.vector_load %arg12[%swap3A_1764, %swap3A_1765] {strides = array<i32>} : memref<10x128xi32, #tpu.memory_space<vmem>>, vector<1x16xi32>,
    %swap3A_1767 = vector.shape_cast %swap3A_1766 : vector<1x16xi32> to vector<16xi32>
    %swap3A_1768 = vector.shape_cast %add3A_1762 : vector<16xi32> to vector<1x16xi32>
    tpu.vector_store %arg12[%swap3A_1764, %swap3A_1765], %swap3A_1768 {strides = array<i32>} : memref<10x128xi32, #tpu.memory_space<vmem>>, vector<1x16xi32>,
    %add3A_1769 = vector.broadcast %mul3A_15 : i32 to vector<16xi32>
    %add3A_1770 = arith.addi %add3A_1769, %add3A_1762 : vector<16xi32>
    %swap3A_1771 = arith.constant 7 : i32
    %swap3A_1772 = arith.index_cast %swap3A_1771 : i32 to index
    %swap3A_1773 = arith.constant 64 : index
    %swap3A_1774 = tpu.vector_load %arg11[%swap3A_1772, %swap3A_1773] {strides = array<i32>} : memref<10x128xi32, #tpu.memory_space<vmem>>, vector<1x16xi32>,
    %swap3A_1775 = vector.shape_cast %swap3A_1774 : vector<1x16xi32> to vector<16xi32>
    %swap3A_1776 = vector.shape_cast %add3A_1770 : vector<16xi32> to vector<1x16xi32>
    tpu.vector_store %arg11[%swap3A_1772, %swap3A_1773], %swap3A_1776 {strides = array<i32>} : memref<10x128xi32, #tpu.memory_space<vmem>>, vector<1x16xi32>,
    %add3A_1777 = arith.constant 80 : i32
    %add3A_1778 = arith.addi %sub3A_1636, %add3A_1777 : i32
    %get3A_1779 = arith.index_cast %add3A_1778 : i32 to index
    %get3A_1780 = tpu.vector_load %arg9[%get3A_1779] {strides = array<i32>} : memref<1280xi32, #tpu.memory_space<vmem>>, vector<16xi32>,
    %get3A_1781 = vector.shape_cast %get3A_1780 : vector<16xi32> to vector<16xi32>
    %add3A_1782 = arith.constant 80 : i32
    %add3A_1783 = arith.addi %sub3A_1636, %add3A_1782 : i32
    %get3A_1784 = arith.index_cast %add3A_1783 : i32 to index
    %get3A_1785 = tpu.vector_load %arg10[%get3A_1784] {strides = array<i32>} : memref<1280xi32, #tpu.memory_space<vmem>>, vector<16xi32>,
    %get3A_1786 = vector.shape_cast %get3A_1785 : vector<16xi32> to vector<16xi32>
    %mul3A_1787 = arith.constant 432 : i32
    %mul3A_1788 = vector.broadcast %mul3A_1787 : i32 to vector<16xi32>
    %mul3A_1789 = arith.muli %get3A_1781, %mul3A_1788 : vector<16xi32>
    %add3A_1790 = arith.addi %mul3A_1789, %get3A_1786 : vector<16xi32>
    %swap3A_1791 = arith.constant 7 : i32
    %swap3A_1792 = arith.index_cast %swap3A_1791 : i32 to index
    %swap3A_1793 = arith.constant 80 : index
    %swap3A_1794 = tpu.vector_load %arg12[%swap3A_1792, %swap3A_1793] {strides = array<i32>} : memref<10x128xi32, #tpu.memory_space<vmem>>, vector<1x16xi32>,
    %swap3A_1795 = vector.shape_cast %swap3A_1794 : vector<1x16xi32> to vector<16xi32>
    %swap3A_1796 = vector.shape_cast %add3A_1790 : vector<16xi32> to vector<1x16xi32>
    tpu.vector_store %arg12[%swap3A_1792, %swap3A_1793], %swap3A_1796 {strides = array<i32>} : memref<10x128xi32, #tpu.memory_space<vmem>>, vector<1x16xi32>,
    %add3A_1797 = vector.broadcast %mul3A_15 : i32 to vector<16xi32>
    %add3A_1798 = arith.addi %add3A_1797, %add3A_1790 : vector<16xi32>
    %swap3A_1799 = arith.constant 7 : i32
    %swap3A_1800 = arith.index_cast %swap3A_1799 : i32 to index
    %swap3A_1801 = arith.constant 80 : index
    %swap3A_1802 = tpu.vector_load %arg11[%swap3A_1800, %swap3A_1801] {strides = array<i32>} : memref<10x128xi32, #tpu.memory_space<vmem>>, vector<1x16xi32>,
    %swap3A_1803 = vector.shape_cast %swap3A_1802 : vector<1x16xi32> to vector<16xi32>
    %swap3A_1804 = vector.shape_cast %add3A_1798 : vector<16xi32> to vector<1x16xi32>
    tpu.vector_store %arg11[%swap3A_1800, %swap3A_1801], %swap3A_1804 {strides = array<i32>} : memref<10x128xi32, #tpu.memory_space<vmem>>, vector<1x16xi32>,
    %add3A_1805 = arith.constant 96 : i32
    %add3A_1806 = arith.addi %sub3A_1636, %add3A_1805 : i32
    %get3A_1807 = arith.index_cast %add3A_1806 : i32 to index
    %get3A_1808 = tpu.vector_load %arg9[%get3A_1807] {strides = array<i32>} : memref<1280xi32, #tpu.memory_space<vmem>>, vector<16xi32>,
    %get3A_1809 = vector.shape_cast %get3A_1808 : vector<16xi32> to vector<16xi32>
    %add3A_1810 = arith.constant 96 : i32
    %add3A_1811 = arith.addi %sub3A_1636, %add3A_1810 : i32
    %get3A_1812 = arith.index_cast %add3A_1811 : i32 to index
    %get3A_1813 = tpu.vector_load %arg10[%get3A_1812] {strides = array<i32>} : memref<1280xi32, #tpu.memory_space<vmem>>, vector<16xi32>,
    %get3A_1814 = vector.shape_cast %get3A_1813 : vector<16xi32> to vector<16xi32>
    %mul3A_1815 = arith.constant 432 : i32
    %mul3A_1816 = vector.broadcast %mul3A_1815 : i32 to vector<16xi32>
    %mul3A_1817 = arith.muli %get3A_1809, %mul3A_1816 : vector<16xi32>
    %add3A_1818 = arith.addi %mul3A_1817, %get3A_1814 : vector<16xi32>
    %swap3A_1819 = arith.constant 7 : i32
    %swap3A_1820 = arith.index_cast %swap3A_1819 : i32 to index
    %swap3A_1821 = arith.constant 96 : index
    %swap3A_1822 = tpu.vector_load %arg12[%swap3A_1820, %swap3A_1821] {strides = array<i32>} : memref<10x128xi32, #tpu.memory_space<vmem>>, vector<1x16xi32>,
    %swap3A_1823 = vector.shape_cast %swap3A_1822 : vector<1x16xi32> to vector<16xi32>
    %swap3A_1824 = vector.shape_cast %add3A_1818 : vector<16xi32> to vector<1x16xi32>
    tpu.vector_store %arg12[%swap3A_1820, %swap3A_1821], %swap3A_1824 {strides = array<i32>} : memref<10x128xi32, #tpu.memory_space<vmem>>, vector<1x16xi32>,
    %add3A_1825 = vector.broadcast %mul3A_15 : i32 to vector<16xi32>
    %add3A_1826 = arith.addi %add3A_1825, %add3A_1818 : vector<16xi32>
    %swap3A_1827 = arith.constant 7 : i32
    %swap3A_1828 = arith.index_cast %swap3A_1827 : i32 to index
    %swap3A_1829 = arith.constant 96 : index
    %swap3A_1830 = tpu.vector_load %arg11[%swap3A_1828, %swap3A_1829] {strides = array<i32>} : memref<10x128xi32, #tpu.memory_space<vmem>>, vector<1x16xi32>,
    %swap3A_1831 = vector.shape_cast %swap3A_1830 : vector<1x16xi32> to vector<16xi32>
    %swap3A_1832 = vector.shape_cast %add3A_1826 : vector<16xi32> to vector<1x16xi32>
    tpu.vector_store %arg11[%swap3A_1828, %swap3A_1829], %swap3A_1832 {strides = array<i32>} : memref<10x128xi32, #tpu.memory_space<vmem>>, vector<1x16xi32>,
    %add3A_1833 = arith.constant 112 : i32
    %add3A_1834 = arith.addi %sub3A_1636, %add3A_1833 : i32
    %get3A_1835 = arith.index_cast %add3A_1834 : i32 to index
    %get3A_1836 = tpu.vector_load %arg9[%get3A_1835] {strides = array<i32>} : memref<1280xi32, #tpu.memory_space<vmem>>, vector<16xi32>,
    %get3A_1837 = vector.shape_cast %get3A_1836 : vector<16xi32> to vector<16xi32>
    %add3A_1838 = arith.constant 112 : i32
    %add3A_1839 = arith.addi %sub3A_1636, %add3A_1838 : i32
    %get3A_1840 = arith.index_cast %add3A_1839 : i32 to index
    %get3A_1841 = tpu.vector_load %arg10[%get3A_1840] {strides = array<i32>} : memref<1280xi32, #tpu.memory_space<vmem>>, vector<16xi32>,
    %get3A_1842 = vector.shape_cast %get3A_1841 : vector<16xi32> to vector<16xi32>
    %mul3A_1843 = arith.constant 432 : i32
    %mul3A_1844 = vector.broadcast %mul3A_1843 : i32 to vector<16xi32>
    %mul3A_1845 = arith.muli %get3A_1837, %mul3A_1844 : vector<16xi32>
    %add3A_1846 = arith.addi %mul3A_1845, %get3A_1842 : vector<16xi32>
    %swap3A_1847 = arith.constant 7 : i32
    %swap3A_1848 = arith.index_cast %swap3A_1847 : i32 to index
    %swap3A_1849 = arith.constant 112 : index
    %swap3A_1850 = tpu.vector_load %arg12[%swap3A_1848, %swap3A_1849] {strides = array<i32>} : memref<10x128xi32, #tpu.memory_space<vmem>>, vector<1x16xi32>,
    %swap3A_1851 = vector.shape_cast %swap3A_1850 : vector<1x16xi32> to vector<16xi32>
    %swap3A_1852 = vector.shape_cast %add3A_1846 : vector<16xi32> to vector<1x16xi32>
    tpu.vector_store %arg12[%swap3A_1848, %swap3A_1849], %swap3A_1852 {strides = array<i32>} : memref<10x128xi32, #tpu.memory_space<vmem>>, vector<1x16xi32>,
    %add3A_1853 = vector.broadcast %mul3A_15 : i32 to vector<16xi32>
    %add3A_1854 = arith.addi %add3A_1853, %add3A_1846 : vector<16xi32>
    %swap3A_1855 = arith.constant 7 : i32
    %swap3A_1856 = arith.index_cast %swap3A_1855 : i32 to index
    %swap3A_1857 = arith.constant 112 : index
    %swap3A_1858 = tpu.vector_load %arg11[%swap3A_1856, %swap3A_1857] {strides = array<i32>} : memref<10x128xi32, #tpu.memory_space<vmem>>, vector<1x16xi32>,
    %swap3A_1859 = vector.shape_cast %swap3A_1858 : vector<1x16xi32> to vector<16xi32>
    %swap3A_1860 = vector.shape_cast %add3A_1854 : vector<16xi32> to vector<1x16xi32>
    tpu.vector_store %arg11[%swap3A_1856, %swap3A_1857], %swap3A_1860 {strides = array<i32>} : memref<10x128xi32, #tpu.memory_space<vmem>>, vector<1x16xi32>,
    %mul3A_1861 = arith.constant 1280 : i32
    %mul3A_1862 = arith.muli %arg1, %mul3A_1861 : i32
    %add3A_1863 = arith.constant 1024 : i32
    %add3A_1864 = arith.addi %mul3A_1862, %add3A_1863 : i32
    %min3A_1865 = arith.constant 19872 : i32
    %min3A_1866 = arith.minsi %add3A_1864, %min3A_1865 : i32
    %sub3A_1867 = arith.subi %min3A_1866, %min3A_1 : i32
    %add3A_1868 = arith.constant 0 : i32
    %add3A_1869 = arith.addi %sub3A_1867, %add3A_1868 : i32
    %get3A_1870 = arith.index_cast %add3A_1869 : i32 to index
    %get3A_1871 = tpu.vector_load %arg9[%get3A_1870] {strides = array<i32>} : memref<1280xi32, #tpu.memory_space<vmem>>, vector<16xi32>,
    %get3A_1872 = vector.shape_cast %get3A_1871 : vector<16xi32> to vector<16xi32>
    %add3A_1873 = arith.constant 0 : i32
    %add3A_1874 = arith.addi %sub3A_1867, %add3A_1873 : i32
    %get3A_1875 = arith.index_cast %add3A_1874 : i32 to index
    %get3A_1876 = tpu.vector_load %arg10[%get3A_1875] {strides = array<i32>} : memref<1280xi32, #tpu.memory_space<vmem>>, vector<16xi32>,
    %get3A_1877 = vector.shape_cast %get3A_1876 : vector<16xi32> to vector<16xi32>
    %mul3A_1878 = arith.constant 432 : i32
    %mul3A_1879 = vector.broadcast %mul3A_1878 : i32 to vector<16xi32>
    %mul3A_1880 = arith.muli %get3A_1872, %mul3A_1879 : vector<16xi32>
    %add3A_1881 = arith.addi %mul3A_1880, %get3A_1877 : vector<16xi32>
    %swap3A_1882 = arith.constant 8 : i32
    %swap3A_1883 = arith.index_cast %swap3A_1882 : i32 to index
    %swap3A_1884 = arith.constant 0 : index
    %swap3A_1885 = tpu.vector_load %arg12[%swap3A_1883, %swap3A_1884] {strides = array<i32>} : memref<10x128xi32, #tpu.memory_space<vmem>>, vector<1x16xi32>,
    %swap3A_1886 = vector.shape_cast %swap3A_1885 : vector<1x16xi32> to vector<16xi32>
    %swap3A_1887 = vector.shape_cast %add3A_1881 : vector<16xi32> to vector<1x16xi32>
    tpu.vector_store %arg12[%swap3A_1883, %swap3A_1884], %swap3A_1887 {strides = array<i32>} : memref<10x128xi32, #tpu.memory_space<vmem>>, vector<1x16xi32>,
    %add3A_1888 = vector.broadcast %mul3A_15 : i32 to vector<16xi32>
    %add3A_1889 = arith.addi %add3A_1888, %add3A_1881 : vector<16xi32>
    %swap3A_1890 = arith.constant 8 : i32
    %swap3A_1891 = arith.index_cast %swap3A_1890 : i32 to index
    %swap3A_1892 = arith.constant 0 : index
    %swap3A_1893 = tpu.vector_load %arg11[%swap3A_1891, %swap3A_1892] {strides = array<i32>} : memref<10x128xi32, #tpu.memory_space<vmem>>, vector<1x16xi32>,
    %swap3A_1894 = vector.shape_cast %swap3A_1893 : vector<1x16xi32> to vector<16xi32>
    %swap3A_1895 = vector.shape_cast %add3A_1889 : vector<16xi32> to vector<1x16xi32>
    tpu.vector_store %arg11[%swap3A_1891, %swap3A_1892], %swap3A_1895 {strides = array<i32>} : memref<10x128xi32, #tpu.memory_space<vmem>>, vector<1x16xi32>,
    %add3A_1896 = arith.constant 16 : i32
    %add3A_1897 = arith.addi %sub3A_1867, %add3A_1896 : i32
    %get3A_1898 = arith.index_cast %add3A_1897 : i32 to index
    %get3A_1899 = tpu.vector_load %arg9[%get3A_1898] {strides = array<i32>} : memref<1280xi32, #tpu.memory_space<vmem>>, vector<16xi32>,
    %get3A_1900 = vector.shape_cast %get3A_1899 : vector<16xi32> to vector<16xi32>
    %add3A_1901 = arith.constant 16 : i32
    %add3A_1902 = arith.addi %sub3A_1867, %add3A_1901 : i32
    %get3A_1903 = arith.index_cast %add3A_1902 : i32 to index
    %get3A_1904 = tpu.vector_load %arg10[%get3A_1903] {strides = array<i32>} : memref<1280xi32, #tpu.memory_space<vmem>>, vector<16xi32>,
    %get3A_1905 = vector.shape_cast %get3A_1904 : vector<16xi32> to vector<16xi32>
    %mul3A_1906 = arith.constant 432 : i32
    %mul3A_1907 = vector.broadcast %mul3A_1906 : i32 to vector<16xi32>
    %mul3A_1908 = arith.muli %get3A_1900, %mul3A_1907 : vector<16xi32>
    %add3A_1909 = arith.addi %mul3A_1908, %get3A_1905 : vector<16xi32>
    %swap3A_1910 = arith.constant 8 : i32
    %swap3A_1911 = arith.index_cast %swap3A_1910 : i32 to index
    %swap3A_1912 = arith.constant 16 : index
    %swap3A_1913 = tpu.vector_load %arg12[%swap3A_1911, %swap3A_1912] {strides = array<i32>} : memref<10x128xi32, #tpu.memory_space<vmem>>, vector<1x16xi32>,
    %swap3A_1914 = vector.shape_cast %swap3A_1913 : vector<1x16xi32> to vector<16xi32>
    %swap3A_1915 = vector.shape_cast %add3A_1909 : vector<16xi32> to vector<1x16xi32>
    tpu.vector_store %arg12[%swap3A_1911, %swap3A_1912], %swap3A_1915 {strides = array<i32>} : memref<10x128xi32, #tpu.memory_space<vmem>>, vector<1x16xi32>,
    %add3A_1916 = vector.broadcast %mul3A_15 : i32 to vector<16xi32>
    %add3A_1917 = arith.addi %add3A_1916, %add3A_1909 : vector<16xi32>
    %swap3A_1918 = arith.constant 8 : i32
    %swap3A_1919 = arith.index_cast %swap3A_1918 : i32 to index
    %swap3A_1920 = arith.constant 16 : index
    %swap3A_1921 = tpu.vector_load %arg11[%swap3A_1919, %swap3A_1920] {strides = array<i32>} : memref<10x128xi32, #tpu.memory_space<vmem>>, vector<1x16xi32>,
    %swap3A_1922 = vector.shape_cast %swap3A_1921 : vector<1x16xi32> to vector<16xi32>
    %swap3A_1923 = vector.shape_cast %add3A_1917 : vector<16xi32> to vector<1x16xi32>
    tpu.vector_store %arg11[%swap3A_1919, %swap3A_1920], %swap3A_1923 {strides = array<i32>} : memref<10x128xi32, #tpu.memory_space<vmem>>, vector<1x16xi32>,
    %add3A_1924 = arith.constant 32 : i32
    %add3A_1925 = arith.addi %sub3A_1867, %add3A_1924 : i32
    %get3A_1926 = arith.index_cast %add3A_1925 : i32 to index
    %get3A_1927 = tpu.vector_load %arg9[%get3A_1926] {strides = array<i32>} : memref<1280xi32, #tpu.memory_space<vmem>>, vector<16xi32>,
    %get3A_1928 = vector.shape_cast %get3A_1927 : vector<16xi32> to vector<16xi32>
    %add3A_1929 = arith.constant 32 : i32
    %add3A_1930 = arith.addi %sub3A_1867, %add3A_1929 : i32
    %get3A_1931 = arith.index_cast %add3A_1930 : i32 to index
    %get3A_1932 = tpu.vector_load %arg10[%get3A_1931] {strides = array<i32>} : memref<1280xi32, #tpu.memory_space<vmem>>, vector<16xi32>,
    %get3A_1933 = vector.shape_cast %get3A_1932 : vector<16xi32> to vector<16xi32>
    %mul3A_1934 = arith.constant 432 : i32
    %mul3A_1935 = vector.broadcast %mul3A_1934 : i32 to vector<16xi32>
    %mul3A_1936 = arith.muli %get3A_1928, %mul3A_1935 : vector<16xi32>
    %add3A_1937 = arith.addi %mul3A_1936, %get3A_1933 : vector<16xi32>
    %swap3A_1938 = arith.constant 8 : i32
    %swap3A_1939 = arith.index_cast %swap3A_1938 : i32 to index
    %swap3A_1940 = arith.constant 32 : index
    %swap3A_1941 = tpu.vector_load %arg12[%swap3A_1939, %swap3A_1940] {strides = array<i32>} : memref<10x128xi32, #tpu.memory_space<vmem>>, vector<1x16xi32>,
    %swap3A_1942 = vector.shape_cast %swap3A_1941 : vector<1x16xi32> to vector<16xi32>
    %swap3A_1943 = vector.shape_cast %add3A_1937 : vector<16xi32> to vector<1x16xi32>
    tpu.vector_store %arg12[%swap3A_1939, %swap3A_1940], %swap3A_1943 {strides = array<i32>} : memref<10x128xi32, #tpu.memory_space<vmem>>, vector<1x16xi32>,
    %add3A_1944 = vector.broadcast %mul3A_15 : i32 to vector<16xi32>
    %add3A_1945 = arith.addi %add3A_1944, %add3A_1937 : vector<16xi32>
    %swap3A_1946 = arith.constant 8 : i32
    %swap3A_1947 = arith.index_cast %swap3A_1946 : i32 to index
    %swap3A_1948 = arith.constant 32 : index
    %swap3A_1949 = tpu.vector_load %arg11[%swap3A_1947, %swap3A_1948] {strides = array<i32>} : memref<10x128xi32, #tpu.memory_space<vmem>>, vector<1x16xi32>,
    %swap3A_1950 = vector.shape_cast %swap3A_1949 : vector<1x16xi32> to vector<16xi32>
    %swap3A_1951 = vector.shape_cast %add3A_1945 : vector<16xi32> to vector<1x16xi32>
    tpu.vector_store %arg11[%swap3A_1947, %swap3A_1948], %swap3A_1951 {strides = array<i32>} : memref<10x128xi32, #tpu.memory_space<vmem>>, vector<1x16xi32>,
    %add3A_1952 = arith.constant 48 : i32
    %add3A_1953 = arith.addi %sub3A_1867, %add3A_1952 : i32
    %get3A_1954 = arith.index_cast %add3A_1953 : i32 to index
    %get3A_1955 = tpu.vector_load %arg9[%get3A_1954] {strides = array<i32>} : memref<1280xi32, #tpu.memory_space<vmem>>, vector<16xi32>,
    %get3A_1956 = vector.shape_cast %get3A_1955 : vector<16xi32> to vector<16xi32>
    %add3A_1957 = arith.constant 48 : i32
    %add3A_1958 = arith.addi %sub3A_1867, %add3A_1957 : i32
    %get3A_1959 = arith.index_cast %add3A_1958 : i32 to index
    %get3A_1960 = tpu.vector_load %arg10[%get3A_1959] {strides = array<i32>} : memref<1280xi32, #tpu.memory_space<vmem>>, vector<16xi32>,
    %get3A_1961 = vector.shape_cast %get3A_1960 : vector<16xi32> to vector<16xi32>
    %mul3A_1962 = arith.constant 432 : i32
    %mul3A_1963 = vector.broadcast %mul3A_1962 : i32 to vector<16xi32>
    %mul3A_1964 = arith.muli %get3A_1956, %mul3A_1963 : vector<16xi32>
    %add3A_1965 = arith.addi %mul3A_1964, %get3A_1961 : vector<16xi32>
    %swap3A_1966 = arith.constant 8 : i32
    %swap3A_1967 = arith.index_cast %swap3A_1966 : i32 to index
    %swap3A_1968 = arith.constant 48 : index
    %swap3A_1969 = tpu.vector_load %arg12[%swap3A_1967, %swap3A_1968] {strides = array<i32>} : memref<10x128xi32, #tpu.memory_space<vmem>>, vector<1x16xi32>,
    %swap3A_1970 = vector.shape_cast %swap3A_1969 : vector<1x16xi32> to vector<16xi32>
    %swap3A_1971 = vector.shape_cast %add3A_1965 : vector<16xi32> to vector<1x16xi32>
    tpu.vector_store %arg12[%swap3A_1967, %swap3A_1968], %swap3A_1971 {strides = array<i32>} : memref<10x128xi32, #tpu.memory_space<vmem>>, vector<1x16xi32>,
    %add3A_1972 = vector.broadcast %mul3A_15 : i32 to vector<16xi32>
    %add3A_1973 = arith.addi %add3A_1972, %add3A_1965 : vector<16xi32>
    %swap3A_1974 = arith.constant 8 : i32
    %swap3A_1975 = arith.index_cast %swap3A_1974 : i32 to index
    %swap3A_1976 = arith.constant 48 : index
    %swap3A_1977 = tpu.vector_load %arg11[%swap3A_1975, %swap3A_1976] {strides = array<i32>} : memref<10x128xi32, #tpu.memory_space<vmem>>, vector<1x16xi32>,
    %swap3A_1978 = vector.shape_cast %swap3A_1977 : vector<1x16xi32> to vector<16xi32>
    %swap3A_1979 = vector.shape_cast %add3A_1973 : vector<16xi32> to vector<1x16xi32>
    tpu.vector_store %arg11[%swap3A_1975, %swap3A_1976], %swap3A_1979 {strides = array<i32>} : memref<10x128xi32, #tpu.memory_space<vmem>>, vector<1x16xi32>,
    %add3A_1980 = arith.constant 64 : i32
    %add3A_1981 = arith.addi %sub3A_1867, %add3A_1980 : i32
    %get3A_1982 = arith.index_cast %add3A_1981 : i32 to index
    %get3A_1983 = tpu.vector_load %arg9[%get3A_1982] {strides = array<i32>} : memref<1280xi32, #tpu.memory_space<vmem>>, vector<16xi32>,
    %get3A_1984 = vector.shape_cast %get3A_1983 : vector<16xi32> to vector<16xi32>
    %add3A_1985 = arith.constant 64 : i32
    %add3A_1986 = arith.addi %sub3A_1867, %add3A_1985 : i32
    %get3A_1987 = arith.index_cast %add3A_1986 : i32 to index
    %get3A_1988 = tpu.vector_load %arg10[%get3A_1987] {strides = array<i32>} : memref<1280xi32, #tpu.memory_space<vmem>>, vector<16xi32>,
    %get3A_1989 = vector.shape_cast %get3A_1988 : vector<16xi32> to vector<16xi32>
    %mul3A_1990 = arith.constant 432 : i32
    %mul3A_1991 = vector.broadcast %mul3A_1990 : i32 to vector<16xi32>
    %mul3A_1992 = arith.muli %get3A_1984, %mul3A_1991 : vector<16xi32>
    %add3A_1993 = arith.addi %mul3A_1992, %get3A_1989 : vector<16xi32>
    %swap3A_1994 = arith.constant 8 : i32
    %swap3A_1995 = arith.index_cast %swap3A_1994 : i32 to index
    %swap3A_1996 = arith.constant 64 : index
    %swap3A_1997 = tpu.vector_load %arg12[%swap3A_1995, %swap3A_1996] {strides = array<i32>} : memref<10x128xi32, #tpu.memory_space<vmem>>, vector<1x16xi32>,
    %swap3A_1998 = vector.shape_cast %swap3A_1997 : vector<1x16xi32> to vector<16xi32>
    %swap3A_1999 = vector.shape_cast %add3A_1993 : vector<16xi32> to vector<1x16xi32>
    tpu.vector_store %arg12[%swap3A_1995, %swap3A_1996], %swap3A_1999 {strides = array<i32>} : memref<10x128xi32, #tpu.memory_space<vmem>>, vector<1x16xi32>,
    %add3A_2000 = vector.broadcast %mul3A_15 : i32 to vector<16xi32>
    %add3A_2001 = arith.addi %add3A_2000, %add3A_1993 : vector<16xi32>
    %swap3A_2002 = arith.constant 8 : i32
    %swap3A_2003 = arith.index_cast %swap3A_2002 : i32 to index
    %swap3A_2004 = arith.constant 64 : index
    %swap3A_2005 = tpu.vector_load %arg11[%swap3A_2003, %swap3A_2004] {strides = array<i32>} : memref<10x128xi32, #tpu.memory_space<vmem>>, vector<1x16xi32>,
    %swap3A_2006 = vector.shape_cast %swap3A_2005 : vector<1x16xi32> to vector<16xi32>
    %swap3A_2007 = vector.shape_cast %add3A_2001 : vector<16xi32> to vector<1x16xi32>
    tpu.vector_store %arg11[%swap3A_2003, %swap3A_2004], %swap3A_2007 {strides = array<i32>} : memref<10x128xi32, #tpu.memory_space<vmem>>, vector<1x16xi32>,
    %add3A_2008 = arith.constant 80 : i32
    %add3A_2009 = arith.addi %sub3A_1867, %add3A_2008 : i32
    %get3A_2010 = arith.index_cast %add3A_2009 : i32 to index
    %get3A_2011 = tpu.vector_load %arg9[%get3A_2010] {strides = array<i32>} : memref<1280xi32, #tpu.memory_space<vmem>>, vector<16xi32>,
    %get3A_2012 = vector.shape_cast %get3A_2011 : vector<16xi32> to vector<16xi32>
    %add3A_2013 = arith.constant 80 : i32
    %add3A_2014 = arith.addi %sub3A_1867, %add3A_2013 : i32
    %get3A_2015 = arith.index_cast %add3A_2014 : i32 to index
    %get3A_2016 = tpu.vector_load %arg10[%get3A_2015] {strides = array<i32>} : memref<1280xi32, #tpu.memory_space<vmem>>, vector<16xi32>,
    %get3A_2017 = vector.shape_cast %get3A_2016 : vector<16xi32> to vector<16xi32>
    %mul3A_2018 = arith.constant 432 : i32
    %mul3A_2019 = vector.broadcast %mul3A_2018 : i32 to vector<16xi32>
    %mul3A_2020 = arith.muli %get3A_2012, %mul3A_2019 : vector<16xi32>
    %add3A_2021 = arith.addi %mul3A_2020, %get3A_2017 : vector<16xi32>
    %swap3A_2022 = arith.constant 8 : i32
    %swap3A_2023 = arith.index_cast %swap3A_2022 : i32 to index
    %swap3A_2024 = arith.constant 80 : index
    %swap3A_2025 = tpu.vector_load %arg12[%swap3A_2023, %swap3A_2024] {strides = array<i32>} : memref<10x128xi32, #tpu.memory_space<vmem>>, vector<1x16xi32>,
    %swap3A_2026 = vector.shape_cast %swap3A_2025 : vector<1x16xi32> to vector<16xi32>
    %swap3A_2027 = vector.shape_cast %add3A_2021 : vector<16xi32> to vector<1x16xi32>
    tpu.vector_store %arg12[%swap3A_2023, %swap3A_2024], %swap3A_2027 {strides = array<i32>} : memref<10x128xi32, #tpu.memory_space<vmem>>, vector<1x16xi32>,
    %add3A_2028 = vector.broadcast %mul3A_15 : i32 to vector<16xi32>
    %add3A_2029 = arith.addi %add3A_2028, %add3A_2021 : vector<16xi32>
    %swap3A_2030 = arith.constant 8 : i32
    %swap3A_2031 = arith.index_cast %swap3A_2030 : i32 to index
    %swap3A_2032 = arith.constant 80 : index
    %swap3A_2033 = tpu.vector_load %arg11[%swap3A_2031, %swap3A_2032] {strides = array<i32>} : memref<10x128xi32, #tpu.memory_space<vmem>>, vector<1x16xi32>,
    %swap3A_2034 = vector.shape_cast %swap3A_2033 : vector<1x16xi32> to vector<16xi32>
    %swap3A_2035 = vector.shape_cast %add3A_2029 : vector<16xi32> to vector<1x16xi32>
    tpu.vector_store %arg11[%swap3A_2031, %swap3A_2032], %swap3A_2035 {strides = array<i32>} : memref<10x128xi32, #tpu.memory_space<vmem>>, vector<1x16xi32>,
    %add3A_2036 = arith.constant 96 : i32
    %add3A_2037 = arith.addi %sub3A_1867, %add3A_2036 : i32
    %get3A_2038 = arith.index_cast %add3A_2037 : i32 to index
    %get3A_2039 = tpu.vector_load %arg9[%get3A_2038] {strides = array<i32>} : memref<1280xi32, #tpu.memory_space<vmem>>, vector<16xi32>,
    %get3A_2040 = vector.shape_cast %get3A_2039 : vector<16xi32> to vector<16xi32>
    %add3A_2041 = arith.constant 96 : i32
    %add3A_2042 = arith.addi %sub3A_1867, %add3A_2041 : i32
    %get3A_2043 = arith.index_cast %add3A_2042 : i32 to index
    %get3A_2044 = tpu.vector_load %arg10[%get3A_2043] {strides = array<i32>} : memref<1280xi32, #tpu.memory_space<vmem>>, vector<16xi32>,
    %get3A_2045 = vector.shape_cast %get3A_2044 : vector<16xi32> to vector<16xi32>
    %mul3A_2046 = arith.constant 432 : i32
    %mul3A_2047 = vector.broadcast %mul3A_2046 : i32 to vector<16xi32>
    %mul3A_2048 = arith.muli %get3A_2040, %mul3A_2047 : vector<16xi32>
    %add3A_2049 = arith.addi %mul3A_2048, %get3A_2045 : vector<16xi32>
    %swap3A_2050 = arith.constant 8 : i32
    %swap3A_2051 = arith.index_cast %swap3A_2050 : i32 to index
    %swap3A_2052 = arith.constant 96 : index
    %swap3A_2053 = tpu.vector_load %arg12[%swap3A_2051, %swap3A_2052] {strides = array<i32>} : memref<10x128xi32, #tpu.memory_space<vmem>>, vector<1x16xi32>,
    %swap3A_2054 = vector.shape_cast %swap3A_2053 : vector<1x16xi32> to vector<16xi32>
    %swap3A_2055 = vector.shape_cast %add3A_2049 : vector<16xi32> to vector<1x16xi32>
    tpu.vector_store %arg12[%swap3A_2051, %swap3A_2052], %swap3A_2055 {strides = array<i32>} : memref<10x128xi32, #tpu.memory_space<vmem>>, vector<1x16xi32>,
    %add3A_2056 = vector.broadcast %mul3A_15 : i32 to vector<16xi32>
    %add3A_2057 = arith.addi %add3A_2056, %add3A_2049 : vector<16xi32>
    %swap3A_2058 = arith.constant 8 : i32
    %swap3A_2059 = arith.index_cast %swap3A_2058 : i32 to index
    %swap3A_2060 = arith.constant 96 : index
    %swap3A_2061 = tpu.vector_load %arg11[%swap3A_2059, %swap3A_2060] {strides = array<i32>} : memref<10x128xi32, #tpu.memory_space<vmem>>, vector<1x16xi32>,
    %swap3A_2062 = vector.shape_cast %swap3A_2061 : vector<1x16xi32> to vector<16xi32>
    %swap3A_2063 = vector.shape_cast %add3A_2057 : vector<16xi32> to vector<1x16xi32>
    tpu.vector_store %arg11[%swap3A_2059, %swap3A_2060], %swap3A_2063 {strides = array<i32>} : memref<10x128xi32, #tpu.memory_space<vmem>>, vector<1x16xi32>,
    %add3A_2064 = arith.constant 112 : i32
    %add3A_2065 = arith.addi %sub3A_1867, %add3A_2064 : i32
    %get3A_2066 = arith.index_cast %add3A_2065 : i32 to index
    %get3A_2067 = tpu.vector_load %arg9[%get3A_2066] {strides = array<i32>} : memref<1280xi32, #tpu.memory_space<vmem>>, vector<16xi32>,
    %get3A_2068 = vector.shape_cast %get3A_2067 : vector<16xi32> to vector<16xi32>
    %add3A_2069 = arith.constant 112 : i32
    %add3A_2070 = arith.addi %sub3A_1867, %add3A_2069 : i32
    %get3A_2071 = arith.index_cast %add3A_2070 : i32 to index
    %get3A_2072 = tpu.vector_load %arg10[%get3A_2071] {strides = array<i32>} : memref<1280xi32, #tpu.memory_space<vmem>>, vector<16xi32>,
    %get3A_2073 = vector.shape_cast %get3A_2072 : vector<16xi32> to vector<16xi32>
    %mul3A_2074 = arith.constant 432 : i32
    %mul3A_2075 = vector.broadcast %mul3A_2074 : i32 to vector<16xi32>
    %mul3A_2076 = arith.muli %get3A_2068, %mul3A_2075 : vector<16xi32>
    %add3A_2077 = arith.addi %mul3A_2076, %get3A_2073 : vector<16xi32>
    %swap3A_2078 = arith.constant 8 : i32
    %swap3A_2079 = arith.index_cast %swap3A_2078 : i32 to index
    %swap3A_2080 = arith.constant 112 : index
    %swap3A_2081 = tpu.vector_load %arg12[%swap3A_2079, %swap3A_2080] {strides = array<i32>} : memref<10x128xi32, #tpu.memory_space<vmem>>, vector<1x16xi32>,
    %swap3A_2082 = vector.shape_cast %swap3A_2081 : vector<1x16xi32> to vector<16xi32>
    %swap3A_2083 = vector.shape_cast %add3A_2077 : vector<16xi32> to vector<1x16xi32>
    tpu.vector_store %arg12[%swap3A_2079, %swap3A_2080], %swap3A_2083 {strides = array<i32>} : memref<10x128xi32, #tpu.memory_space<vmem>>, vector<1x16xi32>,
    %add3A_2084 = vector.broadcast %mul3A_15 : i32 to vector<16xi32>
    %add3A_2085 = arith.addi %add3A_2084, %add3A_2077 : vector<16xi32>
    %swap3A_2086 = arith.constant 8 : i32
    %swap3A_2087 = arith.index_cast %swap3A_2086 : i32 to index
    %swap3A_2088 = arith.constant 112 : index
    %swap3A_2089 = tpu.vector_load %arg11[%swap3A_2087, %swap3A_2088] {strides = array<i32>} : memref<10x128xi32, #tpu.memory_space<vmem>>, vector<1x16xi32>,
    %swap3A_2090 = vector.shape_cast %swap3A_2089 : vector<1x16xi32> to vector<16xi32>
    %swap3A_2091 = vector.shape_cast %add3A_2085 : vector<16xi32> to vector<1x16xi32>
    tpu.vector_store %arg11[%swap3A_2087, %swap3A_2088], %swap3A_2091 {strides = array<i32>} : memref<10x128xi32, #tpu.memory_space<vmem>>, vector<1x16xi32>,
    %mul3A_2092 = arith.constant 1280 : i32
    %mul3A_2093 = arith.muli %arg1, %mul3A_2092 : i32
    %add3A_2094 = arith.constant 1152 : i32
    %add3A_2095 = arith.addi %mul3A_2093, %add3A_2094 : i32
    %min3A_2096 = arith.constant 19872 : i32
    %min3A_2097 = arith.minsi %add3A_2095, %min3A_2096 : i32
    %sub3A_2098 = arith.subi %min3A_2097, %min3A_1 : i32
    %add3A_2099 = arith.constant 0 : i32
    %add3A_2100 = arith.addi %sub3A_2098, %add3A_2099 : i32
    %get3A_2101 = arith.index_cast %add3A_2100 : i32 to index
    %get3A_2102 = tpu.vector_load %arg9[%get3A_2101] {strides = array<i32>} : memref<1280xi32, #tpu.memory_space<vmem>>, vector<16xi32>,
    %get3A_2103 = vector.shape_cast %get3A_2102 : vector<16xi32> to vector<16xi32>
    %add3A_2104 = arith.constant 0 : i32
    %add3A_2105 = arith.addi %sub3A_2098, %add3A_2104 : i32
    %get3A_2106 = arith.index_cast %add3A_2105 : i32 to index
    %get3A_2107 = tpu.vector_load %arg10[%get3A_2106] {strides = array<i32>} : memref<1280xi32, #tpu.memory_space<vmem>>, vector<16xi32>,
    %get3A_2108 = vector.shape_cast %get3A_2107 : vector<16xi32> to vector<16xi32>
    %mul3A_2109 = arith.constant 432 : i32
    %mul3A_2110 = vector.broadcast %mul3A_2109 : i32 to vector<16xi32>
    %mul3A_2111 = arith.muli %get3A_2103, %mul3A_2110 : vector<16xi32>
    %add3A_2112 = arith.addi %mul3A_2111, %get3A_2108 : vector<16xi32>
    %swap3A_2113 = arith.constant 9 : i32
    %swap3A_2114 = arith.index_cast %swap3A_2113 : i32 to index
    %swap3A_2115 = arith.constant 0 : index
    %swap3A_2116 = tpu.vector_load %arg12[%swap3A_2114, %swap3A_2115] {strides = array<i32>} : memref<10x128xi32, #tpu.memory_space<vmem>>, vector<1x16xi32>,
    %swap3A_2117 = vector.shape_cast %swap3A_2116 : vector<1x16xi32> to vector<16xi32>
    %swap3A_2118 = vector.shape_cast %add3A_2112 : vector<16xi32> to vector<1x16xi32>
    tpu.vector_store %arg12[%swap3A_2114, %swap3A_2115], %swap3A_2118 {strides = array<i32>} : memref<10x128xi32, #tpu.memory_space<vmem>>, vector<1x16xi32>,
    %add3A_2119 = vector.broadcast %mul3A_15 : i32 to vector<16xi32>
    %add3A_2120 = arith.addi %add3A_2119, %add3A_2112 : vector<16xi32>
    %swap3A_2121 = arith.constant 9 : i32
    %swap3A_2122 = arith.index_cast %swap3A_2121 : i32 to index
    %swap3A_2123 = arith.constant 0 : index
    %swap3A_2124 = tpu.vector_load %arg11[%swap3A_2122, %swap3A_2123] {strides = array<i32>} : memref<10x128xi32, #tpu.memory_space<vmem>>, vector<1x16xi32>,
    %swap3A_2125 = vector.shape_cast %swap3A_2124 : vector<1x16xi32> to vector<16xi32>
    %swap3A_2126 = vector.shape_cast %add3A_2120 : vector<16xi32> to vector<1x16xi32>
    tpu.vector_store %arg11[%swap3A_2122, %swap3A_2123], %swap3A_2126 {strides = array<i32>} : memref<10x128xi32, #tpu.memory_space<vmem>>, vector<1x16xi32>,
    %add3A_2127 = arith.constant 16 : i32
    %add3A_2128 = arith.addi %sub3A_2098, %add3A_2127 : i32
    %get3A_2129 = arith.index_cast %add3A_2128 : i32 to index
    %get3A_2130 = tpu.vector_load %arg9[%get3A_2129] {strides = array<i32>} : memref<1280xi32, #tpu.memory_space<vmem>>, vector<16xi32>,
    %get3A_2131 = vector.shape_cast %get3A_2130 : vector<16xi32> to vector<16xi32>
    %add3A_2132 = arith.constant 16 : i32
    %add3A_2133 = arith.addi %sub3A_2098, %add3A_2132 : i32
    %get3A_2134 = arith.index_cast %add3A_2133 : i32 to index
    %get3A_2135 = tpu.vector_load %arg10[%get3A_2134] {strides = array<i32>} : memref<1280xi32, #tpu.memory_space<vmem>>, vector<16xi32>,
    %get3A_2136 = vector.shape_cast %get3A_2135 : vector<16xi32> to vector<16xi32>
    %mul3A_2137 = arith.constant 432 : i32
    %mul3A_2138 = vector.broadcast %mul3A_2137 : i32 to vector<16xi32>
    %mul3A_2139 = arith.muli %get3A_2131, %mul3A_2138 : vector<16xi32>
    %add3A_2140 = arith.addi %mul3A_2139, %get3A_2136 : vector<16xi32>
    %swap3A_2141 = arith.constant 9 : i32
    %swap3A_2142 = arith.index_cast %swap3A_2141 : i32 to index
    %swap3A_2143 = arith.constant 16 : index
    %swap3A_2144 = tpu.vector_load %arg12[%swap3A_2142, %swap3A_2143] {strides = array<i32>} : memref<10x128xi32, #tpu.memory_space<vmem>>, vector<1x16xi32>,
    %swap3A_2145 = vector.shape_cast %swap3A_2144 : vector<1x16xi32> to vector<16xi32>
    %swap3A_2146 = vector.shape_cast %add3A_2140 : vector<16xi32> to vector<1x16xi32>
    tpu.vector_store %arg12[%swap3A_2142, %swap3A_2143], %swap3A_2146 {strides = array<i32>} : memref<10x128xi32, #tpu.memory_space<vmem>>, vector<1x16xi32>,
    %add3A_2147 = vector.broadcast %mul3A_15 : i32 to vector<16xi32>
    %add3A_2148 = arith.addi %add3A_2147, %add3A_2140 : vector<16xi32>
    %swap3A_2149 = arith.constant 9 : i32
    %swap3A_2150 = arith.index_cast %swap3A_2149 : i32 to index
    %swap3A_2151 = arith.constant 16 : index
    %swap3A_2152 = tpu.vector_load %arg11[%swap3A_2150, %swap3A_2151] {strides = array<i32>} : memref<10x128xi32, #tpu.memory_space<vmem>>, vector<1x16xi32>,
    %swap3A_2153 = vector.shape_cast %swap3A_2152 : vector<1x16xi32> to vector<16xi32>
    %swap3A_2154 = vector.shape_cast %add3A_2148 : vector<16xi32> to vector<1x16xi32>
    tpu.vector_store %arg11[%swap3A_2150, %swap3A_2151], %swap3A_2154 {strides = array<i32>} : memref<10x128xi32, #tpu.memory_space<vmem>>, vector<1x16xi32>,
    %add3A_2155 = arith.constant 32 : i32
    %add3A_2156 = arith.addi %sub3A_2098, %add3A_2155 : i32
    %get3A_2157 = arith.index_cast %add3A_2156 : i32 to index
    %get3A_2158 = tpu.vector_load %arg9[%get3A_2157] {strides = array<i32>} : memref<1280xi32, #tpu.memory_space<vmem>>, vector<16xi32>,
    %get3A_2159 = vector.shape_cast %get3A_2158 : vector<16xi32> to vector<16xi32>
    %add3A_2160 = arith.constant 32 : i32
    %add3A_2161 = arith.addi %sub3A_2098, %add3A_2160 : i32
    %get3A_2162 = arith.index_cast %add3A_2161 : i32 to index
    %get3A_2163 = tpu.vector_load %arg10[%get3A_2162] {strides = array<i32>} : memref<1280xi32, #tpu.memory_space<vmem>>, vector<16xi32>,
    %get3A_2164 = vector.shape_cast %get3A_2163 : vector<16xi32> to vector<16xi32>
    %mul3A_2165 = arith.constant 432 : i32
    %mul3A_2166 = vector.broadcast %mul3A_2165 : i32 to vector<16xi32>
    %mul3A_2167 = arith.muli %get3A_2159, %mul3A_2166 : vector<16xi32>
    %add3A_2168 = arith.addi %mul3A_2167, %get3A_2164 : vector<16xi32>
    %swap3A_2169 = arith.constant 9 : i32
    %swap3A_2170 = arith.index_cast %swap3A_2169 : i32 to index
    %swap3A_2171 = arith.constant 32 : index
    %swap3A_2172 = tpu.vector_load %arg12[%swap3A_2170, %swap3A_2171] {strides = array<i32>} : memref<10x128xi32, #tpu.memory_space<vmem>>, vector<1x16xi32>,
    %swap3A_2173 = vector.shape_cast %swap3A_2172 : vector<1x16xi32> to vector<16xi32>
    %swap3A_2174 = vector.shape_cast %add3A_2168 : vector<16xi32> to vector<1x16xi32>
    tpu.vector_store %arg12[%swap3A_2170, %swap3A_2171], %swap3A_2174 {strides = array<i32>} : memref<10x128xi32, #tpu.memory_space<vmem>>, vector<1x16xi32>,
    %add3A_2175 = vector.broadcast %mul3A_15 : i32 to vector<16xi32>
    %add3A_2176 = arith.addi %add3A_2175, %add3A_2168 : vector<16xi32>
    %swap3A_2177 = arith.constant 9 : i32
    %swap3A_2178 = arith.index_cast %swap3A_2177 : i32 to index
    %swap3A_2179 = arith.constant 32 : index
    %swap3A_2180 = tpu.vector_load %arg11[%swap3A_2178, %swap3A_2179] {strides = array<i32>} : memref<10x128xi32, #tpu.memory_space<vmem>>, vector<1x16xi32>,
    %swap3A_2181 = vector.shape_cast %swap3A_2180 : vector<1x16xi32> to vector<16xi32>
    %swap3A_2182 = vector.shape_cast %add3A_2176 : vector<16xi32> to vector<1x16xi32>
    tpu.vector_store %arg11[%swap3A_2178, %swap3A_2179], %swap3A_2182 {strides = array<i32>} : memref<10x128xi32, #tpu.memory_space<vmem>>, vector<1x16xi32>,
    %add3A_2183 = arith.constant 48 : i32
    %add3A_2184 = arith.addi %sub3A_2098, %add3A_2183 : i32
    %get3A_2185 = arith.index_cast %add3A_2184 : i32 to index
    %get3A_2186 = tpu.vector_load %arg9[%get3A_2185] {strides = array<i32>} : memref<1280xi32, #tpu.memory_space<vmem>>, vector<16xi32>,
    %get3A_2187 = vector.shape_cast %get3A_2186 : vector<16xi32> to vector<16xi32>
    %add3A_2188 = arith.constant 48 : i32
    %add3A_2189 = arith.addi %sub3A_2098, %add3A_2188 : i32
    %get3A_2190 = arith.index_cast %add3A_2189 : i32 to index
    %get3A_2191 = tpu.vector_load %arg10[%get3A_2190] {strides = array<i32>} : memref<1280xi32, #tpu.memory_space<vmem>>, vector<16xi32>,
    %get3A_2192 = vector.shape_cast %get3A_2191 : vector<16xi32> to vector<16xi32>
    %mul3A_2193 = arith.constant 432 : i32
    %mul3A_2194 = vector.broadcast %mul3A_2193 : i32 to vector<16xi32>
    %mul3A_2195 = arith.muli %get3A_2187, %mul3A_2194 : vector<16xi32>
    %add3A_2196 = arith.addi %mul3A_2195, %get3A_2192 : vector<16xi32>
    %swap3A_2197 = arith.constant 9 : i32
    %swap3A_2198 = arith.index_cast %swap3A_2197 : i32 to index
    %swap3A_2199 = arith.constant 48 : index
    %swap3A_2200 = tpu.vector_load %arg12[%swap3A_2198, %swap3A_2199] {strides = array<i32>} : memref<10x128xi32, #tpu.memory_space<vmem>>, vector<1x16xi32>,
    %swap3A_2201 = vector.shape_cast %swap3A_2200 : vector<1x16xi32> to vector<16xi32>
    %swap3A_2202 = vector.shape_cast %add3A_2196 : vector<16xi32> to vector<1x16xi32>
    tpu.vector_store %arg12[%swap3A_2198, %swap3A_2199], %swap3A_2202 {strides = array<i32>} : memref<10x128xi32, #tpu.memory_space<vmem>>, vector<1x16xi32>,
    %add3A_2203 = vector.broadcast %mul3A_15 : i32 to vector<16xi32>
    %add3A_2204 = arith.addi %add3A_2203, %add3A_2196 : vector<16xi32>
    %swap3A_2205 = arith.constant 9 : i32
    %swap3A_2206 = arith.index_cast %swap3A_2205 : i32 to index
    %swap3A_2207 = arith.constant 48 : index
    %swap3A_2208 = tpu.vector_load %arg11[%swap3A_2206, %swap3A_2207] {strides = array<i32>} : memref<10x128xi32, #tpu.memory_space<vmem>>, vector<1x16xi32>,
    %swap3A_2209 = vector.shape_cast %swap3A_2208 : vector<1x16xi32> to vector<16xi32>
    %swap3A_2210 = vector.shape_cast %add3A_2204 : vector<16xi32> to vector<1x16xi32>
    tpu.vector_store %arg11[%swap3A_2206, %swap3A_2207], %swap3A_2210 {strides = array<i32>} : memref<10x128xi32, #tpu.memory_space<vmem>>, vector<1x16xi32>,
    %add3A_2211 = arith.constant 64 : i32
    %add3A_2212 = arith.addi %sub3A_2098, %add3A_2211 : i32
    %get3A_2213 = arith.index_cast %add3A_2212 : i32 to index
    %get3A_2214 = tpu.vector_load %arg9[%get3A_2213] {strides = array<i32>} : memref<1280xi32, #tpu.memory_space<vmem>>, vector<16xi32>,
    %get3A_2215 = vector.shape_cast %get3A_2214 : vector<16xi32> to vector<16xi32>
    %add3A_2216 = arith.constant 64 : i32
    %add3A_2217 = arith.addi %sub3A_2098, %add3A_2216 : i32
    %get3A_2218 = arith.index_cast %add3A_2217 : i32 to index
    %get3A_2219 = tpu.vector_load %arg10[%get3A_2218] {strides = array<i32>} : memref<1280xi32, #tpu.memory_space<vmem>>, vector<16xi32>,
    %get3A_2220 = vector.shape_cast %get3A_2219 : vector<16xi32> to vector<16xi32>
    %mul3A_2221 = arith.constant 432 : i32
    %mul3A_2222 = vector.broadcast %mul3A_2221 : i32 to vector<16xi32>
    %mul3A_2223 = arith.muli %get3A_2215, %mul3A_2222 : vector<16xi32>
    %add3A_2224 = arith.addi %mul3A_2223, %get3A_2220 : vector<16xi32>
    %swap3A_2225 = arith.constant 9 : i32
    %swap3A_2226 = arith.index_cast %swap3A_2225 : i32 to index
    %swap3A_2227 = arith.constant 64 : index
    %swap3A_2228 = tpu.vector_load %arg12[%swap3A_2226, %swap3A_2227] {strides = array<i32>} : memref<10x128xi32, #tpu.memory_space<vmem>>, vector<1x16xi32>,
    %swap3A_2229 = vector.shape_cast %swap3A_2228 : vector<1x16xi32> to vector<16xi32>
    %swap3A_2230 = vector.shape_cast %add3A_2224 : vector<16xi32> to vector<1x16xi32>
    tpu.vector_store %arg12[%swap3A_2226, %swap3A_2227], %swap3A_2230 {strides = array<i32>} : memref<10x128xi32, #tpu.memory_space<vmem>>, vector<1x16xi32>,
    %add3A_2231 = vector.broadcast %mul3A_15 : i32 to vector<16xi32>
    %add3A_2232 = arith.addi %add3A_2231, %add3A_2224 : vector<16xi32>
    %swap3A_2233 = arith.constant 9 : i32
    %swap3A_2234 = arith.index_cast %swap3A_2233 : i32 to index
    %swap3A_2235 = arith.constant 64 : index
    %swap3A_2236 = tpu.vector_load %arg11[%swap3A_2234, %swap3A_2235] {strides = array<i32>} : memref<10x128xi32, #tpu.memory_space<vmem>>, vector<1x16xi32>,
    %swap3A_2237 = vector.shape_cast %swap3A_2236 : vector<1x16xi32> to vector<16xi32>
    %swap3A_2238 = vector.shape_cast %add3A_2232 : vector<16xi32> to vector<1x16xi32>
    tpu.vector_store %arg11[%swap3A_2234, %swap3A_2235], %swap3A_2238 {strides = array<i32>} : memref<10x128xi32, #tpu.memory_space<vmem>>, vector<1x16xi32>,
    %add3A_2239 = arith.constant 80 : i32
    %add3A_2240 = arith.addi %sub3A_2098, %add3A_2239 : i32
    %get3A_2241 = arith.index_cast %add3A_2240 : i32 to index
    %get3A_2242 = tpu.vector_load %arg9[%get3A_2241] {strides = array<i32>} : memref<1280xi32, #tpu.memory_space<vmem>>, vector<16xi32>,
    %get3A_2243 = vector.shape_cast %get3A_2242 : vector<16xi32> to vector<16xi32>
    %add3A_2244 = arith.constant 80 : i32
    %add3A_2245 = arith.addi %sub3A_2098, %add3A_2244 : i32
    %get3A_2246 = arith.index_cast %add3A_2245 : i32 to index
    %get3A_2247 = tpu.vector_load %arg10[%get3A_2246] {strides = array<i32>} : memref<1280xi32, #tpu.memory_space<vmem>>, vector<16xi32>,
    %get3A_2248 = vector.shape_cast %get3A_2247 : vector<16xi32> to vector<16xi32>
    %mul3A_2249 = arith.constant 432 : i32
    %mul3A_2250 = vector.broadcast %mul3A_2249 : i32 to vector<16xi32>
    %mul3A_2251 = arith.muli %get3A_2243, %mul3A_2250 : vector<16xi32>
    %add3A_2252 = arith.addi %mul3A_2251, %get3A_2248 : vector<16xi32>
    %swap3A_2253 = arith.constant 9 : i32
    %swap3A_2254 = arith.index_cast %swap3A_2253 : i32 to index
    %swap3A_2255 = arith.constant 80 : index
    %swap3A_2256 = tpu.vector_load %arg12[%swap3A_2254, %swap3A_2255] {strides = array<i32>} : memref<10x128xi32, #tpu.memory_space<vmem>>, vector<1x16xi32>,
    %swap3A_2257 = vector.shape_cast %swap3A_2256 : vector<1x16xi32> to vector<16xi32>
    %swap3A_2258 = vector.shape_cast %add3A_2252 : vector<16xi32> to vector<1x16xi32>
    tpu.vector_store %arg12[%swap3A_2254, %swap3A_2255], %swap3A_2258 {strides = array<i32>} : memref<10x128xi32, #tpu.memory_space<vmem>>, vector<1x16xi32>,
    %add3A_2259 = vector.broadcast %mul3A_15 : i32 to vector<16xi32>
    %add3A_2260 = arith.addi %add3A_2259, %add3A_2252 : vector<16xi32>
    %swap3A_2261 = arith.constant 9 : i32
    %swap3A_2262 = arith.index_cast %swap3A_2261 : i32 to index
    %swap3A_2263 = arith.constant 80 : index
    %swap3A_2264 = tpu.vector_load %arg11[%swap3A_2262, %swap3A_2263] {strides = array<i32>} : memref<10x128xi32, #tpu.memory_space<vmem>>, vector<1x16xi32>,
    %swap3A_2265 = vector.shape_cast %swap3A_2264 : vector<1x16xi32> to vector<16xi32>
    %swap3A_2266 = vector.shape_cast %add3A_2260 : vector<16xi32> to vector<1x16xi32>
    tpu.vector_store %arg11[%swap3A_2262, %swap3A_2263], %swap3A_2266 {strides = array<i32>} : memref<10x128xi32, #tpu.memory_space<vmem>>, vector<1x16xi32>,
    %add3A_2267 = arith.constant 96 : i32
    %add3A_2268 = arith.addi %sub3A_2098, %add3A_2267 : i32
    %get3A_2269 = arith.index_cast %add3A_2268 : i32 to index
    %get3A_2270 = tpu.vector_load %arg9[%get3A_2269] {strides = array<i32>} : memref<1280xi32, #tpu.memory_space<vmem>>, vector<16xi32>,
    %get3A_2271 = vector.shape_cast %get3A_2270 : vector<16xi32> to vector<16xi32>
    %add3A_2272 = arith.constant 96 : i32
    %add3A_2273 = arith.addi %sub3A_2098, %add3A_2272 : i32
    %get3A_2274 = arith.index_cast %add3A_2273 : i32 to index
    %get3A_2275 = tpu.vector_load %arg10[%get3A_2274] {strides = array<i32>} : memref<1280xi32, #tpu.memory_space<vmem>>, vector<16xi32>,
    %get3A_2276 = vector.shape_cast %get3A_2275 : vector<16xi32> to vector<16xi32>
    %mul3A_2277 = arith.constant 432 : i32
    %mul3A_2278 = vector.broadcast %mul3A_2277 : i32 to vector<16xi32>
    %mul3A_2279 = arith.muli %get3A_2271, %mul3A_2278 : vector<16xi32>
    %add3A_2280 = arith.addi %mul3A_2279, %get3A_2276 : vector<16xi32>
    %swap3A_2281 = arith.constant 9 : i32
    %swap3A_2282 = arith.index_cast %swap3A_2281 : i32 to index
    %swap3A_2283 = arith.constant 96 : index
    %swap3A_2284 = tpu.vector_load %arg12[%swap3A_2282, %swap3A_2283] {strides = array<i32>} : memref<10x128xi32, #tpu.memory_space<vmem>>, vector<1x16xi32>,
    %swap3A_2285 = vector.shape_cast %swap3A_2284 : vector<1x16xi32> to vector<16xi32>
    %swap3A_2286 = vector.shape_cast %add3A_2280 : vector<16xi32> to vector<1x16xi32>
    tpu.vector_store %arg12[%swap3A_2282, %swap3A_2283], %swap3A_2286 {strides = array<i32>} : memref<10x128xi32, #tpu.memory_space<vmem>>, vector<1x16xi32>,
    %add3A_2287 = vector.broadcast %mul3A_15 : i32 to vector<16xi32>
    %add3A_2288 = arith.addi %add3A_2287, %add3A_2280 : vector<16xi32>
    %swap3A_2289 = arith.constant 9 : i32
    %swap3A_2290 = arith.index_cast %swap3A_2289 : i32 to index
    %swap3A_2291 = arith.constant 96 : index
    %swap3A_2292 = tpu.vector_load %arg11[%swap3A_2290, %swap3A_2291] {strides = array<i32>} : memref<10x128xi32, #tpu.memory_space<vmem>>, vector<1x16xi32>,
    %swap3A_2293 = vector.shape_cast %swap3A_2292 : vector<1x16xi32> to vector<16xi32>
    %swap3A_2294 = vector.shape_cast %add3A_2288 : vector<16xi32> to vector<1x16xi32>
    tpu.vector_store %arg11[%swap3A_2290, %swap3A_2291], %swap3A_2294 {strides = array<i32>} : memref<10x128xi32, #tpu.memory_space<vmem>>, vector<1x16xi32>,
    %add3A_2295 = arith.constant 112 : i32
    %add3A_2296 = arith.addi %sub3A_2098, %add3A_2295 : i32
    %get3A_2297 = arith.index_cast %add3A_2296 : i32 to index
    %get3A_2298 = tpu.vector_load %arg9[%get3A_2297] {strides = array<i32>} : memref<1280xi32, #tpu.memory_space<vmem>>, vector<16xi32>,
    %get3A_2299 = vector.shape_cast %get3A_2298 : vector<16xi32> to vector<16xi32>
    %add3A_2300 = arith.constant 112 : i32
    %add3A_2301 = arith.addi %sub3A_2098, %add3A_2300 : i32
    %get3A_2302 = arith.index_cast %add3A_2301 : i32 to index
    %get3A_2303 = tpu.vector_load %arg10[%get3A_2302] {strides = array<i32>} : memref<1280xi32, #tpu.memory_space<vmem>>, vector<16xi32>,
    %get3A_2304 = vector.shape_cast %get3A_2303 : vector<16xi32> to vector<16xi32>
    %mul3A_2305 = arith.constant 432 : i32
    %mul3A_2306 = vector.broadcast %mul3A_2305 : i32 to vector<16xi32>
    %mul3A_2307 = arith.muli %get3A_2299, %mul3A_2306 : vector<16xi32>
    %add3A_2308 = arith.addi %mul3A_2307, %get3A_2304 : vector<16xi32>
    %swap3A_2309 = arith.constant 9 : i32
    %swap3A_2310 = arith.index_cast %swap3A_2309 : i32 to index
    %swap3A_2311 = arith.constant 112 : index
    %swap3A_2312 = tpu.vector_load %arg12[%swap3A_2310, %swap3A_2311] {strides = array<i32>} : memref<10x128xi32, #tpu.memory_space<vmem>>, vector<1x16xi32>,
    %swap3A_2313 = vector.shape_cast %swap3A_2312 : vector<1x16xi32> to vector<16xi32>
    %swap3A_2314 = vector.shape_cast %add3A_2308 : vector<16xi32> to vector<1x16xi32>
    tpu.vector_store %arg12[%swap3A_2310, %swap3A_2311], %swap3A_2314 {strides = array<i32>} : memref<10x128xi32, #tpu.memory_space<vmem>>, vector<1x16xi32>,
    %add3A_2315 = vector.broadcast %mul3A_15 : i32 to vector<16xi32>
    %add3A_2316 = arith.addi %add3A_2315, %add3A_2308 : vector<16xi32>
    %swap3A_2317 = arith.constant 9 : i32
    %swap3A_2318 = arith.index_cast %swap3A_2317 : i32 to index
    %swap3A_2319 = arith.constant 112 : index
    %swap3A_2320 = tpu.vector_load %arg11[%swap3A_2318, %swap3A_2319] {strides = array<i32>} : memref<10x128xi32, #tpu.memory_space<vmem>>, vector<1x16xi32>,
    %swap3A_2321 = vector.shape_cast %swap3A_2320 : vector<1x16xi32> to vector<16xi32>
    %swap3A_2322 = vector.shape_cast %add3A_2316 : vector<16xi32> to vector<1x16xi32>
    tpu.vector_store %arg11[%swap3A_2318, %swap3A_2319], %swap3A_2322 {strides = array<i32>} : memref<10x128xi32, #tpu.memory_space<vmem>>, vector<1x16xi32>,
    %dma_wait3A_2323 = tpu.memref_slice %arg17[%mul3A_11] : memref<214272xf32, #tpu.memory_space<vmem_shared>> -> memref<13392xf32, #tpu.memory_space<vmem_shared>>
    %dma_wait3A_2324 = tpu.memref_slice %arg17[%mul3A_11] : memref<214272xf32, #tpu.memory_space<vmem_shared>> -> memref<13392xf32, #tpu.memory_space<vmem_shared>>
    tpu.wait_dma2 semaphore(%arg18 : memref<!tpu.dma_semaphore, #tpu.memory_space<semaphore_mem>>) src(%arg15 : memref<13392xf32, #tpu.memory_space<vmem>>) dst(%dma_wait3A_2324 : memref<13392xf32, #tpu.memory_space<vmem_shared>>)
    %barrier3A = arith.constant 0 : index
    tpu.barrier barrier_id(%barrier3A)
    %mul3A_2325 = arith.constant 20000 : i32
    %mul3A_2326 = arith.muli %arg0, %mul3A_2325 : i32
    %mul3A_2327 = arith.constant 1280 : i32
    %mul3A_2328 = arith.muli %arg1, %mul3A_2327 : i32
    %add3A_2329 = arith.constant 0 : i32
    %add3A_2330 = arith.addi %mul3A_2328, %add3A_2329 : i32
    %min3A_2331 = arith.constant 19872 : i32
    %min3A_2332 = arith.minsi %add3A_2330, %min3A_2331 : i32
    %add3A_2333 = arith.addi %mul3A_2326, %min3A_2332 : i32
    %dma_start3A_2334 = arith.constant 0 : i32
    %dma_start3A_2335 = tpu.memref_slice %arg4[%add3A_2333, %dma_start3A_2334] : memref<40000x128xf32, #tpu.memory_space<hbm>> -> memref<128x128xf32, #tpu.memory_space<hbm>>
    %dma_start3A_2336 = arith.constant 0 : i32
    %dma_start3A_2337 = tpu.memref_slice %arg4[%add3A_2333, %dma_start3A_2336] : memref<40000x128xf32, #tpu.memory_space<hbm>> -> memref<128x128xf32, #tpu.memory_space<hbm>>
    tpu.enqueue_dma source(%dma_start3A_2337 : memref<128x128xf32, #tpu.memory_space<hbm>>) target(%arg13 : memref<128x128xf32, #tpu.memory_space<vmem>>) target_semaphore(%arg20 : memref<!tpu.dma_semaphore, #tpu.memory_space<semaphore_mem>>)
    %mul3A_2338 = arith.constant 20000 : i32
    %mul3A_2339 = arith.muli %arg0, %mul3A_2338 : i32
    %mul3A_2340 = arith.constant 1280 : i32
    %mul3A_2341 = arith.muli %arg1, %mul3A_2340 : i32
    %add3A_2342 = arith.constant 128 : i32
    %add3A_2343 = arith.addi %mul3A_2341, %add3A_2342 : i32
    %min3A_2344 = arith.constant 19872 : i32
    %min3A_2345 = arith.minsi %add3A_2343, %min3A_2344 : i32
    %add3A_2346 = arith.addi %mul3A_2339, %min3A_2345 : i32
    %dma_start3A_2347 = arith.constant 0 : i32
    %dma_start3A_2348 = tpu.memref_slice %arg4[%add3A_2346, %dma_start3A_2347] : memref<40000x128xf32, #tpu.memory_space<hbm>> -> memref<128x128xf32, #tpu.memory_space<hbm>>
    %dma_start3A_2349 = arith.constant 0 : i32
    %dma_start3A_2350 = tpu.memref_slice %arg4[%add3A_2346, %dma_start3A_2349] : memref<40000x128xf32, #tpu.memory_space<hbm>> -> memref<128x128xf32, #tpu.memory_space<hbm>>
    tpu.enqueue_dma source(%dma_start3A_2350 : memref<128x128xf32, #tpu.memory_space<hbm>>) target(%arg14 : memref<128x128xf32, #tpu.memory_space<vmem>>) target_semaphore(%arg21 : memref<!tpu.dma_semaphore, #tpu.memory_space<semaphore_mem>>)
    %dma_wait3A_2351 = arith.constant 0 : i32
    %dma_wait3A_2352 = tpu.memref_slice %arg4[%add3A_2333, %dma_wait3A_2351] : memref<40000x128xf32, #tpu.memory_space<hbm>> -> memref<128x128xf32, #tpu.memory_space<hbm>>
    %dma_wait3A_2353 = arith.constant 0 : i32
    %dma_wait3A_2354 = tpu.memref_slice %arg4[%add3A_2333, %dma_wait3A_2353] : memref<40000x128xf32, #tpu.memory_space<hbm>> -> memref<128x128xf32, #tpu.memory_space<hbm>>
    tpu.wait_dma2 semaphore(%arg20 : memref<!tpu.dma_semaphore, #tpu.memory_space<semaphore_mem>>) src(%dma_wait3A_2354 : memref<128x128xf32, #tpu.memory_space<hbm>>) dst(%arg13 : memref<128x128xf32, #tpu.memory_space<vmem>>)
    %dma_start3A_2355 = arith.constant 0 : i32
    %dma_start3A_2356 = arith.constant 0 : i32
    %dma_start3A_2357 = tpu.memref_slice %arg11[%dma_start3A_2355, %dma_start3A_2356] : memref<10x128xi32, #tpu.memory_space<vmem>> -> memref<1x128xi32, #tpu.memory_space<vmem>>
    %dma_start3A_2358 = tpu.memref_squeeze %dma_start3A_2357 : memref<1x128xi32, #tpu.memory_space<vmem>> -> memref<128xi32, #tpu.memory_space<vmem>>
    %dma_start3A_2359 = arith.constant 0 : i32
    %dma_start3A_2360 = arith.constant 0 : i32
    %dma_start3A_2361 = tpu.memref_slice %arg7[%dma_start3A_2359, %dma_start3A_2360] : memref<428544x128xf32, #tpu.memory_space<hbm>> -> memref<428544x128xf32, #tpu.memory_space<hbm>>
    tpu.enqueue_indirect_dma source(%arg13 : memref<128x128xf32, #tpu.memory_space<vmem>>) target(%dma_start3A_2361 : memref<428544x128xf32, #tpu.memory_space<hbm>>) offsets(%dma_start3A_2358 : memref<128xi32, #tpu.memory_space<vmem>>) semaphore(%arg22 : memref<!tpu.dma_semaphore, #tpu.memory_space<semaphore_mem>>)
    %dma_start3A_2362 = arith.constant 0 : i32
    %dma_start3A_2363 = arith.constant 0 : i32
    %dma_start3A_2364 = tpu.memref_slice %arg12[%dma_start3A_2362, %dma_start3A_2363] : memref<10x128xi32, #tpu.memory_space<vmem>> -> memref<1x128xi32, #tpu.memory_space<vmem>>
    %dma_start3A_2365 = tpu.memref_squeeze %dma_start3A_2364 : memref<1x128xi32, #tpu.memory_space<vmem>> -> memref<128xi32, #tpu.memory_space<vmem>>
    %dma_start3A_2366 = arith.constant 0 : i32
    %dma_start3A_2367 = tpu.memref_slice %arg17[%dma_start3A_2366] : memref<214272xf32, #tpu.memory_space<vmem_shared>> -> memref<214272xf32, #tpu.memory_space<vmem_shared>>
    tpu.enqueue_indirect_dma source(%arg16 : memref<128xf32, #tpu.memory_space<vmem>>) target(%dma_start3A_2367 : memref<214272xf32, #tpu.memory_space<vmem_shared>>) offsets(%dma_start3A_2365 : memref<128xi32, #tpu.memory_space<vmem>>) semaphore(%arg19 : memref<!tpu.dma_semaphore, #tpu.memory_space<semaphore_mem>>) {add = true}
    %dma_wait3A_2368 = arith.constant 0 : i32
    %dma_wait3A_2369 = arith.constant 0 : i32
    %dma_wait3A_2370 = tpu.memref_slice %arg11[%dma_wait3A_2368, %dma_wait3A_2369] : memref<10x128xi32, #tpu.memory_space<vmem>> -> memref<1x128xi32, #tpu.memory_space<vmem>>
    %dma_wait3A_2371 = tpu.memref_squeeze %dma_wait3A_2370 : memref<1x128xi32, #tpu.memory_space<vmem>> -> memref<128xi32, #tpu.memory_space<vmem>>
    %dma_wait3A_2372 = arith.constant 0 : i32
    %dma_wait3A_2373 = arith.constant 0 : i32
    %dma_wait3A_2374 = tpu.memref_slice %arg7[%dma_wait3A_2372, %dma_wait3A_2373] : memref<428544x128xf32, #tpu.memory_space<hbm>> -> memref<428544x128xf32, #tpu.memory_space<hbm>>
    tpu.wait_indirect_dma semaphore(%arg22 : memref<!tpu.dma_semaphore, #tpu.memory_space<semaphore_mem>>) src(%arg13 : memref<128x128xf32, #tpu.memory_space<vmem>>) dst(%dma_wait3A_2374 : memref<428544x128xf32, #tpu.memory_space<hbm>>)
    %mul3A_2375 = arith.constant 20000 : i32
    %mul3A_2376 = arith.muli %arg0, %mul3A_2375 : i32
    %mul3A_2377 = arith.constant 1280 : i32
    %mul3A_2378 = arith.muli %arg1, %mul3A_2377 : i32
    %add3A_2379 = arith.constant 256 : i32
    %add3A_2380 = arith.addi %mul3A_2378, %add3A_2379 : i32
    %min3A_2381 = arith.constant 19872 : i32
    %min3A_2382 = arith.minsi %add3A_2380, %min3A_2381 : i32
    %add3A_2383 = arith.addi %mul3A_2376, %min3A_2382 : i32
    %dma_start3A_2384 = arith.constant 0 : i32
    %dma_start3A_2385 = tpu.memref_slice %arg4[%add3A_2383, %dma_start3A_2384] : memref<40000x128xf32, #tpu.memory_space<hbm>> -> memref<128x128xf32, #tpu.memory_space<hbm>>
    %dma_start3A_2386 = arith.constant 0 : i32
    %dma_start3A_2387 = tpu.memref_slice %arg4[%add3A_2383, %dma_start3A_2386] : memref<40000x128xf32, #tpu.memory_space<hbm>> -> memref<128x128xf32, #tpu.memory_space<hbm>>
    tpu.enqueue_dma source(%dma_start3A_2387 : memref<128x128xf32, #tpu.memory_space<hbm>>) target(%arg13 : memref<128x128xf32, #tpu.memory_space<vmem>>) target_semaphore(%arg20 : memref<!tpu.dma_semaphore, #tpu.memory_space<semaphore_mem>>)
    %dma_wait3A_2388 = arith.constant 0 : i32
    %dma_wait3A_2389 = tpu.memref_slice %arg4[%add3A_2346, %dma_wait3A_2388] : memref<40000x128xf32, #tpu.memory_space<hbm>> -> memref<128x128xf32, #tpu.memory_space<hbm>>
    %dma_wait3A_2390 = arith.constant 0 : i32
    %dma_wait3A_2391 = tpu.memref_slice %arg4[%add3A_2346, %dma_wait3A_2390] : memref<40000x128xf32, #tpu.memory_space<hbm>> -> memref<128x128xf32, #tpu.memory_space<hbm>>
    tpu.wait_dma2 semaphore(%arg21 : memref<!tpu.dma_semaphore, #tpu.memory_space<semaphore_mem>>) src(%dma_wait3A_2391 : memref<128x128xf32, #tpu.memory_space<hbm>>) dst(%arg14 : memref<128x128xf32, #tpu.memory_space<vmem>>)
    %dma_start3A_2392 = arith.constant 1 : i32
    %dma_start3A_2393 = arith.constant 0 : i32
    %dma_start3A_2394 = tpu.memref_slice %arg11[%dma_start3A_2392, %dma_start3A_2393] : memref<10x128xi32, #tpu.memory_space<vmem>> -> memref<1x128xi32, #tpu.memory_space<vmem>>
    %dma_start3A_2395 = tpu.memref_squeeze %dma_start3A_2394 : memref<1x128xi32, #tpu.memory_space<vmem>> -> memref<128xi32, #tpu.memory_space<vmem>>
    %dma_start3A_2396 = arith.constant 0 : i32
    %dma_start3A_2397 = arith.constant 0 : i32
    %dma_start3A_2398 = tpu.memref_slice %arg7[%dma_start3A_2396, %dma_start3A_2397] : memref<428544x128xf32, #tpu.memory_space<hbm>> -> memref<428544x128xf32, #tpu.memory_space<hbm>>
    tpu.enqueue_indirect_dma source(%arg14 : memref<128x128xf32, #tpu.memory_space<vmem>>) target(%dma_start3A_2398 : memref<428544x128xf32, #tpu.memory_space<hbm>>) offsets(%dma_start3A_2395 : memref<128xi32, #tpu.memory_space<vmem>>) semaphore(%arg23 : memref<!tpu.dma_semaphore, #tpu.memory_space<semaphore_mem>>)
    %dma_start3A_2399 = arith.constant 1 : i32
    %dma_start3A_2400 = arith.constant 0 : i32
    %dma_start3A_2401 = tpu.memref_slice %arg12[%dma_start3A_2399, %dma_start3A_2400] : memref<10x128xi32, #tpu.memory_space<vmem>> -> memref<1x128xi32, #tpu.memory_space<vmem>>
    %dma_start3A_2402 = tpu.memref_squeeze %dma_start3A_2401 : memref<1x128xi32, #tpu.memory_space<vmem>> -> memref<128xi32, #tpu.memory_space<vmem>>
    %dma_start3A_2403 = arith.constant 0 : i32
    %dma_start3A_2404 = tpu.memref_slice %arg17[%dma_start3A_2403] : memref<214272xf32, #tpu.memory_space<vmem_shared>> -> memref<214272xf32, #tpu.memory_space<vmem_shared>>
    tpu.enqueue_indirect_dma source(%arg16 : memref<128xf32, #tpu.memory_space<vmem>>) target(%dma_start3A_2404 : memref<214272xf32, #tpu.memory_space<vmem_shared>>) offsets(%dma_start3A_2402 : memref<128xi32, #tpu.memory_space<vmem>>) semaphore(%arg19 : memref<!tpu.dma_semaphore, #tpu.memory_space<semaphore_mem>>) {add = true}
    %dma_wait3A_2405 = arith.constant 1 : i32
    %dma_wait3A_2406 = arith.constant 0 : i32
    %dma_wait3A_2407 = tpu.memref_slice %arg11[%dma_wait3A_2405, %dma_wait3A_2406] : memref<10x128xi32, #tpu.memory_space<vmem>> -> memref<1x128xi32, #tpu.memory_space<vmem>>
    %dma_wait3A_2408 = tpu.memref_squeeze %dma_wait3A_2407 : memref<1x128xi32, #tpu.memory_space<vmem>> -> memref<128xi32, #tpu.memory_space<vmem>>
    %dma_wait3A_2409 = arith.constant 0 : i32
    %dma_wait3A_2410 = arith.constant 0 : i32
    %dma_wait3A_2411 = tpu.memref_slice %arg7[%dma_wait3A_2409, %dma_wait3A_2410] : memref<428544x128xf32, #tpu.memory_space<hbm>> -> memref<428544x128xf32, #tpu.memory_space<hbm>>
    tpu.wait_indirect_dma semaphore(%arg23 : memref<!tpu.dma_semaphore, #tpu.memory_space<semaphore_mem>>) src(%arg14 : memref<128x128xf32, #tpu.memory_space<vmem>>) dst(%dma_wait3A_2411 : memref<428544x128xf32, #tpu.memory_space<hbm>>)
    %mul3A_2412 = arith.constant 20000 : i32
    %mul3A_2413 = arith.muli %arg0, %mul3A_2412 : i32
    %mul3A_2414 = arith.constant 1280 : i32
    %mul3A_2415 = arith.muli %arg1, %mul3A_2414 : i32
    %add3A_2416 = arith.constant 384 : i32
    %add3A_2417 = arith.addi %mul3A_2415, %add3A_2416 : i32
    %min3A_2418 = arith.constant 19872 : i32
    %min3A_2419 = arith.minsi %add3A_2417, %min3A_2418 : i32
    %add3A_2420 = arith.addi %mul3A_2413, %min3A_2419 : i32
    %dma_start3A_2421 = arith.constant 0 : i32
    %dma_start3A_2422 = tpu.memref_slice %arg4[%add3A_2420, %dma_start3A_2421] : memref<40000x128xf32, #tpu.memory_space<hbm>> -> memref<128x128xf32, #tpu.memory_space<hbm>>
    %dma_start3A_2423 = arith.constant 0 : i32
    %dma_start3A_2424 = tpu.memref_slice %arg4[%add3A_2420, %dma_start3A_2423] : memref<40000x128xf32, #tpu.memory_space<hbm>> -> memref<128x128xf32, #tpu.memory_space<hbm>>
    tpu.enqueue_dma source(%dma_start3A_2424 : memref<128x128xf32, #tpu.memory_space<hbm>>) target(%arg14 : memref<128x128xf32, #tpu.memory_space<vmem>>) target_semaphore(%arg21 : memref<!tpu.dma_semaphore, #tpu.memory_space<semaphore_mem>>)
    %dma_wait3A_2425 = arith.constant 0 : i32
    %dma_wait3A_2426 = tpu.memref_slice %arg4[%add3A_2383, %dma_wait3A_2425] : memref<40000x128xf32, #tpu.memory_space<hbm>> -> memref<128x128xf32, #tpu.memory_space<hbm>>
    %dma_wait3A_2427 = arith.constant 0 : i32
    %dma_wait3A_2428 = tpu.memref_slice %arg4[%add3A_2383, %dma_wait3A_2427] : memref<40000x128xf32, #tpu.memory_space<hbm>> -> memref<128x128xf32, #tpu.memory_space<hbm>>
    tpu.wait_dma2 semaphore(%arg20 : memref<!tpu.dma_semaphore, #tpu.memory_space<semaphore_mem>>) src(%dma_wait3A_2428 : memref<128x128xf32, #tpu.memory_space<hbm>>) dst(%arg13 : memref<128x128xf32, #tpu.memory_space<vmem>>)
    %dma_start3A_2429 = arith.constant 2 : i32
    %dma_start3A_2430 = arith.constant 0 : i32
    %dma_start3A_2431 = tpu.memref_slice %arg11[%dma_start3A_2429, %dma_start3A_2430] : memref<10x128xi32, #tpu.memory_space<vmem>> -> memref<1x128xi32, #tpu.memory_space<vmem>>
    %dma_start3A_2432 = tpu.memref_squeeze %dma_start3A_2431 : memref<1x128xi32, #tpu.memory_space<vmem>> -> memref<128xi32, #tpu.memory_space<vmem>>
    %dma_start3A_2433 = arith.constant 0 : i32
    %dma_start3A_2434 = arith.constant 0 : i32
    %dma_start3A_2435 = tpu.memref_slice %arg7[%dma_start3A_2433, %dma_start3A_2434] : memref<428544x128xf32, #tpu.memory_space<hbm>> -> memref<428544x128xf32, #tpu.memory_space<hbm>>
    tpu.enqueue_indirect_dma source(%arg13 : memref<128x128xf32, #tpu.memory_space<vmem>>) target(%dma_start3A_2435 : memref<428544x128xf32, #tpu.memory_space<hbm>>) offsets(%dma_start3A_2432 : memref<128xi32, #tpu.memory_space<vmem>>) semaphore(%arg22 : memref<!tpu.dma_semaphore, #tpu.memory_space<semaphore_mem>>)
    %dma_start3A_2436 = arith.constant 2 : i32
    %dma_start3A_2437 = arith.constant 0 : i32
    %dma_start3A_2438 = tpu.memref_slice %arg12[%dma_start3A_2436, %dma_start3A_2437] : memref<10x128xi32, #tpu.memory_space<vmem>> -> memref<1x128xi32, #tpu.memory_space<vmem>>
    %dma_start3A_2439 = tpu.memref_squeeze %dma_start3A_2438 : memref<1x128xi32, #tpu.memory_space<vmem>> -> memref<128xi32, #tpu.memory_space<vmem>>
    %dma_start3A_2440 = arith.constant 0 : i32
    %dma_start3A_2441 = tpu.memref_slice %arg17[%dma_start3A_2440] : memref<214272xf32, #tpu.memory_space<vmem_shared>> -> memref<214272xf32, #tpu.memory_space<vmem_shared>>
    tpu.enqueue_indirect_dma source(%arg16 : memref<128xf32, #tpu.memory_space<vmem>>) target(%dma_start3A_2441 : memref<214272xf32, #tpu.memory_space<vmem_shared>>) offsets(%dma_start3A_2439 : memref<128xi32, #tpu.memory_space<vmem>>) semaphore(%arg19 : memref<!tpu.dma_semaphore, #tpu.memory_space<semaphore_mem>>) {add = true}
    %dma_wait3A_2442 = arith.constant 2 : i32
    %dma_wait3A_2443 = arith.constant 0 : i32
    %dma_wait3A_2444 = tpu.memref_slice %arg11[%dma_wait3A_2442, %dma_wait3A_2443] : memref<10x128xi32, #tpu.memory_space<vmem>> -> memref<1x128xi32, #tpu.memory_space<vmem>>
    %dma_wait3A_2445 = tpu.memref_squeeze %dma_wait3A_2444 : memref<1x128xi32, #tpu.memory_space<vmem>> -> memref<128xi32, #tpu.memory_space<vmem>>
    %dma_wait3A_2446 = arith.constant 0 : i32
    %dma_wait3A_2447 = arith.constant 0 : i32
    %dma_wait3A_2448 = tpu.memref_slice %arg7[%dma_wait3A_2446, %dma_wait3A_2447] : memref<428544x128xf32, #tpu.memory_space<hbm>> -> memref<428544x128xf32, #tpu.memory_space<hbm>>
    tpu.wait_indirect_dma semaphore(%arg22 : memref<!tpu.dma_semaphore, #tpu.memory_space<semaphore_mem>>) src(%arg13 : memref<128x128xf32, #tpu.memory_space<vmem>>) dst(%dma_wait3A_2448 : memref<428544x128xf32, #tpu.memory_space<hbm>>)
    %mul3A_2449 = arith.constant 20000 : i32
    %mul3A_2450 = arith.muli %arg0, %mul3A_2449 : i32
    %mul3A_2451 = arith.constant 1280 : i32
    %mul3A_2452 = arith.muli %arg1, %mul3A_2451 : i32
    %add3A_2453 = arith.constant 512 : i32
    %add3A_2454 = arith.addi %mul3A_2452, %add3A_2453 : i32
    %min3A_2455 = arith.constant 19872 : i32
    %min3A_2456 = arith.minsi %add3A_2454, %min3A_2455 : i32
    %add3A_2457 = arith.addi %mul3A_2450, %min3A_2456 : i32
    %dma_start3A_2458 = arith.constant 0 : i32
    %dma_start3A_2459 = tpu.memref_slice %arg4[%add3A_2457, %dma_start3A_2458] : memref<40000x128xf32, #tpu.memory_space<hbm>> -> memref<128x128xf32, #tpu.memory_space<hbm>>
    %dma_start3A_2460 = arith.constant 0 : i32
    %dma_start3A_2461 = tpu.memref_slice %arg4[%add3A_2457, %dma_start3A_2460] : memref<40000x128xf32, #tpu.memory_space<hbm>> -> memref<128x128xf32, #tpu.memory_space<hbm>>
    tpu.enqueue_dma source(%dma_start3A_2461 : memref<128x128xf32, #tpu.memory_space<hbm>>) target(%arg13 : memref<128x128xf32, #tpu.memory_space<vmem>>) target_semaphore(%arg20 : memref<!tpu.dma_semaphore, #tpu.memory_space<semaphore_mem>>)
    %dma_wait3A_2462 = arith.constant 0 : i32
    %dma_wait3A_2463 = tpu.memref_slice %arg4[%add3A_2420, %dma_wait3A_2462] : memref<40000x128xf32, #tpu.memory_space<hbm>> -> memref<128x128xf32, #tpu.memory_space<hbm>>
    %dma_wait3A_2464 = arith.constant 0 : i32
    %dma_wait3A_2465 = tpu.memref_slice %arg4[%add3A_2420, %dma_wait3A_2464] : memref<40000x128xf32, #tpu.memory_space<hbm>> -> memref<128x128xf32, #tpu.memory_space<hbm>>
    tpu.wait_dma2 semaphore(%arg21 : memref<!tpu.dma_semaphore, #tpu.memory_space<semaphore_mem>>) src(%dma_wait3A_2465 : memref<128x128xf32, #tpu.memory_space<hbm>>) dst(%arg14 : memref<128x128xf32, #tpu.memory_space<vmem>>)
    %dma_start3A_2466 = arith.constant 3 : i32
    %dma_start3A_2467 = arith.constant 0 : i32
    %dma_start3A_2468 = tpu.memref_slice %arg11[%dma_start3A_2466, %dma_start3A_2467] : memref<10x128xi32, #tpu.memory_space<vmem>> -> memref<1x128xi32, #tpu.memory_space<vmem>>
    %dma_start3A_2469 = tpu.memref_squeeze %dma_start3A_2468 : memref<1x128xi32, #tpu.memory_space<vmem>> -> memref<128xi32, #tpu.memory_space<vmem>>
    %dma_start3A_2470 = arith.constant 0 : i32
    %dma_start3A_2471 = arith.constant 0 : i32
    %dma_start3A_2472 = tpu.memref_slice %arg7[%dma_start3A_2470, %dma_start3A_2471] : memref<428544x128xf32, #tpu.memory_space<hbm>> -> memref<428544x128xf32, #tpu.memory_space<hbm>>
    tpu.enqueue_indirect_dma source(%arg14 : memref<128x128xf32, #tpu.memory_space<vmem>>) target(%dma_start3A_2472 : memref<428544x128xf32, #tpu.memory_space<hbm>>) offsets(%dma_start3A_2469 : memref<128xi32, #tpu.memory_space<vmem>>) semaphore(%arg23 : memref<!tpu.dma_semaphore, #tpu.memory_space<semaphore_mem>>)
    %dma_start3A_2473 = arith.constant 3 : i32
    %dma_start3A_2474 = arith.constant 0 : i32
    %dma_start3A_2475 = tpu.memref_slice %arg12[%dma_start3A_2473, %dma_start3A_2474] : memref<10x128xi32, #tpu.memory_space<vmem>> -> memref<1x128xi32, #tpu.memory_space<vmem>>
    %dma_start3A_2476 = tpu.memref_squeeze %dma_start3A_2475 : memref<1x128xi32, #tpu.memory_space<vmem>> -> memref<128xi32, #tpu.memory_space<vmem>>
    %dma_start3A_2477 = arith.constant 0 : i32
    %dma_start3A_2478 = tpu.memref_slice %arg17[%dma_start3A_2477] : memref<214272xf32, #tpu.memory_space<vmem_shared>> -> memref<214272xf32, #tpu.memory_space<vmem_shared>>
    tpu.enqueue_indirect_dma source(%arg16 : memref<128xf32, #tpu.memory_space<vmem>>) target(%dma_start3A_2478 : memref<214272xf32, #tpu.memory_space<vmem_shared>>) offsets(%dma_start3A_2476 : memref<128xi32, #tpu.memory_space<vmem>>) semaphore(%arg19 : memref<!tpu.dma_semaphore, #tpu.memory_space<semaphore_mem>>) {add = true}
    %dma_wait3A_2479 = arith.constant 3 : i32
    %dma_wait3A_2480 = arith.constant 0 : i32
    %dma_wait3A_2481 = tpu.memref_slice %arg11[%dma_wait3A_2479, %dma_wait3A_2480] : memref<10x128xi32, #tpu.memory_space<vmem>> -> memref<1x128xi32, #tpu.memory_space<vmem>>
    %dma_wait3A_2482 = tpu.memref_squeeze %dma_wait3A_2481 : memref<1x128xi32, #tpu.memory_space<vmem>> -> memref<128xi32, #tpu.memory_space<vmem>>
    %dma_wait3A_2483 = arith.constant 0 : i32
    %dma_wait3A_2484 = arith.constant 0 : i32
    %dma_wait3A_2485 = tpu.memref_slice %arg7[%dma_wait3A_2483, %dma_wait3A_2484] : memref<428544x128xf32, #tpu.memory_space<hbm>> -> memref<428544x128xf32, #tpu.memory_space<hbm>>
    tpu.wait_indirect_dma semaphore(%arg23 : memref<!tpu.dma_semaphore, #tpu.memory_space<semaphore_mem>>) src(%arg14 : memref<128x128xf32, #tpu.memory_space<vmem>>) dst(%dma_wait3A_2485 : memref<428544x128xf32, #tpu.memory_space<hbm>>)
    %mul3A_2486 = arith.constant 20000 : i32
    %mul3A_2487 = arith.muli %arg0, %mul3A_2486 : i32
    %mul3A_2488 = arith.constant 1280 : i32
    %mul3A_2489 = arith.muli %arg1, %mul3A_2488 : i32
    %add3A_2490 = arith.constant 640 : i32
    %add3A_2491 = arith.addi %mul3A_2489, %add3A_2490 : i32
    %min3A_2492 = arith.constant 19872 : i32
    %min3A_2493 = arith.minsi %add3A_2491, %min3A_2492 : i32
    %add3A_2494 = arith.addi %mul3A_2487, %min3A_2493 : i32
    %dma_start3A_2495 = arith.constant 0 : i32
    %dma_start3A_2496 = tpu.memref_slice %arg4[%add3A_2494, %dma_start3A_2495] : memref<40000x128xf32, #tpu.memory_space<hbm>> -> memref<128x128xf32, #tpu.memory_space<hbm>>
    %dma_start3A_2497 = arith.constant 0 : i32
    %dma_start3A_2498 = tpu.memref_slice %arg4[%add3A_2494, %dma_start3A_2497] : memref<40000x128xf32, #tpu.memory_space<hbm>> -> memref<128x128xf32, #tpu.memory_space<hbm>>
    tpu.enqueue_dma source(%dma_start3A_2498 : memref<128x128xf32, #tpu.memory_space<hbm>>) target(%arg14 : memref<128x128xf32, #tpu.memory_space<vmem>>) target_semaphore(%arg21 : memref<!tpu.dma_semaphore, #tpu.memory_space<semaphore_mem>>)
    %dma_wait3A_2499 = arith.constant 0 : i32
    %dma_wait3A_2500 = tpu.memref_slice %arg4[%add3A_2457, %dma_wait3A_2499] : memref<40000x128xf32, #tpu.memory_space<hbm>> -> memref<128x128xf32, #tpu.memory_space<hbm>>
    %dma_wait3A_2501 = arith.constant 0 : i32
    %dma_wait3A_2502 = tpu.memref_slice %arg4[%add3A_2457, %dma_wait3A_2501] : memref<40000x128xf32, #tpu.memory_space<hbm>> -> memref<128x128xf32, #tpu.memory_space<hbm>>
    tpu.wait_dma2 semaphore(%arg20 : memref<!tpu.dma_semaphore, #tpu.memory_space<semaphore_mem>>) src(%dma_wait3A_2502 : memref<128x128xf32, #tpu.memory_space<hbm>>) dst(%arg13 : memref<128x128xf32, #tpu.memory_space<vmem>>)
    %dma_start3A_2503 = arith.constant 4 : i32
    %dma_start3A_2504 = arith.constant 0 : i32
    %dma_start3A_2505 = tpu.memref_slice %arg11[%dma_start3A_2503, %dma_start3A_2504] : memref<10x128xi32, #tpu.memory_space<vmem>> -> memref<1x128xi32, #tpu.memory_space<vmem>>
    %dma_start3A_2506 = tpu.memref_squeeze %dma_start3A_2505 : memref<1x128xi32, #tpu.memory_space<vmem>> -> memref<128xi32, #tpu.memory_space<vmem>>
    %dma_start3A_2507 = arith.constant 0 : i32
    %dma_start3A_2508 = arith.constant 0 : i32
    %dma_start3A_2509 = tpu.memref_slice %arg7[%dma_start3A_2507, %dma_start3A_2508] : memref<428544x128xf32, #tpu.memory_space<hbm>> -> memref<428544x128xf32, #tpu.memory_space<hbm>>
    tpu.enqueue_indirect_dma source(%arg13 : memref<128x128xf32, #tpu.memory_space<vmem>>) target(%dma_start3A_2509 : memref<428544x128xf32, #tpu.memory_space<hbm>>) offsets(%dma_start3A_2506 : memref<128xi32, #tpu.memory_space<vmem>>) semaphore(%arg22 : memref<!tpu.dma_semaphore, #tpu.memory_space<semaphore_mem>>)
    %dma_start3A_2510 = arith.constant 4 : i32
    %dma_start3A_2511 = arith.constant 0 : i32
    %dma_start3A_2512 = tpu.memref_slice %arg12[%dma_start3A_2510, %dma_start3A_2511] : memref<10x128xi32, #tpu.memory_space<vmem>> -> memref<1x128xi32, #tpu.memory_space<vmem>>
    %dma_start3A_2513 = tpu.memref_squeeze %dma_start3A_2512 : memref<1x128xi32, #tpu.memory_space<vmem>> -> memref<128xi32, #tpu.memory_space<vmem>>
    %dma_start3A_2514 = arith.constant 0 : i32
    %dma_start3A_2515 = tpu.memref_slice %arg17[%dma_start3A_2514] : memref<214272xf32, #tpu.memory_space<vmem_shared>> -> memref<214272xf32, #tpu.memory_space<vmem_shared>>
    tpu.enqueue_indirect_dma source(%arg16 : memref<128xf32, #tpu.memory_space<vmem>>) target(%dma_start3A_2515 : memref<214272xf32, #tpu.memory_space<vmem_shared>>) offsets(%dma_start3A_2513 : memref<128xi32, #tpu.memory_space<vmem>>) semaphore(%arg19 : memref<!tpu.dma_semaphore, #tpu.memory_space<semaphore_mem>>) {add = true}
    %dma_wait3A_2516 = arith.constant 4 : i32
    %dma_wait3A_2517 = arith.constant 0 : i32
    %dma_wait3A_2518 = tpu.memref_slice %arg11[%dma_wait3A_2516, %dma_wait3A_2517] : memref<10x128xi32, #tpu.memory_space<vmem>> -> memref<1x128xi32, #tpu.memory_space<vmem>>
    %dma_wait3A_2519 = tpu.memref_squeeze %dma_wait3A_2518 : memref<1x128xi32, #tpu.memory_space<vmem>> -> memref<128xi32, #tpu.memory_space<vmem>>
    %dma_wait3A_2520 = arith.constant 0 : i32
    %dma_wait3A_2521 = arith.constant 0 : i32
    %dma_wait3A_2522 = tpu.memref_slice %arg7[%dma_wait3A_2520, %dma_wait3A_2521] : memref<428544x128xf32, #tpu.memory_space<hbm>> -> memref<428544x128xf32, #tpu.memory_space<hbm>>
    tpu.wait_indirect_dma semaphore(%arg22 : memref<!tpu.dma_semaphore, #tpu.memory_space<semaphore_mem>>) src(%arg13 : memref<128x128xf32, #tpu.memory_space<vmem>>) dst(%dma_wait3A_2522 : memref<428544x128xf32, #tpu.memory_space<hbm>>)
    %mul3A_2523 = arith.constant 20000 : i32
    %mul3A_2524 = arith.muli %arg0, %mul3A_2523 : i32
    %mul3A_2525 = arith.constant 1280 : i32
    %mul3A_2526 = arith.muli %arg1, %mul3A_2525 : i32
    %add3A_2527 = arith.constant 768 : i32
    %add3A_2528 = arith.addi %mul3A_2526, %add3A_2527 : i32
    %min3A_2529 = arith.constant 19872 : i32
    %min3A_2530 = arith.minsi %add3A_2528, %min3A_2529 : i32
    %add3A_2531 = arith.addi %mul3A_2524, %min3A_2530 : i32
    %dma_start3A_2532 = arith.constant 0 : i32
    %dma_start3A_2533 = tpu.memref_slice %arg4[%add3A_2531, %dma_start3A_2532] : memref<40000x128xf32, #tpu.memory_space<hbm>> -> memref<128x128xf32, #tpu.memory_space<hbm>>
    %dma_start3A_2534 = arith.constant 0 : i32
    %dma_start3A_2535 = tpu.memref_slice %arg4[%add3A_2531, %dma_start3A_2534] : memref<40000x128xf32, #tpu.memory_space<hbm>> -> memref<128x128xf32, #tpu.memory_space<hbm>>
    tpu.enqueue_dma source(%dma_start3A_2535 : memref<128x128xf32, #tpu.memory_space<hbm>>) target(%arg13 : memref<128x128xf32, #tpu.memory_space<vmem>>) target_semaphore(%arg20 : memref<!tpu.dma_semaphore, #tpu.memory_space<semaphore_mem>>)
    %dma_wait3A_2536 = arith.constant 0 : i32
    %dma_wait3A_2537 = tpu.memref_slice %arg4[%add3A_2494, %dma_wait3A_2536] : memref<40000x128xf32, #tpu.memory_space<hbm>> -> memref<128x128xf32, #tpu.memory_space<hbm>>
    %dma_wait3A_2538 = arith.constant 0 : i32
    %dma_wait3A_2539 = tpu.memref_slice %arg4[%add3A_2494, %dma_wait3A_2538] : memref<40000x128xf32, #tpu.memory_space<hbm>> -> memref<128x128xf32, #tpu.memory_space<hbm>>
    tpu.wait_dma2 semaphore(%arg21 : memref<!tpu.dma_semaphore, #tpu.memory_space<semaphore_mem>>) src(%dma_wait3A_2539 : memref<128x128xf32, #tpu.memory_space<hbm>>) dst(%arg14 : memref<128x128xf32, #tpu.memory_space<vmem>>)
    %dma_start3A_2540 = arith.constant 5 : i32
    %dma_start3A_2541 = arith.constant 0 : i32
    %dma_start3A_2542 = tpu.memref_slice %arg11[%dma_start3A_2540, %dma_start3A_2541] : memref<10x128xi32, #tpu.memory_space<vmem>> -> memref<1x128xi32, #tpu.memory_space<vmem>>
    %dma_start3A_2543 = tpu.memref_squeeze %dma_start3A_2542 : memref<1x128xi32, #tpu.memory_space<vmem>> -> memref<128xi32, #tpu.memory_space<vmem>>
    %dma_start3A_2544 = arith.constant 0 : i32
    %dma_start3A_2545 = arith.constant 0 : i32
    %dma_start3A_2546 = tpu.memref_slice %arg7[%dma_start3A_2544, %dma_start3A_2545] : memref<428544x128xf32, #tpu.memory_space<hbm>> -> memref<428544x128xf32, #tpu.memory_space<hbm>>
    tpu.enqueue_indirect_dma source(%arg14 : memref<128x128xf32, #tpu.memory_space<vmem>>) target(%dma_start3A_2546 : memref<428544x128xf32, #tpu.memory_space<hbm>>) offsets(%dma_start3A_2543 : memref<128xi32, #tpu.memory_space<vmem>>) semaphore(%arg23 : memref<!tpu.dma_semaphore, #tpu.memory_space<semaphore_mem>>)
    %dma_start3A_2547 = arith.constant 5 : i32
    %dma_start3A_2548 = arith.constant 0 : i32
    %dma_start3A_2549 = tpu.memref_slice %arg12[%dma_start3A_2547, %dma_start3A_2548] : memref<10x128xi32, #tpu.memory_space<vmem>> -> memref<1x128xi32, #tpu.memory_space<vmem>>
    %dma_start3A_2550 = tpu.memref_squeeze %dma_start3A_2549 : memref<1x128xi32, #tpu.memory_space<vmem>> -> memref<128xi32, #tpu.memory_space<vmem>>
    %dma_start3A_2551 = arith.constant 0 : i32
    %dma_start3A_2552 = tpu.memref_slice %arg17[%dma_start3A_2551] : memref<214272xf32, #tpu.memory_space<vmem_shared>> -> memref<214272xf32, #tpu.memory_space<vmem_shared>>
    tpu.enqueue_indirect_dma source(%arg16 : memref<128xf32, #tpu.memory_space<vmem>>) target(%dma_start3A_2552 : memref<214272xf32, #tpu.memory_space<vmem_shared>>) offsets(%dma_start3A_2550 : memref<128xi32, #tpu.memory_space<vmem>>) semaphore(%arg19 : memref<!tpu.dma_semaphore, #tpu.memory_space<semaphore_mem>>) {add = true}
    %dma_wait3A_2553 = arith.constant 5 : i32
    %dma_wait3A_2554 = arith.constant 0 : i32
    %dma_wait3A_2555 = tpu.memref_slice %arg11[%dma_wait3A_2553, %dma_wait3A_2554] : memref<10x128xi32, #tpu.memory_space<vmem>> -> memref<1x128xi32, #tpu.memory_space<vmem>>
    %dma_wait3A_2556 = tpu.memref_squeeze %dma_wait3A_2555 : memref<1x128xi32, #tpu.memory_space<vmem>> -> memref<128xi32, #tpu.memory_space<vmem>>
    %dma_wait3A_2557 = arith.constant 0 : i32
    %dma_wait3A_2558 = arith.constant 0 : i32
    %dma_wait3A_2559 = tpu.memref_slice %arg7[%dma_wait3A_2557, %dma_wait3A_2558] : memref<428544x128xf32, #tpu.memory_space<hbm>> -> memref<428544x128xf32, #tpu.memory_space<hbm>>
    tpu.wait_indirect_dma semaphore(%arg23 : memref<!tpu.dma_semaphore, #tpu.memory_space<semaphore_mem>>) src(%arg14 : memref<128x128xf32, #tpu.memory_space<vmem>>) dst(%dma_wait3A_2559 : memref<428544x128xf32, #tpu.memory_space<hbm>>)
    %mul3A_2560 = arith.constant 20000 : i32
    %mul3A_2561 = arith.muli %arg0, %mul3A_2560 : i32
    %mul3A_2562 = arith.constant 1280 : i32
    %mul3A_2563 = arith.muli %arg1, %mul3A_2562 : i32
    %add3A_2564 = arith.constant 896 : i32
    %add3A_2565 = arith.addi %mul3A_2563, %add3A_2564 : i32
    %min3A_2566 = arith.constant 19872 : i32
    %min3A_2567 = arith.minsi %add3A_2565, %min3A_2566 : i32
    %add3A_2568 = arith.addi %mul3A_2561, %min3A_2567 : i32
    %dma_start3A_2569 = arith.constant 0 : i32
    %dma_start3A_2570 = tpu.memref_slice %arg4[%add3A_2568, %dma_start3A_2569] : memref<40000x128xf32, #tpu.memory_space<hbm>> -> memref<128x128xf32, #tpu.memory_space<hbm>>
    %dma_start3A_2571 = arith.constant 0 : i32
    %dma_start3A_2572 = tpu.memref_slice %arg4[%add3A_2568, %dma_start3A_2571] : memref<40000x128xf32, #tpu.memory_space<hbm>> -> memref<128x128xf32, #tpu.memory_space<hbm>>
    tpu.enqueue_dma source(%dma_start3A_2572 : memref<128x128xf32, #tpu.memory_space<hbm>>) target(%arg14 : memref<128x128xf32, #tpu.memory_space<vmem>>) target_semaphore(%arg21 : memref<!tpu.dma_semaphore, #tpu.memory_space<semaphore_mem>>)
    %dma_wait3A_2573 = arith.constant 0 : i32
    %dma_wait3A_2574 = tpu.memref_slice %arg4[%add3A_2531, %dma_wait3A_2573] : memref<40000x128xf32, #tpu.memory_space<hbm>> -> memref<128x128xf32, #tpu.memory_space<hbm>>
    %dma_wait3A_2575 = arith.constant 0 : i32
    %dma_wait3A_2576 = tpu.memref_slice %arg4[%add3A_2531, %dma_wait3A_2575] : memref<40000x128xf32, #tpu.memory_space<hbm>> -> memref<128x128xf32, #tpu.memory_space<hbm>>
    tpu.wait_dma2 semaphore(%arg20 : memref<!tpu.dma_semaphore, #tpu.memory_space<semaphore_mem>>) src(%dma_wait3A_2576 : memref<128x128xf32, #tpu.memory_space<hbm>>) dst(%arg13 : memref<128x128xf32, #tpu.memory_space<vmem>>)
    %dma_start3A_2577 = arith.constant 6 : i32
    %dma_start3A_2578 = arith.constant 0 : i32
    %dma_start3A_2579 = tpu.memref_slice %arg11[%dma_start3A_2577, %dma_start3A_2578] : memref<10x128xi32, #tpu.memory_space<vmem>> -> memref<1x128xi32, #tpu.memory_space<vmem>>
    %dma_start3A_2580 = tpu.memref_squeeze %dma_start3A_2579 : memref<1x128xi32, #tpu.memory_space<vmem>> -> memref<128xi32, #tpu.memory_space<vmem>>
    %dma_start3A_2581 = arith.constant 0 : i32
    %dma_start3A_2582 = arith.constant 0 : i32
    %dma_start3A_2583 = tpu.memref_slice %arg7[%dma_start3A_2581, %dma_start3A_2582] : memref<428544x128xf32, #tpu.memory_space<hbm>> -> memref<428544x128xf32, #tpu.memory_space<hbm>>
    tpu.enqueue_indirect_dma source(%arg13 : memref<128x128xf32, #tpu.memory_space<vmem>>) target(%dma_start3A_2583 : memref<428544x128xf32, #tpu.memory_space<hbm>>) offsets(%dma_start3A_2580 : memref<128xi32, #tpu.memory_space<vmem>>) semaphore(%arg22 : memref<!tpu.dma_semaphore, #tpu.memory_space<semaphore_mem>>)
    %dma_start3A_2584 = arith.constant 6 : i32
    %dma_start3A_2585 = arith.constant 0 : i32
    %dma_start3A_2586 = tpu.memref_slice %arg12[%dma_start3A_2584, %dma_start3A_2585] : memref<10x128xi32, #tpu.memory_space<vmem>> -> memref<1x128xi32, #tpu.memory_space<vmem>>
    %dma_start3A_2587 = tpu.memref_squeeze %dma_start3A_2586 : memref<1x128xi32, #tpu.memory_space<vmem>> -> memref<128xi32, #tpu.memory_space<vmem>>
    %dma_start3A_2588 = arith.constant 0 : i32
    %dma_start3A_2589 = tpu.memref_slice %arg17[%dma_start3A_2588] : memref<214272xf32, #tpu.memory_space<vmem_shared>> -> memref<214272xf32, #tpu.memory_space<vmem_shared>>
    tpu.enqueue_indirect_dma source(%arg16 : memref<128xf32, #tpu.memory_space<vmem>>) target(%dma_start3A_2589 : memref<214272xf32, #tpu.memory_space<vmem_shared>>) offsets(%dma_start3A_2587 : memref<128xi32, #tpu.memory_space<vmem>>) semaphore(%arg19 : memref<!tpu.dma_semaphore, #tpu.memory_space<semaphore_mem>>) {add = true}
    %dma_wait3A_2590 = arith.constant 6 : i32
    %dma_wait3A_2591 = arith.constant 0 : i32
    %dma_wait3A_2592 = tpu.memref_slice %arg11[%dma_wait3A_2590, %dma_wait3A_2591] : memref<10x128xi32, #tpu.memory_space<vmem>> -> memref<1x128xi32, #tpu.memory_space<vmem>>
    %dma_wait3A_2593 = tpu.memref_squeeze %dma_wait3A_2592 : memref<1x128xi32, #tpu.memory_space<vmem>> -> memref<128xi32, #tpu.memory_space<vmem>>
    %dma_wait3A_2594 = arith.constant 0 : i32
    %dma_wait3A_2595 = arith.constant 0 : i32
    %dma_wait3A_2596 = tpu.memref_slice %arg7[%dma_wait3A_2594, %dma_wait3A_2595] : memref<428544x128xf32, #tpu.memory_space<hbm>> -> memref<428544x128xf32, #tpu.memory_space<hbm>>
    tpu.wait_indirect_dma semaphore(%arg22 : memref<!tpu.dma_semaphore, #tpu.memory_space<semaphore_mem>>) src(%arg13 : memref<128x128xf32, #tpu.memory_space<vmem>>) dst(%dma_wait3A_2596 : memref<428544x128xf32, #tpu.memory_space<hbm>>)
    %mul3A_2597 = arith.constant 20000 : i32
    %mul3A_2598 = arith.muli %arg0, %mul3A_2597 : i32
    %mul3A_2599 = arith.constant 1280 : i32
    %mul3A_2600 = arith.muli %arg1, %mul3A_2599 : i32
    %add3A_2601 = arith.constant 1024 : i32
    %add3A_2602 = arith.addi %mul3A_2600, %add3A_2601 : i32
    %min3A_2603 = arith.constant 19872 : i32
    %min3A_2604 = arith.minsi %add3A_2602, %min3A_2603 : i32
    %add3A_2605 = arith.addi %mul3A_2598, %min3A_2604 : i32
    %dma_start3A_2606 = arith.constant 0 : i32
    %dma_start3A_2607 = tpu.memref_slice %arg4[%add3A_2605, %dma_start3A_2606] : memref<40000x128xf32, #tpu.memory_space<hbm>> -> memref<128x128xf32, #tpu.memory_space<hbm>>
    %dma_start3A_2608 = arith.constant 0 : i32
    %dma_start3A_2609 = tpu.memref_slice %arg4[%add3A_2605, %dma_start3A_2608] : memref<40000x128xf32, #tpu.memory_space<hbm>> -> memref<128x128xf32, #tpu.memory_space<hbm>>
    tpu.enqueue_dma source(%dma_start3A_2609 : memref<128x128xf32, #tpu.memory_space<hbm>>) target(%arg13 : memref<128x128xf32, #tpu.memory_space<vmem>>) target_semaphore(%arg20 : memref<!tpu.dma_semaphore, #tpu.memory_space<semaphore_mem>>)
    %dma_wait3A_2610 = arith.constant 0 : i32
    %dma_wait3A_2611 = tpu.memref_slice %arg4[%add3A_2568, %dma_wait3A_2610] : memref<40000x128xf32, #tpu.memory_space<hbm>> -> memref<128x128xf32, #tpu.memory_space<hbm>>
    %dma_wait3A_2612 = arith.constant 0 : i32
    %dma_wait3A_2613 = tpu.memref_slice %arg4[%add3A_2568, %dma_wait3A_2612] : memref<40000x128xf32, #tpu.memory_space<hbm>> -> memref<128x128xf32, #tpu.memory_space<hbm>>
    tpu.wait_dma2 semaphore(%arg21 : memref<!tpu.dma_semaphore, #tpu.memory_space<semaphore_mem>>) src(%dma_wait3A_2613 : memref<128x128xf32, #tpu.memory_space<hbm>>) dst(%arg14 : memref<128x128xf32, #tpu.memory_space<vmem>>)
    %dma_start3A_2614 = arith.constant 7 : i32
    %dma_start3A_2615 = arith.constant 0 : i32
    %dma_start3A_2616 = tpu.memref_slice %arg11[%dma_start3A_2614, %dma_start3A_2615] : memref<10x128xi32, #tpu.memory_space<vmem>> -> memref<1x128xi32, #tpu.memory_space<vmem>>
    %dma_start3A_2617 = tpu.memref_squeeze %dma_start3A_2616 : memref<1x128xi32, #tpu.memory_space<vmem>> -> memref<128xi32, #tpu.memory_space<vmem>>
    %dma_start3A_2618 = arith.constant 0 : i32
    %dma_start3A_2619 = arith.constant 0 : i32
    %dma_start3A_2620 = tpu.memref_slice %arg7[%dma_start3A_2618, %dma_start3A_2619] : memref<428544x128xf32, #tpu.memory_space<hbm>> -> memref<428544x128xf32, #tpu.memory_space<hbm>>
    tpu.enqueue_indirect_dma source(%arg14 : memref<128x128xf32, #tpu.memory_space<vmem>>) target(%dma_start3A_2620 : memref<428544x128xf32, #tpu.memory_space<hbm>>) offsets(%dma_start3A_2617 : memref<128xi32, #tpu.memory_space<vmem>>) semaphore(%arg23 : memref<!tpu.dma_semaphore, #tpu.memory_space<semaphore_mem>>)
    %dma_start3A_2621 = arith.constant 7 : i32
    %dma_start3A_2622 = arith.constant 0 : i32
    %dma_start3A_2623 = tpu.memref_slice %arg12[%dma_start3A_2621, %dma_start3A_2622] : memref<10x128xi32, #tpu.memory_space<vmem>> -> memref<1x128xi32, #tpu.memory_space<vmem>>
    %dma_start3A_2624 = tpu.memref_squeeze %dma_start3A_2623 : memref<1x128xi32, #tpu.memory_space<vmem>> -> memref<128xi32, #tpu.memory_space<vmem>>
    %dma_start3A_2625 = arith.constant 0 : i32
    %dma_start3A_2626 = tpu.memref_slice %arg17[%dma_start3A_2625] : memref<214272xf32, #tpu.memory_space<vmem_shared>> -> memref<214272xf32, #tpu.memory_space<vmem_shared>>
    tpu.enqueue_indirect_dma source(%arg16 : memref<128xf32, #tpu.memory_space<vmem>>) target(%dma_start3A_2626 : memref<214272xf32, #tpu.memory_space<vmem_shared>>) offsets(%dma_start3A_2624 : memref<128xi32, #tpu.memory_space<vmem>>) semaphore(%arg19 : memref<!tpu.dma_semaphore, #tpu.memory_space<semaphore_mem>>) {add = true}
    %dma_wait3A_2627 = arith.constant 7 : i32
    %dma_wait3A_2628 = arith.constant 0 : i32
    %dma_wait3A_2629 = tpu.memref_slice %arg11[%dma_wait3A_2627, %dma_wait3A_2628] : memref<10x128xi32, #tpu.memory_space<vmem>> -> memref<1x128xi32, #tpu.memory_space<vmem>>
    %dma_wait3A_2630 = tpu.memref_squeeze %dma_wait3A_2629 : memref<1x128xi32, #tpu.memory_space<vmem>> -> memref<128xi32, #tpu.memory_space<vmem>>
    %dma_wait3A_2631 = arith.constant 0 : i32
    %dma_wait3A_2632 = arith.constant 0 : i32
    %dma_wait3A_2633 = tpu.memref_slice %arg7[%dma_wait3A_2631, %dma_wait3A_2632] : memref<428544x128xf32, #tpu.memory_space<hbm>> -> memref<428544x128xf32, #tpu.memory_space<hbm>>
    tpu.wait_indirect_dma semaphore(%arg23 : memref<!tpu.dma_semaphore, #tpu.memory_space<semaphore_mem>>) src(%arg14 : memref<128x128xf32, #tpu.memory_space<vmem>>) dst(%dma_wait3A_2633 : memref<428544x128xf32, #tpu.memory_space<hbm>>)
    %mul3A_2634 = arith.constant 20000 : i32
    %mul3A_2635 = arith.muli %arg0, %mul3A_2634 : i32
    %mul3A_2636 = arith.constant 1280 : i32
    %mul3A_2637 = arith.muli %arg1, %mul3A_2636 : i32
    %add3A_2638 = arith.constant 1152 : i32
    %add3A_2639 = arith.addi %mul3A_2637, %add3A_2638 : i32
    %min3A_2640 = arith.constant 19872 : i32
    %min3A_2641 = arith.minsi %add3A_2639, %min3A_2640 : i32
    %add3A_2642 = arith.addi %mul3A_2635, %min3A_2641 : i32
    %dma_start3A_2643 = arith.constant 0 : i32
    %dma_start3A_2644 = tpu.memref_slice %arg4[%add3A_2642, %dma_start3A_2643] : memref<40000x128xf32, #tpu.memory_space<hbm>> -> memref<128x128xf32, #tpu.memory_space<hbm>>
    %dma_start3A_2645 = arith.constant 0 : i32
    %dma_start3A_2646 = tpu.memref_slice %arg4[%add3A_2642, %dma_start3A_2645] : memref<40000x128xf32, #tpu.memory_space<hbm>> -> memref<128x128xf32, #tpu.memory_space<hbm>>
    tpu.enqueue_dma source(%dma_start3A_2646 : memref<128x128xf32, #tpu.memory_space<hbm>>) target(%arg14 : memref<128x128xf32, #tpu.memory_space<vmem>>) target_semaphore(%arg21 : memref<!tpu.dma_semaphore, #tpu.memory_space<semaphore_mem>>)
    %dma_wait3A_2647 = arith.constant 0 : i32
    %dma_wait3A_2648 = tpu.memref_slice %arg4[%add3A_2605, %dma_wait3A_2647] : memref<40000x128xf32, #tpu.memory_space<hbm>> -> memref<128x128xf32, #tpu.memory_space<hbm>>
    %dma_wait3A_2649 = arith.constant 0 : i32
    %dma_wait3A_2650 = tpu.memref_slice %arg4[%add3A_2605, %dma_wait3A_2649] : memref<40000x128xf32, #tpu.memory_space<hbm>> -> memref<128x128xf32, #tpu.memory_space<hbm>>
    tpu.wait_dma2 semaphore(%arg20 : memref<!tpu.dma_semaphore, #tpu.memory_space<semaphore_mem>>) src(%dma_wait3A_2650 : memref<128x128xf32, #tpu.memory_space<hbm>>) dst(%arg13 : memref<128x128xf32, #tpu.memory_space<vmem>>)
    %dma_start3A_2651 = arith.constant 8 : i32
    %dma_start3A_2652 = arith.constant 0 : i32
    %dma_start3A_2653 = tpu.memref_slice %arg11[%dma_start3A_2651, %dma_start3A_2652] : memref<10x128xi32, #tpu.memory_space<vmem>> -> memref<1x128xi32, #tpu.memory_space<vmem>>
    %dma_start3A_2654 = tpu.memref_squeeze %dma_start3A_2653 : memref<1x128xi32, #tpu.memory_space<vmem>> -> memref<128xi32, #tpu.memory_space<vmem>>
    %dma_start3A_2655 = arith.constant 0 : i32
    %dma_start3A_2656 = arith.constant 0 : i32
    %dma_start3A_2657 = tpu.memref_slice %arg7[%dma_start3A_2655, %dma_start3A_2656] : memref<428544x128xf32, #tpu.memory_space<hbm>> -> memref<428544x128xf32, #tpu.memory_space<hbm>>
    tpu.enqueue_indirect_dma source(%arg13 : memref<128x128xf32, #tpu.memory_space<vmem>>) target(%dma_start3A_2657 : memref<428544x128xf32, #tpu.memory_space<hbm>>) offsets(%dma_start3A_2654 : memref<128xi32, #tpu.memory_space<vmem>>) semaphore(%arg22 : memref<!tpu.dma_semaphore, #tpu.memory_space<semaphore_mem>>)
    %dma_start3A_2658 = arith.constant 8 : i32
    %dma_start3A_2659 = arith.constant 0 : i32
    %dma_start3A_2660 = tpu.memref_slice %arg12[%dma_start3A_2658, %dma_start3A_2659] : memref<10x128xi32, #tpu.memory_space<vmem>> -> memref<1x128xi32, #tpu.memory_space<vmem>>
    %dma_start3A_2661 = tpu.memref_squeeze %dma_start3A_2660 : memref<1x128xi32, #tpu.memory_space<vmem>> -> memref<128xi32, #tpu.memory_space<vmem>>
    %dma_start3A_2662 = arith.constant 0 : i32
    %dma_start3A_2663 = tpu.memref_slice %arg17[%dma_start3A_2662] : memref<214272xf32, #tpu.memory_space<vmem_shared>> -> memref<214272xf32, #tpu.memory_space<vmem_shared>>
    tpu.enqueue_indirect_dma source(%arg16 : memref<128xf32, #tpu.memory_space<vmem>>) target(%dma_start3A_2663 : memref<214272xf32, #tpu.memory_space<vmem_shared>>) offsets(%dma_start3A_2661 : memref<128xi32, #tpu.memory_space<vmem>>) semaphore(%arg19 : memref<!tpu.dma_semaphore, #tpu.memory_space<semaphore_mem>>) {add = true}
    %dma_wait3A_2664 = arith.constant 0 : i32
    %dma_wait3A_2665 = tpu.memref_slice %arg4[%add3A_2642, %dma_wait3A_2664] : memref<40000x128xf32, #tpu.memory_space<hbm>> -> memref<128x128xf32, #tpu.memory_space<hbm>>
    %dma_wait3A_2666 = arith.constant 0 : i32
    %dma_wait3A_2667 = tpu.memref_slice %arg4[%add3A_2642, %dma_wait3A_2666] : memref<40000x128xf32, #tpu.memory_space<hbm>> -> memref<128x128xf32, #tpu.memory_space<hbm>>
    tpu.wait_dma2 semaphore(%arg21 : memref<!tpu.dma_semaphore, #tpu.memory_space<semaphore_mem>>) src(%dma_wait3A_2667 : memref<128x128xf32, #tpu.memory_space<hbm>>) dst(%arg14 : memref<128x128xf32, #tpu.memory_space<vmem>>)
    %dma_start3A_2668 = arith.constant 9 : i32
    %dma_start3A_2669 = arith.constant 0 : i32
    %dma_start3A_2670 = tpu.memref_slice %arg11[%dma_start3A_2668, %dma_start3A_2669] : memref<10x128xi32, #tpu.memory_space<vmem>> -> memref<1x128xi32, #tpu.memory_space<vmem>>
    %dma_start3A_2671 = tpu.memref_squeeze %dma_start3A_2670 : memref<1x128xi32, #tpu.memory_space<vmem>> -> memref<128xi32, #tpu.memory_space<vmem>>
    %dma_start3A_2672 = arith.constant 0 : i32
    %dma_start3A_2673 = arith.constant 0 : i32
    %dma_start3A_2674 = tpu.memref_slice %arg7[%dma_start3A_2672, %dma_start3A_2673] : memref<428544x128xf32, #tpu.memory_space<hbm>> -> memref<428544x128xf32, #tpu.memory_space<hbm>>
    tpu.enqueue_indirect_dma source(%arg14 : memref<128x128xf32, #tpu.memory_space<vmem>>) target(%dma_start3A_2674 : memref<428544x128xf32, #tpu.memory_space<hbm>>) offsets(%dma_start3A_2671 : memref<128xi32, #tpu.memory_space<vmem>>) semaphore(%arg23 : memref<!tpu.dma_semaphore, #tpu.memory_space<semaphore_mem>>)
    %dma_start3A_2675 = arith.constant 9 : i32
    %dma_start3A_2676 = arith.constant 0 : i32
    %dma_start3A_2677 = tpu.memref_slice %arg12[%dma_start3A_2675, %dma_start3A_2676] : memref<10x128xi32, #tpu.memory_space<vmem>> -> memref<1x128xi32, #tpu.memory_space<vmem>>
    %dma_start3A_2678 = tpu.memref_squeeze %dma_start3A_2677 : memref<1x128xi32, #tpu.memory_space<vmem>> -> memref<128xi32, #tpu.memory_space<vmem>>
    %dma_start3A_2679 = arith.constant 0 : i32
    %dma_start3A_2680 = tpu.memref_slice %arg17[%dma_start3A_2679] : memref<214272xf32, #tpu.memory_space<vmem_shared>> -> memref<214272xf32, #tpu.memory_space<vmem_shared>>
    tpu.enqueue_indirect_dma source(%arg16 : memref<128xf32, #tpu.memory_space<vmem>>) target(%dma_start3A_2680 : memref<214272xf32, #tpu.memory_space<vmem_shared>>) offsets(%dma_start3A_2678 : memref<128xi32, #tpu.memory_space<vmem>>) semaphore(%arg19 : memref<!tpu.dma_semaphore, #tpu.memory_space<semaphore_mem>>) {add = true}
    %dma_wait3A_2681 = arith.constant 8 : i32
    %dma_wait3A_2682 = arith.constant 0 : i32
    %dma_wait3A_2683 = tpu.memref_slice %arg11[%dma_wait3A_2681, %dma_wait3A_2682] : memref<10x128xi32, #tpu.memory_space<vmem>> -> memref<1x128xi32, #tpu.memory_space<vmem>>
    %dma_wait3A_2684 = tpu.memref_squeeze %dma_wait3A_2683 : memref<1x128xi32, #tpu.memory_space<vmem>> -> memref<128xi32, #tpu.memory_space<vmem>>
    %dma_wait3A_2685 = arith.constant 0 : i32
    %dma_wait3A_2686 = arith.constant 0 : i32
    %dma_wait3A_2687 = tpu.memref_slice %arg7[%dma_wait3A_2685, %dma_wait3A_2686] : memref<428544x128xf32, #tpu.memory_space<hbm>> -> memref<428544x128xf32, #tpu.memory_space<hbm>>
    tpu.wait_indirect_dma semaphore(%arg22 : memref<!tpu.dma_semaphore, #tpu.memory_space<semaphore_mem>>) src(%arg13 : memref<128x128xf32, #tpu.memory_space<vmem>>) dst(%dma_wait3A_2687 : memref<428544x128xf32, #tpu.memory_space<hbm>>)
    %dma_wait3A_2688 = arith.constant 9 : i32
    %dma_wait3A_2689 = arith.constant 0 : i32
    %dma_wait3A_2690 = tpu.memref_slice %arg11[%dma_wait3A_2688, %dma_wait3A_2689] : memref<10x128xi32, #tpu.memory_space<vmem>> -> memref<1x128xi32, #tpu.memory_space<vmem>>
    %dma_wait3A_2691 = tpu.memref_squeeze %dma_wait3A_2690 : memref<1x128xi32, #tpu.memory_space<vmem>> -> memref<128xi32, #tpu.memory_space<vmem>>
    %dma_wait3A_2692 = arith.constant 0 : i32
    %dma_wait3A_2693 = arith.constant 0 : i32
    %dma_wait3A_2694 = tpu.memref_slice %arg7[%dma_wait3A_2692, %dma_wait3A_2693] : memref<428544x128xf32, #tpu.memory_space<hbm>> -> memref<428544x128xf32, #tpu.memory_space<hbm>>
    tpu.wait_indirect_dma semaphore(%arg23 : memref<!tpu.dma_semaphore, #tpu.memory_space<semaphore_mem>>) src(%arg14 : memref<128x128xf32, #tpu.memory_space<vmem>>) dst(%dma_wait3A_2694 : memref<428544x128xf32, #tpu.memory_space<hbm>>)
    %dma_wait3A_2695 = arith.constant 0 : i32
    %dma_wait3A_2696 = arith.constant 0 : i32
    %dma_wait3A_2697 = tpu.memref_slice %arg12[%dma_wait3A_2695, %dma_wait3A_2696] : memref<10x128xi32, #tpu.memory_space<vmem>> -> memref<1x128xi32, #tpu.memory_space<vmem>>
    %dma_wait3A_2698 = tpu.memref_squeeze %dma_wait3A_2697 : memref<1x128xi32, #tpu.memory_space<vmem>> -> memref<128xi32, #tpu.memory_space<vmem>>
    %dma_wait3A_2699 = arith.constant 0 : i32
    %dma_wait3A_2700 = tpu.memref_slice %arg17[%dma_wait3A_2699] : memref<214272xf32, #tpu.memory_space<vmem_shared>> -> memref<214272xf32, #tpu.memory_space<vmem_shared>>
    tpu.wait_indirect_dma semaphore(%arg19 : memref<!tpu.dma_semaphore, #tpu.memory_space<semaphore_mem>>) src(%arg16 : memref<128xf32, #tpu.memory_space<vmem>>) dst(%dma_wait3A_2700 : memref<214272xf32, #tpu.memory_space<vmem_shared>>)
    %dma_wait3A_2701 = arith.constant 1 : i32
    %dma_wait3A_2702 = arith.constant 0 : i32
    %dma_wait3A_2703 = tpu.memref_slice %arg12[%dma_wait3A_2701, %dma_wait3A_2702] : memref<10x128xi32, #tpu.memory_space<vmem>> -> memref<1x128xi32, #tpu.memory_space<vmem>>
    %dma_wait3A_2704 = tpu.memref_squeeze %dma_wait3A_2703 : memref<1x128xi32, #tpu.memory_space<vmem>> -> memref<128xi32, #tpu.memory_space<vmem>>
    %dma_wait3A_2705 = arith.constant 0 : i32
    %dma_wait3A_2706 = tpu.memref_slice %arg17[%dma_wait3A_2705] : memref<214272xf32, #tpu.memory_space<vmem_shared>> -> memref<214272xf32, #tpu.memory_space<vmem_shared>>
    tpu.wait_indirect_dma semaphore(%arg19 : memref<!tpu.dma_semaphore, #tpu.memory_space<semaphore_mem>>) src(%arg16 : memref<128xf32, #tpu.memory_space<vmem>>) dst(%dma_wait3A_2706 : memref<214272xf32, #tpu.memory_space<vmem_shared>>)
    %dma_wait3A_2707 = arith.constant 2 : i32
    %dma_wait3A_2708 = arith.constant 0 : i32
    %dma_wait3A_2709 = tpu.memref_slice %arg12[%dma_wait3A_2707, %dma_wait3A_2708] : memref<10x128xi32, #tpu.memory_space<vmem>> -> memref<1x128xi32, #tpu.memory_space<vmem>>
    %dma_wait3A_2710 = tpu.memref_squeeze %dma_wait3A_2709 : memref<1x128xi32, #tpu.memory_space<vmem>> -> memref<128xi32, #tpu.memory_space<vmem>>
    %dma_wait3A_2711 = arith.constant 0 : i32
    %dma_wait3A_2712 = tpu.memref_slice %arg17[%dma_wait3A_2711] : memref<214272xf32, #tpu.memory_space<vmem_shared>> -> memref<214272xf32, #tpu.memory_space<vmem_shared>>
    tpu.wait_indirect_dma semaphore(%arg19 : memref<!tpu.dma_semaphore, #tpu.memory_space<semaphore_mem>>) src(%arg16 : memref<128xf32, #tpu.memory_space<vmem>>) dst(%dma_wait3A_2712 : memref<214272xf32, #tpu.memory_space<vmem_shared>>)
    %dma_wait3A_2713 = arith.constant 3 : i32
    %dma_wait3A_2714 = arith.constant 0 : i32
    %dma_wait3A_2715 = tpu.memref_slice %arg12[%dma_wait3A_2713, %dma_wait3A_2714] : memref<10x128xi32, #tpu.memory_space<vmem>> -> memref<1x128xi32, #tpu.memory_space<vmem>>
    %dma_wait3A_2716 = tpu.memref_squeeze %dma_wait3A_2715 : memref<1x128xi32, #tpu.memory_space<vmem>> -> memref<128xi32, #tpu.memory_space<vmem>>
    %dma_wait3A_2717 = arith.constant 0 : i32
    %dma_wait3A_2718 = tpu.memref_slice %arg17[%dma_wait3A_2717] : memref<214272xf32, #tpu.memory_space<vmem_shared>> -> memref<214272xf32, #tpu.memory_space<vmem_shared>>
    tpu.wait_indirect_dma semaphore(%arg19 : memref<!tpu.dma_semaphore, #tpu.memory_space<semaphore_mem>>) src(%arg16 : memref<128xf32, #tpu.memory_space<vmem>>) dst(%dma_wait3A_2718 : memref<214272xf32, #tpu.memory_space<vmem_shared>>)
    %dma_wait3A_2719 = arith.constant 4 : i32
    %dma_wait3A_2720 = arith.constant 0 : i32
    %dma_wait3A_2721 = tpu.memref_slice %arg12[%dma_wait3A_2719, %dma_wait3A_2720] : memref<10x128xi32, #tpu.memory_space<vmem>> -> memref<1x128xi32, #tpu.memory_space<vmem>>
    %dma_wait3A_2722 = tpu.memref_squeeze %dma_wait3A_2721 : memref<1x128xi32, #tpu.memory_space<vmem>> -> memref<128xi32, #tpu.memory_space<vmem>>
    %dma_wait3A_2723 = arith.constant 0 : i32
    %dma_wait3A_2724 = tpu.memref_slice %arg17[%dma_wait3A_2723] : memref<214272xf32, #tpu.memory_space<vmem_shared>> -> memref<214272xf32, #tpu.memory_space<vmem_shared>>
    tpu.wait_indirect_dma semaphore(%arg19 : memref<!tpu.dma_semaphore, #tpu.memory_space<semaphore_mem>>) src(%arg16 : memref<128xf32, #tpu.memory_space<vmem>>) dst(%dma_wait3A_2724 : memref<214272xf32, #tpu.memory_space<vmem_shared>>)
    %dma_wait3A_2725 = arith.constant 5 : i32
    %dma_wait3A_2726 = arith.constant 0 : i32
    %dma_wait3A_2727 = tpu.memref_slice %arg12[%dma_wait3A_2725, %dma_wait3A_2726] : memref<10x128xi32, #tpu.memory_space<vmem>> -> memref<1x128xi32, #tpu.memory_space<vmem>>
    %dma_wait3A_2728 = tpu.memref_squeeze %dma_wait3A_2727 : memref<1x128xi32, #tpu.memory_space<vmem>> -> memref<128xi32, #tpu.memory_space<vmem>>
    %dma_wait3A_2729 = arith.constant 0 : i32
    %dma_wait3A_2730 = tpu.memref_slice %arg17[%dma_wait3A_2729] : memref<214272xf32, #tpu.memory_space<vmem_shared>> -> memref<214272xf32, #tpu.memory_space<vmem_shared>>
    tpu.wait_indirect_dma semaphore(%arg19 : memref<!tpu.dma_semaphore, #tpu.memory_space<semaphore_mem>>) src(%arg16 : memref<128xf32, #tpu.memory_space<vmem>>) dst(%dma_wait3A_2730 : memref<214272xf32, #tpu.memory_space<vmem_shared>>)
    %dma_wait3A_2731 = arith.constant 6 : i32
    %dma_wait3A_2732 = arith.constant 0 : i32
    %dma_wait3A_2733 = tpu.memref_slice %arg12[%dma_wait3A_2731, %dma_wait3A_2732] : memref<10x128xi32, #tpu.memory_space<vmem>> -> memref<1x128xi32, #tpu.memory_space<vmem>>
    %dma_wait3A_2734 = tpu.memref_squeeze %dma_wait3A_2733 : memref<1x128xi32, #tpu.memory_space<vmem>> -> memref<128xi32, #tpu.memory_space<vmem>>
    %dma_wait3A_2735 = arith.constant 0 : i32
    %dma_wait3A_2736 = tpu.memref_slice %arg17[%dma_wait3A_2735] : memref<214272xf32, #tpu.memory_space<vmem_shared>> -> memref<214272xf32, #tpu.memory_space<vmem_shared>>
    tpu.wait_indirect_dma semaphore(%arg19 : memref<!tpu.dma_semaphore, #tpu.memory_space<semaphore_mem>>) src(%arg16 : memref<128xf32, #tpu.memory_space<vmem>>) dst(%dma_wait3A_2736 : memref<214272xf32, #tpu.memory_space<vmem_shared>>)
    %dma_wait3A_2737 = arith.constant 7 : i32
    %dma_wait3A_2738 = arith.constant 0 : i32
    %dma_wait3A_2739 = tpu.memref_slice %arg12[%dma_wait3A_2737, %dma_wait3A_2738] : memref<10x128xi32, #tpu.memory_space<vmem>> -> memref<1x128xi32, #tpu.memory_space<vmem>>
    %dma_wait3A_2740 = tpu.memref_squeeze %dma_wait3A_2739 : memref<1x128xi32, #tpu.memory_space<vmem>> -> memref<128xi32, #tpu.memory_space<vmem>>
    %dma_wait3A_2741 = arith.constant 0 : i32
    %dma_wait3A_2742 = tpu.memref_slice %arg17[%dma_wait3A_2741] : memref<214272xf32, #tpu.memory_space<vmem_shared>> -> memref<214272xf32, #tpu.memory_space<vmem_shared>>
    tpu.wait_indirect_dma semaphore(%arg19 : memref<!tpu.dma_semaphore, #tpu.memory_space<semaphore_mem>>) src(%arg16 : memref<128xf32, #tpu.memory_space<vmem>>) dst(%dma_wait3A_2742 : memref<214272xf32, #tpu.memory_space<vmem_shared>>)
    %dma_wait3A_2743 = arith.constant 8 : i32
    %dma_wait3A_2744 = arith.constant 0 : i32
    %dma_wait3A_2745 = tpu.memref_slice %arg12[%dma_wait3A_2743, %dma_wait3A_2744] : memref<10x128xi32, #tpu.memory_space<vmem>> -> memref<1x128xi32, #tpu.memory_space<vmem>>
    %dma_wait3A_2746 = tpu.memref_squeeze %dma_wait3A_2745 : memref<1x128xi32, #tpu.memory_space<vmem>> -> memref<128xi32, #tpu.memory_space<vmem>>
    %dma_wait3A_2747 = arith.constant 0 : i32
    %dma_wait3A_2748 = tpu.memref_slice %arg17[%dma_wait3A_2747] : memref<214272xf32, #tpu.memory_space<vmem_shared>> -> memref<214272xf32, #tpu.memory_space<vmem_shared>>
    tpu.wait_indirect_dma semaphore(%arg19 : memref<!tpu.dma_semaphore, #tpu.memory_space<semaphore_mem>>) src(%arg16 : memref<128xf32, #tpu.memory_space<vmem>>) dst(%dma_wait3A_2748 : memref<214272xf32, #tpu.memory_space<vmem_shared>>)
    %dma_wait3A_2749 = arith.constant 9 : i32
    %dma_wait3A_2750 = arith.constant 0 : i32
    %dma_wait3A_2751 = tpu.memref_slice %arg12[%dma_wait3A_2749, %dma_wait3A_2750] : memref<10x128xi32, #tpu.memory_space<vmem>> -> memref<1x128xi32, #tpu.memory_space<vmem>>
    %dma_wait3A_2752 = tpu.memref_squeeze %dma_wait3A_2751 : memref<1x128xi32, #tpu.memory_space<vmem>> -> memref<128xi32, #tpu.memory_space<vmem>>
    %dma_wait3A_2753 = arith.constant 0 : i32
    %dma_wait3A_2754 = tpu.memref_slice %arg17[%dma_wait3A_2753] : memref<214272xf32, #tpu.memory_space<vmem_shared>> -> memref<214272xf32, #tpu.memory_space<vmem_shared>>
    tpu.wait_indirect_dma semaphore(%arg19 : memref<!tpu.dma_semaphore, #tpu.memory_space<semaphore_mem>>) src(%arg16 : memref<128xf32, #tpu.memory_space<vmem>>) dst(%dma_wait3A_2754 : memref<214272xf32, #tpu.memory_space<vmem_shared>>)
    %barrier3A_2755 = arith.constant 0 : index
    tpu.barrier barrier_id(%barrier3A_2755)
    %mul3A_2756 = arith.constant 13392 : i32
    %mul3A_2757 = arith.muli %arg1, %mul3A_2756 : i32
    "tpu.region"() ({
      %run_scoped3A = tpu.sem_alloc : memref<!tpu.dma_semaphore, #tpu.memory_space<semaphore_mem>>
      %dma_start3A_2763 = tpu.memref_slice %arg17[%mul3A_2757] : memref<214272xf32, #tpu.memory_space<vmem_shared>> -> memref<13392xf32, #tpu.memory_space<vmem_shared>>
      %dma_start3A_2764 = tpu.memref_slice %arg17[%mul3A_2757] : memref<214272xf32, #tpu.memory_space<vmem_shared>> -> memref<13392xf32, #tpu.memory_space<vmem_shared>>
      tpu.enqueue_dma source(%dma_start3A_2764 : memref<13392xf32, #tpu.memory_space<vmem_shared>>) target(%arg15 : memref<13392xf32, #tpu.memory_space<vmem>>) target_semaphore(%run_scoped3A : memref<!tpu.dma_semaphore, #tpu.memory_space<semaphore_mem>>)
      %dma_wait3A_2765 = tpu.memref_slice %arg17[%mul3A_2757] : memref<214272xf32, #tpu.memory_space<vmem_shared>> -> memref<13392xf32, #tpu.memory_space<vmem_shared>>
      %dma_wait3A_2766 = tpu.memref_slice %arg17[%mul3A_2757] : memref<214272xf32, #tpu.memory_space<vmem_shared>> -> memref<13392xf32, #tpu.memory_space<vmem_shared>>
      tpu.wait_dma2 semaphore(%run_scoped3A : memref<!tpu.dma_semaphore, #tpu.memory_space<semaphore_mem>>) src(%dma_wait3A_2766 : memref<13392xf32, #tpu.memory_space<vmem_shared>>) dst(%arg15 : memref<13392xf32, #tpu.memory_space<vmem>>)
      tpu.yield
    }) : () -> ()
    %mul3A_2758 = arith.constant 214272 : i32
    %mul3A_2759 = arith.muli %arg0, %mul3A_2758 : i32
    %mul3A_2760 = arith.constant 13392 : i32
    %mul3A_2761 = arith.muli %arg1, %mul3A_2760 : i32
    %add3A_2762 = arith.addi %mul3A_2759, %mul3A_2761 : i32
    "tpu.region"() ({
      %run_scoped3A = tpu.sem_alloc : memref<!tpu.dma_semaphore, #tpu.memory_space<semaphore_mem>>
      %dma_start3A_2763 = tpu.memref_slice %arg8[%add3A_2762] : memref<428544xf32, #tpu.memory_space<hbm>> -> memref<13392xf32, #tpu.memory_space<hbm>>
      %dma_start3A_2764 = tpu.memref_slice %arg8[%add3A_2762] : memref<428544xf32, #tpu.memory_space<hbm>> -> memref<13392xf32, #tpu.memory_space<hbm>>
      tpu.enqueue_dma source(%arg15 : memref<13392xf32, #tpu.memory_space<vmem>>) target(%dma_start3A_2764 : memref<13392xf32, #tpu.memory_space<hbm>>) target_semaphore(%run_scoped3A : memref<!tpu.dma_semaphore, #tpu.memory_space<semaphore_mem>>)
      %dma_wait3A_2765 = tpu.memref_slice %arg8[%add3A_2762] : memref<428544xf32, #tpu.memory_space<hbm>> -> memref<13392xf32, #tpu.memory_space<hbm>>
      %dma_wait3A_2766 = tpu.memref_slice %arg8[%add3A_2762] : memref<428544xf32, #tpu.memory_space<hbm>> -> memref<13392xf32, #tpu.memory_space<hbm>>
      tpu.wait_dma2 semaphore(%run_scoped3A : memref<!tpu.dma_semaphore, #tpu.memory_space<semaphore_mem>>) src(%arg15 : memref<13392xf32, #tpu.memory_space<vmem>>) dst(%dma_wait3A_2766 : memref<13392xf32, #tpu.memory_space<hbm>>)
      tpu.yield
    }) : () -> ()
    return
  }
}

module attributes {stable_mosaic.version = 14 : i64} {
  func.func @_tc_transpose_body(%arg0: i32, %arg1: i32, %arg2: memref<6912x128xf32, #tpu.memory_space<vmem>>, %arg3: memref<16x432xf32, #tpu.memory_space<vmem>>, %arg4: memref<1x64x16x432xf32, #tpu.memory_space<vmem>>, %arg5: memref<1x16x16x432xf32, #tpu.memory_space<vmem>>) attributes {dimension_semantics = [#tpu.dimension_semantics<arbitrary>, #tpu.dimension_semantics<arbitrary>], iteration_bounds = array<i64: 2, 31>, scalar_prefetch = 0 : i64, scratch_operands = 0 : i64, tpu.core_type = #tpu.core_type<tc>, window_params = [{transform_indices = @transform_0, window_bounds = array<i64: 6912, 128>}, {transform_indices = @transform_1, window_bounds = array<i64: 16, 432>}, {transform_indices = @transform_2, window_bounds = array<i64: 1, 64, 16, 432>}, {transform_indices = @transform_3, window_bounds = array<i64: 1, 16, 16, 432>}]} {
    %get3A = arith.constant 0 : index
    %get3A_0 = arith.constant 0 : index
    %get3A_1 = vector.load %arg3[%get3A, %get3A_0] : memref<16x432xf32, #tpu.memory_space<vmem>>, vector<1x432xf32>
    %get3A_2 = vector.shape_cast %get3A_1 : vector<1x432xf32> to vector<432xf32>
    %gt3A = arith.constant 0.000000e+00 : f32
    %gt3A_3 = vector.broadcast %gt3A : f32 to vector<432xf32>
    %gt3A_4 = arith.cmpf ogt, %get3A_2, %gt3A_3 : vector<432xf32>
    %reshape3A = vector.shape_cast %gt3A_4 : vector<432xi1> to vector<1x432xi1>
    %get3A_5 = arith.constant 0 : index
    %get3A_6 = arith.constant 0 : index
    %get3A_7 = vector.load %arg2[%get3A_5, %get3A_6] : memref<6912x128xf32, #tpu.memory_space<vmem>>, vector<432x128xf32>
    %transpose3A = tpu.transpose %get3A_7, [1, 0] : vector<432x128xf32> -> vector<128x432xf32>
    %broadcast_in_dim3A = arith.constant 0.000000e+00 : f32
    %broadcast_in_dim3A_8 = vector.broadcast %broadcast_in_dim3A : f32 to vector<64x432xf32>
    %broadcast_in_dim3A_9 = arith.constant 0.000000e+00 : f32
    %broadcast_in_dim3A_10 = vector.broadcast %broadcast_in_dim3A_9 : f32 to vector<16x432xf32>
    %slice3A = vector.extract_strided_slice %transpose3A {offsets = [0, 0], sizes = [64, 432], strides = [1, 1]} : vector<128x432xf32> to vector<64x432xf32>
    %broadcast_in_dim3A_11 = vector.shape_cast %reshape3A : vector<1x432xi1> to vector<1x432xi1>
    %broadcast_in_dim3A_12 = vector.broadcast %broadcast_in_dim3A_11 : vector<1x432xi1> to vector<64x432xi1>
    %select_n3A = arith.select %broadcast_in_dim3A_12, %slice3A, %broadcast_in_dim3A_8 : vector<64x432xi1>, vector<64x432xf32>
    %swap3A = arith.constant 0 : index
    %swap3A_13 = arith.constant 0 : index
    %swap3A_14 = arith.constant 0 : index
    %swap3A_15 = arith.constant 0 : index
    %swap3A_16 = vector.load %arg4[%swap3A, %swap3A_13, %swap3A_14, %swap3A_15] : memref<1x64x16x432xf32, #tpu.memory_space<vmem>>, vector<1x64x1x432xf32>
    %swap3A_17 = vector.shape_cast %swap3A_16 : vector<1x64x1x432xf32> to vector<64x432xf32>
    %swap3A_18 = vector.shape_cast %select_n3A : vector<64x432xf32> to vector<1x64x1x432xf32>
    tpu.vector_store %arg4[%swap3A, %swap3A_13, %swap3A_14, %swap3A_15], %swap3A_18 {strides = array<i32>} : memref<1x64x16x432xf32, #tpu.memory_space<vmem>>, vector<1x64x1x432xf32>,
    %slice3A_19 = vector.extract_strided_slice %transpose3A {offsets = [64, 0], sizes = [16, 432], strides = [1, 1]} : vector<128x432xf32> to vector<16x432xf32>
    %broadcast_in_dim3A_20 = vector.shape_cast %reshape3A : vector<1x432xi1> to vector<1x432xi1>
    %broadcast_in_dim3A_21 = vector.broadcast %broadcast_in_dim3A_20 : vector<1x432xi1> to vector<16x432xi1>
    %select_n3A_22 = arith.select %broadcast_in_dim3A_21, %slice3A_19, %broadcast_in_dim3A_10 : vector<16x432xi1>, vector<16x432xf32>
    %swap3A_23 = arith.constant 0 : index
    %swap3A_24 = arith.constant 0 : index
    %swap3A_25 = arith.constant 0 : index
    %swap3A_26 = arith.constant 0 : index
    %swap3A_27 = vector.load %arg5[%swap3A_23, %swap3A_24, %swap3A_25, %swap3A_26] : memref<1x16x16x432xf32, #tpu.memory_space<vmem>>, vector<1x16x1x432xf32>
    %swap3A_28 = vector.shape_cast %swap3A_27 : vector<1x16x1x432xf32> to vector<16x432xf32>
    %swap3A_29 = vector.shape_cast %select_n3A_22 : vector<16x432xf32> to vector<1x16x1x432xf32>
    tpu.vector_store %arg5[%swap3A_23, %swap3A_24, %swap3A_25, %swap3A_26], %swap3A_29 {strides = array<i32>} : memref<1x16x16x432xf32, #tpu.memory_space<vmem>>, vector<1x16x1x432xf32>,
    %get3A_30 = arith.constant 1 : index
    %get3A_31 = arith.constant 0 : index
    %get3A_32 = vector.load %arg3[%get3A_30, %get3A_31] : memref<16x432xf32, #tpu.memory_space<vmem>>, vector<1x432xf32>
    %get3A_33 = vector.shape_cast %get3A_32 : vector<1x432xf32> to vector<432xf32>
    %gt3A_34 = arith.constant 0.000000e+00 : f32
    %gt3A_35 = vector.broadcast %gt3A_34 : f32 to vector<432xf32>
    %gt3A_36 = arith.cmpf ogt, %get3A_33, %gt3A_35 : vector<432xf32>
    %reshape3A_37 = vector.shape_cast %gt3A_36 : vector<432xi1> to vector<1x432xi1>
    %get3A_38 = arith.constant 432 : index
    %get3A_39 = arith.constant 0 : index
    %get3A_40 = vector.load %arg2[%get3A_38, %get3A_39] : memref<6912x128xf32, #tpu.memory_space<vmem>>, vector<432x128xf32>
    %transpose3A_41 = tpu.transpose %get3A_40, [1, 0] : vector<432x128xf32> -> vector<128x432xf32>
    %broadcast_in_dim3A_42 = arith.constant 0.000000e+00 : f32
    %broadcast_in_dim3A_43 = vector.broadcast %broadcast_in_dim3A_42 : f32 to vector<64x432xf32>
    %broadcast_in_dim3A_44 = arith.constant 0.000000e+00 : f32
    %broadcast_in_dim3A_45 = vector.broadcast %broadcast_in_dim3A_44 : f32 to vector<16x432xf32>
    %slice3A_46 = vector.extract_strided_slice %transpose3A_41 {offsets = [0, 0], sizes = [64, 432], strides = [1, 1]} : vector<128x432xf32> to vector<64x432xf32>
    %broadcast_in_dim3A_47 = vector.shape_cast %reshape3A_37 : vector<1x432xi1> to vector<1x432xi1>
    %broadcast_in_dim3A_48 = vector.broadcast %broadcast_in_dim3A_47 : vector<1x432xi1> to vector<64x432xi1>
    %select_n3A_49 = arith.select %broadcast_in_dim3A_48, %slice3A_46, %broadcast_in_dim3A_43 : vector<64x432xi1>, vector<64x432xf32>
    %swap3A_50 = arith.constant 0 : index
    %swap3A_51 = arith.constant 0 : index
    %swap3A_52 = arith.constant 1 : index
    %swap3A_53 = arith.constant 0 : index
    %swap3A_54 = vector.load %arg4[%swap3A_50, %swap3A_51, %swap3A_52, %swap3A_53] : memref<1x64x16x432xf32, #tpu.memory_space<vmem>>, vector<1x64x1x432xf32>
    %swap3A_55 = vector.shape_cast %swap3A_54 : vector<1x64x1x432xf32> to vector<64x432xf32>
    %swap3A_56 = vector.shape_cast %select_n3A_49 : vector<64x432xf32> to vector<1x64x1x432xf32>
    tpu.vector_store %arg4[%swap3A_50, %swap3A_51, %swap3A_52, %swap3A_53], %swap3A_56 {strides = array<i32>} : memref<1x64x16x432xf32, #tpu.memory_space<vmem>>, vector<1x64x1x432xf32>,
    %slice3A_57 = vector.extract_strided_slice %transpose3A_41 {offsets = [64, 0], sizes = [16, 432], strides = [1, 1]} : vector<128x432xf32> to vector<16x432xf32>
    %broadcast_in_dim3A_58 = vector.shape_cast %reshape3A_37 : vector<1x432xi1> to vector<1x432xi1>
    %broadcast_in_dim3A_59 = vector.broadcast %broadcast_in_dim3A_58 : vector<1x432xi1> to vector<16x432xi1>
    %select_n3A_60 = arith.select %broadcast_in_dim3A_59, %slice3A_57, %broadcast_in_dim3A_45 : vector<16x432xi1>, vector<16x432xf32>
    %swap3A_61 = arith.constant 0 : index
    %swap3A_62 = arith.constant 0 : index
    %swap3A_63 = arith.constant 1 : index
    %swap3A_64 = arith.constant 0 : index
    %swap3A_65 = vector.load %arg5[%swap3A_61, %swap3A_62, %swap3A_63, %swap3A_64] : memref<1x16x16x432xf32, #tpu.memory_space<vmem>>, vector<1x16x1x432xf32>
    %swap3A_66 = vector.shape_cast %swap3A_65 : vector<1x16x1x432xf32> to vector<16x432xf32>
    %swap3A_67 = vector.shape_cast %select_n3A_60 : vector<16x432xf32> to vector<1x16x1x432xf32>
    tpu.vector_store %arg5[%swap3A_61, %swap3A_62, %swap3A_63, %swap3A_64], %swap3A_67 {strides = array<i32>} : memref<1x16x16x432xf32, #tpu.memory_space<vmem>>, vector<1x16x1x432xf32>,
    %get3A_68 = arith.constant 2 : index
    %get3A_69 = arith.constant 0 : index
    %get3A_70 = vector.load %arg3[%get3A_68, %get3A_69] : memref<16x432xf32, #tpu.memory_space<vmem>>, vector<1x432xf32>
    %get3A_71 = vector.shape_cast %get3A_70 : vector<1x432xf32> to vector<432xf32>
    %gt3A_72 = arith.constant 0.000000e+00 : f32
    %gt3A_73 = vector.broadcast %gt3A_72 : f32 to vector<432xf32>
    %gt3A_74 = arith.cmpf ogt, %get3A_71, %gt3A_73 : vector<432xf32>
    %reshape3A_75 = vector.shape_cast %gt3A_74 : vector<432xi1> to vector<1x432xi1>
    %get3A_76 = arith.constant 864 : index
    %get3A_77 = arith.constant 0 : index
    %get3A_78 = vector.load %arg2[%get3A_76, %get3A_77] : memref<6912x128xf32, #tpu.memory_space<vmem>>, vector<432x128xf32>
    %transpose3A_79 = tpu.transpose %get3A_78, [1, 0] : vector<432x128xf32> -> vector<128x432xf32>
    %broadcast_in_dim3A_80 = arith.constant 0.000000e+00 : f32
    %broadcast_in_dim3A_81 = vector.broadcast %broadcast_in_dim3A_80 : f32 to vector<64x432xf32>
    %broadcast_in_dim3A_82 = arith.constant 0.000000e+00 : f32
    %broadcast_in_dim3A_83 = vector.broadcast %broadcast_in_dim3A_82 : f32 to vector<16x432xf32>
    %slice3A_84 = vector.extract_strided_slice %transpose3A_79 {offsets = [0, 0], sizes = [64, 432], strides = [1, 1]} : vector<128x432xf32> to vector<64x432xf32>
    %broadcast_in_dim3A_85 = vector.shape_cast %reshape3A_75 : vector<1x432xi1> to vector<1x432xi1>
    %broadcast_in_dim3A_86 = vector.broadcast %broadcast_in_dim3A_85 : vector<1x432xi1> to vector<64x432xi1>
    %select_n3A_87 = arith.select %broadcast_in_dim3A_86, %slice3A_84, %broadcast_in_dim3A_81 : vector<64x432xi1>, vector<64x432xf32>
    %swap3A_88 = arith.constant 0 : index
    %swap3A_89 = arith.constant 0 : index
    %swap3A_90 = arith.constant 2 : index
    %swap3A_91 = arith.constant 0 : index
    %swap3A_92 = vector.load %arg4[%swap3A_88, %swap3A_89, %swap3A_90, %swap3A_91] : memref<1x64x16x432xf32, #tpu.memory_space<vmem>>, vector<1x64x1x432xf32>
    %swap3A_93 = vector.shape_cast %swap3A_92 : vector<1x64x1x432xf32> to vector<64x432xf32>
    %swap3A_94 = vector.shape_cast %select_n3A_87 : vector<64x432xf32> to vector<1x64x1x432xf32>
    tpu.vector_store %arg4[%swap3A_88, %swap3A_89, %swap3A_90, %swap3A_91], %swap3A_94 {strides = array<i32>} : memref<1x64x16x432xf32, #tpu.memory_space<vmem>>, vector<1x64x1x432xf32>,
    %slice3A_95 = vector.extract_strided_slice %transpose3A_79 {offsets = [64, 0], sizes = [16, 432], strides = [1, 1]} : vector<128x432xf32> to vector<16x432xf32>
    %broadcast_in_dim3A_96 = vector.shape_cast %reshape3A_75 : vector<1x432xi1> to vector<1x432xi1>
    %broadcast_in_dim3A_97 = vector.broadcast %broadcast_in_dim3A_96 : vector<1x432xi1> to vector<16x432xi1>
    %select_n3A_98 = arith.select %broadcast_in_dim3A_97, %slice3A_95, %broadcast_in_dim3A_83 : vector<16x432xi1>, vector<16x432xf32>
    %swap3A_99 = arith.constant 0 : index
    %swap3A_100 = arith.constant 0 : index
    %swap3A_101 = arith.constant 2 : index
    %swap3A_102 = arith.constant 0 : index
    %swap3A_103 = vector.load %arg5[%swap3A_99, %swap3A_100, %swap3A_101, %swap3A_102] : memref<1x16x16x432xf32, #tpu.memory_space<vmem>>, vector<1x16x1x432xf32>
    %swap3A_104 = vector.shape_cast %swap3A_103 : vector<1x16x1x432xf32> to vector<16x432xf32>
    %swap3A_105 = vector.shape_cast %select_n3A_98 : vector<16x432xf32> to vector<1x16x1x432xf32>
    tpu.vector_store %arg5[%swap3A_99, %swap3A_100, %swap3A_101, %swap3A_102], %swap3A_105 {strides = array<i32>} : memref<1x16x16x432xf32, #tpu.memory_space<vmem>>, vector<1x16x1x432xf32>,
    %get3A_106 = arith.constant 3 : index
    %get3A_107 = arith.constant 0 : index
    %get3A_108 = vector.load %arg3[%get3A_106, %get3A_107] : memref<16x432xf32, #tpu.memory_space<vmem>>, vector<1x432xf32>
    %get3A_109 = vector.shape_cast %get3A_108 : vector<1x432xf32> to vector<432xf32>
    %gt3A_110 = arith.constant 0.000000e+00 : f32
    %gt3A_111 = vector.broadcast %gt3A_110 : f32 to vector<432xf32>
    %gt3A_112 = arith.cmpf ogt, %get3A_109, %gt3A_111 : vector<432xf32>
    %reshape3A_113 = vector.shape_cast %gt3A_112 : vector<432xi1> to vector<1x432xi1>
    %get3A_114 = arith.constant 1296 : index
    %get3A_115 = arith.constant 0 : index
    %get3A_116 = vector.load %arg2[%get3A_114, %get3A_115] : memref<6912x128xf32, #tpu.memory_space<vmem>>, vector<432x128xf32>
    %transpose3A_117 = tpu.transpose %get3A_116, [1, 0] : vector<432x128xf32> -> vector<128x432xf32>
    %broadcast_in_dim3A_118 = arith.constant 0.000000e+00 : f32
    %broadcast_in_dim3A_119 = vector.broadcast %broadcast_in_dim3A_118 : f32 to vector<64x432xf32>
    %broadcast_in_dim3A_120 = arith.constant 0.000000e+00 : f32
    %broadcast_in_dim3A_121 = vector.broadcast %broadcast_in_dim3A_120 : f32 to vector<16x432xf32>
    %slice3A_122 = vector.extract_strided_slice %transpose3A_117 {offsets = [0, 0], sizes = [64, 432], strides = [1, 1]} : vector<128x432xf32> to vector<64x432xf32>
    %broadcast_in_dim3A_123 = vector.shape_cast %reshape3A_113 : vector<1x432xi1> to vector<1x432xi1>
    %broadcast_in_dim3A_124 = vector.broadcast %broadcast_in_dim3A_123 : vector<1x432xi1> to vector<64x432xi1>
    %select_n3A_125 = arith.select %broadcast_in_dim3A_124, %slice3A_122, %broadcast_in_dim3A_119 : vector<64x432xi1>, vector<64x432xf32>
    %swap3A_126 = arith.constant 0 : index
    %swap3A_127 = arith.constant 0 : index
    %swap3A_128 = arith.constant 3 : index
    %swap3A_129 = arith.constant 0 : index
    %swap3A_130 = vector.load %arg4[%swap3A_126, %swap3A_127, %swap3A_128, %swap3A_129] : memref<1x64x16x432xf32, #tpu.memory_space<vmem>>, vector<1x64x1x432xf32>
    %swap3A_131 = vector.shape_cast %swap3A_130 : vector<1x64x1x432xf32> to vector<64x432xf32>
    %swap3A_132 = vector.shape_cast %select_n3A_125 : vector<64x432xf32> to vector<1x64x1x432xf32>
    tpu.vector_store %arg4[%swap3A_126, %swap3A_127, %swap3A_128, %swap3A_129], %swap3A_132 {strides = array<i32>} : memref<1x64x16x432xf32, #tpu.memory_space<vmem>>, vector<1x64x1x432xf32>,
    %slice3A_133 = vector.extract_strided_slice %transpose3A_117 {offsets = [64, 0], sizes = [16, 432], strides = [1, 1]} : vector<128x432xf32> to vector<16x432xf32>
    %broadcast_in_dim3A_134 = vector.shape_cast %reshape3A_113 : vector<1x432xi1> to vector<1x432xi1>
    %broadcast_in_dim3A_135 = vector.broadcast %broadcast_in_dim3A_134 : vector<1x432xi1> to vector<16x432xi1>
    %select_n3A_136 = arith.select %broadcast_in_dim3A_135, %slice3A_133, %broadcast_in_dim3A_121 : vector<16x432xi1>, vector<16x432xf32>
    %swap3A_137 = arith.constant 0 : index
    %swap3A_138 = arith.constant 0 : index
    %swap3A_139 = arith.constant 3 : index
    %swap3A_140 = arith.constant 0 : index
    %swap3A_141 = vector.load %arg5[%swap3A_137, %swap3A_138, %swap3A_139, %swap3A_140] : memref<1x16x16x432xf32, #tpu.memory_space<vmem>>, vector<1x16x1x432xf32>
    %swap3A_142 = vector.shape_cast %swap3A_141 : vector<1x16x1x432xf32> to vector<16x432xf32>
    %swap3A_143 = vector.shape_cast %select_n3A_136 : vector<16x432xf32> to vector<1x16x1x432xf32>
    tpu.vector_store %arg5[%swap3A_137, %swap3A_138, %swap3A_139, %swap3A_140], %swap3A_143 {strides = array<i32>} : memref<1x16x16x432xf32, #tpu.memory_space<vmem>>, vector<1x16x1x432xf32>,
    %get3A_144 = arith.constant 4 : index
    %get3A_145 = arith.constant 0 : index
    %get3A_146 = vector.load %arg3[%get3A_144, %get3A_145] : memref<16x432xf32, #tpu.memory_space<vmem>>, vector<1x432xf32>
    %get3A_147 = vector.shape_cast %get3A_146 : vector<1x432xf32> to vector<432xf32>
    %gt3A_148 = arith.constant 0.000000e+00 : f32
    %gt3A_149 = vector.broadcast %gt3A_148 : f32 to vector<432xf32>
    %gt3A_150 = arith.cmpf ogt, %get3A_147, %gt3A_149 : vector<432xf32>
    %reshape3A_151 = vector.shape_cast %gt3A_150 : vector<432xi1> to vector<1x432xi1>
    %get3A_152 = arith.constant 1728 : index
    %get3A_153 = arith.constant 0 : index
    %get3A_154 = vector.load %arg2[%get3A_152, %get3A_153] : memref<6912x128xf32, #tpu.memory_space<vmem>>, vector<432x128xf32>
    %transpose3A_155 = tpu.transpose %get3A_154, [1, 0] : vector<432x128xf32> -> vector<128x432xf32>
    %broadcast_in_dim3A_156 = arith.constant 0.000000e+00 : f32
    %broadcast_in_dim3A_157 = vector.broadcast %broadcast_in_dim3A_156 : f32 to vector<64x432xf32>
    %broadcast_in_dim3A_158 = arith.constant 0.000000e+00 : f32
    %broadcast_in_dim3A_159 = vector.broadcast %broadcast_in_dim3A_158 : f32 to vector<16x432xf32>
    %slice3A_160 = vector.extract_strided_slice %transpose3A_155 {offsets = [0, 0], sizes = [64, 432], strides = [1, 1]} : vector<128x432xf32> to vector<64x432xf32>
    %broadcast_in_dim3A_161 = vector.shape_cast %reshape3A_151 : vector<1x432xi1> to vector<1x432xi1>
    %broadcast_in_dim3A_162 = vector.broadcast %broadcast_in_dim3A_161 : vector<1x432xi1> to vector<64x432xi1>
    %select_n3A_163 = arith.select %broadcast_in_dim3A_162, %slice3A_160, %broadcast_in_dim3A_157 : vector<64x432xi1>, vector<64x432xf32>
    %swap3A_164 = arith.constant 0 : index
    %swap3A_165 = arith.constant 0 : index
    %swap3A_166 = arith.constant 4 : index
    %swap3A_167 = arith.constant 0 : index
    %swap3A_168 = vector.load %arg4[%swap3A_164, %swap3A_165, %swap3A_166, %swap3A_167] : memref<1x64x16x432xf32, #tpu.memory_space<vmem>>, vector<1x64x1x432xf32>
    %swap3A_169 = vector.shape_cast %swap3A_168 : vector<1x64x1x432xf32> to vector<64x432xf32>
    %swap3A_170 = vector.shape_cast %select_n3A_163 : vector<64x432xf32> to vector<1x64x1x432xf32>
    tpu.vector_store %arg4[%swap3A_164, %swap3A_165, %swap3A_166, %swap3A_167], %swap3A_170 {strides = array<i32>} : memref<1x64x16x432xf32, #tpu.memory_space<vmem>>, vector<1x64x1x432xf32>,
    %slice3A_171 = vector.extract_strided_slice %transpose3A_155 {offsets = [64, 0], sizes = [16, 432], strides = [1, 1]} : vector<128x432xf32> to vector<16x432xf32>
    %broadcast_in_dim3A_172 = vector.shape_cast %reshape3A_151 : vector<1x432xi1> to vector<1x432xi1>
    %broadcast_in_dim3A_173 = vector.broadcast %broadcast_in_dim3A_172 : vector<1x432xi1> to vector<16x432xi1>
    %select_n3A_174 = arith.select %broadcast_in_dim3A_173, %slice3A_171, %broadcast_in_dim3A_159 : vector<16x432xi1>, vector<16x432xf32>
    %swap3A_175 = arith.constant 0 : index
    %swap3A_176 = arith.constant 0 : index
    %swap3A_177 = arith.constant 4 : index
    %swap3A_178 = arith.constant 0 : index
    %swap3A_179 = vector.load %arg5[%swap3A_175, %swap3A_176, %swap3A_177, %swap3A_178] : memref<1x16x16x432xf32, #tpu.memory_space<vmem>>, vector<1x16x1x432xf32>
    %swap3A_180 = vector.shape_cast %swap3A_179 : vector<1x16x1x432xf32> to vector<16x432xf32>
    %swap3A_181 = vector.shape_cast %select_n3A_174 : vector<16x432xf32> to vector<1x16x1x432xf32>
    tpu.vector_store %arg5[%swap3A_175, %swap3A_176, %swap3A_177, %swap3A_178], %swap3A_181 {strides = array<i32>} : memref<1x16x16x432xf32, #tpu.memory_space<vmem>>, vector<1x16x1x432xf32>,
    %get3A_182 = arith.constant 5 : index
    %get3A_183 = arith.constant 0 : index
    %get3A_184 = vector.load %arg3[%get3A_182, %get3A_183] : memref<16x432xf32, #tpu.memory_space<vmem>>, vector<1x432xf32>
    %get3A_185 = vector.shape_cast %get3A_184 : vector<1x432xf32> to vector<432xf32>
    %gt3A_186 = arith.constant 0.000000e+00 : f32
    %gt3A_187 = vector.broadcast %gt3A_186 : f32 to vector<432xf32>
    %gt3A_188 = arith.cmpf ogt, %get3A_185, %gt3A_187 : vector<432xf32>
    %reshape3A_189 = vector.shape_cast %gt3A_188 : vector<432xi1> to vector<1x432xi1>
    %get3A_190 = arith.constant 2160 : index
    %get3A_191 = arith.constant 0 : index
    %get3A_192 = vector.load %arg2[%get3A_190, %get3A_191] : memref<6912x128xf32, #tpu.memory_space<vmem>>, vector<432x128xf32>
    %transpose3A_193 = tpu.transpose %get3A_192, [1, 0] : vector<432x128xf32> -> vector<128x432xf32>
    %broadcast_in_dim3A_194 = arith.constant 0.000000e+00 : f32
    %broadcast_in_dim3A_195 = vector.broadcast %broadcast_in_dim3A_194 : f32 to vector<64x432xf32>
    %broadcast_in_dim3A_196 = arith.constant 0.000000e+00 : f32
    %broadcast_in_dim3A_197 = vector.broadcast %broadcast_in_dim3A_196 : f32 to vector<16x432xf32>
    %slice3A_198 = vector.extract_strided_slice %transpose3A_193 {offsets = [0, 0], sizes = [64, 432], strides = [1, 1]} : vector<128x432xf32> to vector<64x432xf32>
    %broadcast_in_dim3A_199 = vector.shape_cast %reshape3A_189 : vector<1x432xi1> to vector<1x432xi1>
    %broadcast_in_dim3A_200 = vector.broadcast %broadcast_in_dim3A_199 : vector<1x432xi1> to vector<64x432xi1>
    %select_n3A_201 = arith.select %broadcast_in_dim3A_200, %slice3A_198, %broadcast_in_dim3A_195 : vector<64x432xi1>, vector<64x432xf32>
    %swap3A_202 = arith.constant 0 : index
    %swap3A_203 = arith.constant 0 : index
    %swap3A_204 = arith.constant 5 : index
    %swap3A_205 = arith.constant 0 : index
    %swap3A_206 = vector.load %arg4[%swap3A_202, %swap3A_203, %swap3A_204, %swap3A_205] : memref<1x64x16x432xf32, #tpu.memory_space<vmem>>, vector<1x64x1x432xf32>
    %swap3A_207 = vector.shape_cast %swap3A_206 : vector<1x64x1x432xf32> to vector<64x432xf32>
    %swap3A_208 = vector.shape_cast %select_n3A_201 : vector<64x432xf32> to vector<1x64x1x432xf32>
    tpu.vector_store %arg4[%swap3A_202, %swap3A_203, %swap3A_204, %swap3A_205], %swap3A_208 {strides = array<i32>} : memref<1x64x16x432xf32, #tpu.memory_space<vmem>>, vector<1x64x1x432xf32>,
    %slice3A_209 = vector.extract_strided_slice %transpose3A_193 {offsets = [64, 0], sizes = [16, 432], strides = [1, 1]} : vector<128x432xf32> to vector<16x432xf32>
    %broadcast_in_dim3A_210 = vector.shape_cast %reshape3A_189 : vector<1x432xi1> to vector<1x432xi1>
    %broadcast_in_dim3A_211 = vector.broadcast %broadcast_in_dim3A_210 : vector<1x432xi1> to vector<16x432xi1>
    %select_n3A_212 = arith.select %broadcast_in_dim3A_211, %slice3A_209, %broadcast_in_dim3A_197 : vector<16x432xi1>, vector<16x432xf32>
    %swap3A_213 = arith.constant 0 : index
    %swap3A_214 = arith.constant 0 : index
    %swap3A_215 = arith.constant 5 : index
    %swap3A_216 = arith.constant 0 : index
    %swap3A_217 = vector.load %arg5[%swap3A_213, %swap3A_214, %swap3A_215, %swap3A_216] : memref<1x16x16x432xf32, #tpu.memory_space<vmem>>, vector<1x16x1x432xf32>
    %swap3A_218 = vector.shape_cast %swap3A_217 : vector<1x16x1x432xf32> to vector<16x432xf32>
    %swap3A_219 = vector.shape_cast %select_n3A_212 : vector<16x432xf32> to vector<1x16x1x432xf32>
    tpu.vector_store %arg5[%swap3A_213, %swap3A_214, %swap3A_215, %swap3A_216], %swap3A_219 {strides = array<i32>} : memref<1x16x16x432xf32, #tpu.memory_space<vmem>>, vector<1x16x1x432xf32>,
    %get3A_220 = arith.constant 6 : index
    %get3A_221 = arith.constant 0 : index
    %get3A_222 = vector.load %arg3[%get3A_220, %get3A_221] : memref<16x432xf32, #tpu.memory_space<vmem>>, vector<1x432xf32>
    %get3A_223 = vector.shape_cast %get3A_222 : vector<1x432xf32> to vector<432xf32>
    %gt3A_224 = arith.constant 0.000000e+00 : f32
    %gt3A_225 = vector.broadcast %gt3A_224 : f32 to vector<432xf32>
    %gt3A_226 = arith.cmpf ogt, %get3A_223, %gt3A_225 : vector<432xf32>
    %reshape3A_227 = vector.shape_cast %gt3A_226 : vector<432xi1> to vector<1x432xi1>
    %get3A_228 = arith.constant 2592 : index
    %get3A_229 = arith.constant 0 : index
    %get3A_230 = vector.load %arg2[%get3A_228, %get3A_229] : memref<6912x128xf32, #tpu.memory_space<vmem>>, vector<432x128xf32>
    %transpose3A_231 = tpu.transpose %get3A_230, [1, 0] : vector<432x128xf32> -> vector<128x432xf32>
    %broadcast_in_dim3A_232 = arith.constant 0.000000e+00 : f32
    %broadcast_in_dim3A_233 = vector.broadcast %broadcast_in_dim3A_232 : f32 to vector<64x432xf32>
    %broadcast_in_dim3A_234 = arith.constant 0.000000e+00 : f32
    %broadcast_in_dim3A_235 = vector.broadcast %broadcast_in_dim3A_234 : f32 to vector<16x432xf32>
    %slice3A_236 = vector.extract_strided_slice %transpose3A_231 {offsets = [0, 0], sizes = [64, 432], strides = [1, 1]} : vector<128x432xf32> to vector<64x432xf32>
    %broadcast_in_dim3A_237 = vector.shape_cast %reshape3A_227 : vector<1x432xi1> to vector<1x432xi1>
    %broadcast_in_dim3A_238 = vector.broadcast %broadcast_in_dim3A_237 : vector<1x432xi1> to vector<64x432xi1>
    %select_n3A_239 = arith.select %broadcast_in_dim3A_238, %slice3A_236, %broadcast_in_dim3A_233 : vector<64x432xi1>, vector<64x432xf32>
    %swap3A_240 = arith.constant 0 : index
    %swap3A_241 = arith.constant 0 : index
    %swap3A_242 = arith.constant 6 : index
    %swap3A_243 = arith.constant 0 : index
    %swap3A_244 = vector.load %arg4[%swap3A_240, %swap3A_241, %swap3A_242, %swap3A_243] : memref<1x64x16x432xf32, #tpu.memory_space<vmem>>, vector<1x64x1x432xf32>
    %swap3A_245 = vector.shape_cast %swap3A_244 : vector<1x64x1x432xf32> to vector<64x432xf32>
    %swap3A_246 = vector.shape_cast %select_n3A_239 : vector<64x432xf32> to vector<1x64x1x432xf32>
    tpu.vector_store %arg4[%swap3A_240, %swap3A_241, %swap3A_242, %swap3A_243], %swap3A_246 {strides = array<i32>} : memref<1x64x16x432xf32, #tpu.memory_space<vmem>>, vector<1x64x1x432xf32>,
    %slice3A_247 = vector.extract_strided_slice %transpose3A_231 {offsets = [64, 0], sizes = [16, 432], strides = [1, 1]} : vector<128x432xf32> to vector<16x432xf32>
    %broadcast_in_dim3A_248 = vector.shape_cast %reshape3A_227 : vector<1x432xi1> to vector<1x432xi1>
    %broadcast_in_dim3A_249 = vector.broadcast %broadcast_in_dim3A_248 : vector<1x432xi1> to vector<16x432xi1>
    %select_n3A_250 = arith.select %broadcast_in_dim3A_249, %slice3A_247, %broadcast_in_dim3A_235 : vector<16x432xi1>, vector<16x432xf32>
    %swap3A_251 = arith.constant 0 : index
    %swap3A_252 = arith.constant 0 : index
    %swap3A_253 = arith.constant 6 : index
    %swap3A_254 = arith.constant 0 : index
    %swap3A_255 = vector.load %arg5[%swap3A_251, %swap3A_252, %swap3A_253, %swap3A_254] : memref<1x16x16x432xf32, #tpu.memory_space<vmem>>, vector<1x16x1x432xf32>
    %swap3A_256 = vector.shape_cast %swap3A_255 : vector<1x16x1x432xf32> to vector<16x432xf32>
    %swap3A_257 = vector.shape_cast %select_n3A_250 : vector<16x432xf32> to vector<1x16x1x432xf32>
    tpu.vector_store %arg5[%swap3A_251, %swap3A_252, %swap3A_253, %swap3A_254], %swap3A_257 {strides = array<i32>} : memref<1x16x16x432xf32, #tpu.memory_space<vmem>>, vector<1x16x1x432xf32>,
    %get3A_258 = arith.constant 7 : index
    %get3A_259 = arith.constant 0 : index
    %get3A_260 = vector.load %arg3[%get3A_258, %get3A_259] : memref<16x432xf32, #tpu.memory_space<vmem>>, vector<1x432xf32>
    %get3A_261 = vector.shape_cast %get3A_260 : vector<1x432xf32> to vector<432xf32>
    %gt3A_262 = arith.constant 0.000000e+00 : f32
    %gt3A_263 = vector.broadcast %gt3A_262 : f32 to vector<432xf32>
    %gt3A_264 = arith.cmpf ogt, %get3A_261, %gt3A_263 : vector<432xf32>
    %reshape3A_265 = vector.shape_cast %gt3A_264 : vector<432xi1> to vector<1x432xi1>
    %get3A_266 = arith.constant 3024 : index
    %get3A_267 = arith.constant 0 : index
    %get3A_268 = vector.load %arg2[%get3A_266, %get3A_267] : memref<6912x128xf32, #tpu.memory_space<vmem>>, vector<432x128xf32>
    %transpose3A_269 = tpu.transpose %get3A_268, [1, 0] : vector<432x128xf32> -> vector<128x432xf32>
    %broadcast_in_dim3A_270 = arith.constant 0.000000e+00 : f32
    %broadcast_in_dim3A_271 = vector.broadcast %broadcast_in_dim3A_270 : f32 to vector<64x432xf32>
    %broadcast_in_dim3A_272 = arith.constant 0.000000e+00 : f32
    %broadcast_in_dim3A_273 = vector.broadcast %broadcast_in_dim3A_272 : f32 to vector<16x432xf32>
    %slice3A_274 = vector.extract_strided_slice %transpose3A_269 {offsets = [0, 0], sizes = [64, 432], strides = [1, 1]} : vector<128x432xf32> to vector<64x432xf32>
    %broadcast_in_dim3A_275 = vector.shape_cast %reshape3A_265 : vector<1x432xi1> to vector<1x432xi1>
    %broadcast_in_dim3A_276 = vector.broadcast %broadcast_in_dim3A_275 : vector<1x432xi1> to vector<64x432xi1>
    %select_n3A_277 = arith.select %broadcast_in_dim3A_276, %slice3A_274, %broadcast_in_dim3A_271 : vector<64x432xi1>, vector<64x432xf32>
    %swap3A_278 = arith.constant 0 : index
    %swap3A_279 = arith.constant 0 : index
    %swap3A_280 = arith.constant 7 : index
    %swap3A_281 = arith.constant 0 : index
    %swap3A_282 = vector.load %arg4[%swap3A_278, %swap3A_279, %swap3A_280, %swap3A_281] : memref<1x64x16x432xf32, #tpu.memory_space<vmem>>, vector<1x64x1x432xf32>
    %swap3A_283 = vector.shape_cast %swap3A_282 : vector<1x64x1x432xf32> to vector<64x432xf32>
    %swap3A_284 = vector.shape_cast %select_n3A_277 : vector<64x432xf32> to vector<1x64x1x432xf32>
    tpu.vector_store %arg4[%swap3A_278, %swap3A_279, %swap3A_280, %swap3A_281], %swap3A_284 {strides = array<i32>} : memref<1x64x16x432xf32, #tpu.memory_space<vmem>>, vector<1x64x1x432xf32>,
    %slice3A_285 = vector.extract_strided_slice %transpose3A_269 {offsets = [64, 0], sizes = [16, 432], strides = [1, 1]} : vector<128x432xf32> to vector<16x432xf32>
    %broadcast_in_dim3A_286 = vector.shape_cast %reshape3A_265 : vector<1x432xi1> to vector<1x432xi1>
    %broadcast_in_dim3A_287 = vector.broadcast %broadcast_in_dim3A_286 : vector<1x432xi1> to vector<16x432xi1>
    %select_n3A_288 = arith.select %broadcast_in_dim3A_287, %slice3A_285, %broadcast_in_dim3A_273 : vector<16x432xi1>, vector<16x432xf32>
    %swap3A_289 = arith.constant 0 : index
    %swap3A_290 = arith.constant 0 : index
    %swap3A_291 = arith.constant 7 : index
    %swap3A_292 = arith.constant 0 : index
    %swap3A_293 = vector.load %arg5[%swap3A_289, %swap3A_290, %swap3A_291, %swap3A_292] : memref<1x16x16x432xf32, #tpu.memory_space<vmem>>, vector<1x16x1x432xf32>
    %swap3A_294 = vector.shape_cast %swap3A_293 : vector<1x16x1x432xf32> to vector<16x432xf32>
    %swap3A_295 = vector.shape_cast %select_n3A_288 : vector<16x432xf32> to vector<1x16x1x432xf32>
    tpu.vector_store %arg5[%swap3A_289, %swap3A_290, %swap3A_291, %swap3A_292], %swap3A_295 {strides = array<i32>} : memref<1x16x16x432xf32, #tpu.memory_space<vmem>>, vector<1x16x1x432xf32>,
    %get3A_296 = arith.constant 8 : index
    %get3A_297 = arith.constant 0 : index
    %get3A_298 = vector.load %arg3[%get3A_296, %get3A_297] : memref<16x432xf32, #tpu.memory_space<vmem>>, vector<1x432xf32>
    %get3A_299 = vector.shape_cast %get3A_298 : vector<1x432xf32> to vector<432xf32>
    %gt3A_300 = arith.constant 0.000000e+00 : f32
    %gt3A_301 = vector.broadcast %gt3A_300 : f32 to vector<432xf32>
    %gt3A_302 = arith.cmpf ogt, %get3A_299, %gt3A_301 : vector<432xf32>
    %reshape3A_303 = vector.shape_cast %gt3A_302 : vector<432xi1> to vector<1x432xi1>
    %get3A_304 = arith.constant 3456 : index
    %get3A_305 = arith.constant 0 : index
    %get3A_306 = vector.load %arg2[%get3A_304, %get3A_305] : memref<6912x128xf32, #tpu.memory_space<vmem>>, vector<432x128xf32>
    %transpose3A_307 = tpu.transpose %get3A_306, [1, 0] : vector<432x128xf32> -> vector<128x432xf32>
    %broadcast_in_dim3A_308 = arith.constant 0.000000e+00 : f32
    %broadcast_in_dim3A_309 = vector.broadcast %broadcast_in_dim3A_308 : f32 to vector<64x432xf32>
    %broadcast_in_dim3A_310 = arith.constant 0.000000e+00 : f32
    %broadcast_in_dim3A_311 = vector.broadcast %broadcast_in_dim3A_310 : f32 to vector<16x432xf32>
    %slice3A_312 = vector.extract_strided_slice %transpose3A_307 {offsets = [0, 0], sizes = [64, 432], strides = [1, 1]} : vector<128x432xf32> to vector<64x432xf32>
    %broadcast_in_dim3A_313 = vector.shape_cast %reshape3A_303 : vector<1x432xi1> to vector<1x432xi1>
    %broadcast_in_dim3A_314 = vector.broadcast %broadcast_in_dim3A_313 : vector<1x432xi1> to vector<64x432xi1>
    %select_n3A_315 = arith.select %broadcast_in_dim3A_314, %slice3A_312, %broadcast_in_dim3A_309 : vector<64x432xi1>, vector<64x432xf32>
    %swap3A_316 = arith.constant 0 : index
    %swap3A_317 = arith.constant 0 : index
    %swap3A_318 = arith.constant 8 : index
    %swap3A_319 = arith.constant 0 : index
    %swap3A_320 = vector.load %arg4[%swap3A_316, %swap3A_317, %swap3A_318, %swap3A_319] : memref<1x64x16x432xf32, #tpu.memory_space<vmem>>, vector<1x64x1x432xf32>
    %swap3A_321 = vector.shape_cast %swap3A_320 : vector<1x64x1x432xf32> to vector<64x432xf32>
    %swap3A_322 = vector.shape_cast %select_n3A_315 : vector<64x432xf32> to vector<1x64x1x432xf32>
    tpu.vector_store %arg4[%swap3A_316, %swap3A_317, %swap3A_318, %swap3A_319], %swap3A_322 {strides = array<i32>} : memref<1x64x16x432xf32, #tpu.memory_space<vmem>>, vector<1x64x1x432xf32>,
    %slice3A_323 = vector.extract_strided_slice %transpose3A_307 {offsets = [64, 0], sizes = [16, 432], strides = [1, 1]} : vector<128x432xf32> to vector<16x432xf32>
    %broadcast_in_dim3A_324 = vector.shape_cast %reshape3A_303 : vector<1x432xi1> to vector<1x432xi1>
    %broadcast_in_dim3A_325 = vector.broadcast %broadcast_in_dim3A_324 : vector<1x432xi1> to vector<16x432xi1>
    %select_n3A_326 = arith.select %broadcast_in_dim3A_325, %slice3A_323, %broadcast_in_dim3A_311 : vector<16x432xi1>, vector<16x432xf32>
    %swap3A_327 = arith.constant 0 : index
    %swap3A_328 = arith.constant 0 : index
    %swap3A_329 = arith.constant 8 : index
    %swap3A_330 = arith.constant 0 : index
    %swap3A_331 = vector.load %arg5[%swap3A_327, %swap3A_328, %swap3A_329, %swap3A_330] : memref<1x16x16x432xf32, #tpu.memory_space<vmem>>, vector<1x16x1x432xf32>
    %swap3A_332 = vector.shape_cast %swap3A_331 : vector<1x16x1x432xf32> to vector<16x432xf32>
    %swap3A_333 = vector.shape_cast %select_n3A_326 : vector<16x432xf32> to vector<1x16x1x432xf32>
    tpu.vector_store %arg5[%swap3A_327, %swap3A_328, %swap3A_329, %swap3A_330], %swap3A_333 {strides = array<i32>} : memref<1x16x16x432xf32, #tpu.memory_space<vmem>>, vector<1x16x1x432xf32>,
    %get3A_334 = arith.constant 9 : index
    %get3A_335 = arith.constant 0 : index
    %get3A_336 = vector.load %arg3[%get3A_334, %get3A_335] : memref<16x432xf32, #tpu.memory_space<vmem>>, vector<1x432xf32>
    %get3A_337 = vector.shape_cast %get3A_336 : vector<1x432xf32> to vector<432xf32>
    %gt3A_338 = arith.constant 0.000000e+00 : f32
    %gt3A_339 = vector.broadcast %gt3A_338 : f32 to vector<432xf32>
    %gt3A_340 = arith.cmpf ogt, %get3A_337, %gt3A_339 : vector<432xf32>
    %reshape3A_341 = vector.shape_cast %gt3A_340 : vector<432xi1> to vector<1x432xi1>
    %get3A_342 = arith.constant 3888 : index
    %get3A_343 = arith.constant 0 : index
    %get3A_344 = vector.load %arg2[%get3A_342, %get3A_343] : memref<6912x128xf32, #tpu.memory_space<vmem>>, vector<432x128xf32>
    %transpose3A_345 = tpu.transpose %get3A_344, [1, 0] : vector<432x128xf32> -> vector<128x432xf32>
    %broadcast_in_dim3A_346 = arith.constant 0.000000e+00 : f32
    %broadcast_in_dim3A_347 = vector.broadcast %broadcast_in_dim3A_346 : f32 to vector<64x432xf32>
    %broadcast_in_dim3A_348 = arith.constant 0.000000e+00 : f32
    %broadcast_in_dim3A_349 = vector.broadcast %broadcast_in_dim3A_348 : f32 to vector<16x432xf32>
    %slice3A_350 = vector.extract_strided_slice %transpose3A_345 {offsets = [0, 0], sizes = [64, 432], strides = [1, 1]} : vector<128x432xf32> to vector<64x432xf32>
    %broadcast_in_dim3A_351 = vector.shape_cast %reshape3A_341 : vector<1x432xi1> to vector<1x432xi1>
    %broadcast_in_dim3A_352 = vector.broadcast %broadcast_in_dim3A_351 : vector<1x432xi1> to vector<64x432xi1>
    %select_n3A_353 = arith.select %broadcast_in_dim3A_352, %slice3A_350, %broadcast_in_dim3A_347 : vector<64x432xi1>, vector<64x432xf32>
    %swap3A_354 = arith.constant 0 : index
    %swap3A_355 = arith.constant 0 : index
    %swap3A_356 = arith.constant 9 : index
    %swap3A_357 = arith.constant 0 : index
    %swap3A_358 = vector.load %arg4[%swap3A_354, %swap3A_355, %swap3A_356, %swap3A_357] : memref<1x64x16x432xf32, #tpu.memory_space<vmem>>, vector<1x64x1x432xf32>
    %swap3A_359 = vector.shape_cast %swap3A_358 : vector<1x64x1x432xf32> to vector<64x432xf32>
    %swap3A_360 = vector.shape_cast %select_n3A_353 : vector<64x432xf32> to vector<1x64x1x432xf32>
    tpu.vector_store %arg4[%swap3A_354, %swap3A_355, %swap3A_356, %swap3A_357], %swap3A_360 {strides = array<i32>} : memref<1x64x16x432xf32, #tpu.memory_space<vmem>>, vector<1x64x1x432xf32>,
    %slice3A_361 = vector.extract_strided_slice %transpose3A_345 {offsets = [64, 0], sizes = [16, 432], strides = [1, 1]} : vector<128x432xf32> to vector<16x432xf32>
    %broadcast_in_dim3A_362 = vector.shape_cast %reshape3A_341 : vector<1x432xi1> to vector<1x432xi1>
    %broadcast_in_dim3A_363 = vector.broadcast %broadcast_in_dim3A_362 : vector<1x432xi1> to vector<16x432xi1>
    %select_n3A_364 = arith.select %broadcast_in_dim3A_363, %slice3A_361, %broadcast_in_dim3A_349 : vector<16x432xi1>, vector<16x432xf32>
    %swap3A_365 = arith.constant 0 : index
    %swap3A_366 = arith.constant 0 : index
    %swap3A_367 = arith.constant 9 : index
    %swap3A_368 = arith.constant 0 : index
    %swap3A_369 = vector.load %arg5[%swap3A_365, %swap3A_366, %swap3A_367, %swap3A_368] : memref<1x16x16x432xf32, #tpu.memory_space<vmem>>, vector<1x16x1x432xf32>
    %swap3A_370 = vector.shape_cast %swap3A_369 : vector<1x16x1x432xf32> to vector<16x432xf32>
    %swap3A_371 = vector.shape_cast %select_n3A_364 : vector<16x432xf32> to vector<1x16x1x432xf32>
    tpu.vector_store %arg5[%swap3A_365, %swap3A_366, %swap3A_367, %swap3A_368], %swap3A_371 {strides = array<i32>} : memref<1x16x16x432xf32, #tpu.memory_space<vmem>>, vector<1x16x1x432xf32>,
    %get3A_372 = arith.constant 10 : index
    %get3A_373 = arith.constant 0 : index
    %get3A_374 = vector.load %arg3[%get3A_372, %get3A_373] : memref<16x432xf32, #tpu.memory_space<vmem>>, vector<1x432xf32>
    %get3A_375 = vector.shape_cast %get3A_374 : vector<1x432xf32> to vector<432xf32>
    %gt3A_376 = arith.constant 0.000000e+00 : f32
    %gt3A_377 = vector.broadcast %gt3A_376 : f32 to vector<432xf32>
    %gt3A_378 = arith.cmpf ogt, %get3A_375, %gt3A_377 : vector<432xf32>
    %reshape3A_379 = vector.shape_cast %gt3A_378 : vector<432xi1> to vector<1x432xi1>
    %get3A_380 = arith.constant 4320 : index
    %get3A_381 = arith.constant 0 : index
    %get3A_382 = vector.load %arg2[%get3A_380, %get3A_381] : memref<6912x128xf32, #tpu.memory_space<vmem>>, vector<432x128xf32>
    %transpose3A_383 = tpu.transpose %get3A_382, [1, 0] : vector<432x128xf32> -> vector<128x432xf32>
    %broadcast_in_dim3A_384 = arith.constant 0.000000e+00 : f32
    %broadcast_in_dim3A_385 = vector.broadcast %broadcast_in_dim3A_384 : f32 to vector<64x432xf32>
    %broadcast_in_dim3A_386 = arith.constant 0.000000e+00 : f32
    %broadcast_in_dim3A_387 = vector.broadcast %broadcast_in_dim3A_386 : f32 to vector<16x432xf32>
    %slice3A_388 = vector.extract_strided_slice %transpose3A_383 {offsets = [0, 0], sizes = [64, 432], strides = [1, 1]} : vector<128x432xf32> to vector<64x432xf32>
    %broadcast_in_dim3A_389 = vector.shape_cast %reshape3A_379 : vector<1x432xi1> to vector<1x432xi1>
    %broadcast_in_dim3A_390 = vector.broadcast %broadcast_in_dim3A_389 : vector<1x432xi1> to vector<64x432xi1>
    %select_n3A_391 = arith.select %broadcast_in_dim3A_390, %slice3A_388, %broadcast_in_dim3A_385 : vector<64x432xi1>, vector<64x432xf32>
    %swap3A_392 = arith.constant 0 : index
    %swap3A_393 = arith.constant 0 : index
    %swap3A_394 = arith.constant 10 : index
    %swap3A_395 = arith.constant 0 : index
    %swap3A_396 = vector.load %arg4[%swap3A_392, %swap3A_393, %swap3A_394, %swap3A_395] : memref<1x64x16x432xf32, #tpu.memory_space<vmem>>, vector<1x64x1x432xf32>
    %swap3A_397 = vector.shape_cast %swap3A_396 : vector<1x64x1x432xf32> to vector<64x432xf32>
    %swap3A_398 = vector.shape_cast %select_n3A_391 : vector<64x432xf32> to vector<1x64x1x432xf32>
    tpu.vector_store %arg4[%swap3A_392, %swap3A_393, %swap3A_394, %swap3A_395], %swap3A_398 {strides = array<i32>} : memref<1x64x16x432xf32, #tpu.memory_space<vmem>>, vector<1x64x1x432xf32>,
    %slice3A_399 = vector.extract_strided_slice %transpose3A_383 {offsets = [64, 0], sizes = [16, 432], strides = [1, 1]} : vector<128x432xf32> to vector<16x432xf32>
    %broadcast_in_dim3A_400 = vector.shape_cast %reshape3A_379 : vector<1x432xi1> to vector<1x432xi1>
    %broadcast_in_dim3A_401 = vector.broadcast %broadcast_in_dim3A_400 : vector<1x432xi1> to vector<16x432xi1>
    %select_n3A_402 = arith.select %broadcast_in_dim3A_401, %slice3A_399, %broadcast_in_dim3A_387 : vector<16x432xi1>, vector<16x432xf32>
    %swap3A_403 = arith.constant 0 : index
    %swap3A_404 = arith.constant 0 : index
    %swap3A_405 = arith.constant 10 : index
    %swap3A_406 = arith.constant 0 : index
    %swap3A_407 = vector.load %arg5[%swap3A_403, %swap3A_404, %swap3A_405, %swap3A_406] : memref<1x16x16x432xf32, #tpu.memory_space<vmem>>, vector<1x16x1x432xf32>
    %swap3A_408 = vector.shape_cast %swap3A_407 : vector<1x16x1x432xf32> to vector<16x432xf32>
    %swap3A_409 = vector.shape_cast %select_n3A_402 : vector<16x432xf32> to vector<1x16x1x432xf32>
    tpu.vector_store %arg5[%swap3A_403, %swap3A_404, %swap3A_405, %swap3A_406], %swap3A_409 {strides = array<i32>} : memref<1x16x16x432xf32, #tpu.memory_space<vmem>>, vector<1x16x1x432xf32>,
    %get3A_410 = arith.constant 11 : index
    %get3A_411 = arith.constant 0 : index
    %get3A_412 = vector.load %arg3[%get3A_410, %get3A_411] : memref<16x432xf32, #tpu.memory_space<vmem>>, vector<1x432xf32>
    %get3A_413 = vector.shape_cast %get3A_412 : vector<1x432xf32> to vector<432xf32>
    %gt3A_414 = arith.constant 0.000000e+00 : f32
    %gt3A_415 = vector.broadcast %gt3A_414 : f32 to vector<432xf32>
    %gt3A_416 = arith.cmpf ogt, %get3A_413, %gt3A_415 : vector<432xf32>
    %reshape3A_417 = vector.shape_cast %gt3A_416 : vector<432xi1> to vector<1x432xi1>
    %get3A_418 = arith.constant 4752 : index
    %get3A_419 = arith.constant 0 : index
    %get3A_420 = vector.load %arg2[%get3A_418, %get3A_419] : memref<6912x128xf32, #tpu.memory_space<vmem>>, vector<432x128xf32>
    %transpose3A_421 = tpu.transpose %get3A_420, [1, 0] : vector<432x128xf32> -> vector<128x432xf32>
    %broadcast_in_dim3A_422 = arith.constant 0.000000e+00 : f32
    %broadcast_in_dim3A_423 = vector.broadcast %broadcast_in_dim3A_422 : f32 to vector<64x432xf32>
    %broadcast_in_dim3A_424 = arith.constant 0.000000e+00 : f32
    %broadcast_in_dim3A_425 = vector.broadcast %broadcast_in_dim3A_424 : f32 to vector<16x432xf32>
    %slice3A_426 = vector.extract_strided_slice %transpose3A_421 {offsets = [0, 0], sizes = [64, 432], strides = [1, 1]} : vector<128x432xf32> to vector<64x432xf32>
    %broadcast_in_dim3A_427 = vector.shape_cast %reshape3A_417 : vector<1x432xi1> to vector<1x432xi1>
    %broadcast_in_dim3A_428 = vector.broadcast %broadcast_in_dim3A_427 : vector<1x432xi1> to vector<64x432xi1>
    %select_n3A_429 = arith.select %broadcast_in_dim3A_428, %slice3A_426, %broadcast_in_dim3A_423 : vector<64x432xi1>, vector<64x432xf32>
    %swap3A_430 = arith.constant 0 : index
    %swap3A_431 = arith.constant 0 : index
    %swap3A_432 = arith.constant 11 : index
    %swap3A_433 = arith.constant 0 : index
    %swap3A_434 = vector.load %arg4[%swap3A_430, %swap3A_431, %swap3A_432, %swap3A_433] : memref<1x64x16x432xf32, #tpu.memory_space<vmem>>, vector<1x64x1x432xf32>
    %swap3A_435 = vector.shape_cast %swap3A_434 : vector<1x64x1x432xf32> to vector<64x432xf32>
    %swap3A_436 = vector.shape_cast %select_n3A_429 : vector<64x432xf32> to vector<1x64x1x432xf32>
    tpu.vector_store %arg4[%swap3A_430, %swap3A_431, %swap3A_432, %swap3A_433], %swap3A_436 {strides = array<i32>} : memref<1x64x16x432xf32, #tpu.memory_space<vmem>>, vector<1x64x1x432xf32>,
    %slice3A_437 = vector.extract_strided_slice %transpose3A_421 {offsets = [64, 0], sizes = [16, 432], strides = [1, 1]} : vector<128x432xf32> to vector<16x432xf32>
    %broadcast_in_dim3A_438 = vector.shape_cast %reshape3A_417 : vector<1x432xi1> to vector<1x432xi1>
    %broadcast_in_dim3A_439 = vector.broadcast %broadcast_in_dim3A_438 : vector<1x432xi1> to vector<16x432xi1>
    %select_n3A_440 = arith.select %broadcast_in_dim3A_439, %slice3A_437, %broadcast_in_dim3A_425 : vector<16x432xi1>, vector<16x432xf32>
    %swap3A_441 = arith.constant 0 : index
    %swap3A_442 = arith.constant 0 : index
    %swap3A_443 = arith.constant 11 : index
    %swap3A_444 = arith.constant 0 : index
    %swap3A_445 = vector.load %arg5[%swap3A_441, %swap3A_442, %swap3A_443, %swap3A_444] : memref<1x16x16x432xf32, #tpu.memory_space<vmem>>, vector<1x16x1x432xf32>
    %swap3A_446 = vector.shape_cast %swap3A_445 : vector<1x16x1x432xf32> to vector<16x432xf32>
    %swap3A_447 = vector.shape_cast %select_n3A_440 : vector<16x432xf32> to vector<1x16x1x432xf32>
    tpu.vector_store %arg5[%swap3A_441, %swap3A_442, %swap3A_443, %swap3A_444], %swap3A_447 {strides = array<i32>} : memref<1x16x16x432xf32, #tpu.memory_space<vmem>>, vector<1x16x1x432xf32>,
    %get3A_448 = arith.constant 12 : index
    %get3A_449 = arith.constant 0 : index
    %get3A_450 = vector.load %arg3[%get3A_448, %get3A_449] : memref<16x432xf32, #tpu.memory_space<vmem>>, vector<1x432xf32>
    %get3A_451 = vector.shape_cast %get3A_450 : vector<1x432xf32> to vector<432xf32>
    %gt3A_452 = arith.constant 0.000000e+00 : f32
    %gt3A_453 = vector.broadcast %gt3A_452 : f32 to vector<432xf32>
    %gt3A_454 = arith.cmpf ogt, %get3A_451, %gt3A_453 : vector<432xf32>
    %reshape3A_455 = vector.shape_cast %gt3A_454 : vector<432xi1> to vector<1x432xi1>
    %get3A_456 = arith.constant 5184 : index
    %get3A_457 = arith.constant 0 : index
    %get3A_458 = vector.load %arg2[%get3A_456, %get3A_457] : memref<6912x128xf32, #tpu.memory_space<vmem>>, vector<432x128xf32>
    %transpose3A_459 = tpu.transpose %get3A_458, [1, 0] : vector<432x128xf32> -> vector<128x432xf32>
    %broadcast_in_dim3A_460 = arith.constant 0.000000e+00 : f32
    %broadcast_in_dim3A_461 = vector.broadcast %broadcast_in_dim3A_460 : f32 to vector<64x432xf32>
    %broadcast_in_dim3A_462 = arith.constant 0.000000e+00 : f32
    %broadcast_in_dim3A_463 = vector.broadcast %broadcast_in_dim3A_462 : f32 to vector<16x432xf32>
    %slice3A_464 = vector.extract_strided_slice %transpose3A_459 {offsets = [0, 0], sizes = [64, 432], strides = [1, 1]} : vector<128x432xf32> to vector<64x432xf32>
    %broadcast_in_dim3A_465 = vector.shape_cast %reshape3A_455 : vector<1x432xi1> to vector<1x432xi1>
    %broadcast_in_dim3A_466 = vector.broadcast %broadcast_in_dim3A_465 : vector<1x432xi1> to vector<64x432xi1>
    %select_n3A_467 = arith.select %broadcast_in_dim3A_466, %slice3A_464, %broadcast_in_dim3A_461 : vector<64x432xi1>, vector<64x432xf32>
    %swap3A_468 = arith.constant 0 : index
    %swap3A_469 = arith.constant 0 : index
    %swap3A_470 = arith.constant 12 : index
    %swap3A_471 = arith.constant 0 : index
    %swap3A_472 = vector.load %arg4[%swap3A_468, %swap3A_469, %swap3A_470, %swap3A_471] : memref<1x64x16x432xf32, #tpu.memory_space<vmem>>, vector<1x64x1x432xf32>
    %swap3A_473 = vector.shape_cast %swap3A_472 : vector<1x64x1x432xf32> to vector<64x432xf32>
    %swap3A_474 = vector.shape_cast %select_n3A_467 : vector<64x432xf32> to vector<1x64x1x432xf32>
    tpu.vector_store %arg4[%swap3A_468, %swap3A_469, %swap3A_470, %swap3A_471], %swap3A_474 {strides = array<i32>} : memref<1x64x16x432xf32, #tpu.memory_space<vmem>>, vector<1x64x1x432xf32>,
    %slice3A_475 = vector.extract_strided_slice %transpose3A_459 {offsets = [64, 0], sizes = [16, 432], strides = [1, 1]} : vector<128x432xf32> to vector<16x432xf32>
    %broadcast_in_dim3A_476 = vector.shape_cast %reshape3A_455 : vector<1x432xi1> to vector<1x432xi1>
    %broadcast_in_dim3A_477 = vector.broadcast %broadcast_in_dim3A_476 : vector<1x432xi1> to vector<16x432xi1>
    %select_n3A_478 = arith.select %broadcast_in_dim3A_477, %slice3A_475, %broadcast_in_dim3A_463 : vector<16x432xi1>, vector<16x432xf32>
    %swap3A_479 = arith.constant 0 : index
    %swap3A_480 = arith.constant 0 : index
    %swap3A_481 = arith.constant 12 : index
    %swap3A_482 = arith.constant 0 : index
    %swap3A_483 = vector.load %arg5[%swap3A_479, %swap3A_480, %swap3A_481, %swap3A_482] : memref<1x16x16x432xf32, #tpu.memory_space<vmem>>, vector<1x16x1x432xf32>
    %swap3A_484 = vector.shape_cast %swap3A_483 : vector<1x16x1x432xf32> to vector<16x432xf32>
    %swap3A_485 = vector.shape_cast %select_n3A_478 : vector<16x432xf32> to vector<1x16x1x432xf32>
    tpu.vector_store %arg5[%swap3A_479, %swap3A_480, %swap3A_481, %swap3A_482], %swap3A_485 {strides = array<i32>} : memref<1x16x16x432xf32, #tpu.memory_space<vmem>>, vector<1x16x1x432xf32>,
    %get3A_486 = arith.constant 13 : index
    %get3A_487 = arith.constant 0 : index
    %get3A_488 = vector.load %arg3[%get3A_486, %get3A_487] : memref<16x432xf32, #tpu.memory_space<vmem>>, vector<1x432xf32>
    %get3A_489 = vector.shape_cast %get3A_488 : vector<1x432xf32> to vector<432xf32>
    %gt3A_490 = arith.constant 0.000000e+00 : f32
    %gt3A_491 = vector.broadcast %gt3A_490 : f32 to vector<432xf32>
    %gt3A_492 = arith.cmpf ogt, %get3A_489, %gt3A_491 : vector<432xf32>
    %reshape3A_493 = vector.shape_cast %gt3A_492 : vector<432xi1> to vector<1x432xi1>
    %get3A_494 = arith.constant 5616 : index
    %get3A_495 = arith.constant 0 : index
    %get3A_496 = vector.load %arg2[%get3A_494, %get3A_495] : memref<6912x128xf32, #tpu.memory_space<vmem>>, vector<432x128xf32>
    %transpose3A_497 = tpu.transpose %get3A_496, [1, 0] : vector<432x128xf32> -> vector<128x432xf32>
    %broadcast_in_dim3A_498 = arith.constant 0.000000e+00 : f32
    %broadcast_in_dim3A_499 = vector.broadcast %broadcast_in_dim3A_498 : f32 to vector<64x432xf32>
    %broadcast_in_dim3A_500 = arith.constant 0.000000e+00 : f32
    %broadcast_in_dim3A_501 = vector.broadcast %broadcast_in_dim3A_500 : f32 to vector<16x432xf32>
    %slice3A_502 = vector.extract_strided_slice %transpose3A_497 {offsets = [0, 0], sizes = [64, 432], strides = [1, 1]} : vector<128x432xf32> to vector<64x432xf32>
    %broadcast_in_dim3A_503 = vector.shape_cast %reshape3A_493 : vector<1x432xi1> to vector<1x432xi1>
    %broadcast_in_dim3A_504 = vector.broadcast %broadcast_in_dim3A_503 : vector<1x432xi1> to vector<64x432xi1>
    %select_n3A_505 = arith.select %broadcast_in_dim3A_504, %slice3A_502, %broadcast_in_dim3A_499 : vector<64x432xi1>, vector<64x432xf32>
    %swap3A_506 = arith.constant 0 : index
    %swap3A_507 = arith.constant 0 : index
    %swap3A_508 = arith.constant 13 : index
    %swap3A_509 = arith.constant 0 : index
    %swap3A_510 = vector.load %arg4[%swap3A_506, %swap3A_507, %swap3A_508, %swap3A_509] : memref<1x64x16x432xf32, #tpu.memory_space<vmem>>, vector<1x64x1x432xf32>
    %swap3A_511 = vector.shape_cast %swap3A_510 : vector<1x64x1x432xf32> to vector<64x432xf32>
    %swap3A_512 = vector.shape_cast %select_n3A_505 : vector<64x432xf32> to vector<1x64x1x432xf32>
    tpu.vector_store %arg4[%swap3A_506, %swap3A_507, %swap3A_508, %swap3A_509], %swap3A_512 {strides = array<i32>} : memref<1x64x16x432xf32, #tpu.memory_space<vmem>>, vector<1x64x1x432xf32>,
    %slice3A_513 = vector.extract_strided_slice %transpose3A_497 {offsets = [64, 0], sizes = [16, 432], strides = [1, 1]} : vector<128x432xf32> to vector<16x432xf32>
    %broadcast_in_dim3A_514 = vector.shape_cast %reshape3A_493 : vector<1x432xi1> to vector<1x432xi1>
    %broadcast_in_dim3A_515 = vector.broadcast %broadcast_in_dim3A_514 : vector<1x432xi1> to vector<16x432xi1>
    %select_n3A_516 = arith.select %broadcast_in_dim3A_515, %slice3A_513, %broadcast_in_dim3A_501 : vector<16x432xi1>, vector<16x432xf32>
    %swap3A_517 = arith.constant 0 : index
    %swap3A_518 = arith.constant 0 : index
    %swap3A_519 = arith.constant 13 : index
    %swap3A_520 = arith.constant 0 : index
    %swap3A_521 = vector.load %arg5[%swap3A_517, %swap3A_518, %swap3A_519, %swap3A_520] : memref<1x16x16x432xf32, #tpu.memory_space<vmem>>, vector<1x16x1x432xf32>
    %swap3A_522 = vector.shape_cast %swap3A_521 : vector<1x16x1x432xf32> to vector<16x432xf32>
    %swap3A_523 = vector.shape_cast %select_n3A_516 : vector<16x432xf32> to vector<1x16x1x432xf32>
    tpu.vector_store %arg5[%swap3A_517, %swap3A_518, %swap3A_519, %swap3A_520], %swap3A_523 {strides = array<i32>} : memref<1x16x16x432xf32, #tpu.memory_space<vmem>>, vector<1x16x1x432xf32>,
    %get3A_524 = arith.constant 14 : index
    %get3A_525 = arith.constant 0 : index
    %get3A_526 = vector.load %arg3[%get3A_524, %get3A_525] : memref<16x432xf32, #tpu.memory_space<vmem>>, vector<1x432xf32>
    %get3A_527 = vector.shape_cast %get3A_526 : vector<1x432xf32> to vector<432xf32>
    %gt3A_528 = arith.constant 0.000000e+00 : f32
    %gt3A_529 = vector.broadcast %gt3A_528 : f32 to vector<432xf32>
    %gt3A_530 = arith.cmpf ogt, %get3A_527, %gt3A_529 : vector<432xf32>
    %reshape3A_531 = vector.shape_cast %gt3A_530 : vector<432xi1> to vector<1x432xi1>
    %get3A_532 = arith.constant 6048 : index
    %get3A_533 = arith.constant 0 : index
    %get3A_534 = vector.load %arg2[%get3A_532, %get3A_533] : memref<6912x128xf32, #tpu.memory_space<vmem>>, vector<432x128xf32>
    %transpose3A_535 = tpu.transpose %get3A_534, [1, 0] : vector<432x128xf32> -> vector<128x432xf32>
    %broadcast_in_dim3A_536 = arith.constant 0.000000e+00 : f32
    %broadcast_in_dim3A_537 = vector.broadcast %broadcast_in_dim3A_536 : f32 to vector<64x432xf32>
    %broadcast_in_dim3A_538 = arith.constant 0.000000e+00 : f32
    %broadcast_in_dim3A_539 = vector.broadcast %broadcast_in_dim3A_538 : f32 to vector<16x432xf32>
    %slice3A_540 = vector.extract_strided_slice %transpose3A_535 {offsets = [0, 0], sizes = [64, 432], strides = [1, 1]} : vector<128x432xf32> to vector<64x432xf32>
    %broadcast_in_dim3A_541 = vector.shape_cast %reshape3A_531 : vector<1x432xi1> to vector<1x432xi1>
    %broadcast_in_dim3A_542 = vector.broadcast %broadcast_in_dim3A_541 : vector<1x432xi1> to vector<64x432xi1>
    %select_n3A_543 = arith.select %broadcast_in_dim3A_542, %slice3A_540, %broadcast_in_dim3A_537 : vector<64x432xi1>, vector<64x432xf32>
    %swap3A_544 = arith.constant 0 : index
    %swap3A_545 = arith.constant 0 : index
    %swap3A_546 = arith.constant 14 : index
    %swap3A_547 = arith.constant 0 : index
    %swap3A_548 = vector.load %arg4[%swap3A_544, %swap3A_545, %swap3A_546, %swap3A_547] : memref<1x64x16x432xf32, #tpu.memory_space<vmem>>, vector<1x64x1x432xf32>
    %swap3A_549 = vector.shape_cast %swap3A_548 : vector<1x64x1x432xf32> to vector<64x432xf32>
    %swap3A_550 = vector.shape_cast %select_n3A_543 : vector<64x432xf32> to vector<1x64x1x432xf32>
    tpu.vector_store %arg4[%swap3A_544, %swap3A_545, %swap3A_546, %swap3A_547], %swap3A_550 {strides = array<i32>} : memref<1x64x16x432xf32, #tpu.memory_space<vmem>>, vector<1x64x1x432xf32>,
    %slice3A_551 = vector.extract_strided_slice %transpose3A_535 {offsets = [64, 0], sizes = [16, 432], strides = [1, 1]} : vector<128x432xf32> to vector<16x432xf32>
    %broadcast_in_dim3A_552 = vector.shape_cast %reshape3A_531 : vector<1x432xi1> to vector<1x432xi1>
    %broadcast_in_dim3A_553 = vector.broadcast %broadcast_in_dim3A_552 : vector<1x432xi1> to vector<16x432xi1>
    %select_n3A_554 = arith.select %broadcast_in_dim3A_553, %slice3A_551, %broadcast_in_dim3A_539 : vector<16x432xi1>, vector<16x432xf32>
    %swap3A_555 = arith.constant 0 : index
    %swap3A_556 = arith.constant 0 : index
    %swap3A_557 = arith.constant 14 : index
    %swap3A_558 = arith.constant 0 : index
    %swap3A_559 = vector.load %arg5[%swap3A_555, %swap3A_556, %swap3A_557, %swap3A_558] : memref<1x16x16x432xf32, #tpu.memory_space<vmem>>, vector<1x16x1x432xf32>
    %swap3A_560 = vector.shape_cast %swap3A_559 : vector<1x16x1x432xf32> to vector<16x432xf32>
    %swap3A_561 = vector.shape_cast %select_n3A_554 : vector<16x432xf32> to vector<1x16x1x432xf32>
    tpu.vector_store %arg5[%swap3A_555, %swap3A_556, %swap3A_557, %swap3A_558], %swap3A_561 {strides = array<i32>} : memref<1x16x16x432xf32, #tpu.memory_space<vmem>>, vector<1x16x1x432xf32>,
    %get3A_562 = arith.constant 15 : index
    %get3A_563 = arith.constant 0 : index
    %get3A_564 = vector.load %arg3[%get3A_562, %get3A_563] : memref<16x432xf32, #tpu.memory_space<vmem>>, vector<1x432xf32>
    %get3A_565 = vector.shape_cast %get3A_564 : vector<1x432xf32> to vector<432xf32>
    %gt3A_566 = arith.constant 0.000000e+00 : f32
    %gt3A_567 = vector.broadcast %gt3A_566 : f32 to vector<432xf32>
    %gt3A_568 = arith.cmpf ogt, %get3A_565, %gt3A_567 : vector<432xf32>
    %reshape3A_569 = vector.shape_cast %gt3A_568 : vector<432xi1> to vector<1x432xi1>
    %get3A_570 = arith.constant 6480 : index
    %get3A_571 = arith.constant 0 : index
    %get3A_572 = vector.load %arg2[%get3A_570, %get3A_571] : memref<6912x128xf32, #tpu.memory_space<vmem>>, vector<432x128xf32>
    %transpose3A_573 = tpu.transpose %get3A_572, [1, 0] : vector<432x128xf32> -> vector<128x432xf32>
    %broadcast_in_dim3A_574 = arith.constant 0.000000e+00 : f32
    %broadcast_in_dim3A_575 = vector.broadcast %broadcast_in_dim3A_574 : f32 to vector<64x432xf32>
    %broadcast_in_dim3A_576 = arith.constant 0.000000e+00 : f32
    %broadcast_in_dim3A_577 = vector.broadcast %broadcast_in_dim3A_576 : f32 to vector<16x432xf32>
    %slice3A_578 = vector.extract_strided_slice %transpose3A_573 {offsets = [0, 0], sizes = [64, 432], strides = [1, 1]} : vector<128x432xf32> to vector<64x432xf32>
    %broadcast_in_dim3A_579 = vector.shape_cast %reshape3A_569 : vector<1x432xi1> to vector<1x432xi1>
    %broadcast_in_dim3A_580 = vector.broadcast %broadcast_in_dim3A_579 : vector<1x432xi1> to vector<64x432xi1>
    %select_n3A_581 = arith.select %broadcast_in_dim3A_580, %slice3A_578, %broadcast_in_dim3A_575 : vector<64x432xi1>, vector<64x432xf32>
    %swap3A_582 = arith.constant 0 : index
    %swap3A_583 = arith.constant 0 : index
    %swap3A_584 = arith.constant 15 : index
    %swap3A_585 = arith.constant 0 : index
    %swap3A_586 = vector.load %arg4[%swap3A_582, %swap3A_583, %swap3A_584, %swap3A_585] : memref<1x64x16x432xf32, #tpu.memory_space<vmem>>, vector<1x64x1x432xf32>
    %swap3A_587 = vector.shape_cast %swap3A_586 : vector<1x64x1x432xf32> to vector<64x432xf32>
    %swap3A_588 = vector.shape_cast %select_n3A_581 : vector<64x432xf32> to vector<1x64x1x432xf32>
    tpu.vector_store %arg4[%swap3A_582, %swap3A_583, %swap3A_584, %swap3A_585], %swap3A_588 {strides = array<i32>} : memref<1x64x16x432xf32, #tpu.memory_space<vmem>>, vector<1x64x1x432xf32>,
    %slice3A_589 = vector.extract_strided_slice %transpose3A_573 {offsets = [64, 0], sizes = [16, 432], strides = [1, 1]} : vector<128x432xf32> to vector<16x432xf32>
    %broadcast_in_dim3A_590 = vector.shape_cast %reshape3A_569 : vector<1x432xi1> to vector<1x432xi1>
    %broadcast_in_dim3A_591 = vector.broadcast %broadcast_in_dim3A_590 : vector<1x432xi1> to vector<16x432xi1>
    %select_n3A_592 = arith.select %broadcast_in_dim3A_591, %slice3A_589, %broadcast_in_dim3A_577 : vector<16x432xi1>, vector<16x432xf32>
    %swap3A_593 = arith.constant 0 : index
    %swap3A_594 = arith.constant 0 : index
    %swap3A_595 = arith.constant 15 : index
    %swap3A_596 = arith.constant 0 : index
    %swap3A_597 = vector.load %arg5[%swap3A_593, %swap3A_594, %swap3A_595, %swap3A_596] : memref<1x16x16x432xf32, #tpu.memory_space<vmem>>, vector<1x16x1x432xf32>
    %swap3A_598 = vector.shape_cast %swap3A_597 : vector<1x16x1x432xf32> to vector<16x432xf32>
    %swap3A_599 = vector.shape_cast %select_n3A_592 : vector<16x432xf32> to vector<1x16x1x432xf32>
    tpu.vector_store %arg5[%swap3A_593, %swap3A_594, %swap3A_595, %swap3A_596], %swap3A_599 {strides = array<i32>} : memref<1x16x16x432xf32, #tpu.memory_space<vmem>>, vector<1x16x1x432xf32>,
    return
  }
  func.func @transform_0(%arg0: i32, %arg1: i32) -> (i32, i32) {
    %mul3A = arith.constant 31 : i32
    %mul3A_0 = arith.muli %arg0, %mul3A : i32
    %add3A = arith.addi %mul3A_0, %arg1 : i32
    %c0_i32 = arith.constant 0 : i32
    %c0_i32_1 = arith.constant 0 : i32
    return %add3A, %c0_i32 : i32, i32
  }
  func.func @transform_1(%arg0: i32, %arg1: i32) -> (i32, i32) {
    %mul3A = arith.constant 31 : i32
    %mul3A_0 = arith.muli %arg0, %mul3A : i32
    %add3A = arith.addi %mul3A_0, %arg1 : i32
    %c0_i32 = arith.constant 0 : i32
    %c0_i32_1 = arith.constant 0 : i32
    return %add3A, %c0_i32 : i32, i32
  }
  func.func @transform_2(%arg0: i32, %arg1: i32) -> (i32, i32, i32, i32) {
    %c0_i32 = arith.constant 0 : i32
    %c0_i32_0 = arith.constant 0 : i32
    %c0_i32_1 = arith.constant 0 : i32
    return %arg0, %c0_i32, %arg1, %c0_i32_0 : i32, i32, i32, i32
  }
  func.func @transform_3(%arg0: i32, %arg1: i32) -> (i32, i32, i32, i32) {
    %c0_i32 = arith.constant 0 : i32
    %c0_i32_0 = arith.constant 0 : i32
    %c0_i32_1 = arith.constant 0 : i32
    return %arg0, %c0_i32, %arg1, %c0_i32_0 : i32, i32, i32, i32
  }
}

</mosaic_0001>

<sc_bundles>
// kernel: kernel.4.cloned.1.call-start
scs
__scs_entry_jumppad:
0x0: {  	(pc) =	sbr.rel $0x88, $3  }
0x1: {  	(tag) =	ssettag $0x0;
	lr =	simm.s32 $0x1  }
0x2: {  	[smem:$0x3F9E] =	sst lr;
	_ =	strace $0xD0000000  }
0x3: {  	_ = 	snop  }
0x4: {  	_ = 	snop  }
0x5: {  	_ = 	snop  }
0x6: {  	_ = 	snop  }
0x7: {  	_ = 	snop  }
__scs_overlays_trampoline_lowered:
0x8: {  	[smem:$0x3FAD] =	sst s0  }
0x9: {  	[smem:$0x3FAE] =	sst s1  }
0xa: {  	[smem:$0x3FAF] =	sst s2  }
0xb: {  	[smem:$0x3FB0] =	sst s3  }
0xc: {  	[smem:$0x3FB1] =	sst s4  }
0xd: {  	[smem:$0x3FB2] =	sst s5  }
0xe: {  	[smem:$0x3FB3] =	sst s6  }
0xf: {  	[smem:$0x3FB4] =	sst s7  }
0x10: {  	[smem:$0x3FB5] =	sst s8  }
0x11: {  	[smem:$0x3FB6] =	sst s9;
	s0 =	simm.s32 @!p0 $0x0  }
0x12: {  	s1 =	sld [smem:$0x3F9C];
	s0 =	simm.s32 @p0 $0x1  }
0x13: {  	[smem:$0x3FB7] =	sst s0;
	s0 =	simm.s32 @!p1 $0x0  }
0x14: {  	s2 =	sld [smem:$0x3F9B];
	s0 =	simm.s32 @p1 $0x1  }
0x15: {  	[smem:$0x3FB8] =	sst s0;
	s0 =	simm.s32 @!p2 $0x0  }
0x16: {  	s3 =	sld [smem:$0x3FDB];
	s0 =	simm.s32 @p2 $0x1  }
0x17: {  	s4 =	simm.s32 $0x1BF5;
	[smem:$0x3FBA] =	sst s0  }
0x18: {  	s0 =	sld [smem:$0x3F9D];
	_ =	swait.ge [sflag:s4], $0x0  }
0x19: {  	s7 =	sld [smem:$0x3F9E]  }
0x1a: {  	s8 =	sadd.s32 $0xFFFFE003, lr  }
0x1b: {  	s9 =	sadd.s32 $0xFFFFFEF7, lr;
	s5 =	simm.s32 $0xFFFFFFFF;
	p2 =	slt.u32 s8, $0xFFFFF086  }
0x1c: {  	p1 =	slt.u32 s9, $0xF7A;
	s5 =	simm.s32 @!p2 $0x0  }
0x1d: {  	s5 =	simm.s32 @p1 $0x1;
	p0 =	seq.s32 s7, s2  }
0x1e: {  	s7 =	smul.u32 @!p0 $0xF7A, s2;
	p2 =	seq.s32 @!p0 s5, $0x0  }
0x1f: {  	s9 =	smul.u32 $0xF7A, s1;
	s8 =	simm.s32 @!p0 $0x1BF5;
	p2 =	por !p2, p0  }
0x20: {  	[sflag:s8] =	ssyncset.s32 @!p0 $0xFFFFF086;
	s6 =	sadd.s32 @!p0 s3, s7;
	s7 =	simm.s32 @!p0 $0x108  }
0x21: {  	s3 =	sadd.s32 s3, s9;
	s6 =	sadd.s32 @!p0 $0x88, s6;
	s7 =	simm.s32 @p2 $0x1082  }
0x22: {  	[simem:s7], [sflag:s8] =	dma.local @!p0 [hbm:s6], $0xF7A  }
0x23: {  	s9 =	sor.u32 $0xD0000000, s2;
	s6 =	simm.s32 $0x108;
	_ =	swait.ge @!p0 [sflag:s8], $0x0  }
0x24: {  	s3 =	sadd.s32 $0x88, s3;
	s6 =	simm.s32 @!p1 $0x1082;
	[sflag:s4] =	ssyncset.s32 $0xFFFFF086  }
0x25: {  	[simem:s6], [sflag:s4] =	dma.local [hbm:s3], $0xF7A  }
0x26: {  	[smem:$0x3F9E] =	sst s1;
	(tag) =	ssettag s2;
	_ =	strace s9  }
0x27: {  	s1 =	sld [smem:$0x3FAE]  }
0x28: {  	s2 =	sld [smem:$0x3FAF]  }
0x29: {  	s4 =	sld [smem:$0x3FB1]  }
0x2a: {  	p0 =	seq.s32 s5, $0x0;
	s5 =	sld [smem:$0x3FB2]  }
0x2b: {  	s6 =	sld [smem:$0x3FB3]  }
0x2c: {  	s7 =	sld [smem:$0x3FB4]  }
0x2d: {  	s3 =	simm.s32 $0x108;
	s8 =	sld [smem:$0x3FB5]  }
0x2e: {  	s3 =	simm.s32 @!p0 $0x1082;
	s9 =	sld [smem:$0x3FB6]  }
0x2f: {  	lr =	sadd.s32 s0, s3;
	s0 =	sld [smem:$0x3FAD]  }
0x30: {  	s3 =	sld [smem:$0x3FB0]  }
0x31: {  	[smem:$0x3FB9] =	sst s10  }
0x32: {  	s10 =	sld [smem:$0x3FB7];
	_ =	sdelay $0x3  }
0x33: {  	p0 =	seq.s32 s10, $0x1;
	s10 =	sld [smem:$0x3FB9];
	_ =	sdelay $0x3  }
0x34: {  	[smem:$0x3FB9] =	sst s10  }
0x35: {  	s10 =	sld [smem:$0x3FB8];
	_ =	sdelay $0x3  }
0x36: {  	p1 =	seq.s32 s10, $0x1;
	s10 =	sld [smem:$0x3FB9];
	_ =	sdelay $0x3  }
0x37: {  	[smem:$0x3FB9] =	sst s10  }
0x38: {  	s10 =	sld [smem:$0x3FBA]  }
0x39: {  	_ = 	snop;
	(pc) =	sbr.ind lr, $3  }
0x3a: {  	_ = 	snop  }
0x3b: {  	_ = 	snop  }
0x3c: {  	p2 =	seq.s32 s10, $0x1;
	s10 =	sld [smem:$0x3FB9]  }
0x3d: {  	_ =	shalt  }
0x3e: {  	_ =	shalt  }
0x3f: {  	_ =	shalt  }
0x40: {  	_ =	shalt  }
0x41: {  	_ =	shalt  }
0x42: {  	_ =	shalt  }
0x43: {  	_ =	shalt  }
0x44: {  	_ =	shalt  }
0x45: {  	_ =	shalt  }
0x46: {  	_ =	shalt  }
0x47: {  	_ =	shalt  }
0x48: {  	_ =	shalt  }
0x49: {  	_ =	shalt  }
0x4a: {  	_ =	shalt  }
0x4b: {  	_ =	shalt  }
0x4c: {  	_ =	shalt  }
0x4d: {  	_ =	shalt  }
0x4e: {  	_ =	shalt  }
0x4f: {  	_ =	shalt  }
0x50: {  	_ =	shalt  }
0x51: {  	_ =	shalt  }
0x52: {  	_ =	shalt  }
0x53: {  	_ =	shalt  }
0x54: {  	_ =	shalt  }
0x55: {  	_ =	shalt  }
0x56: {  	_ =	shalt  }
0x57: {  	_ =	shalt  }
0x58: {  	_ =	shalt  }
0x59: {  	_ =	shalt  }
0x5a: {  	_ =	shalt  }
0x5b: {  	_ =	shalt  }
0x5c: {  	_ =	shalt  }
0x5d: {  	_ =	shalt  }
0x5e: {  	_ =	shalt  }
0x5f: {  	_ =	shalt  }
0x60: {  	_ =	shalt  }
0x61: {  	_ =	shalt  }
0x62: {  	_ =	shalt  }
0x63: {  	_ =	shalt  }
0x64: {  	_ =	shalt  }
0x65: {  	_ =	shalt  }
0x66: {  	_ =	shalt  }
0x67: {  	_ =	shalt  }
0x68: {  	_ =	shalt  }
0x69: {  	_ =	shalt  }
0x6a: {  	_ =	shalt  }
0x6b: {  	_ =	shalt  }
0x6c: {  	_ =	shalt  }
0x6d: {  	_ =	shalt  }
0x6e: {  	_ =	shalt  }
0x6f: {  	_ =	shalt  }
0x70: {  	_ =	shalt  }
0x71: {  	_ =	shalt  }
0x72: {  	_ =	shalt  }
0x73: {  	_ =	shalt  }
0x74: {  	_ =	shalt  }
0x75: {  	_ =	shalt  }
0x76: {  	_ =	shalt  }
0x77: {  	_ =	shalt  }
0x78: {  	_ =	shalt  }
0x79: {  	_ =	shalt  }
0x7a: {  	_ =	shalt  }
0x7b: {  	_ =	shalt  }
0x7c: {  	_ =	shalt  }
0x7d: {  	_ =	shalt  }
0x7e: {  	_ =	shalt  }
0x7f: {  	_ =	shalt  }
0x80: {  	_ =	shalt  }
0x81: {  	_ =	shalt  }
0x82: {  	_ =	shalt  }
0x83: {  	_ =	shalt  }
0x84: {  	_ =	shalt  }
0x85: {  	_ =	shalt  }
0x86: {  	_ =	shalt  }
0x87: {  	_ =	shalt  }
.Lfunc_end0:
.L_simem_size_0:
called_computation_lowered:
.L_overlay_start_0:
0x88: {  	s2 =	sld [smem:$0x3FD9]  }
0x89: {  	s3 =	sld [smem:$0x3FFE];
	_ =	sdelay $0x1  }
0x8a: {  	s1 =	srdreg.scid  }
0x8b: {  	s0 =	sand.u32 $0x1, s1  }
0x8c: {  	s14 =	sshll.u32 s0, $0xA;
	s2 =	sadd.s32 s3, s2  }
0x8d: {  	s2 =	sadd.s32 s2, s14  }
0x8e: {  	[smem:$0x3FC5] =	sst s2  }
0x8f: {  	_ = 	snop  }
0x90: {  	s2 =	sld [smem:$0x3FD0];
	_ =	sdelay $0x2  }
0x91: {  	s15 =	simm.s32 $0xA;
	s4 =	simm.s32 $0x10  }
0x92: {  	[smem:s4], [sflag:s15] =	dma.local [hbm:s2], $0x1  }
0x93: {  	_ =	swait.eq [sflag:s15], $0x1  }
0x94: {  	[sflag:s15] =	ssyncset.done $0x0  }
0x95: {  	s16 =	sld [smem:$0x10];
	[sflag:s15] =	ssyncadd.s32 $0xFFFFFFFF  }
0x96: {  	s17 =	sld [smem:$0x11];
	(tm) =	ssettm $0x1  }
0x97: {  	s18 =	sld [smem:$0x3FFB];
	_ =	sdelay $0x3  }
0x98: {  	_ =	strace s18  }
0x99: {  	s4 =	sld [smem:$0x3FFC];
	_ =	sdelay $0x3  }
0x9a: {  	_ =	strace s4  }
0x9b: {  	s4 =	sld [smem:$0x3FFD];
	_ =	sdelay $0x3  }
0x9c: {  	_ =	strace s4  }
0x9d: {  	_ =	strace $0x8FFFFFFF  }
0x9e: {  	s19 =	sld [smem:$0x3FDB];
	_ =	sdelay $0x1  }
0x9f: {  	s5 =	simm.s32 $_scs_section_size  }
0xa0: {  	s6 =	simm.s32 $_size__tile_overlayer_lowered;
	s7 =	simm.s32 $_tile_overlayer_lowered  }
0xa1: {  	s22 =	simm.s32 $0x1BFF;
	s21 =	sshll.u32 s7, $0x1;
	s4 =	sadd.s32 s5, s19  }
0xa2: {  	s8 =	simm.s32 $0x0;
	s20 =	sshll.u32 s6, $0x1;
	s6 =	sadd.s32 s21, s4  }
0xa3: {  	[timem:s8], [sflag:s22] =	dma.local [hbm:s6], s20  }
0xa4: {  	_ =	swait.ge [sflag:s22], s20  }
0xa5: {  	s5 =	ssub.s32 $0x0, s20;
	[sflag:s22] =	ssyncset.done $0x0  }
0xa6: {  	[sflag:s22] =	ssyncadd.s32 s5;
	_ =	sdelay $0x1  }
0xa7: {  	s23 =	simm.s32 $0x1B8B  }
0xa8: {  	_ =	swait.ge [sflag:s23], $0x1  }
0xa9: {  	[sflag:s23] =	ssyncset.done $0x0  }
0xaa: {  	s25 =	simm.s32 $0x1B8E;
	s24 =	sld [smem:$0x3FFE];
	[sflag:s23] =	ssyncadd.s32 $0xFFFFFFFF  }
0xab: {  	s26 =	simm.s32 $execute0_lowered;
	[smem:$0x3FD2] =	sst s25  }
0xac: {  	s6 =	sshll.u32 s26, $0x1;
	_ =	strace $0x80000046;
	[dreg:$0x1] =	wrdreg $0xFFFFFFFF  }
0xad: {  	s28 =	simm.s32 $_size_execute0_lowered;
	s4 =	sadd.s32 s4, s6;
	[dreg:$0x0] =	wrdreg $0x0  }
0xae: {  	s6 =	sshll.u32 s28, $0x1;
	[dreg:$0x2] =	wrdreg s4  }
0xaf: {  	[dreg:$0x3] =	wrdreg s6  }
0xb0: {  	[dreg:$0x4] =	wrdreg $0xC0  }
0xb1: {  	_ =	task [dreg:s8], $0x5FFFF  }
0xb2: {  	[dreg:$0x1] =	wrdreg $0xFFFFFFFF  }
0xb3: {  	[dreg:$0x0] =	wrdreg $0x60  }
0xb4: {  	[dreg:$0x2] =	wrdreg s24  }
0xb5: {  	[dreg:$0x3] =	wrdreg s16  }
0xb6: {  	[dreg:$0x4] =	wrdreg s17  }
0xb7: {  	[dreg:$0x5] =	wrdreg $0xCF000  }
0xb8: {  	[dreg:$0x6] =	wrdreg $0x9  }
0xb9: {  	_ =	task.clear_ibuf [dreg:s8], $0x7FFFF;
	_ =	strace $0x90000046  }
0xba: {  	s29 =	simm.s32 $0x9;
	_ =	strace $0x80000048  }
0xbb: {  	_ =	swait.ge [sflag:s29], $0x1  }
0xbc: {  	[sflag:s29] =	ssyncadd.s32 $0xFFFFFFFF  }
0xbd: {  	_ =	strace $0x90000048  }
0xbe: {  	_ =	sfence  }
0xbf: {  	s30 =	sld [smem:$0x0];
	_ =	sdelay $0x2  }
0xc0: {  	s31 =	sshll.u32 s1, $0xD;
	s1 =	sshrl.u32 s1, $0x2  }
0xc1: {  	s3 =	sand.u32 $0x4000, s31;
	s1 =	sadd.s32 s1, s30  }
0xc2: {  	s0 =	sor.u32 s3, s0;
	s1 =	sshll.u32 s1, $0x11  }
0xc3: {  	s0 =	sor.u32 s1, s0  }
0xc4: {  	s0 =	sadd.s32 $0x8F2B, s0  }
0xc5: {  	[sflag:s0] =	ssyncadd.remote.s32 $0x1  }
0xc6: {  	_ =	sfence.sel $0xFFFF  }
0xc7: {  	[dreg:$0x0] =	wrdreg $0xFFFFFFFF;
	(pc) =	sbr.abs _section_cstart, $3  }
0xc8: {  	[dreg:$0x1] =	wrdreg $0xFFFFFFFF  }
0xc9: {  	_ =	task.clear_ibuf [dreg:s8], $0x2FFFF;
	_ =	strace $0x9FFFFFFF  }
0xca: {  	(tm) =	ssettm $0x7FFFFFFF  }
0xcb: {  	_ =	shalt  }
tec
execute0_lowered:
.L_overlay_start_1:
0x0: {  	(tag) =	ssettag $0x1  }
0x1: {  	s0 =	rddreg [dreg:$0x0]  }
0x2: {  	s1 =	srdreg.scid;
	s28 =	stileid.u32  }
0x3: {  	s14 =	rddreg [dreg:$0x1];
	s1 =	sand.u32 $0x1, s1;
	s17 =	smul.u32 $0x500, s28  }
0x4: {  	s13 =	rddreg [dreg:$0x2];
	s15 =	smul.u32 $0x4E20, s1  }
0x5: {  	s2 =	rddreg [dreg:$0x3];
	s3 =	simm.s32 $0x0;
	s12 =	smin.u32 s17, $0x4920  }
0x6: {  	[smem:$0x7FF] =	sst s3;
	s16 =	sadd.s32 s15, s12  }
0x7: {  	s5 =	sadd.s32 $0x3000, s0;
	s11 =	sadd.s32 $0x2E00, s0;
	s4 =	sshrl.u32 s16, $0x3  }
0x8: {  	_ =	strace $0x80000047;
	[dreg:$0x5] =	wrdreg s5;
	s4 =	sadd.s32 s4, s0  }
0x9: {  	[dreg:$0x6] =	wrdreg s11;
	s18 =	sadd.s32 $0x1A00, s4  }
0xa: {  	s19 =	sadd.s32 $0x600, s4;
	s4 =	ssub.s32 s17, s12;
	[dreg:$0x7] =	wrdreg s18  }
0xb: {  	[dreg:$0x8] =	wrdreg s19;
	s20 =	sadd.s32 $0x20, s4  }
0xc: {  	s21 =	sadd.s32 $0x30, s4;
	[dreg:$0x9] =	wrdreg s20  }
0xd: {  	s22 =	sadd.s32 $0x40, s4;
	[dreg:$0xa] =	wrdreg s21  }
0xe: {  	s23 =	sadd.s32 $0x50, s4;
	[dreg:$0xb] =	wrdreg s22  }
0xf: {  	s24 =	sadd.s32 $0x60, s4;
	s18 =	sor.u32 $0x80, s17;
	[dreg:$0xc] =	wrdreg s23  }
0x10: {  	s6 =	sadd.s32 $0x70, s4;
	[dreg:$0xd] =	wrdreg s24;
	s5 =	ssub.s32 s18, s12  }
0x11: {  	[dreg:$0xe] =	wrdreg s6;
	s25 =	sadd.s32 $0x20, s5  }
0x12: {  	s26 =	sadd.s32 $0x30, s5;
	[dreg:$0xf] =	wrdreg s25  }
0x13: {  	s7 =	sadd.s32 $0x40, s5;
	[dreg:$0x10] =	wrdreg s26  }
0x14: {  	s19 =	sadd.s32 $0x100, s17;
	s8 =	sadd.s32 $0x50, s5;
	[dreg:$0x11] =	wrdreg s7  }
0x15: {  	s6 =	ssub.s32 s19, s12;
	s9 =	sadd.s32 $0x60, s5;
	[dreg:$0x12] =	wrdreg s8  }
0x16: {  	s10 =	sadd.s32 $0x20, s6;
	[dreg:$0x13] =	wrdreg s9  }
0x17: {  	s11 =	sadd.s32 $0x30, s6;
	[dreg:$0x15] =	wrdreg s10  }
0x18: {  	s20 =	sadd.s32 $0x40, s6;
	[dreg:$0x16] =	wrdreg s11  }
0x19: {  	s21 =	sadd.s32 $0x50, s6;
	[dreg:$0x17] =	wrdreg s20  }
0x1a: {  	s22 =	sadd.s32 $0x60, s6;
	[dreg:$0x18] =	wrdreg s21  }
0x1b: {  	s7 =	sadd.s32 $0x70, s5;
	s20 =	sadd.s32 $0x180, s17;
	[dreg:$0x19] =	wrdreg s22  }
0x1c: {  	s8 =	sadd.s32 $0x70, s6;
	[dreg:$0x14] =	wrdreg s7;
	s7 =	ssub.s32 s20, s12  }
0x1d: {  	[dreg:$0x1a] =	wrdreg s8;
	s23 =	sadd.s32 $0x20, s7  }
0x1e: {  	s24 =	sadd.s32 $0x30, s7;
	[dreg:$0x1b] =	wrdreg s23  }
0x1f: {  	s25 =	sadd.s32 $0x40, s7;
	[dreg:$0x1c] =	wrdreg s24  }
0x20: {  	s21 =	sadd.s32 $0x200, s17;
	s26 =	sadd.s32 $0x50, s7;
	[dreg:$0x1d] =	wrdreg s25  }
0x21: {  	s8 =	ssub.s32 s21, s12;
	s9 =	sadd.s32 $0x60, s7;
	[dreg:$0x1e] =	wrdreg s26  }
0x22: {  	s10 =	sadd.s32 $0x20, s8;
	[dreg:$0x1f] =	wrdreg s9  }
0x23: {  	s11 =	sadd.s32 $0x30, s8;
	[smem:$0x7B9] =	sst s10  }
0x24: {  	s22 =	sadd.s32 $0x40, s8;
	[smem:$0x7BA] =	sst s11  }
0x25: {  	s9 =	sadd.s32 $0x70, s7;
	[smem:$0x7BB] =	sst s22  }
0x26: {  	s23 =	sadd.s32 $0x50, s8;
	[smem:$0x7B8] =	sst s9  }
0x27: {  	s24 =	sadd.s32 $0x60, s8;
	s22 =	sadd.s32 $0x280, s17;
	[smem:$0x7BC] =	sst s23  }
0x28: {  	s10 =	sadd.s32 $0x70, s8;
	[smem:$0x7BD] =	sst s24;
	s9 =	ssub.s32 s22, s12  }
0x29: {  	[smem:$0x7BE] =	sst s10;
	s25 =	sadd.s32 $0x20, s9  }
0x2a: {  	s26 =	sadd.s32 $0x30, s9;
	[smem:$0x7BF] =	sst s25  }
0x2b: {  	s11 =	sadd.s32 $0x40, s9;
	[smem:$0x7C0] =	sst s26  }
0x2c: {  	s23 =	sadd.s32 $0x50, s9;
	[smem:$0x7C1] =	sst s11;
	s11 =	smin.u32 s17, $0x4AA0  }
0x2d: {  	s24 =	sadd.s32 $0x60, s9;
	[smem:$0x7C2] =	sst s23;
	s23 =	sadd.s32 $0x300, s11  }
0x2e: {  	[smem:$0x7C3] =	sst s24;
	s25 =	sadd.s32 $0x70, s9;
	s10 =	ssub.s32 s23, s12  }
0x2f: {  	[smem:$0x7C4] =	sst s25;
	s26 =	sadd.s32 $0x20, s10  }
0x30: {  	s24 =	sadd.s32 $0x30, s10;
	[smem:$0x7C5] =	sst s26  }
0x31: {  	s25 =	sadd.s32 $0x40, s10;
	[smem:$0x7C6] =	sst s24  }
0x32: {  	[smem:$0x7C7] =	sst s25;
	s26 =	sadd.s32 $0x50, s10;
	s24 =	smin.u32 s17, $0x4A20  }
0x33: {  	s25 =	sadd.s32 $0x60, s10;
	[smem:$0x7C8] =	sst s26;
	s24 =	sadd.s32 $0x380, s24  }
0x34: {  	[smem:$0x7C9] =	sst s25;
	s25 =	sadd.s32 $0x70, s10;
	s11 =	ssub.s32 s24, s12  }
0x35: {  	[smem:$0x7CA] =	sst s25;
	s26 =	sadd.s32 $0x20, s11  }
0x36: {  	s25 =	sadd.s32 $0x50, s11;
	[smem:$0x7CB] =	sst s26  }
0x37: {  	s26 =	sadd.s32 $0x30, s11;
	[smem:$0x7CE] =	sst s25  }
0x38: {  	[smem:$0x7CC] =	sst s26;
	s26 =	sadd.s32 $0x40, s11  }
0x39: {  	[smem:$0x7CD] =	sst s26;
	s26 =	smin.u32 s17, $0x49A0  }
0x3a: {  	s17 =	sadd.s32 s15, s17;
	s25 =	sadd.s32 $0x400, s26;
	s26 =	sadd.s32 $0x60, s11  }
0x3b: {  	s17 =	sshll.u32 s17, $0x4;
	[smem:$0x7CF] =	sst s26;
	s26 =	sadd.s32 $0x70, s11  }
0x3c: {  	s12 =	ssub.s32 s25, s12;
	s17 =	sadd.s32 s14, s17;
	[smem:$0x7D0] =	sst s26  }
0x3d: {  	s26 =	sadd.s32 $0x20, s12;
	[smem:$0x7D7] =	sst s17  }
0x3e: {  	[smem:$0x7D1] =	sst s26;
	s26 =	sadd.s32 $0x30, s12  }
0x3f: {  	s18 =	sadd.s32 s15, s18;
	[smem:$0x7D2] =	sst s26;
	s26 =	sadd.s32 $0x40, s12  }
0x40: {  	s19 =	sadd.s32 s15, s19;
	[smem:$0x7D3] =	sst s26;
	s26 =	sadd.s32 $0x50, s12  }
0x41: {  	s18 =	sshll.u32 s18, $0x4;
	[smem:$0x7D4] =	sst s26;
	s26 =	sadd.s32 $0x60, s12  }
0x42: {  	s17 =	sadd.s32 s14, s18;
	[smem:$0x7D5] =	sst s26;
	s26 =	sadd.s32 $0x70, s12  }
0x43: {  	s18 =	sshll.u32 s19, $0x4;
	[smem:$0x7D6] =	sst s26;
	s26 =	sadd.s32 s15, s20  }
0x44: {  	s23 =	sadd.s32 s15, s23;
	s20 =	sadd.s32 s14, s18;
	s26 =	sshll.u32 s26, $0x4  }
0x45: {  	[smem:$0x7D9] =	sst s20;
	s20 =	sadd.s32 s15, s21;
	s21 =	sadd.s32 s15, s22  }
0x46: {  	[smem:$0x7D8] =	sst s17;
	s18 =	sadd.s32 s14, s26;
	s22 =	sshll.u32 s21, $0x4  }
0x47: {  	s26 =	sadd.s32 s15, s24;
	s21 =	simm.s32 $0x1200;
	[smem:$0x7DA] =	sst s18  }
0x48: {  	s15 =	sadd.s32 s15, s25;
	s25 =	simm.s32 $0x1300;
	[smem:$0x7E4] =	sst s21  }
0x49: {  	s18 =	sshll.u32 s20, $0x4;
	[smem:$0x7E8] =	sst s25;
	s21 =	simm.s32 $0xC80  }
0x4a: {  	s20 =	sshll.u32 s23, $0x4;
	s25 =	simm.s32 $0xD00;
	[smem:$0x7EE] =	sst s21  }
0x4b: {  	s23 =	sshll.u32 s26, $0x4;
	s18 =	sadd.s32 s14, s18;
	[smem:$0x7F2] =	sst s25  }
0x4c: {  	s15 =	sshll.u32 s15, $0x4;
	s24 =	sadd.s32 s14, s23;
	[smem:$0x7DB] =	sst s18  }
0x4d: {  	s15 =	sadd.s32 s14, s15;
	[smem:$0x7DE] =	sst s24  }
0x4e: {  	s23 =	simm.s32 $0x1280;
	[smem:$0x7DF] =	sst s15  }
0x4f: {  	s21 =	sor.u32 $0x10, s8;
	[smem:$0x7E6] =	sst s23  }
0x50: {  	s19 =	smul.u32 $0x3450, s28;
	s25 =	simm.s32 $0xE80;
	[smem:$0x7F7] =	sst s21  }
0x51: {  	s17 =	smul.u32 $0x34500, s1;
	s18 =	sadd.s32 s14, s22;
	[smem:$0x7FC] =	sst s25  }
0x52: {  	s16 =	sshll.u32 s16, $0x4;
	s22 =	sadd.s32 s14, s20;
	[smem:$0x7DC] =	sst s18  }
0x53: {  	s26 =	sadd.s32 s19, s17;
	s20 =	simm.s32 $0xA00;
	[smem:$0x7DD] =	sst s22  }
0x54: {  	s14 =	sadd.s32 s14, s16;
	s24 =	simm.s32 $0xB00;
	[smem:$0x7E3] =	sst s20  }
0x55: {  	s16 =	sshrl.u32 s26, $0x3;
	s26 =	simm.s32 $0xB80;
	[smem:$0x7E7] =	sst s24  }
0x56: {  	s15 =	simm.s32 $0x1380;
	[smem:$0x7E9] =	sst s26  }
0x57: {  	s23 =	simm.s32 $0x1480;
	[smem:$0x7EA] =	sst s15  }
0x58: {  	s14 =	sadd.s32 $0x4800, s14;
	[smem:$0x7F0] =	sst s23  }
0x59: {  	s13 =	sadd.s32 s13, s16;
	[smem:$0x7E0] =	sst s14  }
0x5a: {  	s18 =	simm.s32 $0x500;
	[smem:$0x7E1] =	sst s13  }
0x5b: {  	s29 =	simm.s32 $0x1A00;
	s22 =	simm.s32 $0xA80;
	[smem:$0x7E2] =	sst s18  }
0x5c: {  	s30 =	simm.s32 $0x5A00;
	s16 =	simm.s32 $0xC00;
	[smem:$0x7E5] =	sst s22  }
0x5d: {  	s31 =	simm.s32 $0x3;
	s20 =	simm.s32 $0x1400;
	[smem:$0x7EB] =	sst s16  }
0x5e: {  	s28 =	simm.s32 $0x1;
	s24 =	sor.u32 $0x10, s4;
	[smem:$0x7EC] =	sst s20  }
0x5f: {  	s1 =	ssub.s32 $0x2, s1;
	s26 =	sor.u32 $0x10, s5;
	[smem:$0x7EF] =	sst s24  }
0x60: {  	v0 =	vmov s17;
	s17 =	simm.s32 $0x7;
	s15 =	simm.s32 $0x1500;
	[smem:$0x7F1] =	sst s26  }
0x61: {  	s21 =	sor.u32 $0x10, s10;
	s23 =	sor.u32 $0x10, s9;
	[smem:$0x7F4] =	sst s15  }
0x62: {  	s25 =	simm.s32 $0x9A00;
	s22 =	sadd.s32 s19, s2;
	[smem:$0x7F9] =	sst s23  }
0x63: {  	s13 =	sadd.s32 $0x3800, s0;
	s16 =	sor.u32 $0x10, s6;
	[smem:$0x7ED] =	sst s22  }
0x64: {  	s18 =	sshrl.u32 s1, $0x1;
	s19 =	sor.u32 $0x10, s7;
	[smem:$0x7F3] =	sst s16  }
0x65: {  	s20 =	simm.s32 $0x1580;
	s24 =	simm.s32 $0x1600;
	[smem:$0x7F5] =	sst s19  }
0x66: {  	s26 =	simm.s32 $0x1680;
	s23 =	sor.u32 $0x10, s12;
	[smem:$0x7F8] =	sst s20  }
0x67: {  	s0 =	simm.s32 $0x5;
	s14 =	simm.s32 $0x4;
	[smem:$0x7FB] =	sst s24  }
0x68: {  	s1 =	ssub.s32 s1, s18;
	s18 =	simm.s32 $0xD80;
	[smem:$0x7FD] =	sst s26  }
0x69: {  	s15 =	simm.s32 $0x6;
	s22 =	simm.s32 $0xE00;
	[smem:$0x7F6] =	sst s18  }
0x6a: {  	s26 =	simm.s32 $0xCE80;
	s16 =	simm.s32 $0x2;
	[smem:$0x7FA] =	sst s22  }
0x6b: {  	s22 =	sor.u32 $0x10, s11;
	s24 =	smax.u32 s1, $0x1;
	s1 =	simm.s32 $0x80  }
.LBB2_1:
0x6c: {  	s18 =	rddreg [dreg:$0x5]  }
0x6d: {  	s19 =	rddreg [dreg:$0x6]  }
0x6e: {  	[tilespmem:s25], [sflag:$0x1] =	stream.linear.gather [hbm4b:s18+s3], $0x3480, $0x38;
	[tilespmem:$0x10350] =	vst v63  }
0x6f: {  	s20 =	sld [smem:$0x7E2]  }
0x70: {  	[tilespmem:s26], [sflag:$0x1] =	stream.linear.gather [hbm4b:s19+s3], $0x80, $0x38;
	[tilespmem:$0x10350] =	vst v63  }
0x71: {  	s18 =	rddreg [dreg:$0x7]  }
0x72: {  	[tilespmem:s3], [sflag:$0x1] =	stream.linear.gather [hbm4b:s18+s3], $0x500, $0x38;
	[tilespmem:$0x10350] =	vst v63  }
0x73: {  	s19 =	rddreg [dreg:$0x8]  }
0x74: {  	[tilespmem:s20], [sflag:$0x1] =	stream.linear.gather [hbm4b:s19+s3], $0x500, $0x38;
	[tilespmem:$0x10350] =	vst v63  }
0x75: {  	_ =	swait.ge [sflag:s28], $0x3480  }
0x76: {  	[sflag:s28] =	ssyncset.done $0x0  }
0x77: {  	[sflag:s28] =	ssyncadd.s32 $0xFFFFCB80  }
0x78: {  	_ =	swait.ge [sflag:s28], $0x80  }
0x79: {  	[sflag:s28] =	ssyncset.done $0x0  }
0x7a: {  	[sflag:s28] =	ssyncadd.s32 $0xFFFFFF80  }
0x7b: {  	_ =	swait.ge [sflag:s28], $0x500  }
0x7c: {  	[sflag:s28] =	ssyncset.done $0x0  }
0x7d: {  	[sflag:s28] =	ssyncadd.s32 $0xFFFFFB00  }
0x7e: {  	_ =	swait.ge [sflag:s28], $0x500  }
0x7f: {  	s20 =	sld [smem:$0x7ED]  }
0x80: {  	[sflag:s28] =	ssyncset.done $0x0  }
0x81: {  	[sflag:s28] =	ssyncadd.s32 $0xFFFFFB00  }
0x82: {  	[spmem:s20] =	stream.linear.scatter [tilespmem:s25], [sflag:$0x1], $0x3450, $0x38;
	[tilespmem:$0x10350] =	vst v63  }
0x83: {  	v1 =	vld [tilespmem:s4+$0x0];
	_ =	sdelay $0x1  }
0x84: {  	v2 =	vld [tilespmem:s4+$0x500];
	_ =	sdelay $0x2  }
0x85: {  	v1 =	vmul.u32 $0x1B0, v1;
	_ =	sdelay $0x1  }
0x86: {  	s19 =	sld [smem:$0x7EF];
	v1 =	vadd.s32 v2, v1  }
0x87: {  	[tilespmem:$0x1200] =	vst v1;
	v1 =	vadd.s32 v0, v1  }
0x88: {  	[tilespmem:$0xA00] =	vst v1  }
0x89: {  	v1 =	vld [tilespmem:s19+$0x0];
	_ =	sdelay $0x1  }
0x8a: {  	v2 =	vld [tilespmem:s19+$0x500];
	_ =	sdelay $0x2  }
0x8b: {  	v1 =	vmul.u32 $0x1B0, v1;
	_ =	sdelay $0x1  }
0x8c: {  	v1 =	vadd.s32 v2, v1  }
0x8d: {  	[tilespmem:$0x1210] =	vst v1;
	v1 =	vadd.s32 v0, v1  }
0x8e: {  	[tilespmem:$0xA10] =	vst v1  }
0x8f: {  	s18 =	rddreg [dreg:$0x9];
	v1 =	vld [tilespmem:s4+$0x20];
	_ =	sdelay $0x1  }
0x90: {  	v2 =	vld [tilespmem:s18+$0x500];
	_ =	sdelay $0x2  }
0x91: {  	v1 =	vmul.u32 $0x1B0, v1;
	_ =	sdelay $0x1  }
0x92: {  	v1 =	vadd.s32 v2, v1  }
0x93: {  	[tilespmem:$0x1220] =	vst v1;
	v1 =	vadd.s32 v0, v1  }
0x94: {  	[tilespmem:$0xA20] =	vst v1  }
0x95: {  	v1 =	vld [tilespmem:s4+$0x30]  }
0x96: {  	s19 =	rddreg [dreg:$0xa]  }
0x97: {  	v2 =	vld [tilespmem:s19+$0x500];
	_ =	sdelay $0x2  }
0x98: {  	v1 =	vmul.u32 $0x1B0, v1;
	_ =	sdelay $0x1  }
0x99: {  	v1 =	vadd.s32 v2, v1  }
0x9a: {  	[tilespmem:$0x1230] =	vst v1;
	v1 =	vadd.s32 v0, v1  }
0x9b: {  	[tilespmem:$0xA30] =	vst v1  }
0x9c: {  	v1 =	vld [tilespmem:s4+$0x40]  }
0x9d: {  	s19 =	rddreg [dreg:$0xb]  }
0x9e: {  	v2 =	vld [tilespmem:s19+$0x500];
	_ =	sdelay $0x2  }
0x9f: {  	v1 =	vmul.u32 $0x1B0, v1;
	_ =	sdelay $0x1  }
0xa0: {  	v1 =	vadd.s32 v2, v1  }
0xa1: {  	[tilespmem:$0x1240] =	vst v1;
	v1 =	vadd.s32 v0, v1  }
0xa2: {  	[tilespmem:$0xA40] =	vst v1  }
0xa3: {  	v1 =	vld [tilespmem:s4+$0x50]  }
0xa4: {  	s19 =	rddreg [dreg:$0xc]  }
0xa5: {  	v2 =	vld [tilespmem:s19+$0x500];
	_ =	sdelay $0x2  }
0xa6: {  	v1 =	vmul.u32 $0x1B0, v1;
	_ =	sdelay $0x1  }
0xa7: {  	v1 =	vadd.s32 v2, v1  }
0xa8: {  	[tilespmem:$0x1250] =	vst v1;
	v1 =	vadd.s32 v0, v1  }
0xa9: {  	[tilespmem:$0xA50] =	vst v1  }
0xaa: {  	v1 =	vld [tilespmem:s4+$0x60]  }
0xab: {  	s19 =	rddreg [dreg:$0xd]  }
0xac: {  	v2 =	vld [tilespmem:s19+$0x500];
	_ =	sdelay $0x2  }
0xad: {  	v1 =	vmul.u32 $0x1B0, v1;
	_ =	sdelay $0x1  }
0xae: {  	v1 =	vadd.s32 v2, v1  }
0xaf: {  	[tilespmem:$0x1260] =	vst v1;
	v1 =	vadd.s32 v0, v1  }
0xb0: {  	[tilespmem:$0xA60] =	vst v1  }
0xb1: {  	v1 =	vld [tilespmem:s4+$0x70]  }
0xb2: {  	s19 =	rddreg [dreg:$0xe]  }
0xb3: {  	v2 =	vld [tilespmem:s19+$0x500];
	_ =	sdelay $0x2  }
0xb4: {  	v1 =	vmul.u32 $0x1B0, v1;
	_ =	sdelay $0x1  }
0xb5: {  	v1 =	vadd.s32 v2, v1  }
0xb6: {  	[tilespmem:$0x1270] =	vst v1;
	v1 =	vadd.s32 v0, v1  }
0xb7: {  	[tilespmem:$0xA70] =	vst v1  }
0xb8: {  	v1 =	vld [tilespmem:s5+$0x0];
	_ =	sdelay $0x1  }
0xb9: {  	v2 =	vld [tilespmem:s5+$0x500];
	_ =	sdelay $0x2  }
0xba: {  	v1 =	vmul.u32 $0x1B0, v1;
	_ =	sdelay $0x1  }
0xbb: {  	s19 =	sld [smem:$0x7F1];
	v1 =	vadd.s32 v2, v1  }
0xbc: {  	[tilespmem:$0x1280] =	vst v1;
	v1 =	vadd.s32 v0, v1  }
0xbd: {  	[tilespmem:$0xA80] =	vst v1  }
0xbe: {  	v1 =	vld [tilespmem:s19+$0x0];
	_ =	sdelay $0x1  }
0xbf: {  	v2 =	vld [tilespmem:s19+$0x500];
	_ =	sdelay $0x2  }
0xc0: {  	v1 =	vmul.u32 $0x1B0, v1;
	_ =	sdelay $0x1  }
0xc1: {  	v1 =	vadd.s32 v2, v1  }
0xc2: {  	[tilespmem:$0x1290] =	vst v1;
	v1 =	vadd.s32 v0, v1  }
0xc3: {  	[tilespmem:$0xA90] =	vst v1  }
0xc4: {  	v1 =	vld [tilespmem:s5+$0x20]  }
0xc5: {  	s19 =	rddreg [dreg:$0xf]  }
0xc6: {  	v2 =	vld [tilespmem:s19+$0x500];
	_ =	sdelay $0x2  }
0xc7: {  	v1 =	vmul.u32 $0x1B0, v1;
	_ =	sdelay $0x1  }
0xc8: {  	v1 =	vadd.s32 v2, v1  }
0xc9: {  	[tilespmem:$0x12A0] =	vst v1;
	v1 =	vadd.s32 v0, v1  }
0xca: {  	[tilespmem:$0xAA0] =	vst v1  }
0xcb: {  	v1 =	vld [tilespmem:s5+$0x30]  }
0xcc: {  	s19 =	rddreg [dreg:$0x10]  }
0xcd: {  	v2 =	vld [tilespmem:s19+$0x500];
	_ =	sdelay $0x2  }
0xce: {  	v1 =	vmul.u32 $0x1B0, v1;
	_ =	sdelay $0x1  }
0xcf: {  	v1 =	vadd.s32 v2, v1  }
0xd0: {  	[tilespmem:$0x12B0] =	vst v1;
	v1 =	vadd.s32 v0, v1  }
0xd1: {  	[tilespmem:$0xAB0] =	vst v1  }
0xd2: {  	v1 =	vld [tilespmem:s5+$0x40]  }
0xd3: {  	s19 =	rddreg [dreg:$0x11]  }
0xd4: {  	v2 =	vld [tilespmem:s19+$0x500];
	_ =	sdelay $0x2  }
0xd5: {  	v1 =	vmul.u32 $0x1B0, v1;
	_ =	sdelay $0x1  }
0xd6: {  	v1 =	vadd.s32 v2, v1  }
0xd7: {  	[tilespmem:$0x12C0] =	vst v1;
	v1 =	vadd.s32 v0, v1  }
0xd8: {  	[tilespmem:$0xAC0] =	vst v1  }
0xd9: {  	v1 =	vld [tilespmem:s5+$0x50]  }
0xda: {  	s19 =	rddreg [dreg:$0x12]  }
0xdb: {  	v2 =	vld [tilespmem:s19+$0x500];
	_ =	sdelay $0x2  }
0xdc: {  	v1 =	vmul.u32 $0x1B0, v1;
	_ =	sdelay $0x1  }
0xdd: {  	v1 =	vadd.s32 v2, v1  }
0xde: {  	[tilespmem:$0x12D0] =	vst v1;
	v1 =	vadd.s32 v0, v1  }
0xdf: {  	[tilespmem:$0xAD0] =	vst v1  }
0xe0: {  	v1 =	vld [tilespmem:s5+$0x60]  }
0xe1: {  	s19 =	rddreg [dreg:$0x13]  }
0xe2: {  	v2 =	vld [tilespmem:s19+$0x500];
	_ =	sdelay $0x2  }
0xe3: {  	v1 =	vmul.u32 $0x1B0, v1;
	_ =	sdelay $0x1  }
0xe4: {  	v1 =	vadd.s32 v2, v1  }
0xe5: {  	[tilespmem:$0x12E0] =	vst v1;
	v1 =	vadd.s32 v0, v1  }
0xe6: {  	[tilespmem:$0xAE0] =	vst v1  }
0xe7: {  	v1 =	vld [tilespmem:s5+$0x70]  }
0xe8: {  	s19 =	rddreg [dreg:$0x14]  }
0xe9: {  	v2 =	vld [tilespmem:s19+$0x500];
	_ =	sdelay $0x2  }
0xea: {  	v1 =	vmul.u32 $0x1B0, v1;
	_ =	sdelay $0x1  }
0xeb: {  	v1 =	vadd.s32 v2, v1  }
0xec: {  	[tilespmem:$0x12F0] =	vst v1;
	v1 =	vadd.s32 v0, v1  }
0xed: {  	[tilespmem:$0xAF0] =	vst v1  }
0xee: {  	v1 =	vld [tilespmem:s6+$0x0];
	_ =	sdelay $0x1  }
0xef: {  	v2 =	vld [tilespmem:s6+$0x500];
	_ =	sdelay $0x2  }
0xf0: {  	v1 =	vmul.u32 $0x1B0, v1;
	_ =	sdelay $0x1  }
0xf1: {  	s19 =	sld [smem:$0x7F3];
	v1 =	vadd.s32 v2, v1  }
0xf2: {  	[tilespmem:$0x1300] =	vst v1;
	v1 =	vadd.s32 v0, v1  }
0xf3: {  	[tilespmem:$0xB00] =	vst v1  }
0xf4: {  	v1 =	vld [tilespmem:s19+$0x0];
	_ =	sdelay $0x1  }
0xf5: {  	v2 =	vld [tilespmem:s19+$0x500];
	_ =	sdelay $0x2  }
0xf6: {  	v1 =	vmul.u32 $0x1B0, v1;
	_ =	sdelay $0x1  }
0xf7: {  	v1 =	vadd.s32 v2, v1  }
0xf8: {  	[tilespmem:$0x1310] =	vst v1;
	v1 =	vadd.s32 v0, v1  }
0xf9: {  	[tilespmem:$0xB10] =	vst v1  }
0xfa: {  	v1 =	vld [tilespmem:s6+$0x20]  }
0xfb: {  	s19 =	rddreg [dreg:$0x15]  }
0xfc: {  	v2 =	vld [tilespmem:s19+$0x500];
	_ =	sdelay $0x2  }
0xfd: {  	v1 =	vmul.u32 $0x1B0, v1;
	_ =	sdelay $0x1  }
0xfe: {  	v1 =	vadd.s32 v2, v1  }
0xff: {  	[tilespmem:$0x1320] =	vst v1;
	v1 =	vadd.s32 v0, v1  }
0x100: {  	[tilespmem:$0xB20] =	vst v1  }
0x101: {  	v1 =	vld [tilespmem:s6+$0x30]  }
0x102: {  	s19 =	rddreg [dreg:$0x16]  }
0x103: {  	v2 =	vld [tilespmem:s19+$0x500];
	_ =	sdelay $0x2  }
0x104: {  	v1 =	vmul.u32 $0x1B0, v1;
	_ =	sdelay $0x1  }
0x105: {  	v1 =	vadd.s32 v2, v1  }
0x106: {  	[tilespmem:$0x1330] =	vst v1;
	v1 =	vadd.s32 v0, v1  }
0x107: {  	[tilespmem:$0xB30] =	vst v1  }
0x108: {  	v1 =	vld [tilespmem:s6+$0x40]  }
0x109: {  	s19 =	rddreg [dreg:$0x17]  }
0x10a: {  	v2 =	vld [tilespmem:s19+$0x500];
	_ =	sdelay $0x2  }
0x10b: {  	v1 =	vmul.u32 $0x1B0, v1;
	_ =	sdelay $0x1  }
0x10c: {  	v1 =	vadd.s32 v2, v1  }
0x10d: {  	[tilespmem:$0x1340] =	vst v1;
	v1 =	vadd.s32 v0, v1  }
0x10e: {  	[tilespmem:$0xB40] =	vst v1  }
0x10f: {  	v1 =	vld [tilespmem:s6+$0x50]  }
0x110: {  	s19 =	rddreg [dreg:$0x18]  }
0x111: {  	v2 =	vld [tilespmem:s19+$0x500];
	_ =	sdelay $0x2  }
0x112: {  	v1 =	vmul.u32 $0x1B0, v1;
	_ =	sdelay $0x1  }
0x113: {  	v1 =	vadd.s32 v2, v1  }
0x114: {  	[tilespmem:$0x1350] =	vst v1;
	v1 =	vadd.s32 v0, v1  }
0x115: {  	[tilespmem:$0xB50] =	vst v1  }
0x116: {  	v1 =	vld [tilespmem:s6+$0x60]  }
0x117: {  	s19 =	rddreg [dreg:$0x19]  }
0x118: {  	v2 =	vld [tilespmem:s19+$0x500];
	_ =	sdelay $0x2  }
0x119: {  	v1 =	vmul.u32 $0x1B0, v1;
	_ =	sdelay $0x1  }
0x11a: {  	v1 =	vadd.s32 v2, v1  }
0x11b: {  	[tilespmem:$0x1360] =	vst v1;
	v1 =	vadd.s32 v0, v1  }
0x11c: {  	[tilespmem:$0xB60] =	vst v1  }
0x11d: {  	v1 =	vld [tilespmem:s6+$0x70]  }
0x11e: {  	s19 =	rddreg [dreg:$0x1a]  }
0x11f: {  	v2 =	vld [tilespmem:s19+$0x500];
	_ =	sdelay $0x2  }
0x120: {  	v1 =	vmul.u32 $0x1B0, v1;
	_ =	sdelay $0x1  }
0x121: {  	v1 =	vadd.s32 v2, v1  }
0x122: {  	[tilespmem:$0x1370] =	vst v1;
	v1 =	vadd.s32 v0, v1  }
0x123: {  	[tilespmem:$0xB70] =	vst v1  }
0x124: {  	v1 =	vld [tilespmem:s7+$0x0];
	_ =	sdelay $0x1  }
0x125: {  	v2 =	vld [tilespmem:s7+$0x500];
	_ =	sdelay $0x2  }
0x126: {  	v1 =	vmul.u32 $0x1B0, v1;
	_ =	sdelay $0x1  }
0x127: {  	s19 =	sld [smem:$0x7F5];
	v1 =	vadd.s32 v2, v1  }
0x128: {  	[tilespmem:$0x1380] =	vst v1;
	v1 =	vadd.s32 v0, v1  }
0x129: {  	[tilespmem:$0xB80] =	vst v1  }
0x12a: {  	v1 =	vld [tilespmem:s19+$0x0];
	_ =	sdelay $0x1  }
0x12b: {  	v2 =	vld [tilespmem:s19+$0x500];
	_ =	sdelay $0x2  }
0x12c: {  	v1 =	vmul.u32 $0x1B0, v1;
	_ =	sdelay $0x1  }
0x12d: {  	v1 =	vadd.s32 v2, v1  }
0x12e: {  	[tilespmem:$0x1390] =	vst v1;
	v1 =	vadd.s32 v0, v1  }
0x12f: {  	[tilespmem:$0xB90] =	vst v1  }
0x130: {  	v1 =	vld [tilespmem:s7+$0x20]  }
0x131: {  	s19 =	rddreg [dreg:$0x1b]  }
0x132: {  	v2 =	vld [tilespmem:s19+$0x500];
	_ =	sdelay $0x2  }
0x133: {  	v1 =	vmul.u32 $0x1B0, v1;
	_ =	sdelay $0x1  }
0x134: {  	v1 =	vadd.s32 v2, v1  }
0x135: {  	[tilespmem:$0x13A0] =	vst v1;
	v1 =	vadd.s32 v0, v1  }
0x136: {  	[tilespmem:$0xBA0] =	vst v1  }
0x137: {  	v1 =	vld [tilespmem:s7+$0x30]  }
0x138: {  	s19 =	rddreg [dreg:$0x1c]  }
0x139: {  	v2 =	vld [tilespmem:s19+$0x500];
	_ =	sdelay $0x2  }
0x13a: {  	v1 =	vmul.u32 $0x1B0, v1;
	_ =	sdelay $0x1  }
0x13b: {  	v1 =	vadd.s32 v2, v1  }
0x13c: {  	[tilespmem:$0x13B0] =	vst v1;
	v1 =	vadd.s32 v0, v1  }
0x13d: {  	[tilespmem:$0xBB0] =	vst v1  }
0x13e: {  	v1 =	vld [tilespmem:s7+$0x40]  }
0x13f: {  	s19 =	rddreg [dreg:$0x1d]  }
0x140: {  	v2 =	vld [tilespmem:s19+$0x500];
	_ =	sdelay $0x2  }
0x141: {  	v1 =	vmul.u32 $0x1B0, v1;
	_ =	sdelay $0x1  }
0x142: {  	v1 =	vadd.s32 v2, v1  }
0x143: {  	[tilespmem:$0x13C0] =	vst v1;
	v1 =	vadd.s32 v0, v1  }
0x144: {  	[tilespmem:$0xBC0] =	vst v1  }
0x145: {  	v1 =	vld [tilespmem:s7+$0x50]  }
0x146: {  	s19 =	rddreg [dreg:$0x1e]  }
0x147: {  	v2 =	vld [tilespmem:s19+$0x500];
	_ =	sdelay $0x2  }
0x148: {  	v1 =	vmul.u32 $0x1B0, v1;
	_ =	sdelay $0x1  }
0x149: {  	v1 =	vadd.s32 v2, v1  }
0x14a: {  	[tilespmem:$0x13D0] =	vst v1;
	v1 =	vadd.s32 v0, v1  }
0x14b: {  	[tilespmem:$0xBD0] =	vst v1  }
0x14c: {  	v1 =	vld [tilespmem:s7+$0x60]  }
0x14d: {  	s19 =	rddreg [dreg:$0x1f]  }
0x14e: {  	v2 =	vld [tilespmem:s19+$0x500];
	_ =	sdelay $0x2  }
0x14f: {  	v1 =	vmul.u32 $0x1B0, v1;
	_ =	sdelay $0x1  }
0x150: {  	v1 =	vadd.s32 v2, v1  }
0x151: {  	[tilespmem:$0x13E0] =	vst v1;
	v1 =	vadd.s32 v0, v1  }
0x152: {  	s19 =	sld [smem:$0x7B8];
	[tilespmem:$0xBE0] =	vst v1  }
0x153: {  	v1 =	vld [tilespmem:s7+$0x70];
	_ =	sdelay $0x1  }
0x154: {  	v2 =	vld [tilespmem:s19+$0x500];
	_ =	sdelay $0x2  }
0x155: {  	v1 =	vmul.u32 $0x1B0, v1;
	_ =	sdelay $0x1  }
0x156: {  	v1 =	vadd.s32 v2, v1  }
0x157: {  	[tilespmem:$0x13F0] =	vst v1;
	v1 =	vadd.s32 v0, v1  }
0x158: {  	[tilespmem:$0xBF0] =	vst v1  }
0x159: {  	v1 =	vld [tilespmem:s8+$0x0];
	_ =	sdelay $0x1  }
0x15a: {  	v2 =	vld [tilespmem:s8+$0x500];
	_ =	sdelay $0x2  }
0x15b: {  	v1 =	vmul.u32 $0x1B0, v1;
	_ =	sdelay $0x1  }
0x15c: {  	s19 =	sld [smem:$0x7F7];
	v1 =	vadd.s32 v2, v1  }
0x15d: {  	[tilespmem:$0x1400] =	vst v1;
	v1 =	vadd.s32 v0, v1  }
0x15e: {  	[tilespmem:$0xC00] =	vst v1  }
0x15f: {  	v1 =	vld [tilespmem:s19+$0x0];
	_ =	sdelay $0x1  }
0x160: {  	v2 =	vld [tilespmem:s19+$0x500];
	_ =	sdelay $0x2  }
0x161: {  	v1 =	vmul.u32 $0x1B0, v1;
	_ =	sdelay $0x1  }
0x162: {  	v1 =	vadd.s32 v2, v1  }
0x163: {  	[tilespmem:$0x1410] =	vst v1;
	v1 =	vadd.s32 v0, v1  }
0x164: {  	s19 =	sld [smem:$0x7B9];
	[tilespmem:$0xC10] =	vst v1  }
0x165: {  	v1 =	vld [tilespmem:s8+$0x20];
	_ =	sdelay $0x1  }
0x166: {  	v2 =	vld [tilespmem:s19+$0x500];
	_ =	sdelay $0x2  }
0x167: {  	v1 =	vmul.u32 $0x1B0, v1;
	_ =	sdelay $0x1  }
0x168: {  	v1 =	vadd.s32 v2, v1  }
0x169: {  	[tilespmem:$0x1420] =	vst v1;
	v1 =	vadd.s32 v0, v1  }
0x16a: {  	s19 =	sld [smem:$0x7BA];
	[tilespmem:$0xC20] =	vst v1  }
0x16b: {  	v1 =	vld [tilespmem:s8+$0x30];
	_ =	sdelay $0x1  }
0x16c: {  	v2 =	vld [tilespmem:s19+$0x500];
	_ =	sdelay $0x2  }
0x16d: {  	v1 =	vmul.u32 $0x1B0, v1;
	_ =	sdelay $0x1  }
0x16e: {  	v1 =	vadd.s32 v2, v1  }
0x16f: {  	[tilespmem:$0x1430] =	vst v1;
	v1 =	vadd.s32 v0, v1  }
0x170: {  	s19 =	sld [smem:$0x7BB];
	[tilespmem:$0xC30] =	vst v1  }
0x171: {  	v1 =	vld [tilespmem:s8+$0x40];
	_ =	sdelay $0x1  }
0x172: {  	v2 =	vld [tilespmem:s19+$0x500];
	_ =	sdelay $0x2  }
0x173: {  	v1 =	vmul.u32 $0x1B0, v1;
	_ =	sdelay $0x1  }
0x174: {  	v1 =	vadd.s32 v2, v1  }
0x175: {  	[tilespmem:$0x1440] =	vst v1;
	v1 =	vadd.s32 v0, v1  }
0x176: {  	s19 =	sld [smem:$0x7BC];
	[tilespmem:$0xC40] =	vst v1  }
0x177: {  	v1 =	vld [tilespmem:s8+$0x50];
	_ =	sdelay $0x1  }
0x178: {  	v2 =	vld [tilespmem:s19+$0x500];
	_ =	sdelay $0x2  }
0x179: {  	v1 =	vmul.u32 $0x1B0, v1;
	_ =	sdelay $0x1  }
0x17a: {  	v1 =	vadd.s32 v2, v1  }
0x17b: {  	[tilespmem:$0x1450] =	vst v1;
	v1 =	vadd.s32 v0, v1  }
0x17c: {  	s19 =	sld [smem:$0x7BD];
	[tilespmem:$0xC50] =	vst v1  }
0x17d: {  	v1 =	vld [tilespmem:s8+$0x60];
	_ =	sdelay $0x1  }
0x17e: {  	v2 =	vld [tilespmem:s19+$0x500];
	_ =	sdelay $0x2  }
0x17f: {  	v1 =	vmul.u32 $0x1B0, v1;
	_ =	sdelay $0x1  }
0x180: {  	v1 =	vadd.s32 v2, v1  }
0x181: {  	[tilespmem:$0x1460] =	vst v1;
	v1 =	vadd.s32 v0, v1  }
0x182: {  	s19 =	sld [smem:$0x7BE];
	[tilespmem:$0xC60] =	vst v1  }
0x183: {  	v1 =	vld [tilespmem:s8+$0x70];
	_ =	sdelay $0x1  }
0x184: {  	v2 =	vld [tilespmem:s19+$0x500];
	_ =	sdelay $0x2  }
0x185: {  	v1 =	vmul.u32 $0x1B0, v1;
	_ =	sdelay $0x1  }
0x186: {  	v1 =	vadd.s32 v2, v1  }
0x187: {  	[tilespmem:$0x1470] =	vst v1;
	v1 =	vadd.s32 v0, v1  }
0x188: {  	[tilespmem:$0xC70] =	vst v1  }
0x189: {  	v1 =	vld [tilespmem:s9+$0x0];
	_ =	sdelay $0x1  }
0x18a: {  	v2 =	vld [tilespmem:s9+$0x500];
	_ =	sdelay $0x2  }
0x18b: {  	v1 =	vmul.u32 $0x1B0, v1;
	_ =	sdelay $0x1  }
0x18c: {  	s19 =	sld [smem:$0x7F9];
	v1 =	vadd.s32 v2, v1  }
0x18d: {  	[tilespmem:$0x1480] =	vst v1;
	v1 =	vadd.s32 v0, v1  }
0x18e: {  	[tilespmem:$0xC80] =	vst v1  }
0x18f: {  	v1 =	vld [tilespmem:s19+$0x0];
	_ =	sdelay $0x1  }
0x190: {  	v2 =	vld [tilespmem:s19+$0x500];
	_ =	sdelay $0x2  }
0x191: {  	v1 =	vmul.u32 $0x1B0, v1;
	_ =	sdelay $0x1  }
0x192: {  	v1 =	vadd.s32 v2, v1  }
0x193: {  	[tilespmem:$0x1490] =	vst v1;
	v1 =	vadd.s32 v0, v1  }
0x194: {  	s19 =	sld [smem:$0x7BF];
	[tilespmem:$0xC90] =	vst v1  }
0x195: {  	v1 =	vld [tilespmem:s9+$0x20];
	_ =	sdelay $0x1  }
0x196: {  	v2 =	vld [tilespmem:s19+$0x500];
	_ =	sdelay $0x2  }
0x197: {  	v1 =	vmul.u32 $0x1B0, v1;
	_ =	sdelay $0x1  }
0x198: {  	v1 =	vadd.s32 v2, v1  }
0x199: {  	[tilespmem:$0x14A0] =	vst v1;
	v1 =	vadd.s32 v0, v1  }
0x19a: {  	s19 =	sld [smem:$0x7C0];
	[tilespmem:$0xCA0] =	vst v1  }
0x19b: {  	v1 =	vld [tilespmem:s9+$0x30];
	_ =	sdelay $0x1  }
0x19c: {  	v2 =	vld [tilespmem:s19+$0x500];
	_ =	sdelay $0x2  }
0x19d: {  	v1 =	vmul.u32 $0x1B0, v1;
	_ =	sdelay $0x1  }
0x19e: {  	v1 =	vadd.s32 v2, v1  }
0x19f: {  	[tilespmem:$0x14B0] =	vst v1;
	v1 =	vadd.s32 v0, v1  }
0x1a0: {  	s19 =	sld [smem:$0x7C1];
	[tilespmem:$0xCB0] =	vst v1  }
0x1a1: {  	v1 =	vld [tilespmem:s9+$0x40];
	_ =	sdelay $0x1  }
0x1a2: {  	v2 =	vld [tilespmem:s19+$0x500];
	_ =	sdelay $0x2  }
0x1a3: {  	v1 =	vmul.u32 $0x1B0, v1;
	_ =	sdelay $0x1  }
0x1a4: {  	v1 =	vadd.s32 v2, v1  }
0x1a5: {  	[tilespmem:$0x14C0] =	vst v1;
	v1 =	vadd.s32 v0, v1  }
0x1a6: {  	s19 =	sld [smem:$0x7C2];
	[tilespmem:$0xCC0] =	vst v1  }
0x1a7: {  	v1 =	vld [tilespmem:s9+$0x50];
	_ =	sdelay $0x1  }
0x1a8: {  	v2 =	vld [tilespmem:s19+$0x500];
	_ =	sdelay $0x2  }
0x1a9: {  	v1 =	vmul.u32 $0x1B0, v1;
	_ =	sdelay $0x1  }
0x1aa: {  	v1 =	vadd.s32 v2, v1  }
0x1ab: {  	[tilespmem:$0x14D0] =	vst v1;
	v1 =	vadd.s32 v0, v1  }
0x1ac: {  	s19 =	sld [smem:$0x7C3];
	[tilespmem:$0xCD0] =	vst v1  }
0x1ad: {  	v1 =	vld [tilespmem:s9+$0x60];
	_ =	sdelay $0x1  }
0x1ae: {  	v2 =	vld [tilespmem:s19+$0x500];
	_ =	sdelay $0x2  }
0x1af: {  	v1 =	vmul.u32 $0x1B0, v1;
	_ =	sdelay $0x1  }
0x1b0: {  	v1 =	vadd.s32 v2, v1  }
0x1b1: {  	[tilespmem:$0x14E0] =	vst v1;
	v1 =	vadd.s32 v0, v1  }
0x1b2: {  	s19 =	sld [smem:$0x7C4];
	[tilespmem:$0xCE0] =	vst v1  }
0x1b3: {  	v1 =	vld [tilespmem:s9+$0x70];
	_ =	sdelay $0x1  }
0x1b4: {  	v2 =	vld [tilespmem:s19+$0x500];
	_ =	sdelay $0x2  }
0x1b5: {  	v1 =	vmul.u32 $0x1B0, v1;
	_ =	sdelay $0x1  }
0x1b6: {  	v1 =	vadd.s32 v2, v1  }
0x1b7: {  	[tilespmem:$0x14F0] =	vst v1;
	v1 =	vadd.s32 v0, v1  }
0x1b8: {  	[tilespmem:$0xCF0] =	vst v1  }
0x1b9: {  	v1 =	vld [tilespmem:s10+$0x0];
	_ =	sdelay $0x1  }
0x1ba: {  	v2 =	vld [tilespmem:s10+$0x500];
	_ =	sdelay $0x2  }
0x1bb: {  	v1 =	vmul.u32 $0x1B0, v1;
	_ =	sdelay $0x1  }
0x1bc: {  	v1 =	vadd.s32 v2, v1  }
0x1bd: {  	[tilespmem:$0x1500] =	vst v1;
	v1 =	vadd.s32 v0, v1  }
0x1be: {  	[tilespmem:$0xD00] =	vst v1  }
0x1bf: {  	v1 =	vld [tilespmem:s21+$0x0];
	_ =	sdelay $0x1  }
0x1c0: {  	v2 =	vld [tilespmem:s21+$0x500];
	_ =	sdelay $0x2  }
0x1c1: {  	v1 =	vmul.u32 $0x1B0, v1;
	_ =	sdelay $0x1  }
0x1c2: {  	v1 =	vadd.s32 v2, v1  }
0x1c3: {  	[tilespmem:$0x1510] =	vst v1;
	v1 =	vadd.s32 v0, v1  }
0x1c4: {  	s19 =	sld [smem:$0x7C5];
	[tilespmem:$0xD10] =	vst v1  }
0x1c5: {  	v1 =	vld [tilespmem:s10+$0x20];
	_ =	sdelay $0x1  }
0x1c6: {  	v2 =	vld [tilespmem:s19+$0x500];
	_ =	sdelay $0x2  }
0x1c7: {  	v1 =	vmul.u32 $0x1B0, v1;
	_ =	sdelay $0x1  }
0x1c8: {  	v1 =	vadd.s32 v2, v1  }
0x1c9: {  	[tilespmem:$0x1520] =	vst v1;
	v1 =	vadd.s32 v0, v1  }
0x1ca: {  	s19 =	sld [smem:$0x7C6];
	[tilespmem:$0xD20] =	vst v1  }
0x1cb: {  	v1 =	vld [tilespmem:s10+$0x30];
	_ =	sdelay $0x1  }
0x1cc: {  	v2 =	vld [tilespmem:s19+$0x500];
	_ =	sdelay $0x2  }
0x1cd: {  	v1 =	vmul.u32 $0x1B0, v1;
	_ =	sdelay $0x1  }
0x1ce: {  	v1 =	vadd.s32 v2, v1  }
0x1cf: {  	[tilespmem:$0x1530] =	vst v1;
	v1 =	vadd.s32 v0, v1  }
0x1d0: {  	s19 =	sld [smem:$0x7C7];
	[tilespmem:$0xD30] =	vst v1  }
0x1d1: {  	v1 =	vld [tilespmem:s10+$0x40];
	_ =	sdelay $0x1  }
0x1d2: {  	v2 =	vld [tilespmem:s19+$0x500];
	_ =	sdelay $0x2  }
0x1d3: {  	v1 =	vmul.u32 $0x1B0, v1;
	_ =	sdelay $0x1  }
0x1d4: {  	v1 =	vadd.s32 v2, v1  }
0x1d5: {  	[tilespmem:$0x1540] =	vst v1;
	v1 =	vadd.s32 v0, v1  }
0x1d6: {  	s19 =	sld [smem:$0x7C8];
	[tilespmem:$0xD40] =	vst v1  }
0x1d7: {  	v1 =	vld [tilespmem:s10+$0x50];
	_ =	sdelay $0x1  }
0x1d8: {  	v2 =	vld [tilespmem:s19+$0x500];
	_ =	sdelay $0x2  }
0x1d9: {  	v1 =	vmul.u32 $0x1B0, v1;
	_ =	sdelay $0x1  }
0x1da: {  	v1 =	vadd.s32 v2, v1  }
0x1db: {  	[tilespmem:$0x1550] =	vst v1;
	v1 =	vadd.s32 v0, v1  }
0x1dc: {  	s19 =	sld [smem:$0x7C9];
	[tilespmem:$0xD50] =	vst v1  }
0x1dd: {  	v1 =	vld [tilespmem:s10+$0x60];
	_ =	sdelay $0x1  }
0x1de: {  	v2 =	vld [tilespmem:s19+$0x500];
	_ =	sdelay $0x2  }
0x1df: {  	v1 =	vmul.u32 $0x1B0, v1;
	_ =	sdelay $0x1  }
0x1e0: {  	v1 =	vadd.s32 v2, v1  }
0x1e1: {  	[tilespmem:$0x1560] =	vst v1;
	v1 =	vadd.s32 v0, v1  }
0x1e2: {  	s19 =	sld [smem:$0x7CA];
	[tilespmem:$0xD60] =	vst v1  }
0x1e3: {  	v1 =	vld [tilespmem:s10+$0x70];
	_ =	sdelay $0x1  }
0x1e4: {  	v2 =	vld [tilespmem:s19+$0x500];
	_ =	sdelay $0x2  }
0x1e5: {  	v1 =	vmul.u32 $0x1B0, v1;
	_ =	sdelay $0x1  }
0x1e6: {  	v1 =	vadd.s32 v2, v1  }
0x1e7: {  	[tilespmem:$0x1570] =	vst v1;
	v1 =	vadd.s32 v0, v1  }
0x1e8: {  	[tilespmem:$0xD70] =	vst v1  }
0x1e9: {  	v1 =	vld [tilespmem:s11+$0x0];
	_ =	sdelay $0x1  }
0x1ea: {  	v2 =	vld [tilespmem:s11+$0x500];
	_ =	sdelay $0x2  }
0x1eb: {  	v1 =	vmul.u32 $0x1B0, v1;
	_ =	sdelay $0x1  }
0x1ec: {  	v1 =	vadd.s32 v2, v1  }
0x1ed: {  	[tilespmem:$0x1580] =	vst v1;
	v1 =	vadd.s32 v0, v1  }
0x1ee: {  	[tilespmem:$0xD80] =	vst v1  }
0x1ef: {  	v1 =	vld [tilespmem:s22+$0x0];
	_ =	sdelay $0x1  }
0x1f0: {  	v2 =	vld [tilespmem:s22+$0x500];
	_ =	sdelay $0x2  }
0x1f1: {  	v1 =	vmul.u32 $0x1B0, v1;
	_ =	sdelay $0x1  }
0x1f2: {  	v1 =	vadd.s32 v2, v1  }
0x1f3: {  	[tilespmem:$0x1590] =	vst v1;
	v1 =	vadd.s32 v0, v1  }
0x1f4: {  	s19 =	sld [smem:$0x7CB];
	[tilespmem:$0xD90] =	vst v1  }
0x1f5: {  	v1 =	vld [tilespmem:s11+$0x20];
	_ =	sdelay $0x1  }
0x1f6: {  	v2 =	vld [tilespmem:s19+$0x500];
	_ =	sdelay $0x2  }
0x1f7: {  	v1 =	vmul.u32 $0x1B0, v1;
	_ =	sdelay $0x1  }
0x1f8: {  	v1 =	vadd.s32 v2, v1  }
0x1f9: {  	[tilespmem:$0x15A0] =	vst v1;
	v1 =	vadd.s32 v0, v1  }
0x1fa: {  	s19 =	sld [smem:$0x7CC];
	[tilespmem:$0xDA0] =	vst v1  }
0x1fb: {  	v1 =	vld [tilespmem:s11+$0x30];
	_ =	sdelay $0x1  }
0x1fc: {  	v2 =	vld [tilespmem:s19+$0x500];
	_ =	sdelay $0x2  }
0x1fd: {  	v1 =	vmul.u32 $0x1B0, v1;
	_ =	sdelay $0x1  }
0x1fe: {  	v1 =	vadd.s32 v2, v1  }
0x1ff: {  	[tilespmem:$0x15B0] =	vst v1;
	v1 =	vadd.s32 v0, v1  }
0x200: {  	s19 =	sld [smem:$0x7CD];
	[tilespmem:$0xDB0] =	vst v1  }
0x201: {  	v1 =	vld [tilespmem:s11+$0x40];
	_ =	sdelay $0x1  }
0x202: {  	v2 =	vld [tilespmem:s19+$0x500];
	_ =	sdelay $0x2  }
0x203: {  	v1 =	vmul.u32 $0x1B0, v1;
	_ =	sdelay $0x1  }
0x204: {  	v1 =	vadd.s32 v2, v1  }
0x205: {  	[tilespmem:$0x15C0] =	vst v1;
	v1 =	vadd.s32 v0, v1  }
0x206: {  	s19 =	sld [smem:$0x7CE];
	[tilespmem:$0xDC0] =	vst v1  }
0x207: {  	v1 =	vld [tilespmem:s11+$0x50];
	_ =	sdelay $0x1  }
0x208: {  	v2 =	vld [tilespmem:s19+$0x500];
	_ =	sdelay $0x2  }
0x209: {  	v1 =	vmul.u32 $0x1B0, v1;
	_ =	sdelay $0x1  }
0x20a: {  	v1 =	vadd.s32 v2, v1  }
0x20b: {  	[tilespmem:$0x15D0] =	vst v1;
	v1 =	vadd.s32 v0, v1  }
0x20c: {  	s19 =	sld [smem:$0x7CF];
	[tilespmem:$0xDD0] =	vst v1  }
0x20d: {  	v1 =	vld [tilespmem:s11+$0x60];
	_ =	sdelay $0x1  }
0x20e: {  	v2 =	vld [tilespmem:s19+$0x500];
	_ =	sdelay $0x2  }
0x20f: {  	v1 =	vmul.u32 $0x1B0, v1;
	_ =	sdelay $0x1  }
0x210: {  	v1 =	vadd.s32 v2, v1  }
0x211: {  	[tilespmem:$0x15E0] =	vst v1;
	v1 =	vadd.s32 v0, v1  }
0x212: {  	s19 =	sld [smem:$0x7D0];
	[tilespmem:$0xDE0] =	vst v1  }
0x213: {  	v1 =	vld [tilespmem:s11+$0x70];
	_ =	sdelay $0x1  }
0x214: {  	v2 =	vld [tilespmem:s19+$0x500];
	_ =	sdelay $0x2  }
0x215: {  	v1 =	vmul.u32 $0x1B0, v1;
	_ =	sdelay $0x1  }
0x216: {  	v1 =	vadd.s32 v2, v1  }
0x217: {  	[tilespmem:$0x15F0] =	vst v1;
	v1 =	vadd.s32 v0, v1  }
0x218: {  	[tilespmem:$0xDF0] =	vst v1  }
0x219: {  	v1 =	vld [tilespmem:s12+$0x0];
	_ =	sdelay $0x1  }
0x21a: {  	v2 =	vld [tilespmem:s12+$0x500];
	_ =	sdelay $0x2  }
0x21b: {  	v1 =	vmul.u32 $0x1B0, v1;
	_ =	sdelay $0x1  }
0x21c: {  	v1 =	vadd.s32 v2, v1  }
0x21d: {  	[tilespmem:$0x1600] =	vst v1;
	v1 =	vadd.s32 v0, v1  }
0x21e: {  	[tilespmem:$0xE00] =	vst v1  }
0x21f: {  	v1 =	vld [tilespmem:s23+$0x0];
	_ =	sdelay $0x1  }
0x220: {  	v2 =	vld [tilespmem:s23+$0x500];
	_ =	sdelay $0x2  }
0x221: {  	v1 =	vmul.u32 $0x1B0, v1;
	_ =	sdelay $0x1  }
0x222: {  	v1 =	vadd.s32 v2, v1  }
0x223: {  	[tilespmem:$0x1610] =	vst v1;
	v1 =	vadd.s32 v0, v1  }
0x224: {  	s19 =	sld [smem:$0x7D1];
	[tilespmem:$0xE10] =	vst v1  }
0x225: {  	v1 =	vld [tilespmem:s12+$0x20];
	_ =	sdelay $0x1  }
0x226: {  	v2 =	vld [tilespmem:s19+$0x500];
	_ =	sdelay $0x2  }
0x227: {  	v1 =	vmul.u32 $0x1B0, v1;
	_ =	sdelay $0x1  }
0x228: {  	v1 =	vadd.s32 v2, v1  }
0x229: {  	[tilespmem:$0x1620] =	vst v1;
	v1 =	vadd.s32 v0, v1  }
0x22a: {  	s19 =	sld [smem:$0x7D2];
	[tilespmem:$0xE20] =	vst v1  }
0x22b: {  	v1 =	vld [tilespmem:s12+$0x30];
	_ =	sdelay $0x1  }
0x22c: {  	v2 =	vld [tilespmem:s19+$0x500];
	_ =	sdelay $0x2  }
0x22d: {  	v1 =	vmul.u32 $0x1B0, v1;
	_ =	sdelay $0x1  }
0x22e: {  	v1 =	vadd.s32 v2, v1  }
0x22f: {  	[tilespmem:$0x1630] =	vst v1;
	v1 =	vadd.s32 v0, v1  }
0x230: {  	s19 =	sld [smem:$0x7D3];
	[tilespmem:$0xE30] =	vst v1  }
0x231: {  	v1 =	vld [tilespmem:s12+$0x40];
	_ =	sdelay $0x1  }
0x232: {  	v2 =	vld [tilespmem:s19+$0x500];
	_ =	sdelay $0x2  }
0x233: {  	v1 =	vmul.u32 $0x1B0, v1;
	_ =	sdelay $0x1  }
0x234: {  	v1 =	vadd.s32 v2, v1  }
0x235: {  	[tilespmem:$0x1640] =	vst v1;
	v1 =	vadd.s32 v0, v1  }
0x236: {  	s19 =	sld [smem:$0x7D4];
	[tilespmem:$0xE40] =	vst v1  }
0x237: {  	v1 =	vld [tilespmem:s12+$0x50];
	_ =	sdelay $0x1  }
0x238: {  	v2 =	vld [tilespmem:s19+$0x500];
	_ =	sdelay $0x2  }
0x239: {  	v1 =	vmul.u32 $0x1B0, v1;
	_ =	sdelay $0x1  }
0x23a: {  	v1 =	vadd.s32 v2, v1  }
0x23b: {  	[tilespmem:$0x1650] =	vst v1;
	v1 =	vadd.s32 v0, v1  }
0x23c: {  	s19 =	sld [smem:$0x7D5];
	[tilespmem:$0xE50] =	vst v1  }
0x23d: {  	v1 =	vld [tilespmem:s12+$0x60];
	_ =	sdelay $0x1  }
0x23e: {  	v2 =	vld [tilespmem:s19+$0x500];
	_ =	sdelay $0x2  }
0x23f: {  	v1 =	vmul.u32 $0x1B0, v1;
	_ =	sdelay $0x1  }
0x240: {  	v1 =	vadd.s32 v2, v1  }
0x241: {  	[tilespmem:$0x1660] =	vst v1;
	v1 =	vadd.s32 v0, v1  }
0x242: {  	s19 =	sld [smem:$0x7D6];
	[tilespmem:$0xE60] =	vst v1  }
0x243: {  	v1 =	vld [tilespmem:s12+$0x70]  }
0x244: {  	v3 =	vld [tilespmem:$0x480]  }
0x245: {  	v2 =	vld [tilespmem:s19+$0x500]  }
0x246: {  	v4 =	vld [tilespmem:$0x980]  }
0x247: {  	v5 =	vld [tilespmem:$0x490]  }
0x248: {  	v6 =	vld [tilespmem:$0x990];
	v1 =	vmul.u32 $0x1B0, v1  }
0x249: {  	v7 =	vld [tilespmem:$0x4A0]  }
0x24a: {  	v8 =	vld [tilespmem:$0x4B0];
	v1 =	vadd.s32 v2, v1;
	v2 =	vmul.u32 $0x1B0, v3  }
0x24b: {  	v3 =	vld [tilespmem:$0x9A0];
	[tilespmem:$0x1670] =	vst v1;
	v1 =	vadd.s32 v0, v1  }
0x24c: {  	v56 =	vld [tilespmem:$0x9B0];
	[tilespmem:$0xE70] =	vst v1;
	v1 =	vadd.s32 v4, v2;
	v2 =	vmul.u32 $0x1B0, v5  }
0x24d: {  	v57 =	vld [tilespmem:$0x4C0];
	[tilespmem:$0x1680] =	vst v1;
	v1 =	vadd.s32 v0, v1  }
0x24e: {  	v58 =	vld [tilespmem:$0x9C0];
	[tilespmem:$0xE80] =	vst v1;
	v1 =	vadd.s32 v6, v2;
	v2 =	vmul.u32 $0x1B0, v7  }
0x24f: {  	v59 =	vld [tilespmem:$0x4D0];
	[tilespmem:$0x1690] =	vst v1;
	v1 =	vadd.s32 v0, v1  }
0x250: {  	v60 =	vld [tilespmem:$0x4E0];
	[tilespmem:$0xE90] =	vst v1;
	v1 =	vadd.s32 v3, v2;
	v2 =	vmul.u32 $0x1B0, v8  }
0x251: {  	v3 =	vld [tilespmem:$0x9D0];
	[tilespmem:$0x16A0] =	vst v1;
	v1 =	vadd.s32 v0, v1  }
0x252: {  	v61 =	vld [tilespmem:$0x9E0];
	[tilespmem:$0xEA0] =	vst v1;
	v1 =	vadd.s32 v56, v2;
	v2 =	vmul.u32 $0x1B0, v57  }
0x253: {  	v62 =	vld [tilespmem:$0x4F0];
	[tilespmem:$0x16B0] =	vst v1;
	v1 =	vadd.s32 v0, v1  }
0x254: {  	[tilespmem:$0xEB0] =	vst v1;
	v1 =	vadd.s32 v58, v2;
	v2 =	vmul.u32 $0x1B0, v59  }
0x255: {  	v63 =	vld [tilespmem:$0x9F0];
	[tilespmem:$0x16C0] =	vst v1;
	v1 =	vadd.s32 v0, v1  }
0x256: {  	[tilespmem:$0xEC0] =	vst v1;
	v1 =	vadd.s32 v3, v2;
	v2 =	vmul.u32 $0x1B0, v60  }
0x257: {  	[tilespmem:$0x16D0] =	vst v1;
	v1 =	vadd.s32 v0, v1  }
0x258: {  	[tilespmem:$0xED0] =	vst v1;
	v1 =	vadd.s32 v61, v2;
	v2 =	vmul.u32 $0x1B0, v62  }
0x259: {  	[tilespmem:$0x16E0] =	vst v1;
	v1 =	vadd.s32 v0, v1  }
0x25a: {  	[tilespmem:$0xEE0] =	vst v1;
	v1 =	vadd.s32 v63, v2  }
0x25b: {  	[tilespmem:$0x16F0] =	vst v1;
	v1 =	vadd.s32 v0, v1  }
0x25c: {  	[tilespmem:$0xEF0] =	vst v1  }
0x25d: {  	_ =	swait.ge [sflag:s28], $0x3450  }
0x25e: {  	[sflag:s28] =	ssyncset.done $0x0  }
0x25f: {  	[sflag:s28] =	ssyncadd.s32 $0xFFFFCBB0  }
0x260: {  	[bflag:$0x0] =	sbarrier.arrive $0xFFFF  }
0x261: {  	s18 =	sld [smem:$0x7D7];
	_ =	sdelay $0x1  }
0x262: {  	s19 =	sld [smem:$0x7D8]  }
0x263: {  	[tilespmem:s29], [sflag:$0x3] =	stream.linear.gather [hbm4b:s18+s3], $0x4000, $0x38;
	[tilespmem:$0x10350] =	vst v63  }
0x264: {  	_ = 	snop  }
0x265: {  	[tilespmem:s30], [sflag:$0x4] =	stream.linear.gather [hbm4b:s19+s3], $0x4000, $0x38;
	[tilespmem:$0x10350] =	vst v63  }
0x266: {  	_ =	swait.ge [sflag:s31], $0x4000  }
0x267: {  	s18 =	sld [smem:$0x7E3]  }
0x268: {  	[sflag:s31] =	ssyncset.done $0x0  }
0x269: {  	s19 =	sld [smem:$0x7E4];
	[sflag:s31] =	ssyncadd.s32 $0xFFFFC000  }
0x26a: {  	[hbm4b:s13+s1] =	stream.indirect.scatter [tilespmem:s29], [sflag:$0x5], $0x80, s18, s1, $0xb8;
	[tilespmem:$0x10350] =	vst v63  }
0x26b: {  	_ = 	snop  }
0x26c: {  	[spmem:s2] =	stream.indirect.scatter.add.f32 [tilespmem:s26], [sflag:$0x2], $0x1, s19, s1, $0xb8;
	[tilespmem:$0x10350] =	vst v63  }
0x26d: {  	_ =	swait.ge [sflag:s0], $0x4000  }
0x26e: {  	s19 =	sld [smem:$0x7D9]  }
0x26f: {  	[sflag:s0] =	ssyncset.done $0x0  }
0x270: {  	[sflag:s0] =	ssyncadd.s32 $0xFFFFC000  }
0x271: {  	[tilespmem:s29], [sflag:$0x3] =	stream.linear.gather [hbm4b:s19+s3], $0x4000, $0x38;
	[tilespmem:$0x10350] =	vst v63  }
0x272: {  	_ =	swait.ge [sflag:s14], $0x4000  }
0x273: {  	s18 =	sld [smem:$0x7E5]  }
0x274: {  	[sflag:s14] =	ssyncset.done $0x0  }
0x275: {  	s19 =	sld [smem:$0x7E6];
	[sflag:s14] =	ssyncadd.s32 $0xFFFFC000  }
0x276: {  	[hbm4b:s13+s1] =	stream.indirect.scatter [tilespmem:s30], [sflag:$0x6], $0x80, s18, s1, $0xb8;
	[tilespmem:$0x10350] =	vst v63  }
0x277: {  	_ = 	snop  }
0x278: {  	[spmem:s2] =	stream.indirect.scatter.add.f32 [tilespmem:s26], [sflag:$0x2], $0x1, s19, s1, $0xb8;
	[tilespmem:$0x10350] =	vst v63  }
0x279: {  	_ =	swait.ge [sflag:s15], $0x4000  }
0x27a: {  	s19 =	sld [smem:$0x7DA]  }
0x27b: {  	[sflag:s15] =	ssyncset.done $0x0  }
0x27c: {  	[sflag:s15] =	ssyncadd.s32 $0xFFFFC000  }
0x27d: {  	[tilespmem:s30], [sflag:$0x4] =	stream.linear.gather [hbm4b:s19+s3], $0x4000, $0x38;
	[tilespmem:$0x10350] =	vst v63  }
0x27e: {  	_ =	swait.ge [sflag:s31], $0x4000  }
0x27f: {  	s18 =	sld [smem:$0x7E7]  }
0x280: {  	[sflag:s31] =	ssyncset.done $0x0  }
0x281: {  	s19 =	sld [smem:$0x7E8];
	[sflag:s31] =	ssyncadd.s32 $0xFFFFC000  }
0x282: {  	[hbm4b:s13+s1] =	stream.indirect.scatter [tilespmem:s29], [sflag:$0x5], $0x80, s18, s1, $0xb8;
	[tilespmem:$0x10350] =	vst v63  }
0x283: {  	_ = 	snop  }
0x284: {  	[spmem:s2] =	stream.indirect.scatter.add.f32 [tilespmem:s26], [sflag:$0x2], $0x1, s19, s1, $0xb8;
	[tilespmem:$0x10350] =	vst v63  }
0x285: {  	_ =	swait.ge [sflag:s0], $0x4000  }
0x286: {  	s19 =	sld [smem:$0x7DB]  }
0x287: {  	[sflag:s0] =	ssyncset.done $0x0  }
0x288: {  	[sflag:s0] =	ssyncadd.s32 $0xFFFFC000  }
0x289: {  	[tilespmem:s29], [sflag:$0x3] =	stream.linear.gather [hbm4b:s19+s3], $0x4000, $0x38;
	[tilespmem:$0x10350] =	vst v63  }
0x28a: {  	_ =	swait.ge [sflag:s14], $0x4000  }
0x28b: {  	s18 =	sld [smem:$0x7E9]  }
0x28c: {  	[sflag:s14] =	ssyncset.done $0x0  }
0x28d: {  	s19 =	sld [smem:$0x7EA];
	[sflag:s14] =	ssyncadd.s32 $0xFFFFC000  }
0x28e: {  	[hbm4b:s13+s1] =	stream.indirect.scatter [tilespmem:s30], [sflag:$0x6], $0x80, s18, s1, $0xb8;
	[tilespmem:$0x10350] =	vst v63  }
0x28f: {  	_ = 	snop  }
0x290: {  	[spmem:s2] =	stream.indirect.scatter.add.f32 [tilespmem:s26], [sflag:$0x2], $0x1, s19, s1, $0xb8;
	[tilespmem:$0x10350] =	vst v63  }
0x291: {  	_ =	swait.ge [sflag:s15], $0x4000  }
0x292: {  	s19 =	sld [smem:$0x7DC]  }
0x293: {  	[sflag:s15] =	ssyncset.done $0x0  }
0x294: {  	[sflag:s15] =	ssyncadd.s32 $0xFFFFC000  }
0x295: {  	[tilespmem:s30], [sflag:$0x4] =	stream.linear.gather [hbm4b:s19+s3], $0x4000, $0x38;
	[tilespmem:$0x10350] =	vst v63  }
0x296: {  	_ =	swait.ge [sflag:s31], $0x4000  }
0x297: {  	s18 =	sld [smem:$0x7EB]  }
0x298: {  	[sflag:s31] =	ssyncset.done $0x0  }
0x299: {  	s19 =	sld [smem:$0x7EC];
	[sflag:s31] =	ssyncadd.s32 $0xFFFFC000  }
0x29a: {  	[hbm4b:s13+s1] =	stream.indirect.scatter [tilespmem:s29], [sflag:$0x5], $0x80, s18, s1, $0xb8;
	[tilespmem:$0x10350] =	vst v63  }
0x29b: {  	_ = 	snop  }
0x29c: {  	[spmem:s2] =	stream.indirect.scatter.add.f32 [tilespmem:s26], [sflag:$0x2], $0x1, s19, s1, $0xb8;
	[tilespmem:$0x10350] =	vst v63  }
0x29d: {  	_ =	swait.ge [sflag:s0], $0x4000  }
0x29e: {  	s19 =	sld [smem:$0x7DD]  }
0x29f: {  	[sflag:s0] =	ssyncset.done $0x0  }
0x2a0: {  	[sflag:s0] =	ssyncadd.s32 $0xFFFFC000  }
0x2a1: {  	[tilespmem:s29], [sflag:$0x3] =	stream.linear.gather [hbm4b:s19+s3], $0x4000, $0x38;
	[tilespmem:$0x10350] =	vst v63  }
0x2a2: {  	_ =	swait.ge [sflag:s14], $0x4000  }
0x2a3: {  	s18 =	sld [smem:$0x7EE]  }
0x2a4: {  	[sflag:s14] =	ssyncset.done $0x0  }
0x2a5: {  	s19 =	sld [smem:$0x7F0];
	[sflag:s14] =	ssyncadd.s32 $0xFFFFC000  }
0x2a6: {  	[hbm4b:s13+s1] =	stream.indirect.scatter [tilespmem:s30], [sflag:$0x6], $0x80, s18, s1, $0xb8;
	[tilespmem:$0x10350] =	vst v63  }
0x2a7: {  	_ = 	snop  }
0x2a8: {  	[spmem:s2] =	stream.indirect.scatter.add.f32 [tilespmem:s26], [sflag:$0x2], $0x1, s19, s1, $0xb8;
	[tilespmem:$0x10350] =	vst v63  }
0x2a9: {  	_ =	swait.ge [sflag:s15], $0x4000  }
0x2aa: {  	s19 =	sld [smem:$0x7DE]  }
0x2ab: {  	[sflag:s15] =	ssyncset.done $0x0  }
0x2ac: {  	[sflag:s15] =	ssyncadd.s32 $0xFFFFC000  }
0x2ad: {  	[tilespmem:s30], [sflag:$0x4] =	stream.linear.gather [hbm4b:s19+s3], $0x4000, $0x38;
	[tilespmem:$0x10350] =	vst v63  }
0x2ae: {  	_ =	swait.ge [sflag:s31], $0x4000  }
0x2af: {  	s18 =	sld [smem:$0x7F2]  }
0x2b0: {  	[sflag:s31] =	ssyncset.done $0x0  }
0x2b1: {  	s19 =	sld [smem:$0x7F4];
	[sflag:s31] =	ssyncadd.s32 $0xFFFFC000  }
0x2b2: {  	[hbm4b:s13+s1] =	stream.indirect.scatter [tilespmem:s29], [sflag:$0x5], $0x80, s18, s1, $0xb8;
	[tilespmem:$0x10350] =	vst v63  }
0x2b3: {  	_ = 	snop  }
0x2b4: {  	[spmem:s2] =	stream.indirect.scatter.add.f32 [tilespmem:s26], [sflag:$0x2], $0x1, s19, s1, $0xb8;
	[tilespmem:$0x10350] =	vst v63  }
0x2b5: {  	_ =	swait.ge [sflag:s0], $0x4000  }
0x2b6: {  	s19 =	sld [smem:$0x7DF]  }
0x2b7: {  	[sflag:s0] =	ssyncset.done $0x0  }
0x2b8: {  	[sflag:s0] =	ssyncadd.s32 $0xFFFFC000  }
0x2b9: {  	[tilespmem:s29], [sflag:$0x3] =	stream.linear.gather [hbm4b:s19+s3], $0x4000, $0x38;
	[tilespmem:$0x10350] =	vst v63  }
0x2ba: {  	_ =	swait.ge [sflag:s14], $0x4000  }
0x2bb: {  	s18 =	sld [smem:$0x7F6]  }
0x2bc: {  	[sflag:s14] =	ssyncset.done $0x0  }
0x2bd: {  	s19 =	sld [smem:$0x7F8];
	[sflag:s14] =	ssyncadd.s32 $0xFFFFC000  }
0x2be: {  	[hbm4b:s13+s1] =	stream.indirect.scatter [tilespmem:s30], [sflag:$0x6], $0x80, s18, s1, $0xb8;
	[tilespmem:$0x10350] =	vst v63  }
0x2bf: {  	_ = 	snop  }
0x2c0: {  	[spmem:s2] =	stream.indirect.scatter.add.f32 [tilespmem:s26], [sflag:$0x2], $0x1, s19, s1, $0xb8;
	[tilespmem:$0x10350] =	vst v63  }
0x2c1: {  	_ =	swait.ge [sflag:s15], $0x4000  }
0x2c2: {  	s19 =	sld [smem:$0x7E0]  }
0x2c3: {  	[sflag:s15] =	ssyncset.done $0x0  }
0x2c4: {  	[sflag:s15] =	ssyncadd.s32 $0xFFFFC000  }
0x2c5: {  	[tilespmem:s30], [sflag:$0x4] =	stream.linear.gather [hbm4b:s19+s3], $0x4000, $0x38;
	[tilespmem:$0x10350] =	vst v63  }
0x2c6: {  	_ =	swait.ge [sflag:s31], $0x4000  }
0x2c7: {  	s18 =	sld [smem:$0x7FA]  }
0x2c8: {  	[sflag:s31] =	ssyncset.done $0x0  }
0x2c9: {  	s19 =	sld [smem:$0x7FB];
	[sflag:s31] =	ssyncadd.s32 $0xFFFFC000  }
0x2ca: {  	[hbm4b:s13+s1] =	stream.indirect.scatter [tilespmem:s29], [sflag:$0x5], $0x80, s18, s1, $0xb8;
	[tilespmem:$0x10350] =	vst v63  }
0x2cb: {  	_ = 	snop  }
0x2cc: {  	[spmem:s2] =	stream.indirect.scatter.add.f32 [tilespmem:s26], [sflag:$0x2], $0x1, s19, s1, $0xb8;
	[tilespmem:$0x10350] =	vst v63  }
0x2cd: {  	_ =	swait.ge [sflag:s14], $0x4000  }
0x2ce: {  	s18 =	sld [smem:$0x7FC]  }
0x2cf: {  	[sflag:s14] =	ssyncset.done $0x0  }
0x2d0: {  	s19 =	sld [smem:$0x7FD];
	[sflag:s14] =	ssyncadd.s32 $0xFFFFC000  }
0x2d1: {  	[hbm4b:s13+s1] =	stream.indirect.scatter [tilespmem:s30], [sflag:$0x6], $0x80, s18, s1, $0xb8;
	[tilespmem:$0x10350] =	vst v63  }
0x2d2: {  	_ = 	snop  }
0x2d3: {  	[spmem:s2] =	stream.indirect.scatter.add.f32 [tilespmem:s26], [sflag:$0x2], $0x1, s19, s1, $0xb8;
	[tilespmem:$0x10350] =	vst v63  }
0x2d4: {  	_ =	swait.ge [sflag:s0], $0x4000  }
0x2d5: {  	[sflag:s0] =	ssyncset.done $0x0  }
0x2d6: {  	[sflag:s0] =	ssyncadd.s32 $0xFFFFC000  }
0x2d7: {  	_ =	swait.ge [sflag:s15], $0x4000  }
0x2d8: {  	[sflag:s15] =	ssyncset.done $0x0  }
0x2d9: {  	[sflag:s15] =	ssyncadd.s32 $0xFFFFC000  }
0x2da: {  	_ =	swait.ge [sflag:s16], $0x80  }
0x2db: {  	[sflag:s16] =	ssyncset.done $0x0  }
0x2dc: {  	[sflag:s16] =	ssyncadd.s32 $0xFFFFFF80  }
0x2dd: {  	_ =	swait.ge [sflag:s16], $0x80  }
0x2de: {  	[sflag:s16] =	ssyncset.done $0x0  }
0x2df: {  	[sflag:s16] =	ssyncadd.s32 $0xFFFFFF80  }
0x2e0: {  	_ =	swait.ge [sflag:s16], $0x80  }
0x2e1: {  	[sflag:s16] =	ssyncset.done $0x0  }
0x2e2: {  	[sflag:s16] =	ssyncadd.s32 $0xFFFFFF80  }
0x2e3: {  	_ =	swait.ge [sflag:s16], $0x80  }
0x2e4: {  	[sflag:s16] =	ssyncset.done $0x0  }
0x2e5: {  	[sflag:s16] =	ssyncadd.s32 $0xFFFFFF80  }
0x2e6: {  	_ =	swait.ge [sflag:s16], $0x80  }
0x2e7: {  	[sflag:s16] =	ssyncset.done $0x0  }
0x2e8: {  	[sflag:s16] =	ssyncadd.s32 $0xFFFFFF80  }
0x2e9: {  	_ =	swait.ge [sflag:s16], $0x80  }
0x2ea: {  	[sflag:s16] =	ssyncset.done $0x0  }
0x2eb: {  	[sflag:s16] =	ssyncadd.s32 $0xFFFFFF80  }
0x2ec: {  	_ =	swait.ge [sflag:s16], $0x80  }
0x2ed: {  	[sflag:s16] =	ssyncset.done $0x0  }
0x2ee: {  	[sflag:s16] =	ssyncadd.s32 $0xFFFFFF80  }
0x2ef: {  	_ =	swait.ge [sflag:s16], $0x80  }
0x2f0: {  	[sflag:s16] =	ssyncset.done $0x0  }
0x2f1: {  	[sflag:s16] =	ssyncadd.s32 $0xFFFFFF80  }
0x2f2: {  	_ =	swait.ge [sflag:s16], $0x80  }
0x2f3: {  	[sflag:s16] =	ssyncset.done $0x0  }
0x2f4: {  	[sflag:s16] =	ssyncadd.s32 $0xFFFFFF80  }
0x2f5: {  	_ =	swait.ge [sflag:s16], $0x80  }
0x2f6: {  	[sflag:s16] =	ssyncset.done $0x0  }
0x2f7: {  	[sflag:s16] =	ssyncadd.s32 $0xFFFFFF80  }
0x2f8: {  	[bflag:$0x0] =	sbarrier.arrive $0xFFFF  }
0x2f9: {  	[tilespmem:s25], [sflag:$0x7] =	stream.linear.gather [spmem:s20], $0x3450, $0x38;
	[tilespmem:$0x10350] =	vst v63  }
0x2fa: {  	_ =	swait.ge [sflag:s17], $0x3450  }
0x2fb: {  	s20 =	sld [smem:$0x7E1]  }
0x2fc: {  	p0 =	sne.s32 s24, $0x1;
	[sflag:s17] =	ssyncset.done $0x0  }
.Ltmp0:
0x2fd: {  	[sflag:s17] =	ssyncadd.s32 $0xFFFFCBB0;
	(pc) =	sbr.rel @p0 .LBB2_1-.Ltmp0, $4  }
0x2fe: {  	[hbm4b:s20+s3] =	stream.linear.scatter [tilespmem:s25], [sflag:$0x7], $0x3450, $0x38;
	[tilespmem:$0x10350] =	vst v63  }
0x2ff: {  	_ =	swait.ge [sflag:s17], $0x3450  }
0x300: {  	[sflag:s17] =	ssyncset.done $0x0  }
0x301: {  	s24 =	sadd.s32 $0xFFFFFFFF, s24;
	[sflag:s17] =	ssyncadd.s32 $0xFFFFCBB0  }
0x302: {  	_ =	sfence.sel $0x180000  }
0x303: {  	[bflag:$0x0] =	sbarrier.arrive $0xFFFF  }
0x304: {  	_ =	strace $0x90000047  }
0x305: {  	s0 =	stileid.u32;
	[bflag:$0x2] =	sbarrier.arrive $0xFFFF  }
0x306: {  	p0 =	sne.s32 s0, $0x0;
	s0 =	rddreg [dreg:$0x4]  }
0x307: {  	s0 =	sadd.s32 @!p0 $0x100000, s0  }
0x308: {  	[sflag:s0] =	ssyncadd.tile.s32 @!p0 $0x1;
	_ =	shalt  }
.Lfunc_end2:
_tile_overlayer_lowered:
.L_overlay_start_2:
0x309: {  	(tag) =	ssettag $0x2  }
0x30a: {  	s0 =	rddreg [dreg:$0x0];
	s2 =	stileid.u32  }
0x30b: {  	s1 =	rddreg [dreg:$0x1];
	p0 =	sne.s32 s2, $0x0  }
0x30c: {  	s3 =	rddreg [dreg:$0x2];
	[bflag:$0x3] =	sbarrier.arrive $0xFFFF;
	s2 =	simm.s32 @!p0 $0x1C07  }
0x30d: {  	[timem:s3], [sflag:s2] =	dma.local @!p0 [hbm:s0], s1  }
0x30e: {  	s0 =	simm.s32 @!p0 $0x7  }
0x30f: {  	_ =	swait.ge @!p0 [sflag:s0], s1  }
0x310: {  	s1 =	ssub.s32 @!p0 $0x0, s1;
	[sflag:s0] =	ssyncset.done @!p0 $0x0  }
0x311: {  	[sflag:s0] =	ssyncadd.s32 @!p0 s1  }
0x312: {  	[bflag:$0x3] =	sbarrier.arrive $0xFFFF  }
0x313: {  	_ =	shalt  }

</sc_bundles>
